<compile_context>
chip_gen: v7x
topology: tpu7x:2x2x1
jax: 0.10.2.dev20260603
libtpu: 0.0.44.dev20260713+nightly
codegen_flags: <defaults>
</compile_context>

<pallas_src>
import functools

import jax
import jax.numpy as jnp
from jax import lax
from jax.experimental import pallas as pl
from jax.experimental.pallas import tpu as pltpu
from jax.experimental.pallas import tpu_sc as plsc

_B, _P, _K, _OUT = 16, 1024, 20, 40
_N = _B * _P
_NEG = -3e38
_NWORKERS = 32


def _edge_topk_kernel(go, x_ref, wa_ref, wb_ref, b_ref, idx_ref, y_ref,
                      c_ref):
    bidx = pl.program_id(0)
    x = x_ref[0]
    n2 = jnp.sum(x * x, axis=1, keepdims=True)
    gram = lax.dot_general(x, x, (((1,), (1,)), ((), ())),
                           preferred_element_type=jnp.float32)
    ones_row = jnp.ones((1, x.shape[1]), jnp.float32)
    n2r = lax.dot_general(ones_row, x * x, (((1,), (1,)), ((), ())),
                          preferred_element_type=jnp.float32)
    dist = n2 + n2r - 2.0 * gram

    wb = wb_ref[...]
    o = wb.shape[1]
    y = lax.dot_general(x, wb, (((1,), (0,)), ((), ())),
                        preferred_element_type=jnp.float32)
    if go != o:
        y = jnp.concatenate([y, jnp.zeros((_P, go - o), jnp.float32)], axis=1)
    y_ref[0] = y
    c_ref[0] = lax.dot_general(x, wa_ref[...] - wb, (((1,), (0,)), ((), ())),
                               preferred_element_type=jnp.float32) + b_ref[...]

    col = lax.broadcasted_iota(jnp.int32, (_P, _P), 1)
    lane = lax.broadcasted_iota(jnp.int32, (_P, _K), 1)
    v = jnp.minimum(dist, 254.0) + 1.0
    ib = lax.bitcast_convert_type(v, jnp.int32)
    key = (((ib - 0x3F800000) << 4) & ~1023) | col
    idx_acc = jnp.zeros((_P, _K), jnp.int32)
    for k in range(_K):
        kmin = jnp.min(key, axis=1, keepdims=True)
        aidx = kmin & 1023
        idx_acc = jnp.where(lane == k, aidx, idx_acc)
        key = jnp.where(key == kmin, jnp.int32(0x7FFFFFFF), key)
    idx_ref[0] = idx_acc + bidx * _P


def _edge_topk(x, wa, wb, b, h_off, bs):
    d, o = wa.shape
    go = max(o, 128)
    return pl.pallas_call(
        functools.partial(_edge_topk_kernel, go),
        grid=(bs,),
        in_specs=[
            pl.BlockSpec((1, _P, d), lambda i: (h_off + i, 0, 0)),
            pl.BlockSpec((d, o), lambda i: (0, 0)),
            pl.BlockSpec((d, o), lambda i: (0, 0)),
            pl.BlockSpec((1, o), lambda i: (0, 0)),
        ],
        out_specs=[
            pl.BlockSpec((1, _P, _K), lambda i: (i, 0, 0)),
            pl.BlockSpec((1, _P, go), lambda i: (i, 0, 0)),
            pl.BlockSpec((1, _P, o), lambda i: (i, 0, 0)),
        ],
        out_shape=[
            jax.ShapeDtypeStruct((bs, _P, _K), jnp.int32),
            jax.ShapeDtypeStruct((bs, _P, go), jnp.float32),
            jax.ShapeDtypeStruct((bs, _P, o), jnp.float32),
        ],
    )(x, wa, wb, b)


def _sc_gather(y_flat, idx_flat):
    n_idx = idx_flat.shape[0]
    o = y_flat.shape[1]
    per_w = n_idx // _NWORKERS
    rc = max(8, min(512, (160 * 1024) // (o * 4)))
    while per_w % rc or (per_w // rc) % 2:
        rc //= 2
    n_chunks = per_w // rc
    mesh = plsc.VectorSubcoreMesh(core_axis_name="c", subcore_axis_name="s")

    @functools.partial(
        pl.kernel,
        mesh=mesh,
        out_type=jax.ShapeDtypeStruct((n_idx, o), jnp.float32),
        scratch_types=[
            pltpu.VMEM((per_w,), jnp.int32),
            pltpu.VMEM((rc, o), jnp.float32),
            pltpu.VMEM((rc, o), jnp.float32),
            pltpu.SemaphoreType.DMA,
            pltpu.SemaphoreType.DMA,
        ],
    )
    def gather_kernel(y_hbm, idx_hbm, out_hbm, idx_v, buf_a, buf_b,
                      sem_a, sem_b):
        wid = lax.axis_index("s") * 2 + lax.axis_index("c")
        base = wid * per_w
        pltpu.sync_copy(idx_hbm.at[pl.ds(base, per_w)], idx_v)

        def start(c, buf, sem):
            pltpu.async_copy(y_hbm.at[idx_v.at[pl.ds(c * rc, rc)]], buf, sem)

        def finish(c, buf, sem):
            pltpu.make_async_copy(
                y_hbm.at[idx_v.at[pl.ds(c * rc, rc)]], buf, sem).wait()
            pltpu.sync_copy(buf, out_hbm.at[pl.ds(base + c * rc, rc)])

        start(0, buf_a, sem_a)

        @pl.loop(0, n_chunks // 2)
        def _(t):
            c0 = 2 * t
            start(c0 + 1, buf_b, sem_b)
            finish(c0, buf_a, sem_a)

            @pl.when(c0 + 2 < n_chunks)
            def _():
                start(c0 + 2, buf_a, sem_a)

            finish(c0 + 1, buf_b, sem_b)

    return gather_kernel(y_flat, idx_flat)


def _nbr_max_kernel(o, go, yg_ref, c_ref, out_ref):
    yg = yg_ref[...]
    m = yg[:, 0:o]
    for k in range(1, _K):
        m = jnp.maximum(m, yg[:, k * go:k * go + o])
    out_ref[...] = m + c_ref[...]


def _nbr_max(ygat, c_flat, go):
    n, o = c_flat.shape
    rows = 512
    return pl.pallas_call(
        functools.partial(_nbr_max_kernel, o, go),
        grid=(n // rows,),
        in_specs=[
            pl.BlockSpec((rows, _K * go), lambda i: (i, 0)),
            pl.BlockSpec((rows, o), lambda i: (i, 0)),
        ],
        out_specs=pl.BlockSpec((rows, o), lambda i: (i, 0)),
        out_shape=jax.ShapeDtypeStruct((n, o), jnp.float32),
    )(ygat, c_flat)


_BS = 8


def _edge_layer(xs, wa, wb, b):
    o = wa.shape[1]
    go = max(o, 128)
    n = _BS * _P
    if isinstance(xs, list):
        tops = [_edge_topk(xh, wa, wb, b, 0, _BS) for xh in xs]
    else:
        tops = [_edge_topk(xs, wa, wb, b, h, _BS)
                for h in range(0, _B, _BS)]
    gats = [_sc_gather(y.reshape(n, go), idx.reshape(n * _K))
            for idx, y, _ in tops]
    return [
        _nbr_max(yg.reshape(n, _K * go), c.reshape(n, o), go)
        .reshape(_BS, _P, o)
        for yg, (_, _, c) in zip(gats, tops)
    ]


def _fc1_kernel(x1_ref, x2_ref, x3_ref, wf_a_ref, wf_b_ref, wf_c_ref,
                bf_ref, out_ref):
    h = lax.dot_general(x1_ref[0], wf_a_ref[...], (((1,), (0,)), ((), ())),
                        preferred_element_type=jnp.float32)
    h += lax.dot_general(x2_ref[0], wf_b_ref[...], (((1,), (0,)), ((), ())),
                         preferred_element_type=jnp.float32)
    h += lax.dot_general(x3_ref[0], wf_c_ref[...], (((1,), (0,)), ((), ())),
                         preferred_element_type=jnp.float32)
    h += bf_ref[...]
    out_ref[0] = jnp.max(h, axis=0, keepdims=True)


def _head_kernel(g_ref, wa_ref, ba_ref, wb_ref, bb_ref, wc_ref, bc_ref,
                 out_ref):
    o1 = lax.dot_general(g_ref[...], wa_ref[...], (((1,), (0,)), ((), ())),
                         preferred_element_type=jnp.float32) + ba_ref[...]
    o1 = jnp.maximum(o1, 0.0)
    o2 = lax.dot_general(o1, wb_ref[...], (((1,), (0,)), ((), ())),
                         preferred_element_type=jnp.float32) + bb_ref[...]
    o2 = jnp.maximum(o2, 0.0)
    o3 = lax.dot_general(o2, wc_ref[...], (((1,), (0,)), ((), ())),
                         preferred_element_type=jnp.float32) + bc_ref[...]
    m = jnp.max(o3, axis=1, keepdims=True)
    shifted = o3 - m
    lse = jnp.log(jnp.sum(jnp.exp(shifted), axis=1, keepdims=True))
    out_ref[...] = shifted - lse


def kernel(pos, batch, W1, b1, W2, b2, W3, b3, Wf1, bf1, Wf2a, bf2a,
           Wf2b, bf2b, Wf2c, bf2c):
    del batch
    x0 = pos.reshape(_B, _P, 3)
    x1 = _edge_layer(x0, W1[:3], W1[3:], b1.reshape(1, -1))
    x2 = _edge_layer(x1, W2[:64], W2[64:], b2.reshape(1, -1))
    x3 = _edge_layer(x2, W3[:128], W3[128:], b3.reshape(1, -1))

    g_halves = []
    for x1h, x2h, x3h in zip(x1, x2, x3):
        gh = pl.pallas_call(
            _fc1_kernel,
            grid=(_BS,),
            in_specs=[
                pl.BlockSpec((1, _P, 64), lambda i: (i, 0, 0)),
                pl.BlockSpec((1, _P, 128), lambda i: (i, 0, 0)),
                pl.BlockSpec((1, _P, 256), lambda i: (i, 0, 0)),
                pl.BlockSpec((64, 1024), lambda i: (0, 0)),
                pl.BlockSpec((128, 1024), lambda i: (0, 0)),
                pl.BlockSpec((256, 1024), lambda i: (0, 0)),
                pl.BlockSpec((1, 1024), lambda i: (0, 0)),
            ],
            out_specs=pl.BlockSpec((1, 1, 1024), lambda i: (i, 0, 0)),
            out_shape=jax.ShapeDtypeStruct((_BS, 1, 1024), jnp.float32),
        )(x1h, x2h, x3h, Wf1[:64], Wf1[64:192], Wf1[192:],
          bf1.reshape(1, -1))
        g_halves.append(gh.reshape(_BS, 1024))
    g = jnp.concatenate(g_halves, axis=0)

    return pl.pallas_call(
        _head_kernel,
        out_shape=jax.ShapeDtypeStruct((_B, _OUT), jnp.float32),
    )(g, Wf2a, bf2a.reshape(1, -1), Wf2b, bf2b.reshape(1, -1),
      Wf2c, bf2c.reshape(1, -1))

# --- scband reference (transcript-rebuilt; emitter-appended) ---
"""Pipeline reference for scband-net-59304908423598 (READ-ONLY COPY).

The authoritative reference and input builder live on the scoring server;
editing this copy changes nothing except your own understanding.
"""

import jax, jax.numpy as jnp
import numpy as np

B, P, K, OUT = 16, 1024, 20, 40

def _edge_conv(x, W, b):
    # dynamic kNN graph in feature space, per cloud
    n2 = jnp.sum(x * x, axis=-1)
    D = n2[:, :, None] + n2[:, None, :] - 2.0 * jnp.einsum('bpd,bqd->bpq', x, x)
    _, idx = jax.lax.top_k(-D, K)  # [B,P,K] includes self (dist 0), like pyg knn
    xj = jax.vmap(lambda xb, ib: xb[ib])(x, idx)  # gather neighbors [B,P,K,d]
    xi = jnp.broadcast_to(x[:, :, None, :], xj.shape)
    e = jnp.concatenate([xi, xj - xi], axis=-1)
    m = jnp.einsum('bpkf,fo->bpko', e, W) + b  # single-layer MLP (pyg plain_last)
    return jnp.max(m, axis=2)  # max aggregation over neighbors

def setup_inputs(seed: int = 0):
    key = jax.random.key(seed)
    ks = jax.random.split(key, 16)
    s = 0.05
    inp = {}
    inp['pos'] = jax.random.normal(ks[0], (B * P, 3), dtype=jnp.float32)
    inp['batch'] = jnp.repeat(jnp.arange(B, dtype=jnp.int32), P)  # equal-size clouds, sorted segment ids
    inp['W1'] = jax.random.normal(ks[1], (6, 64), jnp.float32) * s
    inp['b1'] = jnp.zeros((64,), jnp.float32)
    inp['W2'] = jax.random.normal(ks[2], (128, 128), jnp.float32) * s
    inp['b2'] = jnp.zeros((128,), jnp.float32)
    inp['W3'] = jax.random.normal(ks[3], (256, 256), jnp.float32) * s
    inp['b3'] = jnp.zeros((256,), jnp.float32)
    inp['Wf1'] = jax.random.normal(ks[4], (448, 1024), jnp.float32) * s
    inp['bf1'] = jnp.zeros((1024,), jnp.float32)
    inp['Wf2a'] = jax.random.normal(ks[5], (1024, 512), jnp.float32) * s
    inp['bf2a'] = jnp.zeros((512,), jnp.float32)
    inp['Wf2b'] = jax.random.normal(ks[6], (512, 256), jnp.float32) * s
    inp['bf2b'] = jnp.zeros((256,), jnp.float32)
    inp['Wf2c'] = jax.random.normal(ks[7], (256, OUT), jnp.float32) * s
    inp['bf2c'] = jnp.zeros((OUT,), jnp.float32)
    return inp

def reference(pos, batch, W1, b1, W2, b2, W3, b3, Wf1, bf1, Wf2a, bf2a, Wf2b, bf2b, Wf2c, bf2c):
    del batch  # equal-size clouds: segment structure encoded by reshape
    x = pos.reshape(B, P, 3)
    x1 = _edge_conv(x, W1, b1)
    x2 = _edge_conv(x1, W2, b2)
    x3 = _edge_conv(x2, W3, b3)
    h = jnp.concatenate([x1, x2, x3], axis=-1) @ Wf1 + bf1  # fc1 (plain single layer)
    g = jnp.max(h, axis=1)  # global_max_pool per cloud -> [B, 1024]
    o = jax.nn.relu(g @ Wf2a + bf2a)
    o = jax.nn.relu(o @ Wf2b + bf2b)
    o = o @ Wf2c + bf2c
    return jax.nn.log_softmax(o, axis=1)

if __name__ == "__main__":
    import jax
    _d = setup_inputs()
    print(jax.jit(kernel)(*tuple(_d.values())))

</pallas_src>

<mosaic_0001>
#map = affine_map<(d0, d1) -> (0, 0)>
#map1 = affine_map<(d0, d1) -> (0)>
module attributes {stable_mosaic.version = 14 : i64} {
  func.func @gather_kernel(%arg0: i32, %arg1: i32, %arg2: memref<8192x128xf32, #tpu.memory_space<hbm>>, %arg3: memref<163840xi32, #tpu.memory_space<hbm>>, %arg4: memref<163840x128xf32, #tpu.memory_space<hbm>>, %arg5: memref<5120xi32, #tpu.memory_space<vmem>>, %arg6: memref<320x128xf32, #tpu.memory_space<vmem>>, %arg7: memref<320x128xf32, #tpu.memory_space<vmem>>, %arg8: memref<!tpu.dma_semaphore, #tpu.memory_space<semaphore_mem>>, %arg9: memref<!tpu.dma_semaphore, #tpu.memory_space<semaphore_mem>>) attributes {dimension_semantics = [#tpu.dimension_semantics<core_parallel>, #tpu.dimension_semantics<subcore_parallel>], iteration_bounds = array<i64: 2, 16>, scalar_prefetch = 0 : i64, scratch_operands = 5 : i64, tpu.core_type = #tpu.core_type<sc_vector_subcore>, window_params = [{transform_indices = #map}, {transform_indices = #map1}, {transform_indices = #map}]} {
    %mul3A = arith.constant 2 : i32
    %mul3A_0 = arith.muli %arg1, %mul3A : i32
    %add3A = arith.addi %mul3A_0, %arg0 : i32
    %mul3A_1 = arith.constant 5120 : i32
    %mul3A_2 = arith.muli %add3A, %mul3A_1 : i32
    "tpu.region"() ({
      %run_scoped3A = tpu.sem_alloc : memref<!tpu.dma_semaphore, #tpu.memory_space<semaphore_mem>>
      %dma_start3A_11 = tpu.memref_slice %arg3[%mul3A_2] : memref<163840xi32, #tpu.memory_space<hbm>> -> memref<5120xi32, #tpu.memory_space<hbm>>
      %dma_start3A_12 = tpu.memref_slice %arg3[%mul3A_2] : memref<163840xi32, #tpu.memory_space<hbm>> -> memref<5120xi32, #tpu.memory_space<hbm>>
      tpu.enqueue_dma source(%dma_start3A_12 : memref<5120xi32, #tpu.memory_space<hbm>>) target(%arg5 : memref<5120xi32, #tpu.memory_space<vmem>>) target_semaphore(%run_scoped3A : memref<!tpu.dma_semaphore, #tpu.memory_space<semaphore_mem>>)
      %dma_wait3A = tpu.memref_slice %arg3[%mul3A_2] : memref<163840xi32, #tpu.memory_space<hbm>> -> memref<5120xi32, #tpu.memory_space<hbm>>
      %dma_wait3A_13 = tpu.memref_slice %arg3[%mul3A_2] : memref<163840xi32, #tpu.memory_space<hbm>> -> memref<5120xi32, #tpu.memory_space<hbm>>
      tpu.wait_dma2 semaphore(%run_scoped3A : memref<!tpu.dma_semaphore, #tpu.memory_space<semaphore_mem>>) src(%dma_wait3A_13 : memref<5120xi32, #tpu.memory_space<hbm>>) dst(%arg5 : memref<5120xi32, #tpu.memory_space<vmem>>)
      tpu.yield
    }) : () -> ()
    %dma_start3A = arith.constant 0 : i32
    %dma_start3A_3 = tpu.memref_slice %arg5[%dma_start3A] : memref<5120xi32, #tpu.memory_space<vmem>> -> memref<320xi32, #tpu.memory_space<vmem>>
    %dma_start3A_4 = arith.constant 0 : i32
    %dma_start3A_5 = arith.constant 0 : i32
    %dma_start3A_6 = tpu.memref_slice %arg2[%dma_start3A_4, %dma_start3A_5] : memref<8192x128xf32, #tpu.memory_space<hbm>> -> memref<8192x128xf32, #tpu.memory_space<hbm>>
    tpu.enqueue_indirect_dma source(%dma_start3A_6 : memref<8192x128xf32, #tpu.memory_space<hbm>>) target(%arg6 : memref<320x128xf32, #tpu.memory_space<vmem>>) offsets(%dma_start3A_3 : memref<320xi32, #tpu.memory_space<vmem>>) semaphore(%arg8 : memref<!tpu.dma_semaphore, #tpu.memory_space<semaphore_mem>>)
    %scan3A = arith.constant 0 : i32
    %scan3A_7 = arith.constant 8 : i32
    %scan3A_8 = arith.addi %scan3A, %scan3A_7 : i32
    %scan3A_9 = arith.constant 1 : i32
    scf.for %scan3A_11 = %scan3A to %scan3A_8 step %scan3A_9  : i32 {
      %mul3A_12 = arith.constant 1 : i32
      %mul3A_13 = arith.muli %scan3A_11, %mul3A_12 : i32
      %add3A_14 = arith.constant 0 : i32
      %add3A_15 = arith.addi %add3A_14, %mul3A_13 : i32
      %mul3A_16 = arith.constant 2 : i32
      %mul3A_17 = arith.muli %mul3A_16, %add3A_15 : i32
      %add3A_18 = arith.constant 1 : i32
      %add3A_19 = arith.addi %mul3A_17, %add3A_18 : i32
      %mul3A_20 = arith.constant 320 : i32
      %mul3A_21 = arith.muli %add3A_19, %mul3A_20 : i32
      %dma_start3A_22 = tpu.memref_slice %arg5[%mul3A_21] : memref<5120xi32, #tpu.memory_space<vmem>> -> memref<320xi32, #tpu.memory_space<vmem>>
      %dma_start3A_23 = arith.constant 0 : i32
      %dma_start3A_24 = arith.constant 0 : i32
      %dma_start3A_25 = tpu.memref_slice %arg2[%dma_start3A_23, %dma_start3A_24] : memref<8192x128xf32, #tpu.memory_space<hbm>> -> memref<8192x128xf32, #tpu.memory_space<hbm>>
      tpu.enqueue_indirect_dma source(%dma_start3A_25 : memref<8192x128xf32, #tpu.memory_space<hbm>>) target(%arg7 : memref<320x128xf32, #tpu.memory_space<vmem>>) offsets(%dma_start3A_22 : memref<320xi32, #tpu.memory_space<vmem>>) semaphore(%arg9 : memref<!tpu.dma_semaphore, #tpu.memory_space<semaphore_mem>>)
      %mul3A_26 = arith.constant 320 : i32
      %mul3A_27 = arith.muli %mul3A_17, %mul3A_26 : i32
      %dma_wait3A = tpu.memref_slice %arg5[%mul3A_27] : memref<5120xi32, #tpu.memory_space<vmem>> -> memref<320xi32, #tpu.memory_space<vmem>>
      %dma_wait3A_28 = arith.constant 0 : i32
      %dma_wait3A_29 = arith.constant 0 : i32
      %dma_wait3A_30 = tpu.memref_slice %arg2[%dma_wait3A_28, %dma_wait3A_29] : memref<8192x128xf32, #tpu.memory_space<hbm>> -> memref<8192x128xf32, #tpu.memory_space<hbm>>
      tpu.wait_indirect_dma semaphore(%arg8 : memref<!tpu.dma_semaphore, #tpu.memory_space<semaphore_mem>>) src(%dma_wait3A_30 : memref<8192x128xf32, #tpu.memory_space<hbm>>) dst(%arg6 : memref<320x128xf32, #tpu.memory_space<vmem>>)
      %mul3A_31 = arith.constant 320 : i32
      %mul3A_32 = arith.muli %mul3A_17, %mul3A_31 : i32
      %add3A_33 = arith.addi %mul3A_2, %mul3A_32 : i32
      "tpu.region"() ({
        %run_scoped3A = tpu.sem_alloc : memref<!tpu.dma_semaphore, #tpu.memory_space<semaphore_mem>>
        %dma_start3A_49 = arith.constant 0 : i32
        %dma_start3A_50 = tpu.memref_slice %arg4[%add3A_33, %dma_start3A_49] : memref<163840x128xf32, #tpu.memory_space<hbm>> -> memref<320x128xf32, #tpu.memory_space<hbm>>
        %dma_start3A_51 = arith.constant 0 : i32
        %dma_start3A_52 = tpu.memref_slice %arg4[%add3A_33, %dma_start3A_51] : memref<163840x128xf32, #tpu.memory_space<hbm>> -> memref<320x128xf32, #tpu.memory_space<hbm>>
        tpu.enqueue_dma source(%arg6 : memref<320x128xf32, #tpu.memory_space<vmem>>) target(%dma_start3A_52 : memref<320x128xf32, #tpu.memory_space<hbm>>) target_semaphore(%run_scoped3A : memref<!tpu.dma_semaphore, #tpu.memory_space<semaphore_mem>>)
        %dma_wait3A_53 = arith.constant 0 : i32
        %dma_wait3A_54 = tpu.memref_slice %arg4[%add3A_33, %dma_wait3A_53] : memref<163840x128xf32, #tpu.memory_space<hbm>> -> memref<320x128xf32, #tpu.memory_space<hbm>>
        %dma_wait3A_55 = arith.constant 0 : i32
        %dma_wait3A_56 = tpu.memref_slice %arg4[%add3A_33, %dma_wait3A_55] : memref<163840x128xf32, #tpu.memory_space<hbm>> -> memref<320x128xf32, #tpu.memory_space<hbm>>
        tpu.wait_dma2 semaphore(%run_scoped3A : memref<!tpu.dma_semaphore, #tpu.memory_space<semaphore_mem>>) src(%arg6 : memref<320x128xf32, #tpu.memory_space<vmem>>) dst(%dma_wait3A_56 : memref<320x128xf32, #tpu.memory_space<hbm>>)
        tpu.yield
      }) : () -> ()
      %add3A_34 = arith.constant 2 : i32
      %add3A_35 = arith.addi %mul3A_17, %add3A_34 : i32
      %lt3A = arith.constant 16 : i32
      %lt3A_36 = arith.cmpi slt, %add3A_35, %lt3A : i32
      %convert_element_type3A = arith.extui %lt3A_36 : i1 to i32
      %cond3A = arith.constant 0 : i32
      %cond3A_37 = arith.cmpi ne, %convert_element_type3A, %cond3A : i32
      scf.if %cond3A_37 {
        %add3A_49 = arith.constant 2 : i32
        %add3A_50 = arith.addi %mul3A_17, %add3A_49 : i32
        %mul3A_51 = arith.constant 320 : i32
        %mul3A_52 = arith.muli %add3A_50, %mul3A_51 : i32
        %dma_start3A_53 = tpu.memref_slice %arg5[%mul3A_52] : memref<5120xi32, #tpu.memory_space<vmem>> -> memref<320xi32, #tpu.memory_space<vmem>>
        %dma_start3A_54 = arith.constant 0 : i32
        %dma_start3A_55 = arith.constant 0 : i32
        %dma_start3A_56 = tpu.memref_slice %arg2[%dma_start3A_54, %dma_start3A_55] : memref<8192x128xf32, #tpu.memory_space<hbm>> -> memref<8192x128xf32, #tpu.memory_space<hbm>>
        tpu.enqueue_indirect_dma source(%dma_start3A_56 : memref<8192x128xf32, #tpu.memory_space<hbm>>) target(%arg6 : memref<320x128xf32, #tpu.memory_space<vmem>>) offsets(%dma_start3A_53 : memref<320xi32, #tpu.memory_space<vmem>>) semaphore(%arg8 : memref<!tpu.dma_semaphore, #tpu.memory_space<semaphore_mem>>)
      } else {
      }
      %add3A_38 = arith.constant 1 : i32
      %add3A_39 = arith.addi %mul3A_17, %add3A_38 : i32
      %mul3A_40 = arith.constant 320 : i32
      %mul3A_41 = arith.muli %add3A_39, %mul3A_40 : i32
      %dma_wait3A_42 = tpu.memref_slice %arg5[%mul3A_41] : memref<5120xi32, #tpu.memory_space<vmem>> -> memref<320xi32, #tpu.memory_space<vmem>>
      %dma_wait3A_43 = arith.constant 0 : i32
      %dma_wait3A_44 = arith.constant 0 : i32
      %dma_wait3A_45 = tpu.memref_slice %arg2[%dma_wait3A_43, %dma_wait3A_44] : memref<8192x128xf32, #tpu.memory_space<hbm>> -> memref<8192x128xf32, #tpu.memory_space<hbm>>
      tpu.wait_indirect_dma semaphore(%arg9 : memref<!tpu.dma_semaphore, #tpu.memory_space<semaphore_mem>>) src(%dma_wait3A_45 : memref<8192x128xf32, #tpu.memory_space<hbm>>) dst(%arg7 : memref<320x128xf32, #tpu.memory_space<vmem>>)
      %mul3A_46 = arith.constant 320 : i32
      %mul3A_47 = arith.muli %add3A_39, %mul3A_46 : i32
      %add3A_48 = arith.addi %mul3A_2, %mul3A_47 : i32
      "tpu.region"() ({
        %run_scoped3A = tpu.sem_alloc : memref<!tpu.dma_semaphore, #tpu.memory_space<semaphore_mem>>
        %dma_start3A_49 = arith.constant 0 : i32
        %dma_start3A_50 = tpu.memref_slice %arg4[%add3A_48, %dma_start3A_49] : memref<163840x128xf32, #tpu.memory_space<hbm>> -> memref<320x128xf32, #tpu.memory_space<hbm>>
        %dma_start3A_51 = arith.constant 0 : i32
        %dma_start3A_52 = tpu.memref_slice %arg4[%add3A_48, %dma_start3A_51] : memref<163840x128xf32, #tpu.memory_space<hbm>> -> memref<320x128xf32, #tpu.memory_space<hbm>>
        tpu.enqueue_dma source(%arg7 : memref<320x128xf32, #tpu.memory_space<vmem>>) target(%dma_start3A_52 : memref<320x128xf32, #tpu.memory_space<hbm>>) target_semaphore(%run_scoped3A : memref<!tpu.dma_semaphore, #tpu.memory_space<semaphore_mem>>)
        %dma_wait3A_53 = arith.constant 0 : i32
        %dma_wait3A_54 = tpu.memref_slice %arg4[%add3A_48, %dma_wait3A_53] : memref<163840x128xf32, #tpu.memory_space<hbm>> -> memref<320x128xf32, #tpu.memory_space<hbm>>
        %dma_wait3A_55 = arith.constant 0 : i32
        %dma_wait3A_56 = tpu.memref_slice %arg4[%add3A_48, %dma_wait3A_55] : memref<163840x128xf32, #tpu.memory_space<hbm>> -> memref<320x128xf32, #tpu.memory_space<hbm>>
        tpu.wait_dma2 semaphore(%run_scoped3A : memref<!tpu.dma_semaphore, #tpu.memory_space<semaphore_mem>>) src(%arg7 : memref<320x128xf32, #tpu.memory_space<vmem>>) dst(%dma_wait3A_56 : memref<320x128xf32, #tpu.memory_space<hbm>>)
        tpu.yield
      }) : () -> ()
    }
    %scan3A_10 = arith.constant 8 : i32
    return
  }
}

#map = affine_map<(d0, d1) -> (0, 0)>
#map1 = affine_map<(d0, d1) -> (0)>
module attributes {stable_mosaic.version = 14 : i64} {
  func.func @gather_kernel(%arg0: i32, %arg1: i32, %arg2: memref<8192x128xf32, #tpu.memory_space<hbm>>, %arg3: memref<163840xi32, #tpu.memory_space<hbm>>, %arg4: memref<163840x128xf32, #tpu.memory_space<hbm>>, %arg5: memref<5120xi32, #tpu.memory_space<vmem>>, %arg6: memref<320x128xf32, #tpu.memory_space<vmem>>, %arg7: memref<320x128xf32, #tpu.memory_space<vmem>>, %arg8: memref<!tpu.dma_semaphore, #tpu.memory_space<semaphore_mem>>, %arg9: memref<!tpu.dma_semaphore, #tpu.memory_space<semaphore_mem>>) attributes {dimension_semantics = [#tpu.dimension_semantics<core_parallel>, #tpu.dimension_semantics<subcore_parallel>], iteration_bounds = array<i64: 2, 16>, scalar_prefetch = 0 : i64, scratch_operands = 5 : i64, tpu.core_type = #tpu.core_type<sc_vector_subcore>, window_params = [{transform_indices = #map}, {transform_indices = #map1}, {transform_indices = #map}]} {
    %mul3A = arith.constant 2 : i32
    %mul3A_0 = arith.muli %arg1, %mul3A : i32
    %add3A = arith.addi %mul3A_0, %arg0 : i32
    %mul3A_1 = arith.constant 5120 : i32
    %mul3A_2 = arith.muli %add3A, %mul3A_1 : i32
    "tpu.region"() ({
      %run_scoped3A = tpu.sem_alloc : memref<!tpu.dma_semaphore, #tpu.memory_space<semaphore_mem>>
      %dma_start3A_11 = tpu.memref_slice %arg3[%mul3A_2] : memref<163840xi32, #tpu.memory_space<hbm>> -> memref<5120xi32, #tpu.memory_space<hbm>>
      %dma_start3A_12 = tpu.memref_slice %arg3[%mul3A_2] : memref<163840xi32, #tpu.memory_space<hbm>> -> memref<5120xi32, #tpu.memory_space<hbm>>
      tpu.enqueue_dma source(%dma_start3A_12 : memref<5120xi32, #tpu.memory_space<hbm>>) target(%arg5 : memref<5120xi32, #tpu.memory_space<vmem>>) target_semaphore(%run_scoped3A : memref<!tpu.dma_semaphore, #tpu.memory_space<semaphore_mem>>)
      %dma_wait3A = tpu.memref_slice %arg3[%mul3A_2] : memref<163840xi32, #tpu.memory_space<hbm>> -> memref<5120xi32, #tpu.memory_space<hbm>>
      %dma_wait3A_13 = tpu.memref_slice %arg3[%mul3A_2] : memref<163840xi32, #tpu.memory_space<hbm>> -> memref<5120xi32, #tpu.memory_space<hbm>>
      tpu.wait_dma2 semaphore(%run_scoped3A : memref<!tpu.dma_semaphore, #tpu.memory_space<semaphore_mem>>) src(%dma_wait3A_13 : memref<5120xi32, #tpu.memory_space<hbm>>) dst(%arg5 : memref<5120xi32, #tpu.memory_space<vmem>>)
      tpu.yield
    }) : () -> ()
    %dma_start3A = arith.constant 0 : i32
    %dma_start3A_3 = tpu.memref_slice %arg5[%dma_start3A] : memref<5120xi32, #tpu.memory_space<vmem>> -> memref<320xi32, #tpu.memory_space<vmem>>
    %dma_start3A_4 = arith.constant 0 : i32
    %dma_start3A_5 = arith.constant 0 : i32
    %dma_start3A_6 = tpu.memref_slice %arg2[%dma_start3A_4, %dma_start3A_5] : memref<8192x128xf32, #tpu.memory_space<hbm>> -> memref<8192x128xf32, #tpu.memory_space<hbm>>
    tpu.enqueue_indirect_dma source(%dma_start3A_6 : memref<8192x128xf32, #tpu.memory_space<hbm>>) target(%arg6 : memref<320x128xf32, #tpu.memory_space<vmem>>) offsets(%dma_start3A_3 : memref<320xi32, #tpu.memory_space<vmem>>) semaphore(%arg8 : memref<!tpu.dma_semaphore, #tpu.memory_space<semaphore_mem>>)
    %scan3A = arith.constant 0 : i32
    %scan3A_7 = arith.constant 8 : i32
    %scan3A_8 = arith.addi %scan3A, %scan3A_7 : i32
    %scan3A_9 = arith.constant 1 : i32
    scf.for %scan3A_11 = %scan3A to %scan3A_8 step %scan3A_9  : i32 {
      %mul3A_12 = arith.constant 1 : i32
      %mul3A_13 = arith.muli %scan3A_11, %mul3A_12 : i32
      %add3A_14 = arith.constant 0 : i32
      %add3A_15 = arith.addi %add3A_14, %mul3A_13 : i32
      %mul3A_16 = arith.constant 2 : i32
      %mul3A_17 = arith.muli %mul3A_16, %add3A_15 : i32
      %add3A_18 = arith.constant 1 : i32
      %add3A_19 = arith.addi %mul3A_17, %add3A_18 : i32
      %mul3A_20 = arith.constant 320 : i32
      %mul3A_21 = arith.muli %add3A_19, %mul3A_20 : i32
      %dma_start3A_22 = tpu.memref_slice %arg5[%mul3A_21] : memref<5120xi32, #tpu.memory_space<vmem>> -> memref<320xi32, #tpu.memory_space<vmem>>
      %dma_start3A_23 = arith.constant 0 : i32
      %dma_start3A_24 = arith.constant 0 : i32
      %dma_start3A_25 = tpu.memref_slice %arg2[%dma_start3A_23, %dma_start3A_24] : memref<8192x128xf32, #tpu.memory_space<hbm>> -> memref<8192x128xf32, #tpu.memory_space<hbm>>
      tpu.enqueue_indirect_dma source(%dma_start3A_25 : memref<8192x128xf32, #tpu.memory_space<hbm>>) target(%arg7 : memref<320x128xf32, #tpu.memory_space<vmem>>) offsets(%dma_start3A_22 : memref<320xi32, #tpu.memory_space<vmem>>) semaphore(%arg9 : memref<!tpu.dma_semaphore, #tpu.memory_space<semaphore_mem>>)
      %mul3A_26 = arith.constant 320 : i32
      %mul3A_27 = arith.muli %mul3A_17, %mul3A_26 : i32
      %dma_wait3A = tpu.memref_slice %arg5[%mul3A_27] : memref<5120xi32, #tpu.memory_space<vmem>> -> memref<320xi32, #tpu.memory_space<vmem>>
      %dma_wait3A_28 = arith.constant 0 : i32
      %dma_wait3A_29 = arith.constant 0 : i32
      %dma_wait3A_30 = tpu.memref_slice %arg2[%dma_wait3A_28, %dma_wait3A_29] : memref<8192x128xf32, #tpu.memory_space<hbm>> -> memref<8192x128xf32, #tpu.memory_space<hbm>>
      tpu.wait_indirect_dma semaphore(%arg8 : memref<!tpu.dma_semaphore, #tpu.memory_space<semaphore_mem>>) src(%dma_wait3A_30 : memref<8192x128xf32, #tpu.memory_space<hbm>>) dst(%arg6 : memref<320x128xf32, #tpu.memory_space<vmem>>)
      %mul3A_31 = arith.constant 320 : i32
      %mul3A_32 = arith.muli %mul3A_17, %mul3A_31 : i32
      %add3A_33 = arith.addi %mul3A_2, %mul3A_32 : i32
      "tpu.region"() ({
        %run_scoped3A = tpu.sem_alloc : memref<!tpu.dma_semaphore, #tpu.memory_space<semaphore_mem>>
        %dma_start3A_49 = arith.constant 0 : i32
        %dma_start3A_50 = tpu.memref_slice %arg4[%add3A_33, %dma_start3A_49] : memref<163840x128xf32, #tpu.memory_space<hbm>> -> memref<320x128xf32, #tpu.memory_space<hbm>>
        %dma_start3A_51 = arith.constant 0 : i32
        %dma_start3A_52 = tpu.memref_slice %arg4[%add3A_33, %dma_start3A_51] : memref<163840x128xf32, #tpu.memory_space<hbm>> -> memref<320x128xf32, #tpu.memory_space<hbm>>
        tpu.enqueue_dma source(%arg6 : memref<320x128xf32, #tpu.memory_space<vmem>>) target(%dma_start3A_52 : memref<320x128xf32, #tpu.memory_space<hbm>>) target_semaphore(%run_scoped3A : memref<!tpu.dma_semaphore, #tpu.memory_space<semaphore_mem>>)
        %dma_wait3A_53 = arith.constant 0 : i32
        %dma_wait3A_54 = tpu.memref_slice %arg4[%add3A_33, %dma_wait3A_53] : memref<163840x128xf32, #tpu.memory_space<hbm>> -> memref<320x128xf32, #tpu.memory_space<hbm>>
        %dma_wait3A_55 = arith.constant 0 : i32
        %dma_wait3A_56 = tpu.memref_slice %arg4[%add3A_33, %dma_wait3A_55] : memref<163840x128xf32, #tpu.memory_space<hbm>> -> memref<320x128xf32, #tpu.memory_space<hbm>>
        tpu.wait_dma2 semaphore(%run_scoped3A : memref<!tpu.dma_semaphore, #tpu.memory_space<semaphore_mem>>) src(%arg6 : memref<320x128xf32, #tpu.memory_space<vmem>>) dst(%dma_wait3A_56 : memref<320x128xf32, #tpu.memory_space<hbm>>)
        tpu.yield
      }) : () -> ()
      %add3A_34 = arith.constant 2 : i32
      %add3A_35 = arith.addi %mul3A_17, %add3A_34 : i32
      %lt3A = arith.constant 16 : i32
      %lt3A_36 = arith.cmpi slt, %add3A_35, %lt3A : i32
      %convert_element_type3A = arith.extui %lt3A_36 : i1 to i32
      %cond3A = arith.constant 0 : i32
      %cond3A_37 = arith.cmpi ne, %convert_element_type3A, %cond3A : i32
      scf.if %cond3A_37 {
        %add3A_49 = arith.constant 2 : i32
        %add3A_50 = arith.addi %mul3A_17, %add3A_49 : i32
        %mul3A_51 = arith.constant 320 : i32
        %mul3A_52 = arith.muli %add3A_50, %mul3A_51 : i32
        %dma_start3A_53 = tpu.memref_slice %arg5[%mul3A_52] : memref<5120xi32, #tpu.memory_space<vmem>> -> memref<320xi32, #tpu.memory_space<vmem>>
        %dma_start3A_54 = arith.constant 0 : i32
        %dma_start3A_55 = arith.constant 0 : i32
        %dma_start3A_56 = tpu.memref_slice %arg2[%dma_start3A_54, %dma_start3A_55] : memref<8192x128xf32, #tpu.memory_space<hbm>> -> memref<8192x128xf32, #tpu.memory_space<hbm>>
        tpu.enqueue_indirect_dma source(%dma_start3A_56 : memref<8192x128xf32, #tpu.memory_space<hbm>>) target(%arg6 : memref<320x128xf32, #tpu.memory_space<vmem>>) offsets(%dma_start3A_53 : memref<320xi32, #tpu.memory_space<vmem>>) semaphore(%arg8 : memref<!tpu.dma_semaphore, #tpu.memory_space<semaphore_mem>>)
      } else {
      }
      %add3A_38 = arith.constant 1 : i32
      %add3A_39 = arith.addi %mul3A_17, %add3A_38 : i32
      %mul3A_40 = arith.constant 320 : i32
      %mul3A_41 = arith.muli %add3A_39, %mul3A_40 : i32
      %dma_wait3A_42 = tpu.memref_slice %arg5[%mul3A_41] : memref<5120xi32, #tpu.memory_space<vmem>> -> memref<320xi32, #tpu.memory_space<vmem>>
      %dma_wait3A_43 = arith.constant 0 : i32
      %dma_wait3A_44 = arith.constant 0 : i32
      %dma_wait3A_45 = tpu.memref_slice %arg2[%dma_wait3A_43, %dma_wait3A_44] : memref<8192x128xf32, #tpu.memory_space<hbm>> -> memref<8192x128xf32, #tpu.memory_space<hbm>>
      tpu.wait_indirect_dma semaphore(%arg9 : memref<!tpu.dma_semaphore, #tpu.memory_space<semaphore_mem>>) src(%dma_wait3A_45 : memref<8192x128xf32, #tpu.memory_space<hbm>>) dst(%arg7 : memref<320x128xf32, #tpu.memory_space<vmem>>)
      %mul3A_46 = arith.constant 320 : i32
      %mul3A_47 = arith.muli %add3A_39, %mul3A_46 : i32
      %add3A_48 = arith.addi %mul3A_2, %mul3A_47 : i32
      "tpu.region"() ({
        %run_scoped3A = tpu.sem_alloc : memref<!tpu.dma_semaphore, #tpu.memory_space<semaphore_mem>>
        %dma_start3A_49 = arith.constant 0 : i32
        %dma_start3A_50 = tpu.memref_slice %arg4[%add3A_48, %dma_start3A_49] : memref<163840x128xf32, #tpu.memory_space<hbm>> -> memref<320x128xf32, #tpu.memory_space<hbm>>
        %dma_start3A_51 = arith.constant 0 : i32
        %dma_start3A_52 = tpu.memref_slice %arg4[%add3A_48, %dma_start3A_51] : memref<163840x128xf32, #tpu.memory_space<hbm>> -> memref<320x128xf32, #tpu.memory_space<hbm>>
        tpu.enqueue_dma source(%arg7 : memref<320x128xf32, #tpu.memory_space<vmem>>) target(%dma_start3A_52 : memref<320x128xf32, #tpu.memory_space<hbm>>) target_semaphore(%run_scoped3A : memref<!tpu.dma_semaphore, #tpu.memory_space<semaphore_mem>>)
        %dma_wait3A_53 = arith.constant 0 : i32
        %dma_wait3A_54 = tpu.memref_slice %arg4[%add3A_48, %dma_wait3A_53] : memref<163840x128xf32, #tpu.memory_space<hbm>> -> memref<320x128xf32, #tpu.memory_space<hbm>>
        %dma_wait3A_55 = arith.constant 0 : i32
        %dma_wait3A_56 = tpu.memref_slice %arg4[%add3A_48, %dma_wait3A_55] : memref<163840x128xf32, #tpu.memory_space<hbm>> -> memref<320x128xf32, #tpu.memory_space<hbm>>
        tpu.wait_dma2 semaphore(%run_scoped3A : memref<!tpu.dma_semaphore, #tpu.memory_space<semaphore_mem>>) src(%arg7 : memref<320x128xf32, #tpu.memory_space<vmem>>) dst(%dma_wait3A_56 : memref<320x128xf32, #tpu.memory_space<hbm>>)
        tpu.yield
      }) : () -> ()
    }
    %scan3A_10 = arith.constant 8 : i32
    return
  }
}

#map = affine_map<(d0, d1) -> (0, 0)>
#map1 = affine_map<(d0, d1) -> (0)>
module attributes {stable_mosaic.version = 14 : i64} {
  func.func @gather_kernel(%arg0: i32, %arg1: i32, %arg2: memref<8192x128xf32, #tpu.memory_space<hbm>>, %arg3: memref<163840xi32, #tpu.memory_space<hbm>>, %arg4: memref<163840x128xf32, #tpu.memory_space<hbm>>, %arg5: memref<5120xi32, #tpu.memory_space<vmem>>, %arg6: memref<320x128xf32, #tpu.memory_space<vmem>>, %arg7: memref<320x128xf32, #tpu.memory_space<vmem>>, %arg8: memref<!tpu.dma_semaphore, #tpu.memory_space<semaphore_mem>>, %arg9: memref<!tpu.dma_semaphore, #tpu.memory_space<semaphore_mem>>) attributes {dimension_semantics = [#tpu.dimension_semantics<core_parallel>, #tpu.dimension_semantics<subcore_parallel>], iteration_bounds = array<i64: 2, 16>, scalar_prefetch = 0 : i64, scratch_operands = 5 : i64, tpu.core_type = #tpu.core_type<sc_vector_subcore>, window_params = [{transform_indices = #map}, {transform_indices = #map1}, {transform_indices = #map}]} {
    %mul3A = arith.constant 2 : i32
    %mul3A_0 = arith.muli %arg1, %mul3A : i32
    %add3A = arith.addi %mul3A_0, %arg0 : i32
    %mul3A_1 = arith.constant 5120 : i32
    %mul3A_2 = arith.muli %add3A, %mul3A_1 : i32
    "tpu.region"() ({
      %run_scoped3A = tpu.sem_alloc : memref<!tpu.dma_semaphore, #tpu.memory_space<semaphore_mem>>
      %dma_start3A_11 = tpu.memref_slice %arg3[%mul3A_2] : memref<163840xi32, #tpu.memory_space<hbm>> -> memref<5120xi32, #tpu.memory_space<hbm>>
      %dma_start3A_12 = tpu.memref_slice %arg3[%mul3A_2] : memref<163840xi32, #tpu.memory_space<hbm>> -> memref<5120xi32, #tpu.memory_space<hbm>>
      tpu.enqueue_dma source(%dma_start3A_12 : memref<5120xi32, #tpu.memory_space<hbm>>) target(%arg5 : memref<5120xi32, #tpu.memory_space<vmem>>) target_semaphore(%run_scoped3A : memref<!tpu.dma_semaphore, #tpu.memory_space<semaphore_mem>>)
      %dma_wait3A = tpu.memref_slice %arg3[%mul3A_2] : memref<163840xi32, #tpu.memory_space<hbm>> -> memref<5120xi32, #tpu.memory_space<hbm>>
      %dma_wait3A_13 = tpu.memref_slice %arg3[%mul3A_2] : memref<163840xi32, #tpu.memory_space<hbm>> -> memref<5120xi32, #tpu.memory_space<hbm>>
      tpu.wait_dma2 semaphore(%run_scoped3A : memref<!tpu.dma_semaphore, #tpu.memory_space<semaphore_mem>>) src(%dma_wait3A_13 : memref<5120xi32, #tpu.memory_space<hbm>>) dst(%arg5 : memref<5120xi32, #tpu.memory_space<vmem>>)
      tpu.yield
    }) : () -> ()
    %dma_start3A = arith.constant 0 : i32
    %dma_start3A_3 = tpu.memref_slice %arg5[%dma_start3A] : memref<5120xi32, #tpu.memory_space<vmem>> -> memref<320xi32, #tpu.memory_space<vmem>>
    %dma_start3A_4 = arith.constant 0 : i32
    %dma_start3A_5 = arith.constant 0 : i32
    %dma_start3A_6 = tpu.memref_slice %arg2[%dma_start3A_4, %dma_start3A_5] : memref<8192x128xf32, #tpu.memory_space<hbm>> -> memref<8192x128xf32, #tpu.memory_space<hbm>>
    tpu.enqueue_indirect_dma source(%dma_start3A_6 : memref<8192x128xf32, #tpu.memory_space<hbm>>) target(%arg6 : memref<320x128xf32, #tpu.memory_space<vmem>>) offsets(%dma_start3A_3 : memref<320xi32, #tpu.memory_space<vmem>>) semaphore(%arg8 : memref<!tpu.dma_semaphore, #tpu.memory_space<semaphore_mem>>)
    %scan3A = arith.constant 0 : i32
    %scan3A_7 = arith.constant 8 : i32
    %scan3A_8 = arith.addi %scan3A, %scan3A_7 : i32
    %scan3A_9 = arith.constant 1 : i32
    scf.for %scan3A_11 = %scan3A to %scan3A_8 step %scan3A_9  : i32 {
      %mul3A_12 = arith.constant 1 : i32
      %mul3A_13 = arith.muli %scan3A_11, %mul3A_12 : i32
      %add3A_14 = arith.constant 0 : i32
      %add3A_15 = arith.addi %add3A_14, %mul3A_13 : i32
      %mul3A_16 = arith.constant 2 : i32
      %mul3A_17 = arith.muli %mul3A_16, %add3A_15 : i32
      %add3A_18 = arith.constant 1 : i32
      %add3A_19 = arith.addi %mul3A_17, %add3A_18 : i32
      %mul3A_20 = arith.constant 320 : i32
      %mul3A_21 = arith.muli %add3A_19, %mul3A_20 : i32
      %dma_start3A_22 = tpu.memref_slice %arg5[%mul3A_21] : memref<5120xi32, #tpu.memory_space<vmem>> -> memref<320xi32, #tpu.memory_space<vmem>>
      %dma_start3A_23 = arith.constant 0 : i32
      %dma_start3A_24 = arith.constant 0 : i32
      %dma_start3A_25 = tpu.memref_slice %arg2[%dma_start3A_23, %dma_start3A_24] : memref<8192x128xf32, #tpu.memory_space<hbm>> -> memref<8192x128xf32, #tpu.memory_space<hbm>>
      tpu.enqueue_indirect_dma source(%dma_start3A_25 : memref<8192x128xf32, #tpu.memory_space<hbm>>) target(%arg7 : memref<320x128xf32, #tpu.memory_space<vmem>>) offsets(%dma_start3A_22 : memref<320xi32, #tpu.memory_space<vmem>>) semaphore(%arg9 : memref<!tpu.dma_semaphore, #tpu.memory_space<semaphore_mem>>)
      %mul3A_26 = arith.constant 320 : i32
      %mul3A_27 = arith.muli %mul3A_17, %mul3A_26 : i32
      %dma_wait3A = tpu.memref_slice %arg5[%mul3A_27] : memref<5120xi32, #tpu.memory_space<vmem>> -> memref<320xi32, #tpu.memory_space<vmem>>
      %dma_wait3A_28 = arith.constant 0 : i32
      %dma_wait3A_29 = arith.constant 0 : i32
      %dma_wait3A_30 = tpu.memref_slice %arg2[%dma_wait3A_28, %dma_wait3A_29] : memref<8192x128xf32, #tpu.memory_space<hbm>> -> memref<8192x128xf32, #tpu.memory_space<hbm>>
      tpu.wait_indirect_dma semaphore(%arg8 : memref<!tpu.dma_semaphore, #tpu.memory_space<semaphore_mem>>) src(%dma_wait3A_30 : memref<8192x128xf32, #tpu.memory_space<hbm>>) dst(%arg6 : memref<320x128xf32, #tpu.memory_space<vmem>>)
      %mul3A_31 = arith.constant 320 : i32
      %mul3A_32 = arith.muli %mul3A_17, %mul3A_31 : i32
      %add3A_33 = arith.addi %mul3A_2, %mul3A_32 : i32
      "tpu.region"() ({
        %run_scoped3A = tpu.sem_alloc : memref<!tpu.dma_semaphore, #tpu.memory_space<semaphore_mem>>
        %dma_start3A_49 = arith.constant 0 : i32
        %dma_start3A_50 = tpu.memref_slice %arg4[%add3A_33, %dma_start3A_49] : memref<163840x128xf32, #tpu.memory_space<hbm>> -> memref<320x128xf32, #tpu.memory_space<hbm>>
        %dma_start3A_51 = arith.constant 0 : i32
        %dma_start3A_52 = tpu.memref_slice %arg4[%add3A_33, %dma_start3A_51] : memref<163840x128xf32, #tpu.memory_space<hbm>> -> memref<320x128xf32, #tpu.memory_space<hbm>>
        tpu.enqueue_dma source(%arg6 : memref<320x128xf32, #tpu.memory_space<vmem>>) target(%dma_start3A_52 : memref<320x128xf32, #tpu.memory_space<hbm>>) target_semaphore(%run_scoped3A : memref<!tpu.dma_semaphore, #tpu.memory_space<semaphore_mem>>)
        %dma_wait3A_53 = arith.constant 0 : i32
        %dma_wait3A_54 = tpu.memref_slice %arg4[%add3A_33, %dma_wait3A_53] : memref<163840x128xf32, #tpu.memory_space<hbm>> -> memref<320x128xf32, #tpu.memory_space<hbm>>
        %dma_wait3A_55 = arith.constant 0 : i32
        %dma_wait3A_56 = tpu.memref_slice %arg4[%add3A_33, %dma_wait3A_55] : memref<163840x128xf32, #tpu.memory_space<hbm>> -> memref<320x128xf32, #tpu.memory_space<hbm>>
        tpu.wait_dma2 semaphore(%run_scoped3A : memref<!tpu.dma_semaphore, #tpu.memory_space<semaphore_mem>>) src(%arg6 : memref<320x128xf32, #tpu.memory_space<vmem>>) dst(%dma_wait3A_56 : memref<320x128xf32, #tpu.memory_space<hbm>>)
        tpu.yield
      }) : () -> ()
      %add3A_34 = arith.constant 2 : i32
      %add3A_35 = arith.addi %mul3A_17, %add3A_34 : i32
      %lt3A = arith.constant 16 : i32
      %lt3A_36 = arith.cmpi slt, %add3A_35, %lt3A : i32
      %convert_element_type3A = arith.extui %lt3A_36 : i1 to i32
      %cond3A = arith.constant 0 : i32
      %cond3A_37 = arith.cmpi ne, %convert_element_type3A, %cond3A : i32
      scf.if %cond3A_37 {
        %add3A_49 = arith.constant 2 : i32
        %add3A_50 = arith.addi %mul3A_17, %add3A_49 : i32
        %mul3A_51 = arith.constant 320 : i32
        %mul3A_52 = arith.muli %add3A_50, %mul3A_51 : i32
        %dma_start3A_53 = tpu.memref_slice %arg5[%mul3A_52] : memref<5120xi32, #tpu.memory_space<vmem>> -> memref<320xi32, #tpu.memory_space<vmem>>
        %dma_start3A_54 = arith.constant 0 : i32
        %dma_start3A_55 = arith.constant 0 : i32
        %dma_start3A_56 = tpu.memref_slice %arg2[%dma_start3A_54, %dma_start3A_55] : memref<8192x128xf32, #tpu.memory_space<hbm>> -> memref<8192x128xf32, #tpu.memory_space<hbm>>
        tpu.enqueue_indirect_dma source(%dma_start3A_56 : memref<8192x128xf32, #tpu.memory_space<hbm>>) target(%arg6 : memref<320x128xf32, #tpu.memory_space<vmem>>) offsets(%dma_start3A_53 : memref<320xi32, #tpu.memory_space<vmem>>) semaphore(%arg8 : memref<!tpu.dma_semaphore, #tpu.memory_space<semaphore_mem>>)
      } else {
      }
      %add3A_38 = arith.constant 1 : i32
      %add3A_39 = arith.addi %mul3A_17, %add3A_38 : i32
      %mul3A_40 = arith.constant 320 : i32
      %mul3A_41 = arith.muli %add3A_39, %mul3A_40 : i32
      %dma_wait3A_42 = tpu.memref_slice %arg5[%mul3A_41] : memref<5120xi32, #tpu.memory_space<vmem>> -> memref<320xi32, #tpu.memory_space<vmem>>
      %dma_wait3A_43 = arith.constant 0 : i32
      %dma_wait3A_44 = arith.constant 0 : i32
      %dma_wait3A_45 = tpu.memref_slice %arg2[%dma_wait3A_43, %dma_wait3A_44] : memref<8192x128xf32, #tpu.memory_space<hbm>> -> memref<8192x128xf32, #tpu.memory_space<hbm>>
      tpu.wait_indirect_dma semaphore(%arg9 : memref<!tpu.dma_semaphore, #tpu.memory_space<semaphore_mem>>) src(%dma_wait3A_45 : memref<8192x128xf32, #tpu.memory_space<hbm>>) dst(%arg7 : memref<320x128xf32, #tpu.memory_space<vmem>>)
      %mul3A_46 = arith.constant 320 : i32
      %mul3A_47 = arith.muli %add3A_39, %mul3A_46 : i32
      %add3A_48 = arith.addi %mul3A_2, %mul3A_47 : i32
      "tpu.region"() ({
        %run_scoped3A = tpu.sem_alloc : memref<!tpu.dma_semaphore, #tpu.memory_space<semaphore_mem>>
        %dma_start3A_49 = arith.constant 0 : i32
        %dma_start3A_50 = tpu.memref_slice %arg4[%add3A_48, %dma_start3A_49] : memref<163840x128xf32, #tpu.memory_space<hbm>> -> memref<320x128xf32, #tpu.memory_space<hbm>>
        %dma_start3A_51 = arith.constant 0 : i32
        %dma_start3A_52 = tpu.memref_slice %arg4[%add3A_48, %dma_start3A_51] : memref<163840x128xf32, #tpu.memory_space<hbm>> -> memref<320x128xf32, #tpu.memory_space<hbm>>
        tpu.enqueue_dma source(%arg7 : memref<320x128xf32, #tpu.memory_space<vmem>>) target(%dma_start3A_52 : memref<320x128xf32, #tpu.memory_space<hbm>>) target_semaphore(%run_scoped3A : memref<!tpu.dma_semaphore, #tpu.memory_space<semaphore_mem>>)
        %dma_wait3A_53 = arith.constant 0 : i32
        %dma_wait3A_54 = tpu.memref_slice %arg4[%add3A_48, %dma_wait3A_53] : memref<163840x128xf32, #tpu.memory_space<hbm>> -> memref<320x128xf32, #tpu.memory_space<hbm>>
        %dma_wait3A_55 = arith.constant 0 : i32
        %dma_wait3A_56 = tpu.memref_slice %arg4[%add3A_48, %dma_wait3A_55] : memref<163840x128xf32, #tpu.memory_space<hbm>> -> memref<320x128xf32, #tpu.memory_space<hbm>>
        tpu.wait_dma2 semaphore(%run_scoped3A : memref<!tpu.dma_semaphore, #tpu.memory_space<semaphore_mem>>) src(%arg7 : memref<320x128xf32, #tpu.memory_space<vmem>>) dst(%dma_wait3A_56 : memref<320x128xf32, #tpu.memory_space<hbm>>)
        tpu.yield
      }) : () -> ()
    }
    %scan3A_10 = arith.constant 8 : i32
    return
  }
}

#map = affine_map<(d0, d1) -> (0, 0)>
#map1 = affine_map<(d0, d1) -> (0)>
module attributes {stable_mosaic.version = 14 : i64} {
  func.func @gather_kernel(%arg0: i32, %arg1: i32, %arg2: memref<8192x128xf32, #tpu.memory_space<hbm>>, %arg3: memref<163840xi32, #tpu.memory_space<hbm>>, %arg4: memref<163840x128xf32, #tpu.memory_space<hbm>>, %arg5: memref<5120xi32, #tpu.memory_space<vmem>>, %arg6: memref<320x128xf32, #tpu.memory_space<vmem>>, %arg7: memref<320x128xf32, #tpu.memory_space<vmem>>, %arg8: memref<!tpu.dma_semaphore, #tpu.memory_space<semaphore_mem>>, %arg9: memref<!tpu.dma_semaphore, #tpu.memory_space<semaphore_mem>>) attributes {dimension_semantics = [#tpu.dimension_semantics<core_parallel>, #tpu.dimension_semantics<subcore_parallel>], iteration_bounds = array<i64: 2, 16>, scalar_prefetch = 0 : i64, scratch_operands = 5 : i64, tpu.core_type = #tpu.core_type<sc_vector_subcore>, window_params = [{transform_indices = #map}, {transform_indices = #map1}, {transform_indices = #map}]} {
    %mul3A = arith.constant 2 : i32
    %mul3A_0 = arith.muli %arg1, %mul3A : i32
    %add3A = arith.addi %mul3A_0, %arg0 : i32
    %mul3A_1 = arith.constant 5120 : i32
    %mul3A_2 = arith.muli %add3A, %mul3A_1 : i32
    "tpu.region"() ({
      %run_scoped3A = tpu.sem_alloc : memref<!tpu.dma_semaphore, #tpu.memory_space<semaphore_mem>>
      %dma_start3A_11 = tpu.memref_slice %arg3[%mul3A_2] : memref<163840xi32, #tpu.memory_space<hbm>> -> memref<5120xi32, #tpu.memory_space<hbm>>
      %dma_start3A_12 = tpu.memref_slice %arg3[%mul3A_2] : memref<163840xi32, #tpu.memory_space<hbm>> -> memref<5120xi32, #tpu.memory_space<hbm>>
      tpu.enqueue_dma source(%dma_start3A_12 : memref<5120xi32, #tpu.memory_space<hbm>>) target(%arg5 : memref<5120xi32, #tpu.memory_space<vmem>>) target_semaphore(%run_scoped3A : memref<!tpu.dma_semaphore, #tpu.memory_space<semaphore_mem>>)
      %dma_wait3A = tpu.memref_slice %arg3[%mul3A_2] : memref<163840xi32, #tpu.memory_space<hbm>> -> memref<5120xi32, #tpu.memory_space<hbm>>
      %dma_wait3A_13 = tpu.memref_slice %arg3[%mul3A_2] : memref<163840xi32, #tpu.memory_space<hbm>> -> memref<5120xi32, #tpu.memory_space<hbm>>
      tpu.wait_dma2 semaphore(%run_scoped3A : memref<!tpu.dma_semaphore, #tpu.memory_space<semaphore_mem>>) src(%dma_wait3A_13 : memref<5120xi32, #tpu.memory_space<hbm>>) dst(%arg5 : memref<5120xi32, #tpu.memory_space<vmem>>)
      tpu.yield
    }) : () -> ()
    %dma_start3A = arith.constant 0 : i32
    %dma_start3A_3 = tpu.memref_slice %arg5[%dma_start3A] : memref<5120xi32, #tpu.memory_space<vmem>> -> memref<320xi32, #tpu.memory_space<vmem>>
    %dma_start3A_4 = arith.constant 0 : i32
    %dma_start3A_5 = arith.constant 0 : i32
    %dma_start3A_6 = tpu.memref_slice %arg2[%dma_start3A_4, %dma_start3A_5] : memref<8192x128xf32, #tpu.memory_space<hbm>> -> memref<8192x128xf32, #tpu.memory_space<hbm>>
    tpu.enqueue_indirect_dma source(%dma_start3A_6 : memref<8192x128xf32, #tpu.memory_space<hbm>>) target(%arg6 : memref<320x128xf32, #tpu.memory_space<vmem>>) offsets(%dma_start3A_3 : memref<320xi32, #tpu.memory_space<vmem>>) semaphore(%arg8 : memref<!tpu.dma_semaphore, #tpu.memory_space<semaphore_mem>>)
    %scan3A = arith.constant 0 : i32
    %scan3A_7 = arith.constant 8 : i32
    %scan3A_8 = arith.addi %scan3A, %scan3A_7 : i32
    %scan3A_9 = arith.constant 1 : i32
    scf.for %scan3A_11 = %scan3A to %scan3A_8 step %scan3A_9  : i32 {
      %mul3A_12 = arith.constant 1 : i32
      %mul3A_13 = arith.muli %scan3A_11, %mul3A_12 : i32
      %add3A_14 = arith.constant 0 : i32
      %add3A_15 = arith.addi %add3A_14, %mul3A_13 : i32
      %mul3A_16 = arith.constant 2 : i32
      %mul3A_17 = arith.muli %mul3A_16, %add3A_15 : i32
      %add3A_18 = arith.constant 1 : i32
      %add3A_19 = arith.addi %mul3A_17, %add3A_18 : i32
      %mul3A_20 = arith.constant 320 : i32
      %mul3A_21 = arith.muli %add3A_19, %mul3A_20 : i32
      %dma_start3A_22 = tpu.memref_slice %arg5[%mul3A_21] : memref<5120xi32, #tpu.memory_space<vmem>> -> memref<320xi32, #tpu.memory_space<vmem>>
      %dma_start3A_23 = arith.constant 0 : i32
      %dma_start3A_24 = arith.constant 0 : i32
      %dma_start3A_25 = tpu.memref_slice %arg2[%dma_start3A_23, %dma_start3A_24] : memref<8192x128xf32, #tpu.memory_space<hbm>> -> memref<8192x128xf32, #tpu.memory_space<hbm>>
      tpu.enqueue_indirect_dma source(%dma_start3A_25 : memref<8192x128xf32, #tpu.memory_space<hbm>>) target(%arg7 : memref<320x128xf32, #tpu.memory_space<vmem>>) offsets(%dma_start3A_22 : memref<320xi32, #tpu.memory_space<vmem>>) semaphore(%arg9 : memref<!tpu.dma_semaphore, #tpu.memory_space<semaphore_mem>>)
      %mul3A_26 = arith.constant 320 : i32
      %mul3A_27 = arith.muli %mul3A_17, %mul3A_26 : i32
      %dma_wait3A = tpu.memref_slice %arg5[%mul3A_27] : memref<5120xi32, #tpu.memory_space<vmem>> -> memref<320xi32, #tpu.memory_space<vmem>>
      %dma_wait3A_28 = arith.constant 0 : i32
      %dma_wait3A_29 = arith.constant 0 : i32
      %dma_wait3A_30 = tpu.memref_slice %arg2[%dma_wait3A_28, %dma_wait3A_29] : memref<8192x128xf32, #tpu.memory_space<hbm>> -> memref<8192x128xf32, #tpu.memory_space<hbm>>
      tpu.wait_indirect_dma semaphore(%arg8 : memref<!tpu.dma_semaphore, #tpu.memory_space<semaphore_mem>>) src(%dma_wait3A_30 : memref<8192x128xf32, #tpu.memory_space<hbm>>) dst(%arg6 : memref<320x128xf32, #tpu.memory_space<vmem>>)
      %mul3A_31 = arith.constant 320 : i32
      %mul3A_32 = arith.muli %mul3A_17, %mul3A_31 : i32
      %add3A_33 = arith.addi %mul3A_2, %mul3A_32 : i32
      "tpu.region"() ({
        %run_scoped3A = tpu.sem_alloc : memref<!tpu.dma_semaphore, #tpu.memory_space<semaphore_mem>>
        %dma_start3A_49 = arith.constant 0 : i32
        %dma_start3A_50 = tpu.memref_slice %arg4[%add3A_33, %dma_start3A_49] : memref<163840x128xf32, #tpu.memory_space<hbm>> -> memref<320x128xf32, #tpu.memory_space<hbm>>
        %dma_start3A_51 = arith.constant 0 : i32
        %dma_start3A_52 = tpu.memref_slice %arg4[%add3A_33, %dma_start3A_51] : memref<163840x128xf32, #tpu.memory_space<hbm>> -> memref<320x128xf32, #tpu.memory_space<hbm>>
        tpu.enqueue_dma source(%arg6 : memref<320x128xf32, #tpu.memory_space<vmem>>) target(%dma_start3A_52 : memref<320x128xf32, #tpu.memory_space<hbm>>) target_semaphore(%run_scoped3A : memref<!tpu.dma_semaphore, #tpu.memory_space<semaphore_mem>>)
        %dma_wait3A_53 = arith.constant 0 : i32
        %dma_wait3A_54 = tpu.memref_slice %arg4[%add3A_33, %dma_wait3A_53] : memref<163840x128xf32, #tpu.memory_space<hbm>> -> memref<320x128xf32, #tpu.memory_space<hbm>>
        %dma_wait3A_55 = arith.constant 0 : i32
        %dma_wait3A_56 = tpu.memref_slice %arg4[%add3A_33, %dma_wait3A_55] : memref<163840x128xf32, #tpu.memory_space<hbm>> -> memref<320x128xf32, #tpu.memory_space<hbm>>
        tpu.wait_dma2 semaphore(%run_scoped3A : memref<!tpu.dma_semaphore, #tpu.memory_space<semaphore_mem>>) src(%arg6 : memref<320x128xf32, #tpu.memory_space<vmem>>) dst(%dma_wait3A_56 : memref<320x128xf32, #tpu.memory_space<hbm>>)
        tpu.yield
      }) : () -> ()
      %add3A_34 = arith.constant 2 : i32
      %add3A_35 = arith.addi %mul3A_17, %add3A_34 : i32
      %lt3A = arith.constant 16 : i32
      %lt3A_36 = arith.cmpi slt, %add3A_35, %lt3A : i32
      %convert_element_type3A = arith.extui %lt3A_36 : i1 to i32
      %cond3A = arith.constant 0 : i32
      %cond3A_37 = arith.cmpi ne, %convert_element_type3A, %cond3A : i32
      scf.if %cond3A_37 {
        %add3A_49 = arith.constant 2 : i32
        %add3A_50 = arith.addi %mul3A_17, %add3A_49 : i32
        %mul3A_51 = arith.constant 320 : i32
        %mul3A_52 = arith.muli %add3A_50, %mul3A_51 : i32
        %dma_start3A_53 = tpu.memref_slice %arg5[%mul3A_52] : memref<5120xi32, #tpu.memory_space<vmem>> -> memref<320xi32, #tpu.memory_space<vmem>>
        %dma_start3A_54 = arith.constant 0 : i32
        %dma_start3A_55 = arith.constant 0 : i32
        %dma_start3A_56 = tpu.memref_slice %arg2[%dma_start3A_54, %dma_start3A_55] : memref<8192x128xf32, #tpu.memory_space<hbm>> -> memref<8192x128xf32, #tpu.memory_space<hbm>>
        tpu.enqueue_indirect_dma source(%dma_start3A_56 : memref<8192x128xf32, #tpu.memory_space<hbm>>) target(%arg6 : memref<320x128xf32, #tpu.memory_space<vmem>>) offsets(%dma_start3A_53 : memref<320xi32, #tpu.memory_space<vmem>>) semaphore(%arg8 : memref<!tpu.dma_semaphore, #tpu.memory_space<semaphore_mem>>)
      } else {
      }
      %add3A_38 = arith.constant 1 : i32
      %add3A_39 = arith.addi %mul3A_17, %add3A_38 : i32
      %mul3A_40 = arith.constant 320 : i32
      %mul3A_41 = arith.muli %add3A_39, %mul3A_40 : i32
      %dma_wait3A_42 = tpu.memref_slice %arg5[%mul3A_41] : memref<5120xi32, #tpu.memory_space<vmem>> -> memref<320xi32, #tpu.memory_space<vmem>>
      %dma_wait3A_43 = arith.constant 0 : i32
      %dma_wait3A_44 = arith.constant 0 : i32
      %dma_wait3A_45 = tpu.memref_slice %arg2[%dma_wait3A_43, %dma_wait3A_44] : memref<8192x128xf32, #tpu.memory_space<hbm>> -> memref<8192x128xf32, #tpu.memory_space<hbm>>
      tpu.wait_indirect_dma semaphore(%arg9 : memref<!tpu.dma_semaphore, #tpu.memory_space<semaphore_mem>>) src(%dma_wait3A_45 : memref<8192x128xf32, #tpu.memory_space<hbm>>) dst(%arg7 : memref<320x128xf32, #tpu.memory_space<vmem>>)
      %mul3A_46 = arith.constant 320 : i32
      %mul3A_47 = arith.muli %add3A_39, %mul3A_46 : i32
      %add3A_48 = arith.addi %mul3A_2, %mul3A_47 : i32
      "tpu.region"() ({
        %run_scoped3A = tpu.sem_alloc : memref<!tpu.dma_semaphore, #tpu.memory_space<semaphore_mem>>
        %dma_start3A_49 = arith.constant 0 : i32
        %dma_start3A_50 = tpu.memref_slice %arg4[%add3A_48, %dma_start3A_49] : memref<163840x128xf32, #tpu.memory_space<hbm>> -> memref<320x128xf32, #tpu.memory_space<hbm>>
        %dma_start3A_51 = arith.constant 0 : i32
        %dma_start3A_52 = tpu.memref_slice %arg4[%add3A_48, %dma_start3A_51] : memref<163840x128xf32, #tpu.memory_space<hbm>> -> memref<320x128xf32, #tpu.memory_space<hbm>>
        tpu.enqueue_dma source(%arg7 : memref<320x128xf32, #tpu.memory_space<vmem>>) target(%dma_start3A_52 : memref<320x128xf32, #tpu.memory_space<hbm>>) target_semaphore(%run_scoped3A : memref<!tpu.dma_semaphore, #tpu.memory_space<semaphore_mem>>)
        %dma_wait3A_53 = arith.constant 0 : i32
        %dma_wait3A_54 = tpu.memref_slice %arg4[%add3A_48, %dma_wait3A_53] : memref<163840x128xf32, #tpu.memory_space<hbm>> -> memref<320x128xf32, #tpu.memory_space<hbm>>
        %dma_wait3A_55 = arith.constant 0 : i32
        %dma_wait3A_56 = tpu.memref_slice %arg4[%add3A_48, %dma_wait3A_55] : memref<163840x128xf32, #tpu.memory_space<hbm>> -> memref<320x128xf32, #tpu.memory_space<hbm>>
        tpu.wait_dma2 semaphore(%run_scoped3A : memref<!tpu.dma_semaphore, #tpu.memory_space<semaphore_mem>>) src(%arg7 : memref<320x128xf32, #tpu.memory_space<vmem>>) dst(%dma_wait3A_56 : memref<320x128xf32, #tpu.memory_space<hbm>>)
        tpu.yield
      }) : () -> ()
    }
    %scan3A_10 = arith.constant 8 : i32
    return
  }
}

#map = affine_map<(d0, d1) -> (0, 0)>
#map1 = affine_map<(d0, d1) -> (0)>
module attributes {stable_mosaic.version = 14 : i64} {
  func.func @gather_kernel(%arg0: i32, %arg1: i32, %arg2: memref<8192x256xf32, #tpu.memory_space<hbm>>, %arg3: memref<163840xi32, #tpu.memory_space<hbm>>, %arg4: memref<163840x256xf32, #tpu.memory_space<hbm>>, %arg5: memref<5120xi32, #tpu.memory_space<vmem>>, %arg6: memref<160x256xf32, #tpu.memory_space<vmem>>, %arg7: memref<160x256xf32, #tpu.memory_space<vmem>>, %arg8: memref<!tpu.dma_semaphore, #tpu.memory_space<semaphore_mem>>, %arg9: memref<!tpu.dma_semaphore, #tpu.memory_space<semaphore_mem>>) attributes {dimension_semantics = [#tpu.dimension_semantics<core_parallel>, #tpu.dimension_semantics<subcore_parallel>], iteration_bounds = array<i64: 2, 16>, scalar_prefetch = 0 : i64, scratch_operands = 5 : i64, tpu.core_type = #tpu.core_type<sc_vector_subcore>, window_params = [{transform_indices = #map}, {transform_indices = #map1}, {transform_indices = #map}]} {
    %mul3A = arith.constant 2 : i32
    %mul3A_0 = arith.muli %arg1, %mul3A : i32
    %add3A = arith.addi %mul3A_0, %arg0 : i32
    %mul3A_1 = arith.constant 5120 : i32
    %mul3A_2 = arith.muli %add3A, %mul3A_1 : i32
    "tpu.region"() ({
      %run_scoped3A = tpu.sem_alloc : memref<!tpu.dma_semaphore, #tpu.memory_space<semaphore_mem>>
      %dma_start3A_11 = tpu.memref_slice %arg3[%mul3A_2] : memref<163840xi32, #tpu.memory_space<hbm>> -> memref<5120xi32, #tpu.memory_space<hbm>>
      %dma_start3A_12 = tpu.memref_slice %arg3[%mul3A_2] : memref<163840xi32, #tpu.memory_space<hbm>> -> memref<5120xi32, #tpu.memory_space<hbm>>
      tpu.enqueue_dma source(%dma_start3A_12 : memref<5120xi32, #tpu.memory_space<hbm>>) target(%arg5 : memref<5120xi32, #tpu.memory_space<vmem>>) target_semaphore(%run_scoped3A : memref<!tpu.dma_semaphore, #tpu.memory_space<semaphore_mem>>)
      %dma_wait3A = tpu.memref_slice %arg3[%mul3A_2] : memref<163840xi32, #tpu.memory_space<hbm>> -> memref<5120xi32, #tpu.memory_space<hbm>>
      %dma_wait3A_13 = tpu.memref_slice %arg3[%mul3A_2] : memref<163840xi32, #tpu.memory_space<hbm>> -> memref<5120xi32, #tpu.memory_space<hbm>>
      tpu.wait_dma2 semaphore(%run_scoped3A : memref<!tpu.dma_semaphore, #tpu.memory_space<semaphore_mem>>) src(%dma_wait3A_13 : memref<5120xi32, #tpu.memory_space<hbm>>) dst(%arg5 : memref<5120xi32, #tpu.memory_space<vmem>>)
      tpu.yield
    }) : () -> ()
    %dma_start3A = arith.constant 0 : i32
    %dma_start3A_3 = tpu.memref_slice %arg5[%dma_start3A] : memref<5120xi32, #tpu.memory_space<vmem>> -> memref<160xi32, #tpu.memory_space<vmem>>
    %dma_start3A_4 = arith.constant 0 : i32
    %dma_start3A_5 = arith.constant 0 : i32
    %dma_start3A_6 = tpu.memref_slice %arg2[%dma_start3A_4, %dma_start3A_5] : memref<8192x256xf32, #tpu.memory_space<hbm>> -> memref<8192x256xf32, #tpu.memory_space<hbm>>
    tpu.enqueue_indirect_dma source(%dma_start3A_6 : memref<8192x256xf32, #tpu.memory_space<hbm>>) target(%arg6 : memref<160x256xf32, #tpu.memory_space<vmem>>) offsets(%dma_start3A_3 : memref<160xi32, #tpu.memory_space<vmem>>) semaphore(%arg8 : memref<!tpu.dma_semaphore, #tpu.memory_space<semaphore_mem>>)
    %scan3A = arith.constant 0 : i32
    %scan3A_7 = arith.constant 16 : i32
    %scan3A_8 = arith.addi %scan3A, %scan3A_7 : i32
    %scan3A_9 = arith.constant 1 : i32
    scf.for %scan3A_11 = %scan3A to %scan3A_8 step %scan3A_9  : i32 {
      %mul3A_12 = arith.constant 1 : i32
      %mul3A_13 = arith.muli %scan3A_11, %mul3A_12 : i32
      %add3A_14 = arith.constant 0 : i32
      %add3A_15 = arith.addi %add3A_14, %mul3A_13 : i32
      %mul3A_16 = arith.constant 2 : i32
      %mul3A_17 = arith.muli %mul3A_16, %add3A_15 : i32
      %add3A_18 = arith.constant 1 : i32
      %add3A_19 = arith.addi %mul3A_17, %add3A_18 : i32
      %mul3A_20 = arith.constant 160 : i32
      %mul3A_21 = arith.muli %add3A_19, %mul3A_20 : i32
      %dma_start3A_22 = tpu.memref_slice %arg5[%mul3A_21] : memref<5120xi32, #tpu.memory_space<vmem>> -> memref<160xi32, #tpu.memory_space<vmem>>
      %dma_start3A_23 = arith.constant 0 : i32
      %dma_start3A_24 = arith.constant 0 : i32
      %dma_start3A_25 = tpu.memref_slice %arg2[%dma_start3A_23, %dma_start3A_24] : memref<8192x256xf32, #tpu.memory_space<hbm>> -> memref<8192x256xf32, #tpu.memory_space<hbm>>
      tpu.enqueue_indirect_dma source(%dma_start3A_25 : memref<8192x256xf32, #tpu.memory_space<hbm>>) target(%arg7 : memref<160x256xf32, #tpu.memory_space<vmem>>) offsets(%dma_start3A_22 : memref<160xi32, #tpu.memory_space<vmem>>) semaphore(%arg9 : memref<!tpu.dma_semaphore, #tpu.memory_space<semaphore_mem>>)
      %mul3A_26 = arith.constant 160 : i32
      %mul3A_27 = arith.muli %mul3A_17, %mul3A_26 : i32
      %dma_wait3A = tpu.memref_slice %arg5[%mul3A_27] : memref<5120xi32, #tpu.memory_space<vmem>> -> memref<160xi32, #tpu.memory_space<vmem>>
      %dma_wait3A_28 = arith.constant 0 : i32
      %dma_wait3A_29 = arith.constant 0 : i32
      %dma_wait3A_30 = tpu.memref_slice %arg2[%dma_wait3A_28, %dma_wait3A_29] : memref<8192x256xf32, #tpu.memory_space<hbm>> -> memref<8192x256xf32, #tpu.memory_space<hbm>>
      tpu.wait_indirect_dma semaphore(%arg8 : memref<!tpu.dma_semaphore, #tpu.memory_space<semaphore_mem>>) src(%dma_wait3A_30 : memref<8192x256xf32, #tpu.memory_space<hbm>>) dst(%arg6 : memref<160x256xf32, #tpu.memory_space<vmem>>)
      %mul3A_31 = arith.constant 160 : i32
      %mul3A_32 = arith.muli %mul3A_17, %mul3A_31 : i32
      %add3A_33 = arith.addi %mul3A_2, %mul3A_32 : i32
      "tpu.region"() ({
        %run_scoped3A = tpu.sem_alloc : memref<!tpu.dma_semaphore, #tpu.memory_space<semaphore_mem>>
        %dma_start3A_49 = arith.constant 0 : i32
        %dma_start3A_50 = tpu.memref_slice %arg4[%add3A_33, %dma_start3A_49] : memref<163840x256xf32, #tpu.memory_space<hbm>> -> memref<160x256xf32, #tpu.memory_space<hbm>>
        %dma_start3A_51 = arith.constant 0 : i32
        %dma_start3A_52 = tpu.memref_slice %arg4[%add3A_33, %dma_start3A_51] : memref<163840x256xf32, #tpu.memory_space<hbm>> -> memref<160x256xf32, #tpu.memory_space<hbm>>
        tpu.enqueue_dma source(%arg6 : memref<160x256xf32, #tpu.memory_space<vmem>>) target(%dma_start3A_52 : memref<160x256xf32, #tpu.memory_space<hbm>>) target_semaphore(%run_scoped3A : memref<!tpu.dma_semaphore, #tpu.memory_space<semaphore_mem>>)
        %dma_wait3A_53 = arith.constant 0 : i32
        %dma_wait3A_54 = tpu.memref_slice %arg4[%add3A_33, %dma_wait3A_53] : memref<163840x256xf32, #tpu.memory_space<hbm>> -> memref<160x256xf32, #tpu.memory_space<hbm>>
        %dma_wait3A_55 = arith.constant 0 : i32
        %dma_wait3A_56 = tpu.memref_slice %arg4[%add3A_33, %dma_wait3A_55] : memref<163840x256xf32, #tpu.memory_space<hbm>> -> memref<160x256xf32, #tpu.memory_space<hbm>>
        tpu.wait_dma2 semaphore(%run_scoped3A : memref<!tpu.dma_semaphore, #tpu.memory_space<semaphore_mem>>) src(%arg6 : memref<160x256xf32, #tpu.memory_space<vmem>>) dst(%dma_wait3A_56 : memref<160x256xf32, #tpu.memory_space<hbm>>)
        tpu.yield
      }) : () -> ()
      %add3A_34 = arith.constant 2 : i32
      %add3A_35 = arith.addi %mul3A_17, %add3A_34 : i32
      %lt3A = arith.constant 32 : i32
      %lt3A_36 = arith.cmpi slt, %add3A_35, %lt3A : i32
      %convert_element_type3A = arith.extui %lt3A_36 : i1 to i32
      %cond3A = arith.constant 0 : i32
      %cond3A_37 = arith.cmpi ne, %convert_element_type3A, %cond3A : i32
      scf.if %cond3A_37 {
        %add3A_49 = arith.constant 2 : i32
        %add3A_50 = arith.addi %mul3A_17, %add3A_49 : i32
        %mul3A_51 = arith.constant 160 : i32
        %mul3A_52 = arith.muli %add3A_50, %mul3A_51 : i32
        %dma_start3A_53 = tpu.memref_slice %arg5[%mul3A_52] : memref<5120xi32, #tpu.memory_space<vmem>> -> memref<160xi32, #tpu.memory_space<vmem>>
        %dma_start3A_54 = arith.constant 0 : i32
        %dma_start3A_55 = arith.constant 0 : i32
        %dma_start3A_56 = tpu.memref_slice %arg2[%dma_start3A_54, %dma_start3A_55] : memref<8192x256xf32, #tpu.memory_space<hbm>> -> memref<8192x256xf32, #tpu.memory_space<hbm>>
        tpu.enqueue_indirect_dma source(%dma_start3A_56 : memref<8192x256xf32, #tpu.memory_space<hbm>>) target(%arg6 : memref<160x256xf32, #tpu.memory_space<vmem>>) offsets(%dma_start3A_53 : memref<160xi32, #tpu.memory_space<vmem>>) semaphore(%arg8 : memref<!tpu.dma_semaphore, #tpu.memory_space<semaphore_mem>>)
      } else {
      }
      %add3A_38 = arith.constant 1 : i32
      %add3A_39 = arith.addi %mul3A_17, %add3A_38 : i32
      %mul3A_40 = arith.constant 160 : i32
      %mul3A_41 = arith.muli %add3A_39, %mul3A_40 : i32
      %dma_wait3A_42 = tpu.memref_slice %arg5[%mul3A_41] : memref<5120xi32, #tpu.memory_space<vmem>> -> memref<160xi32, #tpu.memory_space<vmem>>
      %dma_wait3A_43 = arith.constant 0 : i32
      %dma_wait3A_44 = arith.constant 0 : i32
      %dma_wait3A_45 = tpu.memref_slice %arg2[%dma_wait3A_43, %dma_wait3A_44] : memref<8192x256xf32, #tpu.memory_space<hbm>> -> memref<8192x256xf32, #tpu.memory_space<hbm>>
      tpu.wait_indirect_dma semaphore(%arg9 : memref<!tpu.dma_semaphore, #tpu.memory_space<semaphore_mem>>) src(%dma_wait3A_45 : memref<8192x256xf32, #tpu.memory_space<hbm>>) dst(%arg7 : memref<160x256xf32, #tpu.memory_space<vmem>>)
      %mul3A_46 = arith.constant 160 : i32
      %mul3A_47 = arith.muli %add3A_39, %mul3A_46 : i32
      %add3A_48 = arith.addi %mul3A_2, %mul3A_47 : i32
      "tpu.region"() ({
        %run_scoped3A = tpu.sem_alloc : memref<!tpu.dma_semaphore, #tpu.memory_space<semaphore_mem>>
        %dma_start3A_49 = arith.constant 0 : i32
        %dma_start3A_50 = tpu.memref_slice %arg4[%add3A_48, %dma_start3A_49] : memref<163840x256xf32, #tpu.memory_space<hbm>> -> memref<160x256xf32, #tpu.memory_space<hbm>>
        %dma_start3A_51 = arith.constant 0 : i32
        %dma_start3A_52 = tpu.memref_slice %arg4[%add3A_48, %dma_start3A_51] : memref<163840x256xf32, #tpu.memory_space<hbm>> -> memref<160x256xf32, #tpu.memory_space<hbm>>
        tpu.enqueue_dma source(%arg7 : memref<160x256xf32, #tpu.memory_space<vmem>>) target(%dma_start3A_52 : memref<160x256xf32, #tpu.memory_space<hbm>>) target_semaphore(%run_scoped3A : memref<!tpu.dma_semaphore, #tpu.memory_space<semaphore_mem>>)
        %dma_wait3A_53 = arith.constant 0 : i32
        %dma_wait3A_54 = tpu.memref_slice %arg4[%add3A_48, %dma_wait3A_53] : memref<163840x256xf32, #tpu.memory_space<hbm>> -> memref<160x256xf32, #tpu.memory_space<hbm>>
        %dma_wait3A_55 = arith.constant 0 : i32
        %dma_wait3A_56 = tpu.memref_slice %arg4[%add3A_48, %dma_wait3A_55] : memref<163840x256xf32, #tpu.memory_space<hbm>> -> memref<160x256xf32, #tpu.memory_space<hbm>>
        tpu.wait_dma2 semaphore(%run_scoped3A : memref<!tpu.dma_semaphore, #tpu.memory_space<semaphore_mem>>) src(%arg7 : memref<160x256xf32, #tpu.memory_space<vmem>>) dst(%dma_wait3A_56 : memref<160x256xf32, #tpu.memory_space<hbm>>)
        tpu.yield
      }) : () -> ()
    }
    %scan3A_10 = arith.constant 16 : i32
    return
  }
}

#map = affine_map<(d0, d1) -> (0, 0)>
#map1 = affine_map<(d0, d1) -> (0)>
module attributes {stable_mosaic.version = 14 : i64} {
  func.func @gather_kernel(%arg0: i32, %arg1: i32, %arg2: memref<8192x256xf32, #tpu.memory_space<hbm>>, %arg3: memref<163840xi32, #tpu.memory_space<hbm>>, %arg4: memref<163840x256xf32, #tpu.memory_space<hbm>>, %arg5: memref<5120xi32, #tpu.memory_space<vmem>>, %arg6: memref<160x256xf32, #tpu.memory_space<vmem>>, %arg7: memref<160x256xf32, #tpu.memory_space<vmem>>, %arg8: memref<!tpu.dma_semaphore, #tpu.memory_space<semaphore_mem>>, %arg9: memref<!tpu.dma_semaphore, #tpu.memory_space<semaphore_mem>>) attributes {dimension_semantics = [#tpu.dimension_semantics<core_parallel>, #tpu.dimension_semantics<subcore_parallel>], iteration_bounds = array<i64: 2, 16>, scalar_prefetch = 0 : i64, scratch_operands = 5 : i64, tpu.core_type = #tpu.core_type<sc_vector_subcore>, window_params = [{transform_indices = #map}, {transform_indices = #map1}, {transform_indices = #map}]} {
    %mul3A = arith.constant 2 : i32
    %mul3A_0 = arith.muli %arg1, %mul3A : i32
    %add3A = arith.addi %mul3A_0, %arg0 : i32
    %mul3A_1 = arith.constant 5120 : i32
    %mul3A_2 = arith.muli %add3A, %mul3A_1 : i32
    "tpu.region"() ({
      %run_scoped3A = tpu.sem_alloc : memref<!tpu.dma_semaphore, #tpu.memory_space<semaphore_mem>>
      %dma_start3A_11 = tpu.memref_slice %arg3[%mul3A_2] : memref<163840xi32, #tpu.memory_space<hbm>> -> memref<5120xi32, #tpu.memory_space<hbm>>
      %dma_start3A_12 = tpu.memref_slice %arg3[%mul3A_2] : memref<163840xi32, #tpu.memory_space<hbm>> -> memref<5120xi32, #tpu.memory_space<hbm>>
      tpu.enqueue_dma source(%dma_start3A_12 : memref<5120xi32, #tpu.memory_space<hbm>>) target(%arg5 : memref<5120xi32, #tpu.memory_space<vmem>>) target_semaphore(%run_scoped3A : memref<!tpu.dma_semaphore, #tpu.memory_space<semaphore_mem>>)
      %dma_wait3A = tpu.memref_slice %arg3[%mul3A_2] : memref<163840xi32, #tpu.memory_space<hbm>> -> memref<5120xi32, #tpu.memory_space<hbm>>
      %dma_wait3A_13 = tpu.memref_slice %arg3[%mul3A_2] : memref<163840xi32, #tpu.memory_space<hbm>> -> memref<5120xi32, #tpu.memory_space<hbm>>
      tpu.wait_dma2 semaphore(%run_scoped3A : memref<!tpu.dma_semaphore, #tpu.memory_space<semaphore_mem>>) src(%dma_wait3A_13 : memref<5120xi32, #tpu.memory_space<hbm>>) dst(%arg5 : memref<5120xi32, #tpu.memory_space<vmem>>)
      tpu.yield
    }) : () -> ()
    %dma_start3A = arith.constant 0 : i32
    %dma_start3A_3 = tpu.memref_slice %arg5[%dma_start3A] : memref<5120xi32, #tpu.memory_space<vmem>> -> memref<160xi32, #tpu.memory_space<vmem>>
    %dma_start3A_4 = arith.constant 0 : i32
    %dma_start3A_5 = arith.constant 0 : i32
    %dma_start3A_6 = tpu.memref_slice %arg2[%dma_start3A_4, %dma_start3A_5] : memref<8192x256xf32, #tpu.memory_space<hbm>> -> memref<8192x256xf32, #tpu.memory_space<hbm>>
    tpu.enqueue_indirect_dma source(%dma_start3A_6 : memref<8192x256xf32, #tpu.memory_space<hbm>>) target(%arg6 : memref<160x256xf32, #tpu.memory_space<vmem>>) offsets(%dma_start3A_3 : memref<160xi32, #tpu.memory_space<vmem>>) semaphore(%arg8 : memref<!tpu.dma_semaphore, #tpu.memory_space<semaphore_mem>>)
    %scan3A = arith.constant 0 : i32
    %scan3A_7 = arith.constant 16 : i32
    %scan3A_8 = arith.addi %scan3A, %scan3A_7 : i32
    %scan3A_9 = arith.constant 1 : i32
    scf.for %scan3A_11 = %scan3A to %scan3A_8 step %scan3A_9  : i32 {
      %mul3A_12 = arith.constant 1 : i32
      %mul3A_13 = arith.muli %scan3A_11, %mul3A_12 : i32
      %add3A_14 = arith.constant 0 : i32
      %add3A_15 = arith.addi %add3A_14, %mul3A_13 : i32
      %mul3A_16 = arith.constant 2 : i32
      %mul3A_17 = arith.muli %mul3A_16, %add3A_15 : i32
      %add3A_18 = arith.constant 1 : i32
      %add3A_19 = arith.addi %mul3A_17, %add3A_18 : i32
      %mul3A_20 = arith.constant 160 : i32
      %mul3A_21 = arith.muli %add3A_19, %mul3A_20 : i32
      %dma_start3A_22 = tpu.memref_slice %arg5[%mul3A_21] : memref<5120xi32, #tpu.memory_space<vmem>> -> memref<160xi32, #tpu.memory_space<vmem>>
      %dma_start3A_23 = arith.constant 0 : i32
      %dma_start3A_24 = arith.constant 0 : i32
      %dma_start3A_25 = tpu.memref_slice %arg2[%dma_start3A_23, %dma_start3A_24] : memref<8192x256xf32, #tpu.memory_space<hbm>> -> memref<8192x256xf32, #tpu.memory_space<hbm>>
      tpu.enqueue_indirect_dma source(%dma_start3A_25 : memref<8192x256xf32, #tpu.memory_space<hbm>>) target(%arg7 : memref<160x256xf32, #tpu.memory_space<vmem>>) offsets(%dma_start3A_22 : memref<160xi32, #tpu.memory_space<vmem>>) semaphore(%arg9 : memref<!tpu.dma_semaphore, #tpu.memory_space<semaphore_mem>>)
      %mul3A_26 = arith.constant 160 : i32
      %mul3A_27 = arith.muli %mul3A_17, %mul3A_26 : i32
      %dma_wait3A = tpu.memref_slice %arg5[%mul3A_27] : memref<5120xi32, #tpu.memory_space<vmem>> -> memref<160xi32, #tpu.memory_space<vmem>>
      %dma_wait3A_28 = arith.constant 0 : i32
      %dma_wait3A_29 = arith.constant 0 : i32
      %dma_wait3A_30 = tpu.memref_slice %arg2[%dma_wait3A_28, %dma_wait3A_29] : memref<8192x256xf32, #tpu.memory_space<hbm>> -> memref<8192x256xf32, #tpu.memory_space<hbm>>
      tpu.wait_indirect_dma semaphore(%arg8 : memref<!tpu.dma_semaphore, #tpu.memory_space<semaphore_mem>>) src(%dma_wait3A_30 : memref<8192x256xf32, #tpu.memory_space<hbm>>) dst(%arg6 : memref<160x256xf32, #tpu.memory_space<vmem>>)
      %mul3A_31 = arith.constant 160 : i32
      %mul3A_32 = arith.muli %mul3A_17, %mul3A_31 : i32
      %add3A_33 = arith.addi %mul3A_2, %mul3A_32 : i32
      "tpu.region"() ({
        %run_scoped3A = tpu.sem_alloc : memref<!tpu.dma_semaphore, #tpu.memory_space<semaphore_mem>>
        %dma_start3A_49 = arith.constant 0 : i32
        %dma_start3A_50 = tpu.memref_slice %arg4[%add3A_33, %dma_start3A_49] : memref<163840x256xf32, #tpu.memory_space<hbm>> -> memref<160x256xf32, #tpu.memory_space<hbm>>
        %dma_start3A_51 = arith.constant 0 : i32
        %dma_start3A_52 = tpu.memref_slice %arg4[%add3A_33, %dma_start3A_51] : memref<163840x256xf32, #tpu.memory_space<hbm>> -> memref<160x256xf32, #tpu.memory_space<hbm>>
        tpu.enqueue_dma source(%arg6 : memref<160x256xf32, #tpu.memory_space<vmem>>) target(%dma_start3A_52 : memref<160x256xf32, #tpu.memory_space<hbm>>) target_semaphore(%run_scoped3A : memref<!tpu.dma_semaphore, #tpu.memory_space<semaphore_mem>>)
        %dma_wait3A_53 = arith.constant 0 : i32
        %dma_wait3A_54 = tpu.memref_slice %arg4[%add3A_33, %dma_wait3A_53] : memref<163840x256xf32, #tpu.memory_space<hbm>> -> memref<160x256xf32, #tpu.memory_space<hbm>>
        %dma_wait3A_55 = arith.constant 0 : i32
        %dma_wait3A_56 = tpu.memref_slice %arg4[%add3A_33, %dma_wait3A_55] : memref<163840x256xf32, #tpu.memory_space<hbm>> -> memref<160x256xf32, #tpu.memory_space<hbm>>
        tpu.wait_dma2 semaphore(%run_scoped3A : memref<!tpu.dma_semaphore, #tpu.memory_space<semaphore_mem>>) src(%arg6 : memref<160x256xf32, #tpu.memory_space<vmem>>) dst(%dma_wait3A_56 : memref<160x256xf32, #tpu.memory_space<hbm>>)
        tpu.yield
      }) : () -> ()
      %add3A_34 = arith.constant 2 : i32
      %add3A_35 = arith.addi %mul3A_17, %add3A_34 : i32
      %lt3A = arith.constant 32 : i32
      %lt3A_36 = arith.cmpi slt, %add3A_35, %lt3A : i32
      %convert_element_type3A = arith.extui %lt3A_36 : i1 to i32
      %cond3A = arith.constant 0 : i32
      %cond3A_37 = arith.cmpi ne, %convert_element_type3A, %cond3A : i32
      scf.if %cond3A_37 {
        %add3A_49 = arith.constant 2 : i32
        %add3A_50 = arith.addi %mul3A_17, %add3A_49 : i32
        %mul3A_51 = arith.constant 160 : i32
        %mul3A_52 = arith.muli %add3A_50, %mul3A_51 : i32
        %dma_start3A_53 = tpu.memref_slice %arg5[%mul3A_52] : memref<5120xi32, #tpu.memory_space<vmem>> -> memref<160xi32, #tpu.memory_space<vmem>>
        %dma_start3A_54 = arith.constant 0 : i32
        %dma_start3A_55 = arith.constant 0 : i32
        %dma_start3A_56 = tpu.memref_slice %arg2[%dma_start3A_54, %dma_start3A_55] : memref<8192x256xf32, #tpu.memory_space<hbm>> -> memref<8192x256xf32, #tpu.memory_space<hbm>>
        tpu.enqueue_indirect_dma source(%dma_start3A_56 : memref<8192x256xf32, #tpu.memory_space<hbm>>) target(%arg6 : memref<160x256xf32, #tpu.memory_space<vmem>>) offsets(%dma_start3A_53 : memref<160xi32, #tpu.memory_space<vmem>>) semaphore(%arg8 : memref<!tpu.dma_semaphore, #tpu.memory_space<semaphore_mem>>)
      } else {
      }
      %add3A_38 = arith.constant 1 : i32
      %add3A_39 = arith.addi %mul3A_17, %add3A_38 : i32
      %mul3A_40 = arith.constant 160 : i32
      %mul3A_41 = arith.muli %add3A_39, %mul3A_40 : i32
      %dma_wait3A_42 = tpu.memref_slice %arg5[%mul3A_41] : memref<5120xi32, #tpu.memory_space<vmem>> -> memref<160xi32, #tpu.memory_space<vmem>>
      %dma_wait3A_43 = arith.constant 0 : i32
      %dma_wait3A_44 = arith.constant 0 : i32
      %dma_wait3A_45 = tpu.memref_slice %arg2[%dma_wait3A_43, %dma_wait3A_44] : memref<8192x256xf32, #tpu.memory_space<hbm>> -> memref<8192x256xf32, #tpu.memory_space<hbm>>
      tpu.wait_indirect_dma semaphore(%arg9 : memref<!tpu.dma_semaphore, #tpu.memory_space<semaphore_mem>>) src(%dma_wait3A_45 : memref<8192x256xf32, #tpu.memory_space<hbm>>) dst(%arg7 : memref<160x256xf32, #tpu.memory_space<vmem>>)
      %mul3A_46 = arith.constant 160 : i32
      %mul3A_47 = arith.muli %add3A_39, %mul3A_46 : i32
      %add3A_48 = arith.addi %mul3A_2, %mul3A_47 : i32
      "tpu.region"() ({
        %run_scoped3A = tpu.sem_alloc : memref<!tpu.dma_semaphore, #tpu.memory_space<semaphore_mem>>
        %dma_start3A_49 = arith.constant 0 : i32
        %dma_start3A_50 = tpu.memref_slice %arg4[%add3A_48, %dma_start3A_49] : memref<163840x256xf32, #tpu.memory_space<hbm>> -> memref<160x256xf32, #tpu.memory_space<hbm>>
        %dma_start3A_51 = arith.constant 0 : i32
        %dma_start3A_52 = tpu.memref_slice %arg4[%add3A_48, %dma_start3A_51] : memref<163840x256xf32, #tpu.memory_space<hbm>> -> memref<160x256xf32, #tpu.memory_space<hbm>>
        tpu.enqueue_dma source(%arg7 : memref<160x256xf32, #tpu.memory_space<vmem>>) target(%dma_start3A_52 : memref<160x256xf32, #tpu.memory_space<hbm>>) target_semaphore(%run_scoped3A : memref<!tpu.dma_semaphore, #tpu.memory_space<semaphore_mem>>)
        %dma_wait3A_53 = arith.constant 0 : i32
        %dma_wait3A_54 = tpu.memref_slice %arg4[%add3A_48, %dma_wait3A_53] : memref<163840x256xf32, #tpu.memory_space<hbm>> -> memref<160x256xf32, #tpu.memory_space<hbm>>
        %dma_wait3A_55 = arith.constant 0 : i32
        %dma_wait3A_56 = tpu.memref_slice %arg4[%add3A_48, %dma_wait3A_55] : memref<163840x256xf32, #tpu.memory_space<hbm>> -> memref<160x256xf32, #tpu.memory_space<hbm>>
        tpu.wait_dma2 semaphore(%run_scoped3A : memref<!tpu.dma_semaphore, #tpu.memory_space<semaphore_mem>>) src(%arg7 : memref<160x256xf32, #tpu.memory_space<vmem>>) dst(%dma_wait3A_56 : memref<160x256xf32, #tpu.memory_space<hbm>>)
        tpu.yield
      }) : () -> ()
    }
    %scan3A_10 = arith.constant 16 : i32
    return
  }
}

module attributes {stable_mosaic.version = 14 : i64} {
  func.func @_edge_topk_kernel(%arg0: i32, %arg1: memref<1x1024x3xf32, #tpu.memory_space<vmem>>, %arg2: memref<3x64xf32, #tpu.memory_space<vmem>>, %arg3: memref<3x64xf32, #tpu.memory_space<vmem>>, %arg4: memref<1x64xf32, #tpu.memory_space<vmem>>, %arg5: memref<1x1024x20xi32, #tpu.memory_space<vmem>>, %arg6: memref<1x1024x128xf32, #tpu.memory_space<vmem>>, %arg7: memref<1x1024x64xf32, #tpu.memory_space<vmem>>) attributes {dimension_semantics = [#tpu.dimension_semantics<arbitrary>], iteration_bounds = array<i64: 8>, scalar_prefetch = 0 : i64, scratch_operands = 0 : i64, tpu.core_type = #tpu.core_type<tc>, window_params = [{transform_indices = @transform_0, window_bounds = array<i64: 1, 1024, 3>}, {pipeline_mode = #tpu.pipeline_mode<synchronous>, transform_indices = @transform_1, window_bounds = array<i64: 3, 64>}, {pipeline_mode = #tpu.pipeline_mode<synchronous>, transform_indices = @transform_2, window_bounds = array<i64: 3, 64>}, {pipeline_mode = #tpu.pipeline_mode<synchronous>, transform_indices = @transform_3, window_bounds = array<i64: 1, 64>}, {transform_indices = @transform_4, window_bounds = array<i64: 1, 1024, 20>}, {transform_indices = @transform_5, window_bounds = array<i64: 1, 1024, 128>}, {transform_indices = @transform_6, window_bounds = array<i64: 1, 1024, 64>}]} {
    %get3A = arith.constant 0 : index
    %get3A_0 = arith.constant 0 : index
    %get3A_1 = arith.constant 0 : index
    %get3A_2 = vector.load %arg1[%get3A, %get3A_0, %get3A_1] : memref<1x1024x3xf32, #tpu.memory_space<vmem>>, vector<1x1024x3xf32>
    %get3A_3 = vector.shape_cast %get3A_2 : vector<1x1024x3xf32> to vector<1024x3xf32>
    %mul3A = arith.mulf %get3A_3, %get3A_3 : vector<1024x3xf32>
    %reduce_sum3A = arith.constant dense<0.000000e+00> : vector<1024xf32>
    %reduce_sum3A_4 = vector.multi_reduction <add>, %mul3A, %reduce_sum3A [1] : vector<1024x3xf32> to vector<1024xf32>
    %broadcast_in_dim3A = vector.shape_cast %reduce_sum3A_4 : vector<1024xf32> to vector<1024x1xf32>
    %dot_general3A = arith.constant dense<0.000000e+00> : vector<1024x1024xf32>
    %dot_general3A_5 = tpu.matmul %get3A_3, %get3A_3, %dot_general3A {dimension_numbers = #tpu.dot_dimension_numbers<[1], [1], [0], [0], [0, 0, 1, 0], [], []>, transpose_lhs_hint = false} : vector<1024x3xf32>, vector<1024x3xf32>, vector<1024x1024xf32> -> vector<1024x1024xf32>
    %broadcast_in_dim3A_6 = arith.constant 1.000000e+00 : f32
    %broadcast_in_dim3A_7 = vector.broadcast %broadcast_in_dim3A_6 : f32 to vector<1x3xf32>
    %mul3A_8 = arith.mulf %get3A_3, %get3A_3 : vector<1024x3xf32>
    %dot_general3A_9 = arith.constant dense<0.000000e+00> : vector<1x1024xf32>
    %dot_general3A_10 = tpu.matmul %broadcast_in_dim3A_7, %mul3A_8, %dot_general3A_9 {dimension_numbers = #tpu.dot_dimension_numbers<[1], [1], [0], [0], [0, 0, 1, 0], [], []>, transpose_lhs_hint = false} : vector<1x3xf32>, vector<1024x3xf32>, vector<1x1024xf32> -> vector<1x1024xf32>
    %add3A = vector.broadcast %broadcast_in_dim3A : vector<1024x1xf32> to vector<1024x1024xf32>
    %add3A_11 = vector.broadcast %dot_general3A_10 : vector<1x1024xf32> to vector<1024x1024xf32>
    %add3A_12 = arith.addf %add3A, %add3A_11 : vector<1024x1024xf32>
    %mul3A_13 = arith.constant 2.000000e+00 : f32
    %mul3A_14 = vector.broadcast %mul3A_13 : f32 to vector<1024x1024xf32>
    %mul3A_15 = arith.mulf %mul3A_14, %dot_general3A_5 : vector<1024x1024xf32>
    %sub3A = arith.subf %add3A_12, %mul3A_15 : vector<1024x1024xf32>
    %get3A_16 = arith.constant 0 : index
    %get3A_17 = arith.constant 0 : index
    %get3A_18 = vector.load %arg3[%get3A_16, %get3A_17] : memref<3x64xf32, #tpu.memory_space<vmem>>, vector<3x64xf32>
    %dot_general3A_19 = arith.constant dense<0.000000e+00> : vector<1024x64xf32>
    %dot_general3A_20 = tpu.matmul %get3A_3, %get3A_18, %dot_general3A_19 {dimension_numbers = #tpu.dot_dimension_numbers<[1], [0], [0], [1], [0, 0, 1, 1], [], []>, transpose_lhs_hint = false} : vector<1024x3xf32>, vector<3x64xf32>, vector<1024x64xf32> -> vector<1024x64xf32>
    %broadcast_in_dim3A_21 = arith.constant 0.000000e+00 : f32
    %broadcast_in_dim3A_22 = vector.broadcast %broadcast_in_dim3A_21 : f32 to vector<1024x64xf32>
    %concatenate3A = tpu.concatenate %dot_general3A_20, %broadcast_in_dim3A_22 in 1 : vector<1024x64xf32>, vector<1024x64xf32> -> vector<1024x128xf32>
    %swap3A = arith.constant 0 : index
    %swap3A_23 = arith.constant 0 : index
    %swap3A_24 = arith.constant 0 : index
    %swap3A_25 = vector.load %arg6[%swap3A, %swap3A_23, %swap3A_24] : memref<1x1024x128xf32, #tpu.memory_space<vmem>>, vector<1x1024x128xf32>
    %swap3A_26 = vector.shape_cast %swap3A_25 : vector<1x1024x128xf32> to vector<1024x128xf32>
    %swap3A_27 = vector.shape_cast %concatenate3A : vector<1024x128xf32> to vector<1x1024x128xf32>
    tpu.vector_store %arg6[%swap3A, %swap3A_23, %swap3A_24], %swap3A_27 {strides = array<i32>} : memref<1x1024x128xf32, #tpu.memory_space<vmem>>, vector<1x1024x128xf32>,
    %get3A_28 = arith.constant 0 : index
    %get3A_29 = arith.constant 0 : index
    %get3A_30 = vector.load %arg2[%get3A_28, %get3A_29] : memref<3x64xf32, #tpu.memory_space<vmem>>, vector<3x64xf32>
    %sub3A_31 = arith.subf %get3A_30, %get3A_18 : vector<3x64xf32>
    %dot_general3A_32 = arith.constant dense<0.000000e+00> : vector<1024x64xf32>
    %dot_general3A_33 = tpu.matmul %get3A_3, %sub3A_31, %dot_general3A_32 {dimension_numbers = #tpu.dot_dimension_numbers<[1], [0], [0], [1], [0, 0, 1, 1], [], []>, transpose_lhs_hint = false} : vector<1024x3xf32>, vector<3x64xf32>, vector<1024x64xf32> -> vector<1024x64xf32>
    %get3A_34 = arith.constant 0 : index
    %get3A_35 = arith.constant 0 : index
    %get3A_36 = vector.load %arg4[%get3A_34, %get3A_35] : memref<1x64xf32, #tpu.memory_space<vmem>>, vector<1x64xf32>
    %add3A_37 = vector.broadcast %get3A_36 : vector<1x64xf32> to vector<1024x64xf32>
    %add3A_38 = arith.addf %dot_general3A_33, %add3A_37 : vector<1024x64xf32>
    %swap3A_39 = arith.constant 0 : index
    %swap3A_40 = arith.constant 0 : index
    %swap3A_41 = arith.constant 0 : index
    %swap3A_42 = vector.load %arg7[%swap3A_39, %swap3A_40, %swap3A_41] : memref<1x1024x64xf32, #tpu.memory_space<vmem>>, vector<1x1024x64xf32>
    %swap3A_43 = vector.shape_cast %swap3A_42 : vector<1x1024x64xf32> to vector<1024x64xf32>
    %swap3A_44 = vector.shape_cast %add3A_38 : vector<1024x64xf32> to vector<1x1024x64xf32>
    tpu.vector_store %arg7[%swap3A_39, %swap3A_40, %swap3A_41], %swap3A_44 {strides = array<i32>} : memref<1x1024x64xf32, #tpu.memory_space<vmem>>, vector<1x1024x64xf32>,
    %iota3A = tpu.iota {dimensions = array<i32: 1>} : vector<1024x1024xi32>
    %iota3A_45 = tpu.iota {dimensions = array<i32: 1>} : vector<1024x20xi32>
    %min3A = arith.constant 2.540000e+02 : f32
    %min3A_46 = vector.broadcast %min3A : f32 to vector<1024x1024xf32>
    %min3A_47 = arith.minimumf %sub3A, %min3A_46 : vector<1024x1024xf32>
    %add3A_48 = arith.constant 1.000000e+00 : f32
    %add3A_49 = vector.broadcast %add3A_48 : f32 to vector<1024x1024xf32>
    %add3A_50 = arith.addf %min3A_47, %add3A_49 : vector<1024x1024xf32>
    %bitcast_convert_type3A = tpu.bitcast %add3A_50 : vector<1024x1024xf32> -> vector<1024x1024xi32>
    %sub3A_51 = arith.constant 1065353216 : i32
    %sub3A_52 = vector.broadcast %sub3A_51 : i32 to vector<1024x1024xi32>
    %sub3A_53 = arith.subi %bitcast_convert_type3A, %sub3A_52 : vector<1024x1024xi32>
    %shift_left3A = arith.constant 4 : i32
    %shift_left3A_54 = vector.broadcast %shift_left3A : i32 to vector<1024x1024xi32>
    %shift_left3A_55 = arith.shli %sub3A_53, %shift_left3A_54 : vector<1024x1024xi32>
    %and3A = arith.constant -1024 : i32
    %and3A_56 = vector.broadcast %and3A : i32 to vector<1024x1024xi32>
    %and3A_57 = arith.andi %shift_left3A_55, %and3A_56 : vector<1024x1024xi32>
    %or3A = arith.ori %and3A_57, %iota3A : vector<1024x1024xi32>
    %broadcast_in_dim3A_58 = arith.constant 0 : i32
    %broadcast_in_dim3A_59 = vector.broadcast %broadcast_in_dim3A_58 : i32 to vector<1024x20xi32>
    %reduce_min3A = arith.constant dense<2147483647> : vector<1024xi32>
    %reduce_min3A_60 = vector.multi_reduction <minsi>, %or3A, %reduce_min3A [1] : vector<1024x1024xi32> to vector<1024xi32>
    %broadcast_in_dim3A_61 = vector.shape_cast %reduce_min3A_60 : vector<1024xi32> to vector<1024x1xi32>
    %and3A_62 = arith.constant 1023 : i32
    %and3A_63 = vector.broadcast %and3A_62 : i32 to vector<1024x1xi32>
    %and3A_64 = arith.andi %broadcast_in_dim3A_61, %and3A_63 : vector<1024x1xi32>
    %eq3A = arith.constant 0 : i32
    %eq3A_65 = vector.broadcast %eq3A : i32 to vector<1024x20xi32>
    %eq3A_66 = arith.cmpi eq, %iota3A_45, %eq3A_65 : vector<1024x20xi32>
    %broadcast_in_dim3A_67 = vector.shape_cast %and3A_64 : vector<1024x1xi32> to vector<1024x1xi32>
    %broadcast_in_dim3A_68 = vector.broadcast %broadcast_in_dim3A_67 : vector<1024x1xi32> to vector<1024x20xi32>
    %select_n3A = arith.select %eq3A_66, %broadcast_in_dim3A_68, %broadcast_in_dim3A_59 : vector<1024x20xi1>, vector<1024x20xi32>
    %eq3A_69 = vector.broadcast %broadcast_in_dim3A_61 : vector<1024x1xi32> to vector<1024x1024xi32>
    %eq3A_70 = arith.cmpi eq, %or3A, %eq3A_69 : vector<1024x1024xi32>
    %jit3A = arith.constant 2147483647 : i32
    %broadcast_in_dim3A_71 = vector.broadcast %jit3A : i32 to vector<1024x1024xi32>
    %select_n3A_72 = arith.select %eq3A_70, %broadcast_in_dim3A_71, %or3A : vector<1024x1024xi1>, vector<1024x1024xi32>
    %reduce_min3A_73 = arith.constant dense<2147483647> : vector<1024xi32>
    %reduce_min3A_74 = vector.multi_reduction <minsi>, %select_n3A_72, %reduce_min3A_73 [1] : vector<1024x1024xi32> to vector<1024xi32>
    %broadcast_in_dim3A_75 = vector.shape_cast %reduce_min3A_74 : vector<1024xi32> to vector<1024x1xi32>
    %and3A_76 = arith.constant 1023 : i32
    %and3A_77 = vector.broadcast %and3A_76 : i32 to vector<1024x1xi32>
    %and3A_78 = arith.andi %broadcast_in_dim3A_75, %and3A_77 : vector<1024x1xi32>
    %eq3A_79 = arith.constant 1 : i32
    %eq3A_80 = vector.broadcast %eq3A_79 : i32 to vector<1024x20xi32>
    %eq3A_81 = arith.cmpi eq, %iota3A_45, %eq3A_80 : vector<1024x20xi32>
    %broadcast_in_dim3A_82 = vector.shape_cast %and3A_78 : vector<1024x1xi32> to vector<1024x1xi32>
    %broadcast_in_dim3A_83 = vector.broadcast %broadcast_in_dim3A_82 : vector<1024x1xi32> to vector<1024x20xi32>
    %select_n3A_84 = arith.select %eq3A_81, %broadcast_in_dim3A_83, %select_n3A : vector<1024x20xi1>, vector<1024x20xi32>
    %eq3A_85 = vector.broadcast %broadcast_in_dim3A_75 : vector<1024x1xi32> to vector<1024x1024xi32>
    %eq3A_86 = arith.cmpi eq, %select_n3A_72, %eq3A_85 : vector<1024x1024xi32>
    %jit3A_87 = arith.constant 2147483647 : i32
    %broadcast_in_dim3A_88 = vector.broadcast %jit3A_87 : i32 to vector<1024x1024xi32>
    %select_n3A_89 = arith.select %eq3A_86, %broadcast_in_dim3A_88, %select_n3A_72 : vector<1024x1024xi1>, vector<1024x1024xi32>
    %reduce_min3A_90 = arith.constant dense<2147483647> : vector<1024xi32>
    %reduce_min3A_91 = vector.multi_reduction <minsi>, %select_n3A_89, %reduce_min3A_90 [1] : vector<1024x1024xi32> to vector<1024xi32>
    %broadcast_in_dim3A_92 = vector.shape_cast %reduce_min3A_91 : vector<1024xi32> to vector<1024x1xi32>
    %and3A_93 = arith.constant 1023 : i32
    %and3A_94 = vector.broadcast %and3A_93 : i32 to vector<1024x1xi32>
    %and3A_95 = arith.andi %broadcast_in_dim3A_92, %and3A_94 : vector<1024x1xi32>
    %eq3A_96 = arith.constant 2 : i32
    %eq3A_97 = vector.broadcast %eq3A_96 : i32 to vector<1024x20xi32>
    %eq3A_98 = arith.cmpi eq, %iota3A_45, %eq3A_97 : vector<1024x20xi32>
    %broadcast_in_dim3A_99 = vector.shape_cast %and3A_95 : vector<1024x1xi32> to vector<1024x1xi32>
    %broadcast_in_dim3A_100 = vector.broadcast %broadcast_in_dim3A_99 : vector<1024x1xi32> to vector<1024x20xi32>
    %select_n3A_101 = arith.select %eq3A_98, %broadcast_in_dim3A_100, %select_n3A_84 : vector<1024x20xi1>, vector<1024x20xi32>
    %eq3A_102 = vector.broadcast %broadcast_in_dim3A_92 : vector<1024x1xi32> to vector<1024x1024xi32>
    %eq3A_103 = arith.cmpi eq, %select_n3A_89, %eq3A_102 : vector<1024x1024xi32>
    %jit3A_104 = arith.constant 2147483647 : i32
    %broadcast_in_dim3A_105 = vector.broadcast %jit3A_104 : i32 to vector<1024x1024xi32>
    %select_n3A_106 = arith.select %eq3A_103, %broadcast_in_dim3A_105, %select_n3A_89 : vector<1024x1024xi1>, vector<1024x1024xi32>
    %reduce_min3A_107 = arith.constant dense<2147483647> : vector<1024xi32>
    %reduce_min3A_108 = vector.multi_reduction <minsi>, %select_n3A_106, %reduce_min3A_107 [1] : vector<1024x1024xi32> to vector<1024xi32>
    %broadcast_in_dim3A_109 = vector.shape_cast %reduce_min3A_108 : vector<1024xi32> to vector<1024x1xi32>
    %and3A_110 = arith.constant 1023 : i32
    %and3A_111 = vector.broadcast %and3A_110 : i32 to vector<1024x1xi32>
    %and3A_112 = arith.andi %broadcast_in_dim3A_109, %and3A_111 : vector<1024x1xi32>
    %eq3A_113 = arith.constant 3 : i32
    %eq3A_114 = vector.broadcast %eq3A_113 : i32 to vector<1024x20xi32>
    %eq3A_115 = arith.cmpi eq, %iota3A_45, %eq3A_114 : vector<1024x20xi32>
    %broadcast_in_dim3A_116 = vector.shape_cast %and3A_112 : vector<1024x1xi32> to vector<1024x1xi32>
    %broadcast_in_dim3A_117 = vector.broadcast %broadcast_in_dim3A_116 : vector<1024x1xi32> to vector<1024x20xi32>
    %select_n3A_118 = arith.select %eq3A_115, %broadcast_in_dim3A_117, %select_n3A_101 : vector<1024x20xi1>, vector<1024x20xi32>
    %eq3A_119 = vector.broadcast %broadcast_in_dim3A_109 : vector<1024x1xi32> to vector<1024x1024xi32>
    %eq3A_120 = arith.cmpi eq, %select_n3A_106, %eq3A_119 : vector<1024x1024xi32>
    %jit3A_121 = arith.constant 2147483647 : i32
    %broadcast_in_dim3A_122 = vector.broadcast %jit3A_121 : i32 to vector<1024x1024xi32>
    %select_n3A_123 = arith.select %eq3A_120, %broadcast_in_dim3A_122, %select_n3A_106 : vector<1024x1024xi1>, vector<1024x1024xi32>
    %reduce_min3A_124 = arith.constant dense<2147483647> : vector<1024xi32>
    %reduce_min3A_125 = vector.multi_reduction <minsi>, %select_n3A_123, %reduce_min3A_124 [1] : vector<1024x1024xi32> to vector<1024xi32>
    %broadcast_in_dim3A_126 = vector.shape_cast %reduce_min3A_125 : vector<1024xi32> to vector<1024x1xi32>
    %and3A_127 = arith.constant 1023 : i32
    %and3A_128 = vector.broadcast %and3A_127 : i32 to vector<1024x1xi32>
    %and3A_129 = arith.andi %broadcast_in_dim3A_126, %and3A_128 : vector<1024x1xi32>
    %eq3A_130 = arith.constant 4 : i32
    %eq3A_131 = vector.broadcast %eq3A_130 : i32 to vector<1024x20xi32>
    %eq3A_132 = arith.cmpi eq, %iota3A_45, %eq3A_131 : vector<1024x20xi32>
    %broadcast_in_dim3A_133 = vector.shape_cast %and3A_129 : vector<1024x1xi32> to vector<1024x1xi32>
    %broadcast_in_dim3A_134 = vector.broadcast %broadcast_in_dim3A_133 : vector<1024x1xi32> to vector<1024x20xi32>
    %select_n3A_135 = arith.select %eq3A_132, %broadcast_in_dim3A_134, %select_n3A_118 : vector<1024x20xi1>, vector<1024x20xi32>
    %eq3A_136 = vector.broadcast %broadcast_in_dim3A_126 : vector<1024x1xi32> to vector<1024x1024xi32>
    %eq3A_137 = arith.cmpi eq, %select_n3A_123, %eq3A_136 : vector<1024x1024xi32>
    %jit3A_138 = arith.constant 2147483647 : i32
    %broadcast_in_dim3A_139 = vector.broadcast %jit3A_138 : i32 to vector<1024x1024xi32>
    %select_n3A_140 = arith.select %eq3A_137, %broadcast_in_dim3A_139, %select_n3A_123 : vector<1024x1024xi1>, vector<1024x1024xi32>
    %reduce_min3A_141 = arith.constant dense<2147483647> : vector<1024xi32>
    %reduce_min3A_142 = vector.multi_reduction <minsi>, %select_n3A_140, %reduce_min3A_141 [1] : vector<1024x1024xi32> to vector<1024xi32>
    %broadcast_in_dim3A_143 = vector.shape_cast %reduce_min3A_142 : vector<1024xi32> to vector<1024x1xi32>
    %and3A_144 = arith.constant 1023 : i32
    %and3A_145 = vector.broadcast %and3A_144 : i32 to vector<1024x1xi32>
    %and3A_146 = arith.andi %broadcast_in_dim3A_143, %and3A_145 : vector<1024x1xi32>
    %eq3A_147 = arith.constant 5 : i32
    %eq3A_148 = vector.broadcast %eq3A_147 : i32 to vector<1024x20xi32>
    %eq3A_149 = arith.cmpi eq, %iota3A_45, %eq3A_148 : vector<1024x20xi32>
    %broadcast_in_dim3A_150 = vector.shape_cast %and3A_146 : vector<1024x1xi32> to vector<1024x1xi32>
    %broadcast_in_dim3A_151 = vector.broadcast %broadcast_in_dim3A_150 : vector<1024x1xi32> to vector<1024x20xi32>
    %select_n3A_152 = arith.select %eq3A_149, %broadcast_in_dim3A_151, %select_n3A_135 : vector<1024x20xi1>, vector<1024x20xi32>
    %eq3A_153 = vector.broadcast %broadcast_in_dim3A_143 : vector<1024x1xi32> to vector<1024x1024xi32>
    %eq3A_154 = arith.cmpi eq, %select_n3A_140, %eq3A_153 : vector<1024x1024xi32>
    %jit3A_155 = arith.constant 2147483647 : i32
    %broadcast_in_dim3A_156 = vector.broadcast %jit3A_155 : i32 to vector<1024x1024xi32>
    %select_n3A_157 = arith.select %eq3A_154, %broadcast_in_dim3A_156, %select_n3A_140 : vector<1024x1024xi1>, vector<1024x1024xi32>
    %reduce_min3A_158 = arith.constant dense<2147483647> : vector<1024xi32>
    %reduce_min3A_159 = vector.multi_reduction <minsi>, %select_n3A_157, %reduce_min3A_158 [1] : vector<1024x1024xi32> to vector<1024xi32>
    %broadcast_in_dim3A_160 = vector.shape_cast %reduce_min3A_159 : vector<1024xi32> to vector<1024x1xi32>
    %and3A_161 = arith.constant 1023 : i32
    %and3A_162 = vector.broadcast %and3A_161 : i32 to vector<1024x1xi32>
    %and3A_163 = arith.andi %broadcast_in_dim3A_160, %and3A_162 : vector<1024x1xi32>
    %eq3A_164 = arith.constant 6 : i32
    %eq3A_165 = vector.broadcast %eq3A_164 : i32 to vector<1024x20xi32>
    %eq3A_166 = arith.cmpi eq, %iota3A_45, %eq3A_165 : vector<1024x20xi32>
    %broadcast_in_dim3A_167 = vector.shape_cast %and3A_163 : vector<1024x1xi32> to vector<1024x1xi32>
    %broadcast_in_dim3A_168 = vector.broadcast %broadcast_in_dim3A_167 : vector<1024x1xi32> to vector<1024x20xi32>
    %select_n3A_169 = arith.select %eq3A_166, %broadcast_in_dim3A_168, %select_n3A_152 : vector<1024x20xi1>, vector<1024x20xi32>
    %eq3A_170 = vector.broadcast %broadcast_in_dim3A_160 : vector<1024x1xi32> to vector<1024x1024xi32>
    %eq3A_171 = arith.cmpi eq, %select_n3A_157, %eq3A_170 : vector<1024x1024xi32>
    %jit3A_172 = arith.constant 2147483647 : i32
    %broadcast_in_dim3A_173 = vector.broadcast %jit3A_172 : i32 to vector<1024x1024xi32>
    %select_n3A_174 = arith.select %eq3A_171, %broadcast_in_dim3A_173, %select_n3A_157 : vector<1024x1024xi1>, vector<1024x1024xi32>
    %reduce_min3A_175 = arith.constant dense<2147483647> : vector<1024xi32>
    %reduce_min3A_176 = vector.multi_reduction <minsi>, %select_n3A_174, %reduce_min3A_175 [1] : vector<1024x1024xi32> to vector<1024xi32>
    %broadcast_in_dim3A_177 = vector.shape_cast %reduce_min3A_176 : vector<1024xi32> to vector<1024x1xi32>
    %and3A_178 = arith.constant 1023 : i32
    %and3A_179 = vector.broadcast %and3A_178 : i32 to vector<1024x1xi32>
    %and3A_180 = arith.andi %broadcast_in_dim3A_177, %and3A_179 : vector<1024x1xi32>
    %eq3A_181 = arith.constant 7 : i32
    %eq3A_182 = vector.broadcast %eq3A_181 : i32 to vector<1024x20xi32>
    %eq3A_183 = arith.cmpi eq, %iota3A_45, %eq3A_182 : vector<1024x20xi32>
    %broadcast_in_dim3A_184 = vector.shape_cast %and3A_180 : vector<1024x1xi32> to vector<1024x1xi32>
    %broadcast_in_dim3A_185 = vector.broadcast %broadcast_in_dim3A_184 : vector<1024x1xi32> to vector<1024x20xi32>
    %select_n3A_186 = arith.select %eq3A_183, %broadcast_in_dim3A_185, %select_n3A_169 : vector<1024x20xi1>, vector<1024x20xi32>
    %eq3A_187 = vector.broadcast %broadcast_in_dim3A_177 : vector<1024x1xi32> to vector<1024x1024xi32>
    %eq3A_188 = arith.cmpi eq, %select_n3A_174, %eq3A_187 : vector<1024x1024xi32>
    %jit3A_189 = arith.constant 2147483647 : i32
    %broadcast_in_dim3A_190 = vector.broadcast %jit3A_189 : i32 to vector<1024x1024xi32>
    %select_n3A_191 = arith.select %eq3A_188, %broadcast_in_dim3A_190, %select_n3A_174 : vector<1024x1024xi1>, vector<1024x1024xi32>
    %reduce_min3A_192 = arith.constant dense<2147483647> : vector<1024xi32>
    %reduce_min3A_193 = vector.multi_reduction <minsi>, %select_n3A_191, %reduce_min3A_192 [1] : vector<1024x1024xi32> to vector<1024xi32>
    %broadcast_in_dim3A_194 = vector.shape_cast %reduce_min3A_193 : vector<1024xi32> to vector<1024x1xi32>
    %and3A_195 = arith.constant 1023 : i32
    %and3A_196 = vector.broadcast %and3A_195 : i32 to vector<1024x1xi32>
    %and3A_197 = arith.andi %broadcast_in_dim3A_194, %and3A_196 : vector<1024x1xi32>
    %eq3A_198 = arith.constant 8 : i32
    %eq3A_199 = vector.broadcast %eq3A_198 : i32 to vector<1024x20xi32>
    %eq3A_200 = arith.cmpi eq, %iota3A_45, %eq3A_199 : vector<1024x20xi32>
    %broadcast_in_dim3A_201 = vector.shape_cast %and3A_197 : vector<1024x1xi32> to vector<1024x1xi32>
    %broadcast_in_dim3A_202 = vector.broadcast %broadcast_in_dim3A_201 : vector<1024x1xi32> to vector<1024x20xi32>
    %select_n3A_203 = arith.select %eq3A_200, %broadcast_in_dim3A_202, %select_n3A_186 : vector<1024x20xi1>, vector<1024x20xi32>
    %eq3A_204 = vector.broadcast %broadcast_in_dim3A_194 : vector<1024x1xi32> to vector<1024x1024xi32>
    %eq3A_205 = arith.cmpi eq, %select_n3A_191, %eq3A_204 : vector<1024x1024xi32>
    %jit3A_206 = arith.constant 2147483647 : i32
    %broadcast_in_dim3A_207 = vector.broadcast %jit3A_206 : i32 to vector<1024x1024xi32>
    %select_n3A_208 = arith.select %eq3A_205, %broadcast_in_dim3A_207, %select_n3A_191 : vector<1024x1024xi1>, vector<1024x1024xi32>
    %reduce_min3A_209 = arith.constant dense<2147483647> : vector<1024xi32>
    %reduce_min3A_210 = vector.multi_reduction <minsi>, %select_n3A_208, %reduce_min3A_209 [1] : vector<1024x1024xi32> to vector<1024xi32>
    %broadcast_in_dim3A_211 = vector.shape_cast %reduce_min3A_210 : vector<1024xi32> to vector<1024x1xi32>
    %and3A_212 = arith.constant 1023 : i32
    %and3A_213 = vector.broadcast %and3A_212 : i32 to vector<1024x1xi32>
    %and3A_214 = arith.andi %broadcast_in_dim3A_211, %and3A_213 : vector<1024x1xi32>
    %eq3A_215 = arith.constant 9 : i32
    %eq3A_216 = vector.broadcast %eq3A_215 : i32 to vector<1024x20xi32>
    %eq3A_217 = arith.cmpi eq, %iota3A_45, %eq3A_216 : vector<1024x20xi32>
    %broadcast_in_dim3A_218 = vector.shape_cast %and3A_214 : vector<1024x1xi32> to vector<1024x1xi32>
    %broadcast_in_dim3A_219 = vector.broadcast %broadcast_in_dim3A_218 : vector<1024x1xi32> to vector<1024x20xi32>
    %select_n3A_220 = arith.select %eq3A_217, %broadcast_in_dim3A_219, %select_n3A_203 : vector<1024x20xi1>, vector<1024x20xi32>
    %eq3A_221 = vector.broadcast %broadcast_in_dim3A_211 : vector<1024x1xi32> to vector<1024x1024xi32>
    %eq3A_222 = arith.cmpi eq, %select_n3A_208, %eq3A_221 : vector<1024x1024xi32>
    %jit3A_223 = arith.constant 2147483647 : i32
    %broadcast_in_dim3A_224 = vector.broadcast %jit3A_223 : i32 to vector<1024x1024xi32>
    %select_n3A_225 = arith.select %eq3A_222, %broadcast_in_dim3A_224, %select_n3A_208 : vector<1024x1024xi1>, vector<1024x1024xi32>
    %reduce_min3A_226 = arith.constant dense<2147483647> : vector<1024xi32>
    %reduce_min3A_227 = vector.multi_reduction <minsi>, %select_n3A_225, %reduce_min3A_226 [1] : vector<1024x1024xi32> to vector<1024xi32>
    %broadcast_in_dim3A_228 = vector.shape_cast %reduce_min3A_227 : vector<1024xi32> to vector<1024x1xi32>
    %and3A_229 = arith.constant 1023 : i32
    %and3A_230 = vector.broadcast %and3A_229 : i32 to vector<1024x1xi32>
    %and3A_231 = arith.andi %broadcast_in_dim3A_228, %and3A_230 : vector<1024x1xi32>
    %eq3A_232 = arith.constant 10 : i32
    %eq3A_233 = vector.broadcast %eq3A_232 : i32 to vector<1024x20xi32>
    %eq3A_234 = arith.cmpi eq, %iota3A_45, %eq3A_233 : vector<1024x20xi32>
    %broadcast_in_dim3A_235 = vector.shape_cast %and3A_231 : vector<1024x1xi32> to vector<1024x1xi32>
    %broadcast_in_dim3A_236 = vector.broadcast %broadcast_in_dim3A_235 : vector<1024x1xi32> to vector<1024x20xi32>
    %select_n3A_237 = arith.select %eq3A_234, %broadcast_in_dim3A_236, %select_n3A_220 : vector<1024x20xi1>, vector<1024x20xi32>
    %eq3A_238 = vector.broadcast %broadcast_in_dim3A_228 : vector<1024x1xi32> to vector<1024x1024xi32>
    %eq3A_239 = arith.cmpi eq, %select_n3A_225, %eq3A_238 : vector<1024x1024xi32>
    %jit3A_240 = arith.constant 2147483647 : i32
    %broadcast_in_dim3A_241 = vector.broadcast %jit3A_240 : i32 to vector<1024x1024xi32>
    %select_n3A_242 = arith.select %eq3A_239, %broadcast_in_dim3A_241, %select_n3A_225 : vector<1024x1024xi1>, vector<1024x1024xi32>
    %reduce_min3A_243 = arith.constant dense<2147483647> : vector<1024xi32>
    %reduce_min3A_244 = vector.multi_reduction <minsi>, %select_n3A_242, %reduce_min3A_243 [1] : vector<1024x1024xi32> to vector<1024xi32>
    %broadcast_in_dim3A_245 = vector.shape_cast %reduce_min3A_244 : vector<1024xi32> to vector<1024x1xi32>
    %and3A_246 = arith.constant 1023 : i32
    %and3A_247 = vector.broadcast %and3A_246 : i32 to vector<1024x1xi32>
    %and3A_248 = arith.andi %broadcast_in_dim3A_245, %and3A_247 : vector<1024x1xi32>
    %eq3A_249 = arith.constant 11 : i32
    %eq3A_250 = vector.broadcast %eq3A_249 : i32 to vector<1024x20xi32>
    %eq3A_251 = arith.cmpi eq, %iota3A_45, %eq3A_250 : vector<1024x20xi32>
    %broadcast_in_dim3A_252 = vector.shape_cast %and3A_248 : vector<1024x1xi32> to vector<1024x1xi32>
    %broadcast_in_dim3A_253 = vector.broadcast %broadcast_in_dim3A_252 : vector<1024x1xi32> to vector<1024x20xi32>
    %select_n3A_254 = arith.select %eq3A_251, %broadcast_in_dim3A_253, %select_n3A_237 : vector<1024x20xi1>, vector<1024x20xi32>
    %eq3A_255 = vector.broadcast %broadcast_in_dim3A_245 : vector<1024x1xi32> to vector<1024x1024xi32>
    %eq3A_256 = arith.cmpi eq, %select_n3A_242, %eq3A_255 : vector<1024x1024xi32>
    %jit3A_257 = arith.constant 2147483647 : i32
    %broadcast_in_dim3A_258 = vector.broadcast %jit3A_257 : i32 to vector<1024x1024xi32>
    %select_n3A_259 = arith.select %eq3A_256, %broadcast_in_dim3A_258, %select_n3A_242 : vector<1024x1024xi1>, vector<1024x1024xi32>
    %reduce_min3A_260 = arith.constant dense<2147483647> : vector<1024xi32>
    %reduce_min3A_261 = vector.multi_reduction <minsi>, %select_n3A_259, %reduce_min3A_260 [1] : vector<1024x1024xi32> to vector<1024xi32>
    %broadcast_in_dim3A_262 = vector.shape_cast %reduce_min3A_261 : vector<1024xi32> to vector<1024x1xi32>
    %and3A_263 = arith.constant 1023 : i32
    %and3A_264 = vector.broadcast %and3A_263 : i32 to vector<1024x1xi32>
    %and3A_265 = arith.andi %broadcast_in_dim3A_262, %and3A_264 : vector<1024x1xi32>
    %eq3A_266 = arith.constant 12 : i32
    %eq3A_267 = vector.broadcast %eq3A_266 : i32 to vector<1024x20xi32>
    %eq3A_268 = arith.cmpi eq, %iota3A_45, %eq3A_267 : vector<1024x20xi32>
    %broadcast_in_dim3A_269 = vector.shape_cast %and3A_265 : vector<1024x1xi32> to vector<1024x1xi32>
    %broadcast_in_dim3A_270 = vector.broadcast %broadcast_in_dim3A_269 : vector<1024x1xi32> to vector<1024x20xi32>
    %select_n3A_271 = arith.select %eq3A_268, %broadcast_in_dim3A_270, %select_n3A_254 : vector<1024x20xi1>, vector<1024x20xi32>
    %eq3A_272 = vector.broadcast %broadcast_in_dim3A_262 : vector<1024x1xi32> to vector<1024x1024xi32>
    %eq3A_273 = arith.cmpi eq, %select_n3A_259, %eq3A_272 : vector<1024x1024xi32>
    %jit3A_274 = arith.constant 2147483647 : i32
    %broadcast_in_dim3A_275 = vector.broadcast %jit3A_274 : i32 to vector<1024x1024xi32>
    %select_n3A_276 = arith.select %eq3A_273, %broadcast_in_dim3A_275, %select_n3A_259 : vector<1024x1024xi1>, vector<1024x1024xi32>
    %reduce_min3A_277 = arith.constant dense<2147483647> : vector<1024xi32>
    %reduce_min3A_278 = vector.multi_reduction <minsi>, %select_n3A_276, %reduce_min3A_277 [1] : vector<1024x1024xi32> to vector<1024xi32>
    %broadcast_in_dim3A_279 = vector.shape_cast %reduce_min3A_278 : vector<1024xi32> to vector<1024x1xi32>
    %and3A_280 = arith.constant 1023 : i32
    %and3A_281 = vector.broadcast %and3A_280 : i32 to vector<1024x1xi32>
    %and3A_282 = arith.andi %broadcast_in_dim3A_279, %and3A_281 : vector<1024x1xi32>
    %eq3A_283 = arith.constant 13 : i32
    %eq3A_284 = vector.broadcast %eq3A_283 : i32 to vector<1024x20xi32>
    %eq3A_285 = arith.cmpi eq, %iota3A_45, %eq3A_284 : vector<1024x20xi32>
    %broadcast_in_dim3A_286 = vector.shape_cast %and3A_282 : vector<1024x1xi32> to vector<1024x1xi32>
    %broadcast_in_dim3A_287 = vector.broadcast %broadcast_in_dim3A_286 : vector<1024x1xi32> to vector<1024x20xi32>
    %select_n3A_288 = arith.select %eq3A_285, %broadcast_in_dim3A_287, %select_n3A_271 : vector<1024x20xi1>, vector<1024x20xi32>
    %eq3A_289 = vector.broadcast %broadcast_in_dim3A_279 : vector<1024x1xi32> to vector<1024x1024xi32>
    %eq3A_290 = arith.cmpi eq, %select_n3A_276, %eq3A_289 : vector<1024x1024xi32>
    %jit3A_291 = arith.constant 2147483647 : i32
    %broadcast_in_dim3A_292 = vector.broadcast %jit3A_291 : i32 to vector<1024x1024xi32>
    %select_n3A_293 = arith.select %eq3A_290, %broadcast_in_dim3A_292, %select_n3A_276 : vector<1024x1024xi1>, vector<1024x1024xi32>
    %reduce_min3A_294 = arith.constant dense<2147483647> : vector<1024xi32>
    %reduce_min3A_295 = vector.multi_reduction <minsi>, %select_n3A_293, %reduce_min3A_294 [1] : vector<1024x1024xi32> to vector<1024xi32>
    %broadcast_in_dim3A_296 = vector.shape_cast %reduce_min3A_295 : vector<1024xi32> to vector<1024x1xi32>
    %and3A_297 = arith.constant 1023 : i32
    %and3A_298 = vector.broadcast %and3A_297 : i32 to vector<1024x1xi32>
    %and3A_299 = arith.andi %broadcast_in_dim3A_296, %and3A_298 : vector<1024x1xi32>
    %eq3A_300 = arith.constant 14 : i32
    %eq3A_301 = vector.broadcast %eq3A_300 : i32 to vector<1024x20xi32>
    %eq3A_302 = arith.cmpi eq, %iota3A_45, %eq3A_301 : vector<1024x20xi32>
    %broadcast_in_dim3A_303 = vector.shape_cast %and3A_299 : vector<1024x1xi32> to vector<1024x1xi32>
    %broadcast_in_dim3A_304 = vector.broadcast %broadcast_in_dim3A_303 : vector<1024x1xi32> to vector<1024x20xi32>
    %select_n3A_305 = arith.select %eq3A_302, %broadcast_in_dim3A_304, %select_n3A_288 : vector<1024x20xi1>, vector<1024x20xi32>
    %eq3A_306 = vector.broadcast %broadcast_in_dim3A_296 : vector<1024x1xi32> to vector<1024x1024xi32>
    %eq3A_307 = arith.cmpi eq, %select_n3A_293, %eq3A_306 : vector<1024x1024xi32>
    %jit3A_308 = arith.constant 2147483647 : i32
    %broadcast_in_dim3A_309 = vector.broadcast %jit3A_308 : i32 to vector<1024x1024xi32>
    %select_n3A_310 = arith.select %eq3A_307, %broadcast_in_dim3A_309, %select_n3A_293 : vector<1024x1024xi1>, vector<1024x1024xi32>
    %reduce_min3A_311 = arith.constant dense<2147483647> : vector<1024xi32>
    %reduce_min3A_312 = vector.multi_reduction <minsi>, %select_n3A_310, %reduce_min3A_311 [1] : vector<1024x1024xi32> to vector<1024xi32>
    %broadcast_in_dim3A_313 = vector.shape_cast %reduce_min3A_312 : vector<1024xi32> to vector<1024x1xi32>
    %and3A_314 = arith.constant 1023 : i32
    %and3A_315 = vector.broadcast %and3A_314 : i32 to vector<1024x1xi32>
    %and3A_316 = arith.andi %broadcast_in_dim3A_313, %and3A_315 : vector<1024x1xi32>
    %eq3A_317 = arith.constant 15 : i32
    %eq3A_318 = vector.broadcast %eq3A_317 : i32 to vector<1024x20xi32>
    %eq3A_319 = arith.cmpi eq, %iota3A_45, %eq3A_318 : vector<1024x20xi32>
    %broadcast_in_dim3A_320 = vector.shape_cast %and3A_316 : vector<1024x1xi32> to vector<1024x1xi32>
    %broadcast_in_dim3A_321 = vector.broadcast %broadcast_in_dim3A_320 : vector<1024x1xi32> to vector<1024x20xi32>
    %select_n3A_322 = arith.select %eq3A_319, %broadcast_in_dim3A_321, %select_n3A_305 : vector<1024x20xi1>, vector<1024x20xi32>
    %eq3A_323 = vector.broadcast %broadcast_in_dim3A_313 : vector<1024x1xi32> to vector<1024x1024xi32>
    %eq3A_324 = arith.cmpi eq, %select_n3A_310, %eq3A_323 : vector<1024x1024xi32>
    %jit3A_325 = arith.constant 2147483647 : i32
    %broadcast_in_dim3A_326 = vector.broadcast %jit3A_325 : i32 to vector<1024x1024xi32>
    %select_n3A_327 = arith.select %eq3A_324, %broadcast_in_dim3A_326, %select_n3A_310 : vector<1024x1024xi1>, vector<1024x1024xi32>
    %reduce_min3A_328 = arith.constant dense<2147483647> : vector<1024xi32>
    %reduce_min3A_329 = vector.multi_reduction <minsi>, %select_n3A_327, %reduce_min3A_328 [1] : vector<1024x1024xi32> to vector<1024xi32>
    %broadcast_in_dim3A_330 = vector.shape_cast %reduce_min3A_329 : vector<1024xi32> to vector<1024x1xi32>
    %and3A_331 = arith.constant 1023 : i32
    %and3A_332 = vector.broadcast %and3A_331 : i32 to vector<1024x1xi32>
    %and3A_333 = arith.andi %broadcast_in_dim3A_330, %and3A_332 : vector<1024x1xi32>
    %eq3A_334 = arith.constant 16 : i32
    %eq3A_335 = vector.broadcast %eq3A_334 : i32 to vector<1024x20xi32>
    %eq3A_336 = arith.cmpi eq, %iota3A_45, %eq3A_335 : vector<1024x20xi32>
    %broadcast_in_dim3A_337 = vector.shape_cast %and3A_333 : vector<1024x1xi32> to vector<1024x1xi32>
    %broadcast_in_dim3A_338 = vector.broadcast %broadcast_in_dim3A_337 : vector<1024x1xi32> to vector<1024x20xi32>
    %select_n3A_339 = arith.select %eq3A_336, %broadcast_in_dim3A_338, %select_n3A_322 : vector<1024x20xi1>, vector<1024x20xi32>
    %eq3A_340 = vector.broadcast %broadcast_in_dim3A_330 : vector<1024x1xi32> to vector<1024x1024xi32>
    %eq3A_341 = arith.cmpi eq, %select_n3A_327, %eq3A_340 : vector<1024x1024xi32>
    %jit3A_342 = arith.constant 2147483647 : i32
    %broadcast_in_dim3A_343 = vector.broadcast %jit3A_342 : i32 to vector<1024x1024xi32>
    %select_n3A_344 = arith.select %eq3A_341, %broadcast_in_dim3A_343, %select_n3A_327 : vector<1024x1024xi1>, vector<1024x1024xi32>
    %reduce_min3A_345 = arith.constant dense<2147483647> : vector<1024xi32>
    %reduce_min3A_346 = vector.multi_reduction <minsi>, %select_n3A_344, %reduce_min3A_345 [1] : vector<1024x1024xi32> to vector<1024xi32>
    %broadcast_in_dim3A_347 = vector.shape_cast %reduce_min3A_346 : vector<1024xi32> to vector<1024x1xi32>
    %and3A_348 = arith.constant 1023 : i32
    %and3A_349 = vector.broadcast %and3A_348 : i32 to vector<1024x1xi32>
    %and3A_350 = arith.andi %broadcast_in_dim3A_347, %and3A_349 : vector<1024x1xi32>
    %eq3A_351 = arith.constant 17 : i32
    %eq3A_352 = vector.broadcast %eq3A_351 : i32 to vector<1024x20xi32>
    %eq3A_353 = arith.cmpi eq, %iota3A_45, %eq3A_352 : vector<1024x20xi32>
    %broadcast_in_dim3A_354 = vector.shape_cast %and3A_350 : vector<1024x1xi32> to vector<1024x1xi32>
    %broadcast_in_dim3A_355 = vector.broadcast %broadcast_in_dim3A_354 : vector<1024x1xi32> to vector<1024x20xi32>
    %select_n3A_356 = arith.select %eq3A_353, %broadcast_in_dim3A_355, %select_n3A_339 : vector<1024x20xi1>, vector<1024x20xi32>
    %eq3A_357 = vector.broadcast %broadcast_in_dim3A_347 : vector<1024x1xi32> to vector<1024x1024xi32>
    %eq3A_358 = arith.cmpi eq, %select_n3A_344, %eq3A_357 : vector<1024x1024xi32>
    %jit3A_359 = arith.constant 2147483647 : i32
    %broadcast_in_dim3A_360 = vector.broadcast %jit3A_359 : i32 to vector<1024x1024xi32>
    %select_n3A_361 = arith.select %eq3A_358, %broadcast_in_dim3A_360, %select_n3A_344 : vector<1024x1024xi1>, vector<1024x1024xi32>
    %reduce_min3A_362 = arith.constant dense<2147483647> : vector<1024xi32>
    %reduce_min3A_363 = vector.multi_reduction <minsi>, %select_n3A_361, %reduce_min3A_362 [1] : vector<1024x1024xi32> to vector<1024xi32>
    %broadcast_in_dim3A_364 = vector.shape_cast %reduce_min3A_363 : vector<1024xi32> to vector<1024x1xi32>
    %and3A_365 = arith.constant 1023 : i32
    %and3A_366 = vector.broadcast %and3A_365 : i32 to vector<1024x1xi32>
    %and3A_367 = arith.andi %broadcast_in_dim3A_364, %and3A_366 : vector<1024x1xi32>
    %eq3A_368 = arith.constant 18 : i32
    %eq3A_369 = vector.broadcast %eq3A_368 : i32 to vector<1024x20xi32>
    %eq3A_370 = arith.cmpi eq, %iota3A_45, %eq3A_369 : vector<1024x20xi32>
    %broadcast_in_dim3A_371 = vector.shape_cast %and3A_367 : vector<1024x1xi32> to vector<1024x1xi32>
    %broadcast_in_dim3A_372 = vector.broadcast %broadcast_in_dim3A_371 : vector<1024x1xi32> to vector<1024x20xi32>
    %select_n3A_373 = arith.select %eq3A_370, %broadcast_in_dim3A_372, %select_n3A_356 : vector<1024x20xi1>, vector<1024x20xi32>
    %eq3A_374 = vector.broadcast %broadcast_in_dim3A_364 : vector<1024x1xi32> to vector<1024x1024xi32>
    %eq3A_375 = arith.cmpi eq, %select_n3A_361, %eq3A_374 : vector<1024x1024xi32>
    %jit3A_376 = arith.constant 2147483647 : i32
    %broadcast_in_dim3A_377 = vector.broadcast %jit3A_376 : i32 to vector<1024x1024xi32>
    %select_n3A_378 = arith.select %eq3A_375, %broadcast_in_dim3A_377, %select_n3A_361 : vector<1024x1024xi1>, vector<1024x1024xi32>
    %reduce_min3A_379 = arith.constant dense<2147483647> : vector<1024xi32>
    %reduce_min3A_380 = vector.multi_reduction <minsi>, %select_n3A_378, %reduce_min3A_379 [1] : vector<1024x1024xi32> to vector<1024xi32>
    %broadcast_in_dim3A_381 = vector.shape_cast %reduce_min3A_380 : vector<1024xi32> to vector<1024x1xi32>
    %and3A_382 = arith.constant 1023 : i32
    %and3A_383 = vector.broadcast %and3A_382 : i32 to vector<1024x1xi32>
    %and3A_384 = arith.andi %broadcast_in_dim3A_381, %and3A_383 : vector<1024x1xi32>
    %eq3A_385 = arith.constant 19 : i32
    %eq3A_386 = vector.broadcast %eq3A_385 : i32 to vector<1024x20xi32>
    %eq3A_387 = arith.cmpi eq, %iota3A_45, %eq3A_386 : vector<1024x20xi32>
    %broadcast_in_dim3A_388 = vector.shape_cast %and3A_384 : vector<1024x1xi32> to vector<1024x1xi32>
    %broadcast_in_dim3A_389 = vector.broadcast %broadcast_in_dim3A_388 : vector<1024x1xi32> to vector<1024x20xi32>
    %select_n3A_390 = arith.select %eq3A_387, %broadcast_in_dim3A_389, %select_n3A_373 : vector<1024x20xi1>, vector<1024x20xi32>
    %mul3A_391 = arith.constant 1024 : i32
    %mul3A_392 = arith.muli %arg0, %mul3A_391 : i32
    %add3A_393 = vector.broadcast %mul3A_392 : i32 to vector<1024x20xi32>
    %add3A_394 = arith.addi %select_n3A_390, %add3A_393 : vector<1024x20xi32>
    %swap3A_395 = arith.constant 0 : index
    %swap3A_396 = arith.constant 0 : index
    %swap3A_397 = arith.constant 0 : index
    %swap3A_398 = vector.load %arg5[%swap3A_395, %swap3A_396, %swap3A_397] : memref<1x1024x20xi32, #tpu.memory_space<vmem>>, vector<1x1024x20xi32>
    %swap3A_399 = vector.shape_cast %swap3A_398 : vector<1x1024x20xi32> to vector<1024x20xi32>
    %swap3A_400 = vector.shape_cast %add3A_394 : vector<1024x20xi32> to vector<1x1024x20xi32>
    tpu.vector_store %arg5[%swap3A_395, %swap3A_396, %swap3A_397], %swap3A_400 {strides = array<i32>} : memref<1x1024x20xi32, #tpu.memory_space<vmem>>, vector<1x1024x20xi32>,
    return
  }
  func.func @transform_0(%arg0: i32) -> (i32, i32, i32) {
    %add3A = arith.constant 0 : i32
    %add3A_0 = arith.addi %add3A, %arg0 : i32
    %c0_i32 = arith.constant 0 : i32
    %c0_i32_1 = arith.constant 0 : i32
    %c0_i32_2 = arith.constant 0 : i32
    return %add3A_0, %c0_i32, %c0_i32_1 : i32, i32, i32
  }
  func.func @transform_1(%arg0: i32) -> (i32, i32) {
    %c0_i32 = arith.constant 0 : i32
    %c0_i32_0 = arith.constant 0 : i32
    %c0_i32_1 = arith.constant 0 : i32
    return %c0_i32, %c0_i32_0 : i32, i32
  }
  func.func @transform_2(%arg0: i32) -> (i32, i32) {
    %c0_i32 = arith.constant 0 : i32
    %c0_i32_0 = arith.constant 0 : i32
    %c0_i32_1 = arith.constant 0 : i32
    return %c0_i32, %c0_i32_0 : i32, i32
  }
  func.func @transform_3(%arg0: i32) -> (i32, i32) {
    %c0_i32 = arith.constant 0 : i32
    %c0_i32_0 = arith.constant 0 : i32
    %c0_i32_1 = arith.constant 0 : i32
    return %c0_i32, %c0_i32_0 : i32, i32
  }
  func.func @transform_4(%arg0: i32) -> (i32, i32, i32) {
    %c0_i32 = arith.constant 0 : i32
    %c0_i32_0 = arith.constant 0 : i32
    %c0_i32_1 = arith.constant 0 : i32
    return %arg0, %c0_i32, %c0_i32_0 : i32, i32, i32
  }
  func.func @transform_5(%arg0: i32) -> (i32, i32, i32) {
    %c0_i32 = arith.constant 0 : i32
    %c0_i32_0 = arith.constant 0 : i32
    %c0_i32_1 = arith.constant 0 : i32
    return %arg0, %c0_i32, %c0_i32_0 : i32, i32, i32
  }
  func.func @transform_6(%arg0: i32) -> (i32, i32, i32) {
    %c0_i32 = arith.constant 0 : i32
    %c0_i32_0 = arith.constant 0 : i32
    %c0_i32_1 = arith.constant 0 : i32
    return %arg0, %c0_i32, %c0_i32_0 : i32, i32, i32
  }
}

module attributes {stable_mosaic.version = 14 : i64} {
  func.func @_edge_topk_kernel(%arg0: i32, %arg1: memref<1x1024x3xf32, #tpu.memory_space<vmem>>, %arg2: memref<3x64xf32, #tpu.memory_space<vmem>>, %arg3: memref<3x64xf32, #tpu.memory_space<vmem>>, %arg4: memref<1x64xf32, #tpu.memory_space<vmem>>, %arg5: memref<1x1024x20xi32, #tpu.memory_space<vmem>>, %arg6: memref<1x1024x128xf32, #tpu.memory_space<vmem>>, %arg7: memref<1x1024x64xf32, #tpu.memory_space<vmem>>) attributes {dimension_semantics = [#tpu.dimension_semantics<arbitrary>], iteration_bounds = array<i64: 8>, scalar_prefetch = 0 : i64, scratch_operands = 0 : i64, tpu.core_type = #tpu.core_type<tc>, window_params = [{transform_indices = @transform_0, window_bounds = array<i64: 1, 1024, 3>}, {pipeline_mode = #tpu.pipeline_mode<synchronous>, transform_indices = @transform_1, window_bounds = array<i64: 3, 64>}, {pipeline_mode = #tpu.pipeline_mode<synchronous>, transform_indices = @transform_2, window_bounds = array<i64: 3, 64>}, {pipeline_mode = #tpu.pipeline_mode<synchronous>, transform_indices = @transform_3, window_bounds = array<i64: 1, 64>}, {transform_indices = @transform_4, window_bounds = array<i64: 1, 1024, 20>}, {transform_indices = @transform_5, window_bounds = array<i64: 1, 1024, 128>}, {transform_indices = @transform_6, window_bounds = array<i64: 1, 1024, 64>}]} {
    %get3A = arith.constant 0 : index
    %get3A_0 = arith.constant 0 : index
    %get3A_1 = arith.constant 0 : index
    %get3A_2 = vector.load %arg1[%get3A, %get3A_0, %get3A_1] : memref<1x1024x3xf32, #tpu.memory_space<vmem>>, vector<1x1024x3xf32>
    %get3A_3 = vector.shape_cast %get3A_2 : vector<1x1024x3xf32> to vector<1024x3xf32>
    %mul3A = arith.mulf %get3A_3, %get3A_3 : vector<1024x3xf32>
    %reduce_sum3A = arith.constant dense<0.000000e+00> : vector<1024xf32>
    %reduce_sum3A_4 = vector.multi_reduction <add>, %mul3A, %reduce_sum3A [1] : vector<1024x3xf32> to vector<1024xf32>
    %broadcast_in_dim3A = vector.shape_cast %reduce_sum3A_4 : vector<1024xf32> to vector<1024x1xf32>
    %dot_general3A = arith.constant dense<0.000000e+00> : vector<1024x1024xf32>
    %dot_general3A_5 = tpu.matmul %get3A_3, %get3A_3, %dot_general3A {dimension_numbers = #tpu.dot_dimension_numbers<[1], [1], [0], [0], [0, 0, 1, 0], [], []>, transpose_lhs_hint = false} : vector<1024x3xf32>, vector<1024x3xf32>, vector<1024x1024xf32> -> vector<1024x1024xf32>
    %broadcast_in_dim3A_6 = arith.constant 1.000000e+00 : f32
    %broadcast_in_dim3A_7 = vector.broadcast %broadcast_in_dim3A_6 : f32 to vector<1x3xf32>
    %mul3A_8 = arith.mulf %get3A_3, %get3A_3 : vector<1024x3xf32>
    %dot_general3A_9 = arith.constant dense<0.000000e+00> : vector<1x1024xf32>
    %dot_general3A_10 = tpu.matmul %broadcast_in_dim3A_7, %mul3A_8, %dot_general3A_9 {dimension_numbers = #tpu.dot_dimension_numbers<[1], [1], [0], [0], [0, 0, 1, 0], [], []>, transpose_lhs_hint = false} : vector<1x3xf32>, vector<1024x3xf32>, vector<1x1024xf32> -> vector<1x1024xf32>
    %add3A = vector.broadcast %broadcast_in_dim3A : vector<1024x1xf32> to vector<1024x1024xf32>
    %add3A_11 = vector.broadcast %dot_general3A_10 : vector<1x1024xf32> to vector<1024x1024xf32>
    %add3A_12 = arith.addf %add3A, %add3A_11 : vector<1024x1024xf32>
    %mul3A_13 = arith.constant 2.000000e+00 : f32
    %mul3A_14 = vector.broadcast %mul3A_13 : f32 to vector<1024x1024xf32>
    %mul3A_15 = arith.mulf %mul3A_14, %dot_general3A_5 : vector<1024x1024xf32>
    %sub3A = arith.subf %add3A_12, %mul3A_15 : vector<1024x1024xf32>
    %get3A_16 = arith.constant 0 : index
    %get3A_17 = arith.constant 0 : index
    %get3A_18 = vector.load %arg3[%get3A_16, %get3A_17] : memref<3x64xf32, #tpu.memory_space<vmem>>, vector<3x64xf32>
    %dot_general3A_19 = arith.constant dense<0.000000e+00> : vector<1024x64xf32>
    %dot_general3A_20 = tpu.matmul %get3A_3, %get3A_18, %dot_general3A_19 {dimension_numbers = #tpu.dot_dimension_numbers<[1], [0], [0], [1], [0, 0, 1, 1], [], []>, transpose_lhs_hint = false} : vector<1024x3xf32>, vector<3x64xf32>, vector<1024x64xf32> -> vector<1024x64xf32>
    %broadcast_in_dim3A_21 = arith.constant 0.000000e+00 : f32
    %broadcast_in_dim3A_22 = vector.broadcast %broadcast_in_dim3A_21 : f32 to vector<1024x64xf32>
    %concatenate3A = tpu.concatenate %dot_general3A_20, %broadcast_in_dim3A_22 in 1 : vector<1024x64xf32>, vector<1024x64xf32> -> vector<1024x128xf32>
    %swap3A = arith.constant 0 : index
    %swap3A_23 = arith.constant 0 : index
    %swap3A_24 = arith.constant 0 : index
    %swap3A_25 = vector.load %arg6[%swap3A, %swap3A_23, %swap3A_24] : memref<1x1024x128xf32, #tpu.memory_space<vmem>>, vector<1x1024x128xf32>
    %swap3A_26 = vector.shape_cast %swap3A_25 : vector<1x1024x128xf32> to vector<1024x128xf32>
    %swap3A_27 = vector.shape_cast %concatenate3A : vector<1024x128xf32> to vector<1x1024x128xf32>
    tpu.vector_store %arg6[%swap3A, %swap3A_23, %swap3A_24], %swap3A_27 {strides = array<i32>} : memref<1x1024x128xf32, #tpu.memory_space<vmem>>, vector<1x1024x128xf32>,
    %get3A_28 = arith.constant 0 : index
    %get3A_29 = arith.constant 0 : index
    %get3A_30 = vector.load %arg2[%get3A_28, %get3A_29] : memref<3x64xf32, #tpu.memory_space<vmem>>, vector<3x64xf32>
    %sub3A_31 = arith.subf %get3A_30, %get3A_18 : vector<3x64xf32>
    %dot_general3A_32 = arith.constant dense<0.000000e+00> : vector<1024x64xf32>
    %dot_general3A_33 = tpu.matmul %get3A_3, %sub3A_31, %dot_general3A_32 {dimension_numbers = #tpu.dot_dimension_numbers<[1], [0], [0], [1], [0, 0, 1, 1], [], []>, transpose_lhs_hint = false} : vector<1024x3xf32>, vector<3x64xf32>, vector<1024x64xf32> -> vector<1024x64xf32>
    %get3A_34 = arith.constant 0 : index
    %get3A_35 = arith.constant 0 : index
    %get3A_36 = vector.load %arg4[%get3A_34, %get3A_35] : memref<1x64xf32, #tpu.memory_space<vmem>>, vector<1x64xf32>
    %add3A_37 = vector.broadcast %get3A_36 : vector<1x64xf32> to vector<1024x64xf32>
    %add3A_38 = arith.addf %dot_general3A_33, %add3A_37 : vector<1024x64xf32>
    %swap3A_39 = arith.constant 0 : index
    %swap3A_40 = arith.constant 0 : index
    %swap3A_41 = arith.constant 0 : index
    %swap3A_42 = vector.load %arg7[%swap3A_39, %swap3A_40, %swap3A_41] : memref<1x1024x64xf32, #tpu.memory_space<vmem>>, vector<1x1024x64xf32>
    %swap3A_43 = vector.shape_cast %swap3A_42 : vector<1x1024x64xf32> to vector<1024x64xf32>
    %swap3A_44 = vector.shape_cast %add3A_38 : vector<1024x64xf32> to vector<1x1024x64xf32>
    tpu.vector_store %arg7[%swap3A_39, %swap3A_40, %swap3A_41], %swap3A_44 {strides = array<i32>} : memref<1x1024x64xf32, #tpu.memory_space<vmem>>, vector<1x1024x64xf32>,
    %iota3A = tpu.iota {dimensions = array<i32: 1>} : vector<1024x1024xi32>
    %iota3A_45 = tpu.iota {dimensions = array<i32: 1>} : vector<1024x20xi32>
    %min3A = arith.constant 2.540000e+02 : f32
    %min3A_46 = vector.broadcast %min3A : f32 to vector<1024x1024xf32>
    %min3A_47 = arith.minimumf %sub3A, %min3A_46 : vector<1024x1024xf32>
    %add3A_48 = arith.constant 1.000000e+00 : f32
    %add3A_49 = vector.broadcast %add3A_48 : f32 to vector<1024x1024xf32>
    %add3A_50 = arith.addf %min3A_47, %add3A_49 : vector<1024x1024xf32>
    %bitcast_convert_type3A = tpu.bitcast %add3A_50 : vector<1024x1024xf32> -> vector<1024x1024xi32>
    %sub3A_51 = arith.constant 1065353216 : i32
    %sub3A_52 = vector.broadcast %sub3A_51 : i32 to vector<1024x1024xi32>
    %sub3A_53 = arith.subi %bitcast_convert_type3A, %sub3A_52 : vector<1024x1024xi32>
    %shift_left3A = arith.constant 4 : i32
    %shift_left3A_54 = vector.broadcast %shift_left3A : i32 to vector<1024x1024xi32>
    %shift_left3A_55 = arith.shli %sub3A_53, %shift_left3A_54 : vector<1024x1024xi32>
    %and3A = arith.constant -1024 : i32
    %and3A_56 = vector.broadcast %and3A : i32 to vector<1024x1024xi32>
    %and3A_57 = arith.andi %shift_left3A_55, %and3A_56 : vector<1024x1024xi32>
    %or3A = arith.ori %and3A_57, %iota3A : vector<1024x1024xi32>
    %broadcast_in_dim3A_58 = arith.constant 0 : i32
    %broadcast_in_dim3A_59 = vector.broadcast %broadcast_in_dim3A_58 : i32 to vector<1024x20xi32>
    %reduce_min3A = arith.constant dense<2147483647> : vector<1024xi32>
    %reduce_min3A_60 = vector.multi_reduction <minsi>, %or3A, %reduce_min3A [1] : vector<1024x1024xi32> to vector<1024xi32>
    %broadcast_in_dim3A_61 = vector.shape_cast %reduce_min3A_60 : vector<1024xi32> to vector<1024x1xi32>
    %and3A_62 = arith.constant 1023 : i32
    %and3A_63 = vector.broadcast %and3A_62 : i32 to vector<1024x1xi32>
    %and3A_64 = arith.andi %broadcast_in_dim3A_61, %and3A_63 : vector<1024x1xi32>
    %eq3A = arith.constant 0 : i32
    %eq3A_65 = vector.broadcast %eq3A : i32 to vector<1024x20xi32>
    %eq3A_66 = arith.cmpi eq, %iota3A_45, %eq3A_65 : vector<1024x20xi32>
    %broadcast_in_dim3A_67 = vector.shape_cast %and3A_64 : vector<1024x1xi32> to vector<1024x1xi32>
    %broadcast_in_dim3A_68 = vector.broadcast %broadcast_in_dim3A_67 : vector<1024x1xi32> to vector<1024x20xi32>
    %select_n3A = arith.select %eq3A_66, %broadcast_in_dim3A_68, %broadcast_in_dim3A_59 : vector<1024x20xi1>, vector<1024x20xi32>
    %eq3A_69 = vector.broadcast %broadcast_in_dim3A_61 : vector<1024x1xi32> to vector<1024x1024xi32>
    %eq3A_70 = arith.cmpi eq, %or3A, %eq3A_69 : vector<1024x1024xi32>
    %jit3A = arith.constant 2147483647 : i32
    %broadcast_in_dim3A_71 = vector.broadcast %jit3A : i32 to vector<1024x1024xi32>
    %select_n3A_72 = arith.select %eq3A_70, %broadcast_in_dim3A_71, %or3A : vector<1024x1024xi1>, vector<1024x1024xi32>
    %reduce_min3A_73 = arith.constant dense<2147483647> : vector<1024xi32>
    %reduce_min3A_74 = vector.multi_reduction <minsi>, %select_n3A_72, %reduce_min3A_73 [1] : vector<1024x1024xi32> to vector<1024xi32>
    %broadcast_in_dim3A_75 = vector.shape_cast %reduce_min3A_74 : vector<1024xi32> to vector<1024x1xi32>
    %and3A_76 = arith.constant 1023 : i32
    %and3A_77 = vector.broadcast %and3A_76 : i32 to vector<1024x1xi32>
    %and3A_78 = arith.andi %broadcast_in_dim3A_75, %and3A_77 : vector<1024x1xi32>
    %eq3A_79 = arith.constant 1 : i32
    %eq3A_80 = vector.broadcast %eq3A_79 : i32 to vector<1024x20xi32>
    %eq3A_81 = arith.cmpi eq, %iota3A_45, %eq3A_80 : vector<1024x20xi32>
    %broadcast_in_dim3A_82 = vector.shape_cast %and3A_78 : vector<1024x1xi32> to vector<1024x1xi32>
    %broadcast_in_dim3A_83 = vector.broadcast %broadcast_in_dim3A_82 : vector<1024x1xi32> to vector<1024x20xi32>
    %select_n3A_84 = arith.select %eq3A_81, %broadcast_in_dim3A_83, %select_n3A : vector<1024x20xi1>, vector<1024x20xi32>
    %eq3A_85 = vector.broadcast %broadcast_in_dim3A_75 : vector<1024x1xi32> to vector<1024x1024xi32>
    %eq3A_86 = arith.cmpi eq, %select_n3A_72, %eq3A_85 : vector<1024x1024xi32>
    %jit3A_87 = arith.constant 2147483647 : i32
    %broadcast_in_dim3A_88 = vector.broadcast %jit3A_87 : i32 to vector<1024x1024xi32>
    %select_n3A_89 = arith.select %eq3A_86, %broadcast_in_dim3A_88, %select_n3A_72 : vector<1024x1024xi1>, vector<1024x1024xi32>
    %reduce_min3A_90 = arith.constant dense<2147483647> : vector<1024xi32>
    %reduce_min3A_91 = vector.multi_reduction <minsi>, %select_n3A_89, %reduce_min3A_90 [1] : vector<1024x1024xi32> to vector<1024xi32>
    %broadcast_in_dim3A_92 = vector.shape_cast %reduce_min3A_91 : vector<1024xi32> to vector<1024x1xi32>
    %and3A_93 = arith.constant 1023 : i32
    %and3A_94 = vector.broadcast %and3A_93 : i32 to vector<1024x1xi32>
    %and3A_95 = arith.andi %broadcast_in_dim3A_92, %and3A_94 : vector<1024x1xi32>
    %eq3A_96 = arith.constant 2 : i32
    %eq3A_97 = vector.broadcast %eq3A_96 : i32 to vector<1024x20xi32>
    %eq3A_98 = arith.cmpi eq, %iota3A_45, %eq3A_97 : vector<1024x20xi32>
    %broadcast_in_dim3A_99 = vector.shape_cast %and3A_95 : vector<1024x1xi32> to vector<1024x1xi32>
    %broadcast_in_dim3A_100 = vector.broadcast %broadcast_in_dim3A_99 : vector<1024x1xi32> to vector<1024x20xi32>
    %select_n3A_101 = arith.select %eq3A_98, %broadcast_in_dim3A_100, %select_n3A_84 : vector<1024x20xi1>, vector<1024x20xi32>
    %eq3A_102 = vector.broadcast %broadcast_in_dim3A_92 : vector<1024x1xi32> to vector<1024x1024xi32>
    %eq3A_103 = arith.cmpi eq, %select_n3A_89, %eq3A_102 : vector<1024x1024xi32>
    %jit3A_104 = arith.constant 2147483647 : i32
    %broadcast_in_dim3A_105 = vector.broadcast %jit3A_104 : i32 to vector<1024x1024xi32>
    %select_n3A_106 = arith.select %eq3A_103, %broadcast_in_dim3A_105, %select_n3A_89 : vector<1024x1024xi1>, vector<1024x1024xi32>
    %reduce_min3A_107 = arith.constant dense<2147483647> : vector<1024xi32>
    %reduce_min3A_108 = vector.multi_reduction <minsi>, %select_n3A_106, %reduce_min3A_107 [1] : vector<1024x1024xi32> to vector<1024xi32>
    %broadcast_in_dim3A_109 = vector.shape_cast %reduce_min3A_108 : vector<1024xi32> to vector<1024x1xi32>
    %and3A_110 = arith.constant 1023 : i32
    %and3A_111 = vector.broadcast %and3A_110 : i32 to vector<1024x1xi32>
    %and3A_112 = arith.andi %broadcast_in_dim3A_109, %and3A_111 : vector<1024x1xi32>
    %eq3A_113 = arith.constant 3 : i32
    %eq3A_114 = vector.broadcast %eq3A_113 : i32 to vector<1024x20xi32>
    %eq3A_115 = arith.cmpi eq, %iota3A_45, %eq3A_114 : vector<1024x20xi32>
    %broadcast_in_dim3A_116 = vector.shape_cast %and3A_112 : vector<1024x1xi32> to vector<1024x1xi32>
    %broadcast_in_dim3A_117 = vector.broadcast %broadcast_in_dim3A_116 : vector<1024x1xi32> to vector<1024x20xi32>
    %select_n3A_118 = arith.select %eq3A_115, %broadcast_in_dim3A_117, %select_n3A_101 : vector<1024x20xi1>, vector<1024x20xi32>
    %eq3A_119 = vector.broadcast %broadcast_in_dim3A_109 : vector<1024x1xi32> to vector<1024x1024xi32>
    %eq3A_120 = arith.cmpi eq, %select_n3A_106, %eq3A_119 : vector<1024x1024xi32>
    %jit3A_121 = arith.constant 2147483647 : i32
    %broadcast_in_dim3A_122 = vector.broadcast %jit3A_121 : i32 to vector<1024x1024xi32>
    %select_n3A_123 = arith.select %eq3A_120, %broadcast_in_dim3A_122, %select_n3A_106 : vector<1024x1024xi1>, vector<1024x1024xi32>
    %reduce_min3A_124 = arith.constant dense<2147483647> : vector<1024xi32>
    %reduce_min3A_125 = vector.multi_reduction <minsi>, %select_n3A_123, %reduce_min3A_124 [1] : vector<1024x1024xi32> to vector<1024xi32>
    %broadcast_in_dim3A_126 = vector.shape_cast %reduce_min3A_125 : vector<1024xi32> to vector<1024x1xi32>
    %and3A_127 = arith.constant 1023 : i32
    %and3A_128 = vector.broadcast %and3A_127 : i32 to vector<1024x1xi32>
    %and3A_129 = arith.andi %broadcast_in_dim3A_126, %and3A_128 : vector<1024x1xi32>
    %eq3A_130 = arith.constant 4 : i32
    %eq3A_131 = vector.broadcast %eq3A_130 : i32 to vector<1024x20xi32>
    %eq3A_132 = arith.cmpi eq, %iota3A_45, %eq3A_131 : vector<1024x20xi32>
    %broadcast_in_dim3A_133 = vector.shape_cast %and3A_129 : vector<1024x1xi32> to vector<1024x1xi32>
    %broadcast_in_dim3A_134 = vector.broadcast %broadcast_in_dim3A_133 : vector<1024x1xi32> to vector<1024x20xi32>
    %select_n3A_135 = arith.select %eq3A_132, %broadcast_in_dim3A_134, %select_n3A_118 : vector<1024x20xi1>, vector<1024x20xi32>
    %eq3A_136 = vector.broadcast %broadcast_in_dim3A_126 : vector<1024x1xi32> to vector<1024x1024xi32>
    %eq3A_137 = arith.cmpi eq, %select_n3A_123, %eq3A_136 : vector<1024x1024xi32>
    %jit3A_138 = arith.constant 2147483647 : i32
    %broadcast_in_dim3A_139 = vector.broadcast %jit3A_138 : i32 to vector<1024x1024xi32>
    %select_n3A_140 = arith.select %eq3A_137, %broadcast_in_dim3A_139, %select_n3A_123 : vector<1024x1024xi1>, vector<1024x1024xi32>
    %reduce_min3A_141 = arith.constant dense<2147483647> : vector<1024xi32>
    %reduce_min3A_142 = vector.multi_reduction <minsi>, %select_n3A_140, %reduce_min3A_141 [1] : vector<1024x1024xi32> to vector<1024xi32>
    %broadcast_in_dim3A_143 = vector.shape_cast %reduce_min3A_142 : vector<1024xi32> to vector<1024x1xi32>
    %and3A_144 = arith.constant 1023 : i32
    %and3A_145 = vector.broadcast %and3A_144 : i32 to vector<1024x1xi32>
    %and3A_146 = arith.andi %broadcast_in_dim3A_143, %and3A_145 : vector<1024x1xi32>
    %eq3A_147 = arith.constant 5 : i32
    %eq3A_148 = vector.broadcast %eq3A_147 : i32 to vector<1024x20xi32>
    %eq3A_149 = arith.cmpi eq, %iota3A_45, %eq3A_148 : vector<1024x20xi32>
    %broadcast_in_dim3A_150 = vector.shape_cast %and3A_146 : vector<1024x1xi32> to vector<1024x1xi32>
    %broadcast_in_dim3A_151 = vector.broadcast %broadcast_in_dim3A_150 : vector<1024x1xi32> to vector<1024x20xi32>
    %select_n3A_152 = arith.select %eq3A_149, %broadcast_in_dim3A_151, %select_n3A_135 : vector<1024x20xi1>, vector<1024x20xi32>
    %eq3A_153 = vector.broadcast %broadcast_in_dim3A_143 : vector<1024x1xi32> to vector<1024x1024xi32>
    %eq3A_154 = arith.cmpi eq, %select_n3A_140, %eq3A_153 : vector<1024x1024xi32>
    %jit3A_155 = arith.constant 2147483647 : i32
    %broadcast_in_dim3A_156 = vector.broadcast %jit3A_155 : i32 to vector<1024x1024xi32>
    %select_n3A_157 = arith.select %eq3A_154, %broadcast_in_dim3A_156, %select_n3A_140 : vector<1024x1024xi1>, vector<1024x1024xi32>
    %reduce_min3A_158 = arith.constant dense<2147483647> : vector<1024xi32>
    %reduce_min3A_159 = vector.multi_reduction <minsi>, %select_n3A_157, %reduce_min3A_158 [1] : vector<1024x1024xi32> to vector<1024xi32>
    %broadcast_in_dim3A_160 = vector.shape_cast %reduce_min3A_159 : vector<1024xi32> to vector<1024x1xi32>
    %and3A_161 = arith.constant 1023 : i32
    %and3A_162 = vector.broadcast %and3A_161 : i32 to vector<1024x1xi32>
    %and3A_163 = arith.andi %broadcast_in_dim3A_160, %and3A_162 : vector<1024x1xi32>
    %eq3A_164 = arith.constant 6 : i32
    %eq3A_165 = vector.broadcast %eq3A_164 : i32 to vector<1024x20xi32>
    %eq3A_166 = arith.cmpi eq, %iota3A_45, %eq3A_165 : vector<1024x20xi32>
    %broadcast_in_dim3A_167 = vector.shape_cast %and3A_163 : vector<1024x1xi32> to vector<1024x1xi32>
    %broadcast_in_dim3A_168 = vector.broadcast %broadcast_in_dim3A_167 : vector<1024x1xi32> to vector<1024x20xi32>
    %select_n3A_169 = arith.select %eq3A_166, %broadcast_in_dim3A_168, %select_n3A_152 : vector<1024x20xi1>, vector<1024x20xi32>
    %eq3A_170 = vector.broadcast %broadcast_in_dim3A_160 : vector<1024x1xi32> to vector<1024x1024xi32>
    %eq3A_171 = arith.cmpi eq, %select_n3A_157, %eq3A_170 : vector<1024x1024xi32>
    %jit3A_172 = arith.constant 2147483647 : i32
    %broadcast_in_dim3A_173 = vector.broadcast %jit3A_172 : i32 to vector<1024x1024xi32>
    %select_n3A_174 = arith.select %eq3A_171, %broadcast_in_dim3A_173, %select_n3A_157 : vector<1024x1024xi1>, vector<1024x1024xi32>
    %reduce_min3A_175 = arith.constant dense<2147483647> : vector<1024xi32>
    %reduce_min3A_176 = vector.multi_reduction <minsi>, %select_n3A_174, %reduce_min3A_175 [1] : vector<1024x1024xi32> to vector<1024xi32>
    %broadcast_in_dim3A_177 = vector.shape_cast %reduce_min3A_176 : vector<1024xi32> to vector<1024x1xi32>
    %and3A_178 = arith.constant 1023 : i32
    %and3A_179 = vector.broadcast %and3A_178 : i32 to vector<1024x1xi32>
    %and3A_180 = arith.andi %broadcast_in_dim3A_177, %and3A_179 : vector<1024x1xi32>
    %eq3A_181 = arith.constant 7 : i32
    %eq3A_182 = vector.broadcast %eq3A_181 : i32 to vector<1024x20xi32>
    %eq3A_183 = arith.cmpi eq, %iota3A_45, %eq3A_182 : vector<1024x20xi32>
    %broadcast_in_dim3A_184 = vector.shape_cast %and3A_180 : vector<1024x1xi32> to vector<1024x1xi32>
    %broadcast_in_dim3A_185 = vector.broadcast %broadcast_in_dim3A_184 : vector<1024x1xi32> to vector<1024x20xi32>
    %select_n3A_186 = arith.select %eq3A_183, %broadcast_in_dim3A_185, %select_n3A_169 : vector<1024x20xi1>, vector<1024x20xi32>
    %eq3A_187 = vector.broadcast %broadcast_in_dim3A_177 : vector<1024x1xi32> to vector<1024x1024xi32>
    %eq3A_188 = arith.cmpi eq, %select_n3A_174, %eq3A_187 : vector<1024x1024xi32>
    %jit3A_189 = arith.constant 2147483647 : i32
    %broadcast_in_dim3A_190 = vector.broadcast %jit3A_189 : i32 to vector<1024x1024xi32>
    %select_n3A_191 = arith.select %eq3A_188, %broadcast_in_dim3A_190, %select_n3A_174 : vector<1024x1024xi1>, vector<1024x1024xi32>
    %reduce_min3A_192 = arith.constant dense<2147483647> : vector<1024xi32>
    %reduce_min3A_193 = vector.multi_reduction <minsi>, %select_n3A_191, %reduce_min3A_192 [1] : vector<1024x1024xi32> to vector<1024xi32>
    %broadcast_in_dim3A_194 = vector.shape_cast %reduce_min3A_193 : vector<1024xi32> to vector<1024x1xi32>
    %and3A_195 = arith.constant 1023 : i32
    %and3A_196 = vector.broadcast %and3A_195 : i32 to vector<1024x1xi32>
    %and3A_197 = arith.andi %broadcast_in_dim3A_194, %and3A_196 : vector<1024x1xi32>
    %eq3A_198 = arith.constant 8 : i32
    %eq3A_199 = vector.broadcast %eq3A_198 : i32 to vector<1024x20xi32>
    %eq3A_200 = arith.cmpi eq, %iota3A_45, %eq3A_199 : vector<1024x20xi32>
    %broadcast_in_dim3A_201 = vector.shape_cast %and3A_197 : vector<1024x1xi32> to vector<1024x1xi32>
    %broadcast_in_dim3A_202 = vector.broadcast %broadcast_in_dim3A_201 : vector<1024x1xi32> to vector<1024x20xi32>
    %select_n3A_203 = arith.select %eq3A_200, %broadcast_in_dim3A_202, %select_n3A_186 : vector<1024x20xi1>, vector<1024x20xi32>
    %eq3A_204 = vector.broadcast %broadcast_in_dim3A_194 : vector<1024x1xi32> to vector<1024x1024xi32>
    %eq3A_205 = arith.cmpi eq, %select_n3A_191, %eq3A_204 : vector<1024x1024xi32>
    %jit3A_206 = arith.constant 2147483647 : i32
    %broadcast_in_dim3A_207 = vector.broadcast %jit3A_206 : i32 to vector<1024x1024xi32>
    %select_n3A_208 = arith.select %eq3A_205, %broadcast_in_dim3A_207, %select_n3A_191 : vector<1024x1024xi1>, vector<1024x1024xi32>
    %reduce_min3A_209 = arith.constant dense<2147483647> : vector<1024xi32>
    %reduce_min3A_210 = vector.multi_reduction <minsi>, %select_n3A_208, %reduce_min3A_209 [1] : vector<1024x1024xi32> to vector<1024xi32>
    %broadcast_in_dim3A_211 = vector.shape_cast %reduce_min3A_210 : vector<1024xi32> to vector<1024x1xi32>
    %and3A_212 = arith.constant 1023 : i32
    %and3A_213 = vector.broadcast %and3A_212 : i32 to vector<1024x1xi32>
    %and3A_214 = arith.andi %broadcast_in_dim3A_211, %and3A_213 : vector<1024x1xi32>
    %eq3A_215 = arith.constant 9 : i32
    %eq3A_216 = vector.broadcast %eq3A_215 : i32 to vector<1024x20xi32>
    %eq3A_217 = arith.cmpi eq, %iota3A_45, %eq3A_216 : vector<1024x20xi32>
    %broadcast_in_dim3A_218 = vector.shape_cast %and3A_214 : vector<1024x1xi32> to vector<1024x1xi32>
    %broadcast_in_dim3A_219 = vector.broadcast %broadcast_in_dim3A_218 : vector<1024x1xi32> to vector<1024x20xi32>
    %select_n3A_220 = arith.select %eq3A_217, %broadcast_in_dim3A_219, %select_n3A_203 : vector<1024x20xi1>, vector<1024x20xi32>
    %eq3A_221 = vector.broadcast %broadcast_in_dim3A_211 : vector<1024x1xi32> to vector<1024x1024xi32>
    %eq3A_222 = arith.cmpi eq, %select_n3A_208, %eq3A_221 : vector<1024x1024xi32>
    %jit3A_223 = arith.constant 2147483647 : i32
    %broadcast_in_dim3A_224 = vector.broadcast %jit3A_223 : i32 to vector<1024x1024xi32>
    %select_n3A_225 = arith.select %eq3A_222, %broadcast_in_dim3A_224, %select_n3A_208 : vector<1024x1024xi1>, vector<1024x1024xi32>
    %reduce_min3A_226 = arith.constant dense<2147483647> : vector<1024xi32>
    %reduce_min3A_227 = vector.multi_reduction <minsi>, %select_n3A_225, %reduce_min3A_226 [1] : vector<1024x1024xi32> to vector<1024xi32>
    %broadcast_in_dim3A_228 = vector.shape_cast %reduce_min3A_227 : vector<1024xi32> to vector<1024x1xi32>
    %and3A_229 = arith.constant 1023 : i32
    %and3A_230 = vector.broadcast %and3A_229 : i32 to vector<1024x1xi32>
    %and3A_231 = arith.andi %broadcast_in_dim3A_228, %and3A_230 : vector<1024x1xi32>
    %eq3A_232 = arith.constant 10 : i32
    %eq3A_233 = vector.broadcast %eq3A_232 : i32 to vector<1024x20xi32>
    %eq3A_234 = arith.cmpi eq, %iota3A_45, %eq3A_233 : vector<1024x20xi32>
    %broadcast_in_dim3A_235 = vector.shape_cast %and3A_231 : vector<1024x1xi32> to vector<1024x1xi32>
    %broadcast_in_dim3A_236 = vector.broadcast %broadcast_in_dim3A_235 : vector<1024x1xi32> to vector<1024x20xi32>
    %select_n3A_237 = arith.select %eq3A_234, %broadcast_in_dim3A_236, %select_n3A_220 : vector<1024x20xi1>, vector<1024x20xi32>
    %eq3A_238 = vector.broadcast %broadcast_in_dim3A_228 : vector<1024x1xi32> to vector<1024x1024xi32>
    %eq3A_239 = arith.cmpi eq, %select_n3A_225, %eq3A_238 : vector<1024x1024xi32>
    %jit3A_240 = arith.constant 2147483647 : i32
    %broadcast_in_dim3A_241 = vector.broadcast %jit3A_240 : i32 to vector<1024x1024xi32>
    %select_n3A_242 = arith.select %eq3A_239, %broadcast_in_dim3A_241, %select_n3A_225 : vector<1024x1024xi1>, vector<1024x1024xi32>
    %reduce_min3A_243 = arith.constant dense<2147483647> : vector<1024xi32>
    %reduce_min3A_244 = vector.multi_reduction <minsi>, %select_n3A_242, %reduce_min3A_243 [1] : vector<1024x1024xi32> to vector<1024xi32>
    %broadcast_in_dim3A_245 = vector.shape_cast %reduce_min3A_244 : vector<1024xi32> to vector<1024x1xi32>
    %and3A_246 = arith.constant 1023 : i32
    %and3A_247 = vector.broadcast %and3A_246 : i32 to vector<1024x1xi32>
    %and3A_248 = arith.andi %broadcast_in_dim3A_245, %and3A_247 : vector<1024x1xi32>
    %eq3A_249 = arith.constant 11 : i32
    %eq3A_250 = vector.broadcast %eq3A_249 : i32 to vector<1024x20xi32>
    %eq3A_251 = arith.cmpi eq, %iota3A_45, %eq3A_250 : vector<1024x20xi32>
    %broadcast_in_dim3A_252 = vector.shape_cast %and3A_248 : vector<1024x1xi32> to vector<1024x1xi32>
    %broadcast_in_dim3A_253 = vector.broadcast %broadcast_in_dim3A_252 : vector<1024x1xi32> to vector<1024x20xi32>
    %select_n3A_254 = arith.select %eq3A_251, %broadcast_in_dim3A_253, %select_n3A_237 : vector<1024x20xi1>, vector<1024x20xi32>
    %eq3A_255 = vector.broadcast %broadcast_in_dim3A_245 : vector<1024x1xi32> to vector<1024x1024xi32>
    %eq3A_256 = arith.cmpi eq, %select_n3A_242, %eq3A_255 : vector<1024x1024xi32>
    %jit3A_257 = arith.constant 2147483647 : i32
    %broadcast_in_dim3A_258 = vector.broadcast %jit3A_257 : i32 to vector<1024x1024xi32>
    %select_n3A_259 = arith.select %eq3A_256, %broadcast_in_dim3A_258, %select_n3A_242 : vector<1024x1024xi1>, vector<1024x1024xi32>
    %reduce_min3A_260 = arith.constant dense<2147483647> : vector<1024xi32>
    %reduce_min3A_261 = vector.multi_reduction <minsi>, %select_n3A_259, %reduce_min3A_260 [1] : vector<1024x1024xi32> to vector<1024xi32>
    %broadcast_in_dim3A_262 = vector.shape_cast %reduce_min3A_261 : vector<1024xi32> to vector<1024x1xi32>
    %and3A_263 = arith.constant 1023 : i32
    %and3A_264 = vector.broadcast %and3A_263 : i32 to vector<1024x1xi32>
    %and3A_265 = arith.andi %broadcast_in_dim3A_262, %and3A_264 : vector<1024x1xi32>
    %eq3A_266 = arith.constant 12 : i32
    %eq3A_267 = vector.broadcast %eq3A_266 : i32 to vector<1024x20xi32>
    %eq3A_268 = arith.cmpi eq, %iota3A_45, %eq3A_267 : vector<1024x20xi32>
    %broadcast_in_dim3A_269 = vector.shape_cast %and3A_265 : vector<1024x1xi32> to vector<1024x1xi32>
    %broadcast_in_dim3A_270 = vector.broadcast %broadcast_in_dim3A_269 : vector<1024x1xi32> to vector<1024x20xi32>
    %select_n3A_271 = arith.select %eq3A_268, %broadcast_in_dim3A_270, %select_n3A_254 : vector<1024x20xi1>, vector<1024x20xi32>
    %eq3A_272 = vector.broadcast %broadcast_in_dim3A_262 : vector<1024x1xi32> to vector<1024x1024xi32>
    %eq3A_273 = arith.cmpi eq, %select_n3A_259, %eq3A_272 : vector<1024x1024xi32>
    %jit3A_274 = arith.constant 2147483647 : i32
    %broadcast_in_dim3A_275 = vector.broadcast %jit3A_274 : i32 to vector<1024x1024xi32>
    %select_n3A_276 = arith.select %eq3A_273, %broadcast_in_dim3A_275, %select_n3A_259 : vector<1024x1024xi1>, vector<1024x1024xi32>
    %reduce_min3A_277 = arith.constant dense<2147483647> : vector<1024xi32>
    %reduce_min3A_278 = vector.multi_reduction <minsi>, %select_n3A_276, %reduce_min3A_277 [1] : vector<1024x1024xi32> to vector<1024xi32>
    %broadcast_in_dim3A_279 = vector.shape_cast %reduce_min3A_278 : vector<1024xi32> to vector<1024x1xi32>
    %and3A_280 = arith.constant 1023 : i32
    %and3A_281 = vector.broadcast %and3A_280 : i32 to vector<1024x1xi32>
    %and3A_282 = arith.andi %broadcast_in_dim3A_279, %and3A_281 : vector<1024x1xi32>
    %eq3A_283 = arith.constant 13 : i32
    %eq3A_284 = vector.broadcast %eq3A_283 : i32 to vector<1024x20xi32>
    %eq3A_285 = arith.cmpi eq, %iota3A_45, %eq3A_284 : vector<1024x20xi32>
    %broadcast_in_dim3A_286 = vector.shape_cast %and3A_282 : vector<1024x1xi32> to vector<1024x1xi32>
    %broadcast_in_dim3A_287 = vector.broadcast %broadcast_in_dim3A_286 : vector<1024x1xi32> to vector<1024x20xi32>
    %select_n3A_288 = arith.select %eq3A_285, %broadcast_in_dim3A_287, %select_n3A_271 : vector<1024x20xi1>, vector<1024x20xi32>
    %eq3A_289 = vector.broadcast %broadcast_in_dim3A_279 : vector<1024x1xi32> to vector<1024x1024xi32>
    %eq3A_290 = arith.cmpi eq, %select_n3A_276, %eq3A_289 : vector<1024x1024xi32>
    %jit3A_291 = arith.constant 2147483647 : i32
    %broadcast_in_dim3A_292 = vector.broadcast %jit3A_291 : i32 to vector<1024x1024xi32>
    %select_n3A_293 = arith.select %eq3A_290, %broadcast_in_dim3A_292, %select_n3A_276 : vector<1024x1024xi1>, vector<1024x1024xi32>
    %reduce_min3A_294 = arith.constant dense<2147483647> : vector<1024xi32>
    %reduce_min3A_295 = vector.multi_reduction <minsi>, %select_n3A_293, %reduce_min3A_294 [1] : vector<1024x1024xi32> to vector<1024xi32>
    %broadcast_in_dim3A_296 = vector.shape_cast %reduce_min3A_295 : vector<1024xi32> to vector<1024x1xi32>
    %and3A_297 = arith.constant 1023 : i32
    %and3A_298 = vector.broadcast %and3A_297 : i32 to vector<1024x1xi32>
    %and3A_299 = arith.andi %broadcast_in_dim3A_296, %and3A_298 : vector<1024x1xi32>
    %eq3A_300 = arith.constant 14 : i32
    %eq3A_301 = vector.broadcast %eq3A_300 : i32 to vector<1024x20xi32>
    %eq3A_302 = arith.cmpi eq, %iota3A_45, %eq3A_301 : vector<1024x20xi32>
    %broadcast_in_dim3A_303 = vector.shape_cast %and3A_299 : vector<1024x1xi32> to vector<1024x1xi32>
    %broadcast_in_dim3A_304 = vector.broadcast %broadcast_in_dim3A_303 : vector<1024x1xi32> to vector<1024x20xi32>
    %select_n3A_305 = arith.select %eq3A_302, %broadcast_in_dim3A_304, %select_n3A_288 : vector<1024x20xi1>, vector<1024x20xi32>
    %eq3A_306 = vector.broadcast %broadcast_in_dim3A_296 : vector<1024x1xi32> to vector<1024x1024xi32>
    %eq3A_307 = arith.cmpi eq, %select_n3A_293, %eq3A_306 : vector<1024x1024xi32>
    %jit3A_308 = arith.constant 2147483647 : i32
    %broadcast_in_dim3A_309 = vector.broadcast %jit3A_308 : i32 to vector<1024x1024xi32>
    %select_n3A_310 = arith.select %eq3A_307, %broadcast_in_dim3A_309, %select_n3A_293 : vector<1024x1024xi1>, vector<1024x1024xi32>
    %reduce_min3A_311 = arith.constant dense<2147483647> : vector<1024xi32>
    %reduce_min3A_312 = vector.multi_reduction <minsi>, %select_n3A_310, %reduce_min3A_311 [1] : vector<1024x1024xi32> to vector<1024xi32>
    %broadcast_in_dim3A_313 = vector.shape_cast %reduce_min3A_312 : vector<1024xi32> to vector<1024x1xi32>
    %and3A_314 = arith.constant 1023 : i32
    %and3A_315 = vector.broadcast %and3A_314 : i32 to vector<1024x1xi32>
    %and3A_316 = arith.andi %broadcast_in_dim3A_313, %and3A_315 : vector<1024x1xi32>
    %eq3A_317 = arith.constant 15 : i32
    %eq3A_318 = vector.broadcast %eq3A_317 : i32 to vector<1024x20xi32>
    %eq3A_319 = arith.cmpi eq, %iota3A_45, %eq3A_318 : vector<1024x20xi32>
    %broadcast_in_dim3A_320 = vector.shape_cast %and3A_316 : vector<1024x1xi32> to vector<1024x1xi32>
    %broadcast_in_dim3A_321 = vector.broadcast %broadcast_in_dim3A_320 : vector<1024x1xi32> to vector<1024x20xi32>
    %select_n3A_322 = arith.select %eq3A_319, %broadcast_in_dim3A_321, %select_n3A_305 : vector<1024x20xi1>, vector<1024x20xi32>
    %eq3A_323 = vector.broadcast %broadcast_in_dim3A_313 : vector<1024x1xi32> to vector<1024x1024xi32>
    %eq3A_324 = arith.cmpi eq, %select_n3A_310, %eq3A_323 : vector<1024x1024xi32>
    %jit3A_325 = arith.constant 2147483647 : i32
    %broadcast_in_dim3A_326 = vector.broadcast %jit3A_325 : i32 to vector<1024x1024xi32>
    %select_n3A_327 = arith.select %eq3A_324, %broadcast_in_dim3A_326, %select_n3A_310 : vector<1024x1024xi1>, vector<1024x1024xi32>
    %reduce_min3A_328 = arith.constant dense<2147483647> : vector<1024xi32>
    %reduce_min3A_329 = vector.multi_reduction <minsi>, %select_n3A_327, %reduce_min3A_328 [1] : vector<1024x1024xi32> to vector<1024xi32>
    %broadcast_in_dim3A_330 = vector.shape_cast %reduce_min3A_329 : vector<1024xi32> to vector<1024x1xi32>
    %and3A_331 = arith.constant 1023 : i32
    %and3A_332 = vector.broadcast %and3A_331 : i32 to vector<1024x1xi32>
    %and3A_333 = arith.andi %broadcast_in_dim3A_330, %and3A_332 : vector<1024x1xi32>
    %eq3A_334 = arith.constant 16 : i32
    %eq3A_335 = vector.broadcast %eq3A_334 : i32 to vector<1024x20xi32>
    %eq3A_336 = arith.cmpi eq, %iota3A_45, %eq3A_335 : vector<1024x20xi32>
    %broadcast_in_dim3A_337 = vector.shape_cast %and3A_333 : vector<1024x1xi32> to vector<1024x1xi32>
    %broadcast_in_dim3A_338 = vector.broadcast %broadcast_in_dim3A_337 : vector<1024x1xi32> to vector<1024x20xi32>
    %select_n3A_339 = arith.select %eq3A_336, %broadcast_in_dim3A_338, %select_n3A_322 : vector<1024x20xi1>, vector<1024x20xi32>
    %eq3A_340 = vector.broadcast %broadcast_in_dim3A_330 : vector<1024x1xi32> to vector<1024x1024xi32>
    %eq3A_341 = arith.cmpi eq, %select_n3A_327, %eq3A_340 : vector<1024x1024xi32>
    %jit3A_342 = arith.constant 2147483647 : i32
    %broadcast_in_dim3A_343 = vector.broadcast %jit3A_342 : i32 to vector<1024x1024xi32>
    %select_n3A_344 = arith.select %eq3A_341, %broadcast_in_dim3A_343, %select_n3A_327 : vector<1024x1024xi1>, vector<1024x1024xi32>
    %reduce_min3A_345 = arith.constant dense<2147483647> : vector<1024xi32>
    %reduce_min3A_346 = vector.multi_reduction <minsi>, %select_n3A_344, %reduce_min3A_345 [1] : vector<1024x1024xi32> to vector<1024xi32>
    %broadcast_in_dim3A_347 = vector.shape_cast %reduce_min3A_346 : vector<1024xi32> to vector<1024x1xi32>
    %and3A_348 = arith.constant 1023 : i32
    %and3A_349 = vector.broadcast %and3A_348 : i32 to vector<1024x1xi32>
    %and3A_350 = arith.andi %broadcast_in_dim3A_347, %and3A_349 : vector<1024x1xi32>
    %eq3A_351 = arith.constant 17 : i32
    %eq3A_352 = vector.broadcast %eq3A_351 : i32 to vector<1024x20xi32>
    %eq3A_353 = arith.cmpi eq, %iota3A_45, %eq3A_352 : vector<1024x20xi32>
    %broadcast_in_dim3A_354 = vector.shape_cast %and3A_350 : vector<1024x1xi32> to vector<1024x1xi32>
    %broadcast_in_dim3A_355 = vector.broadcast %broadcast_in_dim3A_354 : vector<1024x1xi32> to vector<1024x20xi32>
    %select_n3A_356 = arith.select %eq3A_353, %broadcast_in_dim3A_355, %select_n3A_339 : vector<1024x20xi1>, vector<1024x20xi32>
    %eq3A_357 = vector.broadcast %broadcast_in_dim3A_347 : vector<1024x1xi32> to vector<1024x1024xi32>
    %eq3A_358 = arith.cmpi eq, %select_n3A_344, %eq3A_357 : vector<1024x1024xi32>
    %jit3A_359 = arith.constant 2147483647 : i32
    %broadcast_in_dim3A_360 = vector.broadcast %jit3A_359 : i32 to vector<1024x1024xi32>
    %select_n3A_361 = arith.select %eq3A_358, %broadcast_in_dim3A_360, %select_n3A_344 : vector<1024x1024xi1>, vector<1024x1024xi32>
    %reduce_min3A_362 = arith.constant dense<2147483647> : vector<1024xi32>
    %reduce_min3A_363 = vector.multi_reduction <minsi>, %select_n3A_361, %reduce_min3A_362 [1] : vector<1024x1024xi32> to vector<1024xi32>
    %broadcast_in_dim3A_364 = vector.shape_cast %reduce_min3A_363 : vector<1024xi32> to vector<1024x1xi32>
    %and3A_365 = arith.constant 1023 : i32
    %and3A_366 = vector.broadcast %and3A_365 : i32 to vector<1024x1xi32>
    %and3A_367 = arith.andi %broadcast_in_dim3A_364, %and3A_366 : vector<1024x1xi32>
    %eq3A_368 = arith.constant 18 : i32
    %eq3A_369 = vector.broadcast %eq3A_368 : i32 to vector<1024x20xi32>
    %eq3A_370 = arith.cmpi eq, %iota3A_45, %eq3A_369 : vector<1024x20xi32>
    %broadcast_in_dim3A_371 = vector.shape_cast %and3A_367 : vector<1024x1xi32> to vector<1024x1xi32>
    %broadcast_in_dim3A_372 = vector.broadcast %broadcast_in_dim3A_371 : vector<1024x1xi32> to vector<1024x20xi32>
    %select_n3A_373 = arith.select %eq3A_370, %broadcast_in_dim3A_372, %select_n3A_356 : vector<1024x20xi1>, vector<1024x20xi32>
    %eq3A_374 = vector.broadcast %broadcast_in_dim3A_364 : vector<1024x1xi32> to vector<1024x1024xi32>
    %eq3A_375 = arith.cmpi eq, %select_n3A_361, %eq3A_374 : vector<1024x1024xi32>
    %jit3A_376 = arith.constant 2147483647 : i32
    %broadcast_in_dim3A_377 = vector.broadcast %jit3A_376 : i32 to vector<1024x1024xi32>
    %select_n3A_378 = arith.select %eq3A_375, %broadcast_in_dim3A_377, %select_n3A_361 : vector<1024x1024xi1>, vector<1024x1024xi32>
    %reduce_min3A_379 = arith.constant dense<2147483647> : vector<1024xi32>
    %reduce_min3A_380 = vector.multi_reduction <minsi>, %select_n3A_378, %reduce_min3A_379 [1] : vector<1024x1024xi32> to vector<1024xi32>
    %broadcast_in_dim3A_381 = vector.shape_cast %reduce_min3A_380 : vector<1024xi32> to vector<1024x1xi32>
    %and3A_382 = arith.constant 1023 : i32
    %and3A_383 = vector.broadcast %and3A_382 : i32 to vector<1024x1xi32>
    %and3A_384 = arith.andi %broadcast_in_dim3A_381, %and3A_383 : vector<1024x1xi32>
    %eq3A_385 = arith.constant 19 : i32
    %eq3A_386 = vector.broadcast %eq3A_385 : i32 to vector<1024x20xi32>
    %eq3A_387 = arith.cmpi eq, %iota3A_45, %eq3A_386 : vector<1024x20xi32>
    %broadcast_in_dim3A_388 = vector.shape_cast %and3A_384 : vector<1024x1xi32> to vector<1024x1xi32>
    %broadcast_in_dim3A_389 = vector.broadcast %broadcast_in_dim3A_388 : vector<1024x1xi32> to vector<1024x20xi32>
    %select_n3A_390 = arith.select %eq3A_387, %broadcast_in_dim3A_389, %select_n3A_373 : vector<1024x20xi1>, vector<1024x20xi32>
    %mul3A_391 = arith.constant 1024 : i32
    %mul3A_392 = arith.muli %arg0, %mul3A_391 : i32
    %add3A_393 = vector.broadcast %mul3A_392 : i32 to vector<1024x20xi32>
    %add3A_394 = arith.addi %select_n3A_390, %add3A_393 : vector<1024x20xi32>
    %swap3A_395 = arith.constant 0 : index
    %swap3A_396 = arith.constant 0 : index
    %swap3A_397 = arith.constant 0 : index
    %swap3A_398 = vector.load %arg5[%swap3A_395, %swap3A_396, %swap3A_397] : memref<1x1024x20xi32, #tpu.memory_space<vmem>>, vector<1x1024x20xi32>
    %swap3A_399 = vector.shape_cast %swap3A_398 : vector<1x1024x20xi32> to vector<1024x20xi32>
    %swap3A_400 = vector.shape_cast %add3A_394 : vector<1024x20xi32> to vector<1x1024x20xi32>
    tpu.vector_store %arg5[%swap3A_395, %swap3A_396, %swap3A_397], %swap3A_400 {strides = array<i32>} : memref<1x1024x20xi32, #tpu.memory_space<vmem>>, vector<1x1024x20xi32>,
    return
  }
  func.func @transform_0(%arg0: i32) -> (i32, i32, i32) {
    %add3A = arith.constant 8 : i32
    %add3A_0 = arith.addi %add3A, %arg0 : i32
    %c0_i32 = arith.constant 0 : i32
    %c0_i32_1 = arith.constant 0 : i32
    %c0_i32_2 = arith.constant 0 : i32
    return %add3A_0, %c0_i32, %c0_i32_1 : i32, i32, i32
  }
  func.func @transform_1(%arg0: i32) -> (i32, i32) {
    %c0_i32 = arith.constant 0 : i32
    %c0_i32_0 = arith.constant 0 : i32
    %c0_i32_1 = arith.constant 0 : i32
    return %c0_i32, %c0_i32_0 : i32, i32
  }
  func.func @transform_2(%arg0: i32) -> (i32, i32) {
    %c0_i32 = arith.constant 0 : i32
    %c0_i32_0 = arith.constant 0 : i32
    %c0_i32_1 = arith.constant 0 : i32
    return %c0_i32, %c0_i32_0 : i32, i32
  }
  func.func @transform_3(%arg0: i32) -> (i32, i32) {
    %c0_i32 = arith.constant 0 : i32
    %c0_i32_0 = arith.constant 0 : i32
    %c0_i32_1 = arith.constant 0 : i32
    return %c0_i32, %c0_i32_0 : i32, i32
  }
  func.func @transform_4(%arg0: i32) -> (i32, i32, i32) {
    %c0_i32 = arith.constant 0 : i32
    %c0_i32_0 = arith.constant 0 : i32
    %c0_i32_1 = arith.constant 0 : i32
    return %arg0, %c0_i32, %c0_i32_0 : i32, i32, i32
  }
  func.func @transform_5(%arg0: i32) -> (i32, i32, i32) {
    %c0_i32 = arith.constant 0 : i32
    %c0_i32_0 = arith.constant 0 : i32
    %c0_i32_1 = arith.constant 0 : i32
    return %arg0, %c0_i32, %c0_i32_0 : i32, i32, i32
  }
  func.func @transform_6(%arg0: i32) -> (i32, i32, i32) {
    %c0_i32 = arith.constant 0 : i32
    %c0_i32_0 = arith.constant 0 : i32
    %c0_i32_1 = arith.constant 0 : i32
    return %arg0, %c0_i32, %c0_i32_0 : i32, i32, i32
  }
}

module attributes {stable_mosaic.version = 14 : i64} {
  func.func @_nbr_max_kernel(%arg0: i32, %arg1: memref<512x2560xf32, #tpu.memory_space<vmem>>, %arg2: memref<512x64xf32, #tpu.memory_space<vmem>>, %arg3: memref<512x64xf32, #tpu.memory_space<vmem>>) attributes {dimension_semantics = [#tpu.dimension_semantics<arbitrary>], iteration_bounds = array<i64: 16>, scalar_prefetch = 0 : i64, scratch_operands = 0 : i64, tpu.core_type = #tpu.core_type<tc>, window_params = [{transform_indices = @transform_0, window_bounds = array<i64: 512, 2560>}, {transform_indices = @transform_1, window_bounds = array<i64: 512, 64>}, {transform_indices = @transform_2, window_bounds = array<i64: 512, 64>}]} {
    %get3A = arith.constant 0 : index
    %get3A_0 = arith.constant 0 : index
    %get3A_1 = vector.load %arg1[%get3A, %get3A_0] : memref<512x2560xf32, #tpu.memory_space<vmem>>, vector<512x2560xf32>
    %slice3A = vector.extract_strided_slice %get3A_1 {offsets = [0, 0], sizes = [512, 64], strides = [1, 1]} : vector<512x2560xf32> to vector<512x64xf32>
    %slice3A_2 = vector.extract_strided_slice %get3A_1 {offsets = [0, 128], sizes = [512, 64], strides = [1, 1]} : vector<512x2560xf32> to vector<512x64xf32>
    %max3A = arith.maximumf %slice3A, %slice3A_2 : vector<512x64xf32>
    %slice3A_3 = vector.extract_strided_slice %get3A_1 {offsets = [0, 256], sizes = [512, 64], strides = [1, 1]} : vector<512x2560xf32> to vector<512x64xf32>
    %max3A_4 = arith.maximumf %max3A, %slice3A_3 : vector<512x64xf32>
    %slice3A_5 = vector.extract_strided_slice %get3A_1 {offsets = [0, 384], sizes = [512, 64], strides = [1, 1]} : vector<512x2560xf32> to vector<512x64xf32>
    %max3A_6 = arith.maximumf %max3A_4, %slice3A_5 : vector<512x64xf32>
    %slice3A_7 = vector.extract_strided_slice %get3A_1 {offsets = [0, 512], sizes = [512, 64], strides = [1, 1]} : vector<512x2560xf32> to vector<512x64xf32>
    %max3A_8 = arith.maximumf %max3A_6, %slice3A_7 : vector<512x64xf32>
    %slice3A_9 = vector.extract_strided_slice %get3A_1 {offsets = [0, 640], sizes = [512, 64], strides = [1, 1]} : vector<512x2560xf32> to vector<512x64xf32>
    %max3A_10 = arith.maximumf %max3A_8, %slice3A_9 : vector<512x64xf32>
    %slice3A_11 = vector.extract_strided_slice %get3A_1 {offsets = [0, 768], sizes = [512, 64], strides = [1, 1]} : vector<512x2560xf32> to vector<512x64xf32>
    %max3A_12 = arith.maximumf %max3A_10, %slice3A_11 : vector<512x64xf32>
    %slice3A_13 = vector.extract_strided_slice %get3A_1 {offsets = [0, 896], sizes = [512, 64], strides = [1, 1]} : vector<512x2560xf32> to vector<512x64xf32>
    %max3A_14 = arith.maximumf %max3A_12, %slice3A_13 : vector<512x64xf32>
    %slice3A_15 = vector.extract_strided_slice %get3A_1 {offsets = [0, 1024], sizes = [512, 64], strides = [1, 1]} : vector<512x2560xf32> to vector<512x64xf32>
    %max3A_16 = arith.maximumf %max3A_14, %slice3A_15 : vector<512x64xf32>
    %slice3A_17 = vector.extract_strided_slice %get3A_1 {offsets = [0, 1152], sizes = [512, 64], strides = [1, 1]} : vector<512x2560xf32> to vector<512x64xf32>
    %max3A_18 = arith.maximumf %max3A_16, %slice3A_17 : vector<512x64xf32>
    %slice3A_19 = vector.extract_strided_slice %get3A_1 {offsets = [0, 1280], sizes = [512, 64], strides = [1, 1]} : vector<512x2560xf32> to vector<512x64xf32>
    %max3A_20 = arith.maximumf %max3A_18, %slice3A_19 : vector<512x64xf32>
    %slice3A_21 = vector.extract_strided_slice %get3A_1 {offsets = [0, 1408], sizes = [512, 64], strides = [1, 1]} : vector<512x2560xf32> to vector<512x64xf32>
    %max3A_22 = arith.maximumf %max3A_20, %slice3A_21 : vector<512x64xf32>
    %slice3A_23 = vector.extract_strided_slice %get3A_1 {offsets = [0, 1536], sizes = [512, 64], strides = [1, 1]} : vector<512x2560xf32> to vector<512x64xf32>
    %max3A_24 = arith.maximumf %max3A_22, %slice3A_23 : vector<512x64xf32>
    %slice3A_25 = vector.extract_strided_slice %get3A_1 {offsets = [0, 1664], sizes = [512, 64], strides = [1, 1]} : vector<512x2560xf32> to vector<512x64xf32>
    %max3A_26 = arith.maximumf %max3A_24, %slice3A_25 : vector<512x64xf32>
    %slice3A_27 = vector.extract_strided_slice %get3A_1 {offsets = [0, 1792], sizes = [512, 64], strides = [1, 1]} : vector<512x2560xf32> to vector<512x64xf32>
    %max3A_28 = arith.maximumf %max3A_26, %slice3A_27 : vector<512x64xf32>
    %slice3A_29 = vector.extract_strided_slice %get3A_1 {offsets = [0, 1920], sizes = [512, 64], strides = [1, 1]} : vector<512x2560xf32> to vector<512x64xf32>
    %max3A_30 = arith.maximumf %max3A_28, %slice3A_29 : vector<512x64xf32>
    %slice3A_31 = vector.extract_strided_slice %get3A_1 {offsets = [0, 2048], sizes = [512, 64], strides = [1, 1]} : vector<512x2560xf32> to vector<512x64xf32>
    %max3A_32 = arith.maximumf %max3A_30, %slice3A_31 : vector<512x64xf32>
    %slice3A_33 = vector.extract_strided_slice %get3A_1 {offsets = [0, 2176], sizes = [512, 64], strides = [1, 1]} : vector<512x2560xf32> to vector<512x64xf32>
    %max3A_34 = arith.maximumf %max3A_32, %slice3A_33 : vector<512x64xf32>
    %slice3A_35 = vector.extract_strided_slice %get3A_1 {offsets = [0, 2304], sizes = [512, 64], strides = [1, 1]} : vector<512x2560xf32> to vector<512x64xf32>
    %max3A_36 = arith.maximumf %max3A_34, %slice3A_35 : vector<512x64xf32>
    %slice3A_37 = vector.extract_strided_slice %get3A_1 {offsets = [0, 2432], sizes = [512, 64], strides = [1, 1]} : vector<512x2560xf32> to vector<512x64xf32>
    %max3A_38 = arith.maximumf %max3A_36, %slice3A_37 : vector<512x64xf32>
    %get3A_39 = arith.constant 0 : index
    %get3A_40 = arith.constant 0 : index
    %get3A_41 = vector.load %arg2[%get3A_39, %get3A_40] : memref<512x64xf32, #tpu.memory_space<vmem>>, vector<512x64xf32>
    %add3A = arith.addf %max3A_38, %get3A_41 : vector<512x64xf32>
    %swap3A = arith.constant 0 : index
    %swap3A_42 = arith.constant 0 : index
    %swap3A_43 = vector.load %arg3[%swap3A, %swap3A_42] : memref<512x64xf32, #tpu.memory_space<vmem>>, vector<512x64xf32>
    tpu.vector_store %arg3[%swap3A, %swap3A_42], %add3A {strides = array<i32>} : memref<512x64xf32, #tpu.memory_space<vmem>>, vector<512x64xf32>,
    return
  }
  func.func @transform_0(%arg0: i32) -> (i32, i32) {
    %c0_i32 = arith.constant 0 : i32
    %c0_i32_0 = arith.constant 0 : i32
    return %arg0, %c0_i32 : i32, i32
  }
  func.func @transform_1(%arg0: i32) -> (i32, i32) {
    %c0_i32 = arith.constant 0 : i32
    %c0_i32_0 = arith.constant 0 : i32
    return %arg0, %c0_i32 : i32, i32
  }
  func.func @transform_2(%arg0: i32) -> (i32, i32) {
    %c0_i32 = arith.constant 0 : i32
    %c0_i32_0 = arith.constant 0 : i32
    return %arg0, %c0_i32 : i32, i32
  }
}

module attributes {stable_mosaic.version = 14 : i64} {
  func.func @_edge_topk_kernel(%arg0: i32, %arg1: memref<1x1024x64xf32, #tpu.memory_space<vmem>>, %arg2: memref<64x128xf32, #tpu.memory_space<vmem>>, %arg3: memref<64x128xf32, #tpu.memory_space<vmem>>, %arg4: memref<1x128xf32, #tpu.memory_space<vmem>>, %arg5: memref<1x1024x20xi32, #tpu.memory_space<vmem>>, %arg6: memref<1x1024x128xf32, #tpu.memory_space<vmem>>, %arg7: memref<1x1024x128xf32, #tpu.memory_space<vmem>>) attributes {dimension_semantics = [#tpu.dimension_semantics<arbitrary>], iteration_bounds = array<i64: 8>, scalar_prefetch = 0 : i64, scratch_operands = 0 : i64, tpu.core_type = #tpu.core_type<tc>, window_params = [{transform_indices = @transform_0, window_bounds = array<i64: 1, 1024, 64>}, {pipeline_mode = #tpu.pipeline_mode<synchronous>, transform_indices = @transform_1, window_bounds = array<i64: 64, 128>}, {pipeline_mode = #tpu.pipeline_mode<synchronous>, transform_indices = @transform_2, window_bounds = array<i64: 64, 128>}, {pipeline_mode = #tpu.pipeline_mode<synchronous>, transform_indices = @transform_3, window_bounds = array<i64: 1, 128>}, {transform_indices = @transform_4, window_bounds = array<i64: 1, 1024, 20>}, {transform_indices = @transform_5, window_bounds = array<i64: 1, 1024, 128>}, {transform_indices = @transform_6, window_bounds = array<i64: 1, 1024, 128>}]} {
    %get3A = arith.constant 0 : index
    %get3A_0 = arith.constant 0 : index
    %get3A_1 = arith.constant 0 : index
    %get3A_2 = vector.load %arg1[%get3A, %get3A_0, %get3A_1] : memref<1x1024x64xf32, #tpu.memory_space<vmem>>, vector<1x1024x64xf32>
    %get3A_3 = vector.shape_cast %get3A_2 : vector<1x1024x64xf32> to vector<1024x64xf32>
    %mul3A = arith.mulf %get3A_3, %get3A_3 : vector<1024x64xf32>
    %reduce_sum3A = arith.constant dense<0.000000e+00> : vector<1024xf32>
    %reduce_sum3A_4 = vector.multi_reduction <add>, %mul3A, %reduce_sum3A [1] : vector<1024x64xf32> to vector<1024xf32>
    %broadcast_in_dim3A = vector.shape_cast %reduce_sum3A_4 : vector<1024xf32> to vector<1024x1xf32>
    %dot_general3A = arith.constant dense<0.000000e+00> : vector<1024x1024xf32>
    %dot_general3A_5 = tpu.matmul %get3A_3, %get3A_3, %dot_general3A {dimension_numbers = #tpu.dot_dimension_numbers<[1], [1], [0], [0], [0, 0, 1, 0], [], []>, transpose_lhs_hint = false} : vector<1024x64xf32>, vector<1024x64xf32>, vector<1024x1024xf32> -> vector<1024x1024xf32>
    %broadcast_in_dim3A_6 = arith.constant 1.000000e+00 : f32
    %broadcast_in_dim3A_7 = vector.broadcast %broadcast_in_dim3A_6 : f32 to vector<1x64xf32>
    %mul3A_8 = arith.mulf %get3A_3, %get3A_3 : vector<1024x64xf32>
    %dot_general3A_9 = arith.constant dense<0.000000e+00> : vector<1x1024xf32>
    %dot_general3A_10 = tpu.matmul %broadcast_in_dim3A_7, %mul3A_8, %dot_general3A_9 {dimension_numbers = #tpu.dot_dimension_numbers<[1], [1], [0], [0], [0, 0, 1, 0], [], []>, transpose_lhs_hint = false} : vector<1x64xf32>, vector<1024x64xf32>, vector<1x1024xf32> -> vector<1x1024xf32>
    %add3A = vector.broadcast %broadcast_in_dim3A : vector<1024x1xf32> to vector<1024x1024xf32>
    %add3A_11 = vector.broadcast %dot_general3A_10 : vector<1x1024xf32> to vector<1024x1024xf32>
    %add3A_12 = arith.addf %add3A, %add3A_11 : vector<1024x1024xf32>
    %mul3A_13 = arith.constant 2.000000e+00 : f32
    %mul3A_14 = vector.broadcast %mul3A_13 : f32 to vector<1024x1024xf32>
    %mul3A_15 = arith.mulf %mul3A_14, %dot_general3A_5 : vector<1024x1024xf32>
    %sub3A = arith.subf %add3A_12, %mul3A_15 : vector<1024x1024xf32>
    %get3A_16 = arith.constant 0 : index
    %get3A_17 = arith.constant 0 : index
    %get3A_18 = vector.load %arg3[%get3A_16, %get3A_17] : memref<64x128xf32, #tpu.memory_space<vmem>>, vector<64x128xf32>
    %dot_general3A_19 = arith.constant dense<0.000000e+00> : vector<1024x128xf32>
    %dot_general3A_20 = tpu.matmul %get3A_3, %get3A_18, %dot_general3A_19 {dimension_numbers = #tpu.dot_dimension_numbers<[1], [0], [0], [1], [0, 0, 1, 1], [], []>, transpose_lhs_hint = false} : vector<1024x64xf32>, vector<64x128xf32>, vector<1024x128xf32> -> vector<1024x128xf32>
    %swap3A = arith.constant 0 : index
    %swap3A_21 = arith.constant 0 : index
    %swap3A_22 = arith.constant 0 : index
    %swap3A_23 = vector.load %arg6[%swap3A, %swap3A_21, %swap3A_22] : memref<1x1024x128xf32, #tpu.memory_space<vmem>>, vector<1x1024x128xf32>
    %swap3A_24 = vector.shape_cast %swap3A_23 : vector<1x1024x128xf32> to vector<1024x128xf32>
    %swap3A_25 = vector.shape_cast %dot_general3A_20 : vector<1024x128xf32> to vector<1x1024x128xf32>
    tpu.vector_store %arg6[%swap3A, %swap3A_21, %swap3A_22], %swap3A_25 {strides = array<i32>} : memref<1x1024x128xf32, #tpu.memory_space<vmem>>, vector<1x1024x128xf32>,
    %get3A_26 = arith.constant 0 : index
    %get3A_27 = arith.constant 0 : index
    %get3A_28 = vector.load %arg2[%get3A_26, %get3A_27] : memref<64x128xf32, #tpu.memory_space<vmem>>, vector<64x128xf32>
    %sub3A_29 = arith.subf %get3A_28, %get3A_18 : vector<64x128xf32>
    %dot_general3A_30 = arith.constant dense<0.000000e+00> : vector<1024x128xf32>
    %dot_general3A_31 = tpu.matmul %get3A_3, %sub3A_29, %dot_general3A_30 {dimension_numbers = #tpu.dot_dimension_numbers<[1], [0], [0], [1], [0, 0, 1, 1], [], []>, transpose_lhs_hint = false} : vector<1024x64xf32>, vector<64x128xf32>, vector<1024x128xf32> -> vector<1024x128xf32>
    %get3A_32 = arith.constant 0 : index
    %get3A_33 = arith.constant 0 : index
    %get3A_34 = vector.load %arg4[%get3A_32, %get3A_33] : memref<1x128xf32, #tpu.memory_space<vmem>>, vector<1x128xf32>
    %add3A_35 = vector.broadcast %get3A_34 : vector<1x128xf32> to vector<1024x128xf32>
    %add3A_36 = arith.addf %dot_general3A_31, %add3A_35 : vector<1024x128xf32>
    %swap3A_37 = arith.constant 0 : index
    %swap3A_38 = arith.constant 0 : index
    %swap3A_39 = arith.constant 0 : index
    %swap3A_40 = vector.load %arg7[%swap3A_37, %swap3A_38, %swap3A_39] : memref<1x1024x128xf32, #tpu.memory_space<vmem>>, vector<1x1024x128xf32>
    %swap3A_41 = vector.shape_cast %swap3A_40 : vector<1x1024x128xf32> to vector<1024x128xf32>
    %swap3A_42 = vector.shape_cast %add3A_36 : vector<1024x128xf32> to vector<1x1024x128xf32>
    tpu.vector_store %arg7[%swap3A_37, %swap3A_38, %swap3A_39], %swap3A_42 {strides = array<i32>} : memref<1x1024x128xf32, #tpu.memory_space<vmem>>, vector<1x1024x128xf32>,
    %iota3A = tpu.iota {dimensions = array<i32: 1>} : vector<1024x1024xi32>
    %iota3A_43 = tpu.iota {dimensions = array<i32: 1>} : vector<1024x20xi32>
    %min3A = arith.constant 2.540000e+02 : f32
    %min3A_44 = vector.broadcast %min3A : f32 to vector<1024x1024xf32>
    %min3A_45 = arith.minimumf %sub3A, %min3A_44 : vector<1024x1024xf32>
    %add3A_46 = arith.constant 1.000000e+00 : f32
    %add3A_47 = vector.broadcast %add3A_46 : f32 to vector<1024x1024xf32>
    %add3A_48 = arith.addf %min3A_45, %add3A_47 : vector<1024x1024xf32>
    %bitcast_convert_type3A = tpu.bitcast %add3A_48 : vector<1024x1024xf32> -> vector<1024x1024xi32>
    %sub3A_49 = arith.constant 1065353216 : i32
    %sub3A_50 = vector.broadcast %sub3A_49 : i32 to vector<1024x1024xi32>
    %sub3A_51 = arith.subi %bitcast_convert_type3A, %sub3A_50 : vector<1024x1024xi32>
    %shift_left3A = arith.constant 4 : i32
    %shift_left3A_52 = vector.broadcast %shift_left3A : i32 to vector<1024x1024xi32>
    %shift_left3A_53 = arith.shli %sub3A_51, %shift_left3A_52 : vector<1024x1024xi32>
    %and3A = arith.constant -1024 : i32
    %and3A_54 = vector.broadcast %and3A : i32 to vector<1024x1024xi32>
    %and3A_55 = arith.andi %shift_left3A_53, %and3A_54 : vector<1024x1024xi32>
    %or3A = arith.ori %and3A_55, %iota3A : vector<1024x1024xi32>
    %broadcast_in_dim3A_56 = arith.constant 0 : i32
    %broadcast_in_dim3A_57 = vector.broadcast %broadcast_in_dim3A_56 : i32 to vector<1024x20xi32>
    %reduce_min3A = arith.constant dense<2147483647> : vector<1024xi32>
    %reduce_min3A_58 = vector.multi_reduction <minsi>, %or3A, %reduce_min3A [1] : vector<1024x1024xi32> to vector<1024xi32>
    %broadcast_in_dim3A_59 = vector.shape_cast %reduce_min3A_58 : vector<1024xi32> to vector<1024x1xi32>
    %and3A_60 = arith.constant 1023 : i32
    %and3A_61 = vector.broadcast %and3A_60 : i32 to vector<1024x1xi32>
    %and3A_62 = arith.andi %broadcast_in_dim3A_59, %and3A_61 : vector<1024x1xi32>
    %eq3A = arith.constant 0 : i32
    %eq3A_63 = vector.broadcast %eq3A : i32 to vector<1024x20xi32>
    %eq3A_64 = arith.cmpi eq, %iota3A_43, %eq3A_63 : vector<1024x20xi32>
    %broadcast_in_dim3A_65 = vector.shape_cast %and3A_62 : vector<1024x1xi32> to vector<1024x1xi32>
    %broadcast_in_dim3A_66 = vector.broadcast %broadcast_in_dim3A_65 : vector<1024x1xi32> to vector<1024x20xi32>
    %select_n3A = arith.select %eq3A_64, %broadcast_in_dim3A_66, %broadcast_in_dim3A_57 : vector<1024x20xi1>, vector<1024x20xi32>
    %eq3A_67 = vector.broadcast %broadcast_in_dim3A_59 : vector<1024x1xi32> to vector<1024x1024xi32>
    %eq3A_68 = arith.cmpi eq, %or3A, %eq3A_67 : vector<1024x1024xi32>
    %jit3A = arith.constant 2147483647 : i32
    %broadcast_in_dim3A_69 = vector.broadcast %jit3A : i32 to vector<1024x1024xi32>
    %select_n3A_70 = arith.select %eq3A_68, %broadcast_in_dim3A_69, %or3A : vector<1024x1024xi1>, vector<1024x1024xi32>
    %reduce_min3A_71 = arith.constant dense<2147483647> : vector<1024xi32>
    %reduce_min3A_72 = vector.multi_reduction <minsi>, %select_n3A_70, %reduce_min3A_71 [1] : vector<1024x1024xi32> to vector<1024xi32>
    %broadcast_in_dim3A_73 = vector.shape_cast %reduce_min3A_72 : vector<1024xi32> to vector<1024x1xi32>
    %and3A_74 = arith.constant 1023 : i32
    %and3A_75 = vector.broadcast %and3A_74 : i32 to vector<1024x1xi32>
    %and3A_76 = arith.andi %broadcast_in_dim3A_73, %and3A_75 : vector<1024x1xi32>
    %eq3A_77 = arith.constant 1 : i32
    %eq3A_78 = vector.broadcast %eq3A_77 : i32 to vector<1024x20xi32>
    %eq3A_79 = arith.cmpi eq, %iota3A_43, %eq3A_78 : vector<1024x20xi32>
    %broadcast_in_dim3A_80 = vector.shape_cast %and3A_76 : vector<1024x1xi32> to vector<1024x1xi32>
    %broadcast_in_dim3A_81 = vector.broadcast %broadcast_in_dim3A_80 : vector<1024x1xi32> to vector<1024x20xi32>
    %select_n3A_82 = arith.select %eq3A_79, %broadcast_in_dim3A_81, %select_n3A : vector<1024x20xi1>, vector<1024x20xi32>
    %eq3A_83 = vector.broadcast %broadcast_in_dim3A_73 : vector<1024x1xi32> to vector<1024x1024xi32>
    %eq3A_84 = arith.cmpi eq, %select_n3A_70, %eq3A_83 : vector<1024x1024xi32>
    %jit3A_85 = arith.constant 2147483647 : i32
    %broadcast_in_dim3A_86 = vector.broadcast %jit3A_85 : i32 to vector<1024x1024xi32>
    %select_n3A_87 = arith.select %eq3A_84, %broadcast_in_dim3A_86, %select_n3A_70 : vector<1024x1024xi1>, vector<1024x1024xi32>
    %reduce_min3A_88 = arith.constant dense<2147483647> : vector<1024xi32>
    %reduce_min3A_89 = vector.multi_reduction <minsi>, %select_n3A_87, %reduce_min3A_88 [1] : vector<1024x1024xi32> to vector<1024xi32>
    %broadcast_in_dim3A_90 = vector.shape_cast %reduce_min3A_89 : vector<1024xi32> to vector<1024x1xi32>
    %and3A_91 = arith.constant 1023 : i32
    %and3A_92 = vector.broadcast %and3A_91 : i32 to vector<1024x1xi32>
    %and3A_93 = arith.andi %broadcast_in_dim3A_90, %and3A_92 : vector<1024x1xi32>
    %eq3A_94 = arith.constant 2 : i32
    %eq3A_95 = vector.broadcast %eq3A_94 : i32 to vector<1024x20xi32>
    %eq3A_96 = arith.cmpi eq, %iota3A_43, %eq3A_95 : vector<1024x20xi32>
    %broadcast_in_dim3A_97 = vector.shape_cast %and3A_93 : vector<1024x1xi32> to vector<1024x1xi32>
    %broadcast_in_dim3A_98 = vector.broadcast %broadcast_in_dim3A_97 : vector<1024x1xi32> to vector<1024x20xi32>
    %select_n3A_99 = arith.select %eq3A_96, %broadcast_in_dim3A_98, %select_n3A_82 : vector<1024x20xi1>, vector<1024x20xi32>
    %eq3A_100 = vector.broadcast %broadcast_in_dim3A_90 : vector<1024x1xi32> to vector<1024x1024xi32>
    %eq3A_101 = arith.cmpi eq, %select_n3A_87, %eq3A_100 : vector<1024x1024xi32>
    %jit3A_102 = arith.constant 2147483647 : i32
    %broadcast_in_dim3A_103 = vector.broadcast %jit3A_102 : i32 to vector<1024x1024xi32>
    %select_n3A_104 = arith.select %eq3A_101, %broadcast_in_dim3A_103, %select_n3A_87 : vector<1024x1024xi1>, vector<1024x1024xi32>
    %reduce_min3A_105 = arith.constant dense<2147483647> : vector<1024xi32>
    %reduce_min3A_106 = vector.multi_reduction <minsi>, %select_n3A_104, %reduce_min3A_105 [1] : vector<1024x1024xi32> to vector<1024xi32>
    %broadcast_in_dim3A_107 = vector.shape_cast %reduce_min3A_106 : vector<1024xi32> to vector<1024x1xi32>
    %and3A_108 = arith.constant 1023 : i32
    %and3A_109 = vector.broadcast %and3A_108 : i32 to vector<1024x1xi32>
    %and3A_110 = arith.andi %broadcast_in_dim3A_107, %and3A_109 : vector<1024x1xi32>
    %eq3A_111 = arith.constant 3 : i32
    %eq3A_112 = vector.broadcast %eq3A_111 : i32 to vector<1024x20xi32>
    %eq3A_113 = arith.cmpi eq, %iota3A_43, %eq3A_112 : vector<1024x20xi32>
    %broadcast_in_dim3A_114 = vector.shape_cast %and3A_110 : vector<1024x1xi32> to vector<1024x1xi32>
    %broadcast_in_dim3A_115 = vector.broadcast %broadcast_in_dim3A_114 : vector<1024x1xi32> to vector<1024x20xi32>
    %select_n3A_116 = arith.select %eq3A_113, %broadcast_in_dim3A_115, %select_n3A_99 : vector<1024x20xi1>, vector<1024x20xi32>
    %eq3A_117 = vector.broadcast %broadcast_in_dim3A_107 : vector<1024x1xi32> to vector<1024x1024xi32>
    %eq3A_118 = arith.cmpi eq, %select_n3A_104, %eq3A_117 : vector<1024x1024xi32>
    %jit3A_119 = arith.constant 2147483647 : i32
    %broadcast_in_dim3A_120 = vector.broadcast %jit3A_119 : i32 to vector<1024x1024xi32>
    %select_n3A_121 = arith.select %eq3A_118, %broadcast_in_dim3A_120, %select_n3A_104 : vector<1024x1024xi1>, vector<1024x1024xi32>
    %reduce_min3A_122 = arith.constant dense<2147483647> : vector<1024xi32>
    %reduce_min3A_123 = vector.multi_reduction <minsi>, %select_n3A_121, %reduce_min3A_122 [1] : vector<1024x1024xi32> to vector<1024xi32>
    %broadcast_in_dim3A_124 = vector.shape_cast %reduce_min3A_123 : vector<1024xi32> to vector<1024x1xi32>
    %and3A_125 = arith.constant 1023 : i32
    %and3A_126 = vector.broadcast %and3A_125 : i32 to vector<1024x1xi32>
    %and3A_127 = arith.andi %broadcast_in_dim3A_124, %and3A_126 : vector<1024x1xi32>
    %eq3A_128 = arith.constant 4 : i32
    %eq3A_129 = vector.broadcast %eq3A_128 : i32 to vector<1024x20xi32>
    %eq3A_130 = arith.cmpi eq, %iota3A_43, %eq3A_129 : vector<1024x20xi32>
    %broadcast_in_dim3A_131 = vector.shape_cast %and3A_127 : vector<1024x1xi32> to vector<1024x1xi32>
    %broadcast_in_dim3A_132 = vector.broadcast %broadcast_in_dim3A_131 : vector<1024x1xi32> to vector<1024x20xi32>
    %select_n3A_133 = arith.select %eq3A_130, %broadcast_in_dim3A_132, %select_n3A_116 : vector<1024x20xi1>, vector<1024x20xi32>
    %eq3A_134 = vector.broadcast %broadcast_in_dim3A_124 : vector<1024x1xi32> to vector<1024x1024xi32>
    %eq3A_135 = arith.cmpi eq, %select_n3A_121, %eq3A_134 : vector<1024x1024xi32>
    %jit3A_136 = arith.constant 2147483647 : i32
    %broadcast_in_dim3A_137 = vector.broadcast %jit3A_136 : i32 to vector<1024x1024xi32>
    %select_n3A_138 = arith.select %eq3A_135, %broadcast_in_dim3A_137, %select_n3A_121 : vector<1024x1024xi1>, vector<1024x1024xi32>
    %reduce_min3A_139 = arith.constant dense<2147483647> : vector<1024xi32>
    %reduce_min3A_140 = vector.multi_reduction <minsi>, %select_n3A_138, %reduce_min3A_139 [1] : vector<1024x1024xi32> to vector<1024xi32>
    %broadcast_in_dim3A_141 = vector.shape_cast %reduce_min3A_140 : vector<1024xi32> to vector<1024x1xi32>
    %and3A_142 = arith.constant 1023 : i32
    %and3A_143 = vector.broadcast %and3A_142 : i32 to vector<1024x1xi32>
    %and3A_144 = arith.andi %broadcast_in_dim3A_141, %and3A_143 : vector<1024x1xi32>
    %eq3A_145 = arith.constant 5 : i32
    %eq3A_146 = vector.broadcast %eq3A_145 : i32 to vector<1024x20xi32>
    %eq3A_147 = arith.cmpi eq, %iota3A_43, %eq3A_146 : vector<1024x20xi32>
    %broadcast_in_dim3A_148 = vector.shape_cast %and3A_144 : vector<1024x1xi32> to vector<1024x1xi32>
    %broadcast_in_dim3A_149 = vector.broadcast %broadcast_in_dim3A_148 : vector<1024x1xi32> to vector<1024x20xi32>
    %select_n3A_150 = arith.select %eq3A_147, %broadcast_in_dim3A_149, %select_n3A_133 : vector<1024x20xi1>, vector<1024x20xi32>
    %eq3A_151 = vector.broadcast %broadcast_in_dim3A_141 : vector<1024x1xi32> to vector<1024x1024xi32>
    %eq3A_152 = arith.cmpi eq, %select_n3A_138, %eq3A_151 : vector<1024x1024xi32>
    %jit3A_153 = arith.constant 2147483647 : i32
    %broadcast_in_dim3A_154 = vector.broadcast %jit3A_153 : i32 to vector<1024x1024xi32>
    %select_n3A_155 = arith.select %eq3A_152, %broadcast_in_dim3A_154, %select_n3A_138 : vector<1024x1024xi1>, vector<1024x1024xi32>
    %reduce_min3A_156 = arith.constant dense<2147483647> : vector<1024xi32>
    %reduce_min3A_157 = vector.multi_reduction <minsi>, %select_n3A_155, %reduce_min3A_156 [1] : vector<1024x1024xi32> to vector<1024xi32>
    %broadcast_in_dim3A_158 = vector.shape_cast %reduce_min3A_157 : vector<1024xi32> to vector<1024x1xi32>
    %and3A_159 = arith.constant 1023 : i32
    %and3A_160 = vector.broadcast %and3A_159 : i32 to vector<1024x1xi32>
    %and3A_161 = arith.andi %broadcast_in_dim3A_158, %and3A_160 : vector<1024x1xi32>
    %eq3A_162 = arith.constant 6 : i32
    %eq3A_163 = vector.broadcast %eq3A_162 : i32 to vector<1024x20xi32>
    %eq3A_164 = arith.cmpi eq, %iota3A_43, %eq3A_163 : vector<1024x20xi32>
    %broadcast_in_dim3A_165 = vector.shape_cast %and3A_161 : vector<1024x1xi32> to vector<1024x1xi32>
    %broadcast_in_dim3A_166 = vector.broadcast %broadcast_in_dim3A_165 : vector<1024x1xi32> to vector<1024x20xi32>
    %select_n3A_167 = arith.select %eq3A_164, %broadcast_in_dim3A_166, %select_n3A_150 : vector<1024x20xi1>, vector<1024x20xi32>
    %eq3A_168 = vector.broadcast %broadcast_in_dim3A_158 : vector<1024x1xi32> to vector<1024x1024xi32>
    %eq3A_169 = arith.cmpi eq, %select_n3A_155, %eq3A_168 : vector<1024x1024xi32>
    %jit3A_170 = arith.constant 2147483647 : i32
    %broadcast_in_dim3A_171 = vector.broadcast %jit3A_170 : i32 to vector<1024x1024xi32>
    %select_n3A_172 = arith.select %eq3A_169, %broadcast_in_dim3A_171, %select_n3A_155 : vector<1024x1024xi1>, vector<1024x1024xi32>
    %reduce_min3A_173 = arith.constant dense<2147483647> : vector<1024xi32>
    %reduce_min3A_174 = vector.multi_reduction <minsi>, %select_n3A_172, %reduce_min3A_173 [1] : vector<1024x1024xi32> to vector<1024xi32>
    %broadcast_in_dim3A_175 = vector.shape_cast %reduce_min3A_174 : vector<1024xi32> to vector<1024x1xi32>
    %and3A_176 = arith.constant 1023 : i32
    %and3A_177 = vector.broadcast %and3A_176 : i32 to vector<1024x1xi32>
    %and3A_178 = arith.andi %broadcast_in_dim3A_175, %and3A_177 : vector<1024x1xi32>
    %eq3A_179 = arith.constant 7 : i32
    %eq3A_180 = vector.broadcast %eq3A_179 : i32 to vector<1024x20xi32>
    %eq3A_181 = arith.cmpi eq, %iota3A_43, %eq3A_180 : vector<1024x20xi32>
    %broadcast_in_dim3A_182 = vector.shape_cast %and3A_178 : vector<1024x1xi32> to vector<1024x1xi32>
    %broadcast_in_dim3A_183 = vector.broadcast %broadcast_in_dim3A_182 : vector<1024x1xi32> to vector<1024x20xi32>
    %select_n3A_184 = arith.select %eq3A_181, %broadcast_in_dim3A_183, %select_n3A_167 : vector<1024x20xi1>, vector<1024x20xi32>
    %eq3A_185 = vector.broadcast %broadcast_in_dim3A_175 : vector<1024x1xi32> to vector<1024x1024xi32>
    %eq3A_186 = arith.cmpi eq, %select_n3A_172, %eq3A_185 : vector<1024x1024xi32>
    %jit3A_187 = arith.constant 2147483647 : i32
    %broadcast_in_dim3A_188 = vector.broadcast %jit3A_187 : i32 to vector<1024x1024xi32>
    %select_n3A_189 = arith.select %eq3A_186, %broadcast_in_dim3A_188, %select_n3A_172 : vector<1024x1024xi1>, vector<1024x1024xi32>
    %reduce_min3A_190 = arith.constant dense<2147483647> : vector<1024xi32>
    %reduce_min3A_191 = vector.multi_reduction <minsi>, %select_n3A_189, %reduce_min3A_190 [1] : vector<1024x1024xi32> to vector<1024xi32>
    %broadcast_in_dim3A_192 = vector.shape_cast %reduce_min3A_191 : vector<1024xi32> to vector<1024x1xi32>
    %and3A_193 = arith.constant 1023 : i32
    %and3A_194 = vector.broadcast %and3A_193 : i32 to vector<1024x1xi32>
    %and3A_195 = arith.andi %broadcast_in_dim3A_192, %and3A_194 : vector<1024x1xi32>
    %eq3A_196 = arith.constant 8 : i32
    %eq3A_197 = vector.broadcast %eq3A_196 : i32 to vector<1024x20xi32>
    %eq3A_198 = arith.cmpi eq, %iota3A_43, %eq3A_197 : vector<1024x20xi32>
    %broadcast_in_dim3A_199 = vector.shape_cast %and3A_195 : vector<1024x1xi32> to vector<1024x1xi32>
    %broadcast_in_dim3A_200 = vector.broadcast %broadcast_in_dim3A_199 : vector<1024x1xi32> to vector<1024x20xi32>
    %select_n3A_201 = arith.select %eq3A_198, %broadcast_in_dim3A_200, %select_n3A_184 : vector<1024x20xi1>, vector<1024x20xi32>
    %eq3A_202 = vector.broadcast %broadcast_in_dim3A_192 : vector<1024x1xi32> to vector<1024x1024xi32>
    %eq3A_203 = arith.cmpi eq, %select_n3A_189, %eq3A_202 : vector<1024x1024xi32>
    %jit3A_204 = arith.constant 2147483647 : i32
    %broadcast_in_dim3A_205 = vector.broadcast %jit3A_204 : i32 to vector<1024x1024xi32>
    %select_n3A_206 = arith.select %eq3A_203, %broadcast_in_dim3A_205, %select_n3A_189 : vector<1024x1024xi1>, vector<1024x1024xi32>
    %reduce_min3A_207 = arith.constant dense<2147483647> : vector<1024xi32>
    %reduce_min3A_208 = vector.multi_reduction <minsi>, %select_n3A_206, %reduce_min3A_207 [1] : vector<1024x1024xi32> to vector<1024xi32>
    %broadcast_in_dim3A_209 = vector.shape_cast %reduce_min3A_208 : vector<1024xi32> to vector<1024x1xi32>
    %and3A_210 = arith.constant 1023 : i32
    %and3A_211 = vector.broadcast %and3A_210 : i32 to vector<1024x1xi32>
    %and3A_212 = arith.andi %broadcast_in_dim3A_209, %and3A_211 : vector<1024x1xi32>
    %eq3A_213 = arith.constant 9 : i32
    %eq3A_214 = vector.broadcast %eq3A_213 : i32 to vector<1024x20xi32>
    %eq3A_215 = arith.cmpi eq, %iota3A_43, %eq3A_214 : vector<1024x20xi32>
    %broadcast_in_dim3A_216 = vector.shape_cast %and3A_212 : vector<1024x1xi32> to vector<1024x1xi32>
    %broadcast_in_dim3A_217 = vector.broadcast %broadcast_in_dim3A_216 : vector<1024x1xi32> to vector<1024x20xi32>
    %select_n3A_218 = arith.select %eq3A_215, %broadcast_in_dim3A_217, %select_n3A_201 : vector<1024x20xi1>, vector<1024x20xi32>
    %eq3A_219 = vector.broadcast %broadcast_in_dim3A_209 : vector<1024x1xi32> to vector<1024x1024xi32>
    %eq3A_220 = arith.cmpi eq, %select_n3A_206, %eq3A_219 : vector<1024x1024xi32>
    %jit3A_221 = arith.constant 2147483647 : i32
    %broadcast_in_dim3A_222 = vector.broadcast %jit3A_221 : i32 to vector<1024x1024xi32>
    %select_n3A_223 = arith.select %eq3A_220, %broadcast_in_dim3A_222, %select_n3A_206 : vector<1024x1024xi1>, vector<1024x1024xi32>
    %reduce_min3A_224 = arith.constant dense<2147483647> : vector<1024xi32>
    %reduce_min3A_225 = vector.multi_reduction <minsi>, %select_n3A_223, %reduce_min3A_224 [1] : vector<1024x1024xi32> to vector<1024xi32>
    %broadcast_in_dim3A_226 = vector.shape_cast %reduce_min3A_225 : vector<1024xi32> to vector<1024x1xi32>
    %and3A_227 = arith.constant 1023 : i32
    %and3A_228 = vector.broadcast %and3A_227 : i32 to vector<1024x1xi32>
    %and3A_229 = arith.andi %broadcast_in_dim3A_226, %and3A_228 : vector<1024x1xi32>
    %eq3A_230 = arith.constant 10 : i32
    %eq3A_231 = vector.broadcast %eq3A_230 : i32 to vector<1024x20xi32>
    %eq3A_232 = arith.cmpi eq, %iota3A_43, %eq3A_231 : vector<1024x20xi32>
    %broadcast_in_dim3A_233 = vector.shape_cast %and3A_229 : vector<1024x1xi32> to vector<1024x1xi32>
    %broadcast_in_dim3A_234 = vector.broadcast %broadcast_in_dim3A_233 : vector<1024x1xi32> to vector<1024x20xi32>
    %select_n3A_235 = arith.select %eq3A_232, %broadcast_in_dim3A_234, %select_n3A_218 : vector<1024x20xi1>, vector<1024x20xi32>
    %eq3A_236 = vector.broadcast %broadcast_in_dim3A_226 : vector<1024x1xi32> to vector<1024x1024xi32>
    %eq3A_237 = arith.cmpi eq, %select_n3A_223, %eq3A_236 : vector<1024x1024xi32>
    %jit3A_238 = arith.constant 2147483647 : i32
    %broadcast_in_dim3A_239 = vector.broadcast %jit3A_238 : i32 to vector<1024x1024xi32>
    %select_n3A_240 = arith.select %eq3A_237, %broadcast_in_dim3A_239, %select_n3A_223 : vector<1024x1024xi1>, vector<1024x1024xi32>
    %reduce_min3A_241 = arith.constant dense<2147483647> : vector<1024xi32>
    %reduce_min3A_242 = vector.multi_reduction <minsi>, %select_n3A_240, %reduce_min3A_241 [1] : vector<1024x1024xi32> to vector<1024xi32>
    %broadcast_in_dim3A_243 = vector.shape_cast %reduce_min3A_242 : vector<1024xi32> to vector<1024x1xi32>
    %and3A_244 = arith.constant 1023 : i32
    %and3A_245 = vector.broadcast %and3A_244 : i32 to vector<1024x1xi32>
    %and3A_246 = arith.andi %broadcast_in_dim3A_243, %and3A_245 : vector<1024x1xi32>
    %eq3A_247 = arith.constant 11 : i32
    %eq3A_248 = vector.broadcast %eq3A_247 : i32 to vector<1024x20xi32>
    %eq3A_249 = arith.cmpi eq, %iota3A_43, %eq3A_248 : vector<1024x20xi32>
    %broadcast_in_dim3A_250 = vector.shape_cast %and3A_246 : vector<1024x1xi32> to vector<1024x1xi32>
    %broadcast_in_dim3A_251 = vector.broadcast %broadcast_in_dim3A_250 : vector<1024x1xi32> to vector<1024x20xi32>
    %select_n3A_252 = arith.select %eq3A_249, %broadcast_in_dim3A_251, %select_n3A_235 : vector<1024x20xi1>, vector<1024x20xi32>
    %eq3A_253 = vector.broadcast %broadcast_in_dim3A_243 : vector<1024x1xi32> to vector<1024x1024xi32>
    %eq3A_254 = arith.cmpi eq, %select_n3A_240, %eq3A_253 : vector<1024x1024xi32>
    %jit3A_255 = arith.constant 2147483647 : i32
    %broadcast_in_dim3A_256 = vector.broadcast %jit3A_255 : i32 to vector<1024x1024xi32>
    %select_n3A_257 = arith.select %eq3A_254, %broadcast_in_dim3A_256, %select_n3A_240 : vector<1024x1024xi1>, vector<1024x1024xi32>
    %reduce_min3A_258 = arith.constant dense<2147483647> : vector<1024xi32>
    %reduce_min3A_259 = vector.multi_reduction <minsi>, %select_n3A_257, %reduce_min3A_258 [1] : vector<1024x1024xi32> to vector<1024xi32>
    %broadcast_in_dim3A_260 = vector.shape_cast %reduce_min3A_259 : vector<1024xi32> to vector<1024x1xi32>
    %and3A_261 = arith.constant 1023 : i32
    %and3A_262 = vector.broadcast %and3A_261 : i32 to vector<1024x1xi32>
    %and3A_263 = arith.andi %broadcast_in_dim3A_260, %and3A_262 : vector<1024x1xi32>
    %eq3A_264 = arith.constant 12 : i32
    %eq3A_265 = vector.broadcast %eq3A_264 : i32 to vector<1024x20xi32>
    %eq3A_266 = arith.cmpi eq, %iota3A_43, %eq3A_265 : vector<1024x20xi32>
    %broadcast_in_dim3A_267 = vector.shape_cast %and3A_263 : vector<1024x1xi32> to vector<1024x1xi32>
    %broadcast_in_dim3A_268 = vector.broadcast %broadcast_in_dim3A_267 : vector<1024x1xi32> to vector<1024x20xi32>
    %select_n3A_269 = arith.select %eq3A_266, %broadcast_in_dim3A_268, %select_n3A_252 : vector<1024x20xi1>, vector<1024x20xi32>
    %eq3A_270 = vector.broadcast %broadcast_in_dim3A_260 : vector<1024x1xi32> to vector<1024x1024xi32>
    %eq3A_271 = arith.cmpi eq, %select_n3A_257, %eq3A_270 : vector<1024x1024xi32>
    %jit3A_272 = arith.constant 2147483647 : i32
    %broadcast_in_dim3A_273 = vector.broadcast %jit3A_272 : i32 to vector<1024x1024xi32>
    %select_n3A_274 = arith.select %eq3A_271, %broadcast_in_dim3A_273, %select_n3A_257 : vector<1024x1024xi1>, vector<1024x1024xi32>
    %reduce_min3A_275 = arith.constant dense<2147483647> : vector<1024xi32>
    %reduce_min3A_276 = vector.multi_reduction <minsi>, %select_n3A_274, %reduce_min3A_275 [1] : vector<1024x1024xi32> to vector<1024xi32>
    %broadcast_in_dim3A_277 = vector.shape_cast %reduce_min3A_276 : vector<1024xi32> to vector<1024x1xi32>
    %and3A_278 = arith.constant 1023 : i32
    %and3A_279 = vector.broadcast %and3A_278 : i32 to vector<1024x1xi32>
    %and3A_280 = arith.andi %broadcast_in_dim3A_277, %and3A_279 : vector<1024x1xi32>
    %eq3A_281 = arith.constant 13 : i32
    %eq3A_282 = vector.broadcast %eq3A_281 : i32 to vector<1024x20xi32>
    %eq3A_283 = arith.cmpi eq, %iota3A_43, %eq3A_282 : vector<1024x20xi32>
    %broadcast_in_dim3A_284 = vector.shape_cast %and3A_280 : vector<1024x1xi32> to vector<1024x1xi32>
    %broadcast_in_dim3A_285 = vector.broadcast %broadcast_in_dim3A_284 : vector<1024x1xi32> to vector<1024x20xi32>
    %select_n3A_286 = arith.select %eq3A_283, %broadcast_in_dim3A_285, %select_n3A_269 : vector<1024x20xi1>, vector<1024x20xi32>
    %eq3A_287 = vector.broadcast %broadcast_in_dim3A_277 : vector<1024x1xi32> to vector<1024x1024xi32>
    %eq3A_288 = arith.cmpi eq, %select_n3A_274, %eq3A_287 : vector<1024x1024xi32>
    %jit3A_289 = arith.constant 2147483647 : i32
    %broadcast_in_dim3A_290 = vector.broadcast %jit3A_289 : i32 to vector<1024x1024xi32>
    %select_n3A_291 = arith.select %eq3A_288, %broadcast_in_dim3A_290, %select_n3A_274 : vector<1024x1024xi1>, vector<1024x1024xi32>
    %reduce_min3A_292 = arith.constant dense<2147483647> : vector<1024xi32>
    %reduce_min3A_293 = vector.multi_reduction <minsi>, %select_n3A_291, %reduce_min3A_292 [1] : vector<1024x1024xi32> to vector<1024xi32>
    %broadcast_in_dim3A_294 = vector.shape_cast %reduce_min3A_293 : vector<1024xi32> to vector<1024x1xi32>
    %and3A_295 = arith.constant 1023 : i32
    %and3A_296 = vector.broadcast %and3A_295 : i32 to vector<1024x1xi32>
    %and3A_297 = arith.andi %broadcast_in_dim3A_294, %and3A_296 : vector<1024x1xi32>
    %eq3A_298 = arith.constant 14 : i32
    %eq3A_299 = vector.broadcast %eq3A_298 : i32 to vector<1024x20xi32>
    %eq3A_300 = arith.cmpi eq, %iota3A_43, %eq3A_299 : vector<1024x20xi32>
    %broadcast_in_dim3A_301 = vector.shape_cast %and3A_297 : vector<1024x1xi32> to vector<1024x1xi32>
    %broadcast_in_dim3A_302 = vector.broadcast %broadcast_in_dim3A_301 : vector<1024x1xi32> to vector<1024x20xi32>
    %select_n3A_303 = arith.select %eq3A_300, %broadcast_in_dim3A_302, %select_n3A_286 : vector<1024x20xi1>, vector<1024x20xi32>
    %eq3A_304 = vector.broadcast %broadcast_in_dim3A_294 : vector<1024x1xi32> to vector<1024x1024xi32>
    %eq3A_305 = arith.cmpi eq, %select_n3A_291, %eq3A_304 : vector<1024x1024xi32>
    %jit3A_306 = arith.constant 2147483647 : i32
    %broadcast_in_dim3A_307 = vector.broadcast %jit3A_306 : i32 to vector<1024x1024xi32>
    %select_n3A_308 = arith.select %eq3A_305, %broadcast_in_dim3A_307, %select_n3A_291 : vector<1024x1024xi1>, vector<1024x1024xi32>
    %reduce_min3A_309 = arith.constant dense<2147483647> : vector<1024xi32>
    %reduce_min3A_310 = vector.multi_reduction <minsi>, %select_n3A_308, %reduce_min3A_309 [1] : vector<1024x1024xi32> to vector<1024xi32>
    %broadcast_in_dim3A_311 = vector.shape_cast %reduce_min3A_310 : vector<1024xi32> to vector<1024x1xi32>
    %and3A_312 = arith.constant 1023 : i32
    %and3A_313 = vector.broadcast %and3A_312 : i32 to vector<1024x1xi32>
    %and3A_314 = arith.andi %broadcast_in_dim3A_311, %and3A_313 : vector<1024x1xi32>
    %eq3A_315 = arith.constant 15 : i32
    %eq3A_316 = vector.broadcast %eq3A_315 : i32 to vector<1024x20xi32>
    %eq3A_317 = arith.cmpi eq, %iota3A_43, %eq3A_316 : vector<1024x20xi32>
    %broadcast_in_dim3A_318 = vector.shape_cast %and3A_314 : vector<1024x1xi32> to vector<1024x1xi32>
    %broadcast_in_dim3A_319 = vector.broadcast %broadcast_in_dim3A_318 : vector<1024x1xi32> to vector<1024x20xi32>
    %select_n3A_320 = arith.select %eq3A_317, %broadcast_in_dim3A_319, %select_n3A_303 : vector<1024x20xi1>, vector<1024x20xi32>
    %eq3A_321 = vector.broadcast %broadcast_in_dim3A_311 : vector<1024x1xi32> to vector<1024x1024xi32>
    %eq3A_322 = arith.cmpi eq, %select_n3A_308, %eq3A_321 : vector<1024x1024xi32>
    %jit3A_323 = arith.constant 2147483647 : i32
    %broadcast_in_dim3A_324 = vector.broadcast %jit3A_323 : i32 to vector<1024x1024xi32>
    %select_n3A_325 = arith.select %eq3A_322, %broadcast_in_dim3A_324, %select_n3A_308 : vector<1024x1024xi1>, vector<1024x1024xi32>
    %reduce_min3A_326 = arith.constant dense<2147483647> : vector<1024xi32>
    %reduce_min3A_327 = vector.multi_reduction <minsi>, %select_n3A_325, %reduce_min3A_326 [1] : vector<1024x1024xi32> to vector<1024xi32>
    %broadcast_in_dim3A_328 = vector.shape_cast %reduce_min3A_327 : vector<1024xi32> to vector<1024x1xi32>
    %and3A_329 = arith.constant 1023 : i32
    %and3A_330 = vector.broadcast %and3A_329 : i32 to vector<1024x1xi32>
    %and3A_331 = arith.andi %broadcast_in_dim3A_328, %and3A_330 : vector<1024x1xi32>
    %eq3A_332 = arith.constant 16 : i32
    %eq3A_333 = vector.broadcast %eq3A_332 : i32 to vector<1024x20xi32>
    %eq3A_334 = arith.cmpi eq, %iota3A_43, %eq3A_333 : vector<1024x20xi32>
    %broadcast_in_dim3A_335 = vector.shape_cast %and3A_331 : vector<1024x1xi32> to vector<1024x1xi32>
    %broadcast_in_dim3A_336 = vector.broadcast %broadcast_in_dim3A_335 : vector<1024x1xi32> to vector<1024x20xi32>
    %select_n3A_337 = arith.select %eq3A_334, %broadcast_in_dim3A_336, %select_n3A_320 : vector<1024x20xi1>, vector<1024x20xi32>
    %eq3A_338 = vector.broadcast %broadcast_in_dim3A_328 : vector<1024x1xi32> to vector<1024x1024xi32>
    %eq3A_339 = arith.cmpi eq, %select_n3A_325, %eq3A_338 : vector<1024x1024xi32>
    %jit3A_340 = arith.constant 2147483647 : i32
    %broadcast_in_dim3A_341 = vector.broadcast %jit3A_340 : i32 to vector<1024x1024xi32>
    %select_n3A_342 = arith.select %eq3A_339, %broadcast_in_dim3A_341, %select_n3A_325 : vector<1024x1024xi1>, vector<1024x1024xi32>
    %reduce_min3A_343 = arith.constant dense<2147483647> : vector<1024xi32>
    %reduce_min3A_344 = vector.multi_reduction <minsi>, %select_n3A_342, %reduce_min3A_343 [1] : vector<1024x1024xi32> to vector<1024xi32>
    %broadcast_in_dim3A_345 = vector.shape_cast %reduce_min3A_344 : vector<1024xi32> to vector<1024x1xi32>
    %and3A_346 = arith.constant 1023 : i32
    %and3A_347 = vector.broadcast %and3A_346 : i32 to vector<1024x1xi32>
    %and3A_348 = arith.andi %broadcast_in_dim3A_345, %and3A_347 : vector<1024x1xi32>
    %eq3A_349 = arith.constant 17 : i32
    %eq3A_350 = vector.broadcast %eq3A_349 : i32 to vector<1024x20xi32>
    %eq3A_351 = arith.cmpi eq, %iota3A_43, %eq3A_350 : vector<1024x20xi32>
    %broadcast_in_dim3A_352 = vector.shape_cast %and3A_348 : vector<1024x1xi32> to vector<1024x1xi32>
    %broadcast_in_dim3A_353 = vector.broadcast %broadcast_in_dim3A_352 : vector<1024x1xi32> to vector<1024x20xi32>
    %select_n3A_354 = arith.select %eq3A_351, %broadcast_in_dim3A_353, %select_n3A_337 : vector<1024x20xi1>, vector<1024x20xi32>
    %eq3A_355 = vector.broadcast %broadcast_in_dim3A_345 : vector<1024x1xi32> to vector<1024x1024xi32>
    %eq3A_356 = arith.cmpi eq, %select_n3A_342, %eq3A_355 : vector<1024x1024xi32>
    %jit3A_357 = arith.constant 2147483647 : i32
    %broadcast_in_dim3A_358 = vector.broadcast %jit3A_357 : i32 to vector<1024x1024xi32>
    %select_n3A_359 = arith.select %eq3A_356, %broadcast_in_dim3A_358, %select_n3A_342 : vector<1024x1024xi1>, vector<1024x1024xi32>
    %reduce_min3A_360 = arith.constant dense<2147483647> : vector<1024xi32>
    %reduce_min3A_361 = vector.multi_reduction <minsi>, %select_n3A_359, %reduce_min3A_360 [1] : vector<1024x1024xi32> to vector<1024xi32>
    %broadcast_in_dim3A_362 = vector.shape_cast %reduce_min3A_361 : vector<1024xi32> to vector<1024x1xi32>
    %and3A_363 = arith.constant 1023 : i32
    %and3A_364 = vector.broadcast %and3A_363 : i32 to vector<1024x1xi32>
    %and3A_365 = arith.andi %broadcast_in_dim3A_362, %and3A_364 : vector<1024x1xi32>
    %eq3A_366 = arith.constant 18 : i32
    %eq3A_367 = vector.broadcast %eq3A_366 : i32 to vector<1024x20xi32>
    %eq3A_368 = arith.cmpi eq, %iota3A_43, %eq3A_367 : vector<1024x20xi32>
    %broadcast_in_dim3A_369 = vector.shape_cast %and3A_365 : vector<1024x1xi32> to vector<1024x1xi32>
    %broadcast_in_dim3A_370 = vector.broadcast %broadcast_in_dim3A_369 : vector<1024x1xi32> to vector<1024x20xi32>
    %select_n3A_371 = arith.select %eq3A_368, %broadcast_in_dim3A_370, %select_n3A_354 : vector<1024x20xi1>, vector<1024x20xi32>
    %eq3A_372 = vector.broadcast %broadcast_in_dim3A_362 : vector<1024x1xi32> to vector<1024x1024xi32>
    %eq3A_373 = arith.cmpi eq, %select_n3A_359, %eq3A_372 : vector<1024x1024xi32>
    %jit3A_374 = arith.constant 2147483647 : i32
    %broadcast_in_dim3A_375 = vector.broadcast %jit3A_374 : i32 to vector<1024x1024xi32>
    %select_n3A_376 = arith.select %eq3A_373, %broadcast_in_dim3A_375, %select_n3A_359 : vector<1024x1024xi1>, vector<1024x1024xi32>
    %reduce_min3A_377 = arith.constant dense<2147483647> : vector<1024xi32>
    %reduce_min3A_378 = vector.multi_reduction <minsi>, %select_n3A_376, %reduce_min3A_377 [1] : vector<1024x1024xi32> to vector<1024xi32>
    %broadcast_in_dim3A_379 = vector.shape_cast %reduce_min3A_378 : vector<1024xi32> to vector<1024x1xi32>
    %and3A_380 = arith.constant 1023 : i32
    %and3A_381 = vector.broadcast %and3A_380 : i32 to vector<1024x1xi32>
    %and3A_382 = arith.andi %broadcast_in_dim3A_379, %and3A_381 : vector<1024x1xi32>
    %eq3A_383 = arith.constant 19 : i32
    %eq3A_384 = vector.broadcast %eq3A_383 : i32 to vector<1024x20xi32>
    %eq3A_385 = arith.cmpi eq, %iota3A_43, %eq3A_384 : vector<1024x20xi32>
    %broadcast_in_dim3A_386 = vector.shape_cast %and3A_382 : vector<1024x1xi32> to vector<1024x1xi32>
    %broadcast_in_dim3A_387 = vector.broadcast %broadcast_in_dim3A_386 : vector<1024x1xi32> to vector<1024x20xi32>
    %select_n3A_388 = arith.select %eq3A_385, %broadcast_in_dim3A_387, %select_n3A_371 : vector<1024x20xi1>, vector<1024x20xi32>
    %mul3A_389 = arith.constant 1024 : i32
    %mul3A_390 = arith.muli %arg0, %mul3A_389 : i32
    %add3A_391 = vector.broadcast %mul3A_390 : i32 to vector<1024x20xi32>
    %add3A_392 = arith.addi %select_n3A_388, %add3A_391 : vector<1024x20xi32>
    %swap3A_393 = arith.constant 0 : index
    %swap3A_394 = arith.constant 0 : index
    %swap3A_395 = arith.constant 0 : index
    %swap3A_396 = vector.load %arg5[%swap3A_393, %swap3A_394, %swap3A_395] : memref<1x1024x20xi32, #tpu.memory_space<vmem>>, vector<1x1024x20xi32>
    %swap3A_397 = vector.shape_cast %swap3A_396 : vector<1x1024x20xi32> to vector<1024x20xi32>
    %swap3A_398 = vector.shape_cast %add3A_392 : vector<1024x20xi32> to vector<1x1024x20xi32>
    tpu.vector_store %arg5[%swap3A_393, %swap3A_394, %swap3A_395], %swap3A_398 {strides = array<i32>} : memref<1x1024x20xi32, #tpu.memory_space<vmem>>, vector<1x1024x20xi32>,
    return
  }
  func.func @transform_0(%arg0: i32) -> (i32, i32, i32) {
    %add3A = arith.constant 0 : i32
    %add3A_0 = arith.addi %add3A, %arg0 : i32
    %c0_i32 = arith.constant 0 : i32
    %c0_i32_1 = arith.constant 0 : i32
    %c0_i32_2 = arith.constant 0 : i32
    return %add3A_0, %c0_i32, %c0_i32_1 : i32, i32, i32
  }
  func.func @transform_1(%arg0: i32) -> (i32, i32) {
    %c0_i32 = arith.constant 0 : i32
    %c0_i32_0 = arith.constant 0 : i32
    %c0_i32_1 = arith.constant 0 : i32
    return %c0_i32, %c0_i32_0 : i32, i32
  }
  func.func @transform_2(%arg0: i32) -> (i32, i32) {
    %c0_i32 = arith.constant 0 : i32
    %c0_i32_0 = arith.constant 0 : i32
    %c0_i32_1 = arith.constant 0 : i32
    return %c0_i32, %c0_i32_0 : i32, i32
  }
  func.func @transform_3(%arg0: i32) -> (i32, i32) {
    %c0_i32 = arith.constant 0 : i32
    %c0_i32_0 = arith.constant 0 : i32
    %c0_i32_1 = arith.constant 0 : i32
    return %c0_i32, %c0_i32_0 : i32, i32
  }
  func.func @transform_4(%arg0: i32) -> (i32, i32, i32) {
    %c0_i32 = arith.constant 0 : i32
    %c0_i32_0 = arith.constant 0 : i32
    %c0_i32_1 = arith.constant 0 : i32
    return %arg0, %c0_i32, %c0_i32_0 : i32, i32, i32
  }
  func.func @transform_5(%arg0: i32) -> (i32, i32, i32) {
    %c0_i32 = arith.constant 0 : i32
    %c0_i32_0 = arith.constant 0 : i32
    %c0_i32_1 = arith.constant 0 : i32
    return %arg0, %c0_i32, %c0_i32_0 : i32, i32, i32
  }
  func.func @transform_6(%arg0: i32) -> (i32, i32, i32) {
    %c0_i32 = arith.constant 0 : i32
    %c0_i32_0 = arith.constant 0 : i32
    %c0_i32_1 = arith.constant 0 : i32
    return %arg0, %c0_i32, %c0_i32_0 : i32, i32, i32
  }
}

module attributes {stable_mosaic.version = 14 : i64} {
  func.func @_nbr_max_kernel(%arg0: i32, %arg1: memref<512x2560xf32, #tpu.memory_space<vmem>>, %arg2: memref<512x128xf32, #tpu.memory_space<vmem>>, %arg3: memref<512x128xf32, #tpu.memory_space<vmem>>) attributes {dimension_semantics = [#tpu.dimension_semantics<arbitrary>], iteration_bounds = array<i64: 16>, scalar_prefetch = 0 : i64, scratch_operands = 0 : i64, tpu.core_type = #tpu.core_type<tc>, window_params = [{transform_indices = @transform_0, window_bounds = array<i64: 512, 2560>}, {transform_indices = @transform_1, window_bounds = array<i64: 512, 128>}, {transform_indices = @transform_2, window_bounds = array<i64: 512, 128>}]} {
    %get3A = arith.constant 0 : index
    %get3A_0 = arith.constant 0 : index
    %get3A_1 = vector.load %arg1[%get3A, %get3A_0] : memref<512x2560xf32, #tpu.memory_space<vmem>>, vector<512x2560xf32>
    %slice3A = vector.extract_strided_slice %get3A_1 {offsets = [0, 0], sizes = [512, 128], strides = [1, 1]} : vector<512x2560xf32> to vector<512x128xf32>
    %slice3A_2 = vector.extract_strided_slice %get3A_1 {offsets = [0, 128], sizes = [512, 128], strides = [1, 1]} : vector<512x2560xf32> to vector<512x128xf32>
    %max3A = arith.maximumf %slice3A, %slice3A_2 : vector<512x128xf32>
    %slice3A_3 = vector.extract_strided_slice %get3A_1 {offsets = [0, 256], sizes = [512, 128], strides = [1, 1]} : vector<512x2560xf32> to vector<512x128xf32>
    %max3A_4 = arith.maximumf %max3A, %slice3A_3 : vector<512x128xf32>
    %slice3A_5 = vector.extract_strided_slice %get3A_1 {offsets = [0, 384], sizes = [512, 128], strides = [1, 1]} : vector<512x2560xf32> to vector<512x128xf32>
    %max3A_6 = arith.maximumf %max3A_4, %slice3A_5 : vector<512x128xf32>
    %slice3A_7 = vector.extract_strided_slice %get3A_1 {offsets = [0, 512], sizes = [512, 128], strides = [1, 1]} : vector<512x2560xf32> to vector<512x128xf32>
    %max3A_8 = arith.maximumf %max3A_6, %slice3A_7 : vector<512x128xf32>
    %slice3A_9 = vector.extract_strided_slice %get3A_1 {offsets = [0, 640], sizes = [512, 128], strides = [1, 1]} : vector<512x2560xf32> to vector<512x128xf32>
    %max3A_10 = arith.maximumf %max3A_8, %slice3A_9 : vector<512x128xf32>
    %slice3A_11 = vector.extract_strided_slice %get3A_1 {offsets = [0, 768], sizes = [512, 128], strides = [1, 1]} : vector<512x2560xf32> to vector<512x128xf32>
    %max3A_12 = arith.maximumf %max3A_10, %slice3A_11 : vector<512x128xf32>
    %slice3A_13 = vector.extract_strided_slice %get3A_1 {offsets = [0, 896], sizes = [512, 128], strides = [1, 1]} : vector<512x2560xf32> to vector<512x128xf32>
    %max3A_14 = arith.maximumf %max3A_12, %slice3A_13 : vector<512x128xf32>
    %slice3A_15 = vector.extract_strided_slice %get3A_1 {offsets = [0, 1024], sizes = [512, 128], strides = [1, 1]} : vector<512x2560xf32> to vector<512x128xf32>
    %max3A_16 = arith.maximumf %max3A_14, %slice3A_15 : vector<512x128xf32>
    %slice3A_17 = vector.extract_strided_slice %get3A_1 {offsets = [0, 1152], sizes = [512, 128], strides = [1, 1]} : vector<512x2560xf32> to vector<512x128xf32>
    %max3A_18 = arith.maximumf %max3A_16, %slice3A_17 : vector<512x128xf32>
    %slice3A_19 = vector.extract_strided_slice %get3A_1 {offsets = [0, 1280], sizes = [512, 128], strides = [1, 1]} : vector<512x2560xf32> to vector<512x128xf32>
    %max3A_20 = arith.maximumf %max3A_18, %slice3A_19 : vector<512x128xf32>
    %slice3A_21 = vector.extract_strided_slice %get3A_1 {offsets = [0, 1408], sizes = [512, 128], strides = [1, 1]} : vector<512x2560xf32> to vector<512x128xf32>
    %max3A_22 = arith.maximumf %max3A_20, %slice3A_21 : vector<512x128xf32>
    %slice3A_23 = vector.extract_strided_slice %get3A_1 {offsets = [0, 1536], sizes = [512, 128], strides = [1, 1]} : vector<512x2560xf32> to vector<512x128xf32>
    %max3A_24 = arith.maximumf %max3A_22, %slice3A_23 : vector<512x128xf32>
    %slice3A_25 = vector.extract_strided_slice %get3A_1 {offsets = [0, 1664], sizes = [512, 128], strides = [1, 1]} : vector<512x2560xf32> to vector<512x128xf32>
    %max3A_26 = arith.maximumf %max3A_24, %slice3A_25 : vector<512x128xf32>
    %slice3A_27 = vector.extract_strided_slice %get3A_1 {offsets = [0, 1792], sizes = [512, 128], strides = [1, 1]} : vector<512x2560xf32> to vector<512x128xf32>
    %max3A_28 = arith.maximumf %max3A_26, %slice3A_27 : vector<512x128xf32>
    %slice3A_29 = vector.extract_strided_slice %get3A_1 {offsets = [0, 1920], sizes = [512, 128], strides = [1, 1]} : vector<512x2560xf32> to vector<512x128xf32>
    %max3A_30 = arith.maximumf %max3A_28, %slice3A_29 : vector<512x128xf32>
    %slice3A_31 = vector.extract_strided_slice %get3A_1 {offsets = [0, 2048], sizes = [512, 128], strides = [1, 1]} : vector<512x2560xf32> to vector<512x128xf32>
    %max3A_32 = arith.maximumf %max3A_30, %slice3A_31 : vector<512x128xf32>
    %slice3A_33 = vector.extract_strided_slice %get3A_1 {offsets = [0, 2176], sizes = [512, 128], strides = [1, 1]} : vector<512x2560xf32> to vector<512x128xf32>
    %max3A_34 = arith.maximumf %max3A_32, %slice3A_33 : vector<512x128xf32>
    %slice3A_35 = vector.extract_strided_slice %get3A_1 {offsets = [0, 2304], sizes = [512, 128], strides = [1, 1]} : vector<512x2560xf32> to vector<512x128xf32>
    %max3A_36 = arith.maximumf %max3A_34, %slice3A_35 : vector<512x128xf32>
    %slice3A_37 = vector.extract_strided_slice %get3A_1 {offsets = [0, 2432], sizes = [512, 128], strides = [1, 1]} : vector<512x2560xf32> to vector<512x128xf32>
    %max3A_38 = arith.maximumf %max3A_36, %slice3A_37 : vector<512x128xf32>
    %get3A_39 = arith.constant 0 : index
    %get3A_40 = arith.constant 0 : index
    %get3A_41 = vector.load %arg2[%get3A_39, %get3A_40] : memref<512x128xf32, #tpu.memory_space<vmem>>, vector<512x128xf32>
    %add3A = arith.addf %max3A_38, %get3A_41 : vector<512x128xf32>
    %swap3A = arith.constant 0 : index
    %swap3A_42 = arith.constant 0 : index
    %swap3A_43 = vector.load %arg3[%swap3A, %swap3A_42] : memref<512x128xf32, #tpu.memory_space<vmem>>, vector<512x128xf32>
    tpu.vector_store %arg3[%swap3A, %swap3A_42], %add3A {strides = array<i32>} : memref<512x128xf32, #tpu.memory_space<vmem>>, vector<512x128xf32>,
    return
  }
  func.func @transform_0(%arg0: i32) -> (i32, i32) {
    %c0_i32 = arith.constant 0 : i32
    %c0_i32_0 = arith.constant 0 : i32
    return %arg0, %c0_i32 : i32, i32
  }
  func.func @transform_1(%arg0: i32) -> (i32, i32) {
    %c0_i32 = arith.constant 0 : i32
    %c0_i32_0 = arith.constant 0 : i32
    return %arg0, %c0_i32 : i32, i32
  }
  func.func @transform_2(%arg0: i32) -> (i32, i32) {
    %c0_i32 = arith.constant 0 : i32
    %c0_i32_0 = arith.constant 0 : i32
    return %arg0, %c0_i32 : i32, i32
  }
}

module attributes {stable_mosaic.version = 14 : i64} {
  func.func @_edge_topk_kernel(%arg0: i32, %arg1: memref<1x1024x128xf32, #tpu.memory_space<vmem>>, %arg2: memref<128x256xf32, #tpu.memory_space<vmem>>, %arg3: memref<128x256xf32, #tpu.memory_space<vmem>>, %arg4: memref<1x256xf32, #tpu.memory_space<vmem>>, %arg5: memref<1x1024x20xi32, #tpu.memory_space<vmem>>, %arg6: memref<1x1024x256xf32, #tpu.memory_space<vmem>>, %arg7: memref<1x1024x256xf32, #tpu.memory_space<vmem>>) attributes {dimension_semantics = [#tpu.dimension_semantics<arbitrary>], iteration_bounds = array<i64: 8>, scalar_prefetch = 0 : i64, scratch_operands = 0 : i64, tpu.core_type = #tpu.core_type<tc>, window_params = [{transform_indices = @transform_0, window_bounds = array<i64: 1, 1024, 128>}, {pipeline_mode = #tpu.pipeline_mode<synchronous>, transform_indices = @transform_1, window_bounds = array<i64: 128, 256>}, {pipeline_mode = #tpu.pipeline_mode<synchronous>, transform_indices = @transform_2, window_bounds = array<i64: 128, 256>}, {pipeline_mode = #tpu.pipeline_mode<synchronous>, transform_indices = @transform_3, window_bounds = array<i64: 1, 256>}, {transform_indices = @transform_4, window_bounds = array<i64: 1, 1024, 20>}, {transform_indices = @transform_5, window_bounds = array<i64: 1, 1024, 256>}, {transform_indices = @transform_6, window_bounds = array<i64: 1, 1024, 256>}]} {
    %get3A = arith.constant 0 : index
    %get3A_0 = arith.constant 0 : index
    %get3A_1 = arith.constant 0 : index
    %get3A_2 = vector.load %arg1[%get3A, %get3A_0, %get3A_1] : memref<1x1024x128xf32, #tpu.memory_space<vmem>>, vector<1x1024x128xf32>
    %get3A_3 = vector.shape_cast %get3A_2 : vector<1x1024x128xf32> to vector<1024x128xf32>
    %mul3A = arith.mulf %get3A_3, %get3A_3 : vector<1024x128xf32>
    %reduce_sum3A = arith.constant dense<0.000000e+00> : vector<1024xf32>
    %reduce_sum3A_4 = vector.multi_reduction <add>, %mul3A, %reduce_sum3A [1] : vector<1024x128xf32> to vector<1024xf32>
    %broadcast_in_dim3A = vector.shape_cast %reduce_sum3A_4 : vector<1024xf32> to vector<1024x1xf32>
    %dot_general3A = arith.constant dense<0.000000e+00> : vector<1024x1024xf32>
    %dot_general3A_5 = tpu.matmul %get3A_3, %get3A_3, %dot_general3A {dimension_numbers = #tpu.dot_dimension_numbers<[1], [1], [0], [0], [0, 0, 1, 0], [], []>, transpose_lhs_hint = false} : vector<1024x128xf32>, vector<1024x128xf32>, vector<1024x1024xf32> -> vector<1024x1024xf32>
    %broadcast_in_dim3A_6 = arith.constant 1.000000e+00 : f32
    %broadcast_in_dim3A_7 = vector.broadcast %broadcast_in_dim3A_6 : f32 to vector<1x128xf32>
    %mul3A_8 = arith.mulf %get3A_3, %get3A_3 : vector<1024x128xf32>
    %dot_general3A_9 = arith.constant dense<0.000000e+00> : vector<1x1024xf32>
    %dot_general3A_10 = tpu.matmul %broadcast_in_dim3A_7, %mul3A_8, %dot_general3A_9 {dimension_numbers = #tpu.dot_dimension_numbers<[1], [1], [0], [0], [0, 0, 1, 0], [], []>, transpose_lhs_hint = false} : vector<1x128xf32>, vector<1024x128xf32>, vector<1x1024xf32> -> vector<1x1024xf32>
    %add3A = vector.broadcast %broadcast_in_dim3A : vector<1024x1xf32> to vector<1024x1024xf32>
    %add3A_11 = vector.broadcast %dot_general3A_10 : vector<1x1024xf32> to vector<1024x1024xf32>
    %add3A_12 = arith.addf %add3A, %add3A_11 : vector<1024x1024xf32>
    %mul3A_13 = arith.constant 2.000000e+00 : f32
    %mul3A_14 = vector.broadcast %mul3A_13 : f32 to vector<1024x1024xf32>
    %mul3A_15 = arith.mulf %mul3A_14, %dot_general3A_5 : vector<1024x1024xf32>
    %sub3A = arith.subf %add3A_12, %mul3A_15 : vector<1024x1024xf32>
    %get3A_16 = arith.constant 0 : index
    %get3A_17 = arith.constant 0 : index
    %get3A_18 = vector.load %arg3[%get3A_16, %get3A_17] : memref<128x256xf32, #tpu.memory_space<vmem>>, vector<128x256xf32>
    %dot_general3A_19 = arith.constant dense<0.000000e+00> : vector<1024x256xf32>
    %dot_general3A_20 = tpu.matmul %get3A_3, %get3A_18, %dot_general3A_19 {dimension_numbers = #tpu.dot_dimension_numbers<[1], [0], [0], [1], [0, 0, 1, 1], [], []>, transpose_lhs_hint = false} : vector<1024x128xf32>, vector<128x256xf32>, vector<1024x256xf32> -> vector<1024x256xf32>
    %swap3A = arith.constant 0 : index
    %swap3A_21 = arith.constant 0 : index
    %swap3A_22 = arith.constant 0 : index
    %swap3A_23 = vector.load %arg6[%swap3A, %swap3A_21, %swap3A_22] : memref<1x1024x256xf32, #tpu.memory_space<vmem>>, vector<1x1024x256xf32>
    %swap3A_24 = vector.shape_cast %swap3A_23 : vector<1x1024x256xf32> to vector<1024x256xf32>
    %swap3A_25 = vector.shape_cast %dot_general3A_20 : vector<1024x256xf32> to vector<1x1024x256xf32>
    tpu.vector_store %arg6[%swap3A, %swap3A_21, %swap3A_22], %swap3A_25 {strides = array<i32>} : memref<1x1024x256xf32, #tpu.memory_space<vmem>>, vector<1x1024x256xf32>,
    %get3A_26 = arith.constant 0 : index
    %get3A_27 = arith.constant 0 : index
    %get3A_28 = vector.load %arg2[%get3A_26, %get3A_27] : memref<128x256xf32, #tpu.memory_space<vmem>>, vector<128x256xf32>
    %sub3A_29 = arith.subf %get3A_28, %get3A_18 : vector<128x256xf32>
    %dot_general3A_30 = arith.constant dense<0.000000e+00> : vector<1024x256xf32>
    %dot_general3A_31 = tpu.matmul %get3A_3, %sub3A_29, %dot_general3A_30 {dimension_numbers = #tpu.dot_dimension_numbers<[1], [0], [0], [1], [0, 0, 1, 1], [], []>, transpose_lhs_hint = false} : vector<1024x128xf32>, vector<128x256xf32>, vector<1024x256xf32> -> vector<1024x256xf32>
    %get3A_32 = arith.constant 0 : index
    %get3A_33 = arith.constant 0 : index
    %get3A_34 = vector.load %arg4[%get3A_32, %get3A_33] : memref<1x256xf32, #tpu.memory_space<vmem>>, vector<1x256xf32>
    %add3A_35 = vector.broadcast %get3A_34 : vector<1x256xf32> to vector<1024x256xf32>
    %add3A_36 = arith.addf %dot_general3A_31, %add3A_35 : vector<1024x256xf32>
    %swap3A_37 = arith.constant 0 : index
    %swap3A_38 = arith.constant 0 : index
    %swap3A_39 = arith.constant 0 : index
    %swap3A_40 = vector.load %arg7[%swap3A_37, %swap3A_38, %swap3A_39] : memref<1x1024x256xf32, #tpu.memory_space<vmem>>, vector<1x1024x256xf32>
    %swap3A_41 = vector.shape_cast %swap3A_40 : vector<1x1024x256xf32> to vector<1024x256xf32>
    %swap3A_42 = vector.shape_cast %add3A_36 : vector<1024x256xf32> to vector<1x1024x256xf32>
    tpu.vector_store %arg7[%swap3A_37, %swap3A_38, %swap3A_39], %swap3A_42 {strides = array<i32>} : memref<1x1024x256xf32, #tpu.memory_space<vmem>>, vector<1x1024x256xf32>,
    %iota3A = tpu.iota {dimensions = array<i32: 1>} : vector<1024x1024xi32>
    %iota3A_43 = tpu.iota {dimensions = array<i32: 1>} : vector<1024x20xi32>
    %min3A = arith.constant 2.540000e+02 : f32
    %min3A_44 = vector.broadcast %min3A : f32 to vector<1024x1024xf32>
    %min3A_45 = arith.minimumf %sub3A, %min3A_44 : vector<1024x1024xf32>
    %add3A_46 = arith.constant 1.000000e+00 : f32
    %add3A_47 = vector.broadcast %add3A_46 : f32 to vector<1024x1024xf32>
    %add3A_48 = arith.addf %min3A_45, %add3A_47 : vector<1024x1024xf32>
    %bitcast_convert_type3A = tpu.bitcast %add3A_48 : vector<1024x1024xf32> -> vector<1024x1024xi32>
    %sub3A_49 = arith.constant 1065353216 : i32
    %sub3A_50 = vector.broadcast %sub3A_49 : i32 to vector<1024x1024xi32>
    %sub3A_51 = arith.subi %bitcast_convert_type3A, %sub3A_50 : vector<1024x1024xi32>
    %shift_left3A = arith.constant 4 : i32
    %shift_left3A_52 = vector.broadcast %shift_left3A : i32 to vector<1024x1024xi32>
    %shift_left3A_53 = arith.shli %sub3A_51, %shift_left3A_52 : vector<1024x1024xi32>
    %and3A = arith.constant -1024 : i32
    %and3A_54 = vector.broadcast %and3A : i32 to vector<1024x1024xi32>
    %and3A_55 = arith.andi %shift_left3A_53, %and3A_54 : vector<1024x1024xi32>
    %or3A = arith.ori %and3A_55, %iota3A : vector<1024x1024xi32>
    %broadcast_in_dim3A_56 = arith.constant 0 : i32
    %broadcast_in_dim3A_57 = vector.broadcast %broadcast_in_dim3A_56 : i32 to vector<1024x20xi32>
    %reduce_min3A = arith.constant dense<2147483647> : vector<1024xi32>
    %reduce_min3A_58 = vector.multi_reduction <minsi>, %or3A, %reduce_min3A [1] : vector<1024x1024xi32> to vector<1024xi32>
    %broadcast_in_dim3A_59 = vector.shape_cast %reduce_min3A_58 : vector<1024xi32> to vector<1024x1xi32>
    %and3A_60 = arith.constant 1023 : i32
    %and3A_61 = vector.broadcast %and3A_60 : i32 to vector<1024x1xi32>
    %and3A_62 = arith.andi %broadcast_in_dim3A_59, %and3A_61 : vector<1024x1xi32>
    %eq3A = arith.constant 0 : i32
    %eq3A_63 = vector.broadcast %eq3A : i32 to vector<1024x20xi32>
    %eq3A_64 = arith.cmpi eq, %iota3A_43, %eq3A_63 : vector<1024x20xi32>
    %broadcast_in_dim3A_65 = vector.shape_cast %and3A_62 : vector<1024x1xi32> to vector<1024x1xi32>
    %broadcast_in_dim3A_66 = vector.broadcast %broadcast_in_dim3A_65 : vector<1024x1xi32> to vector<1024x20xi32>
    %select_n3A = arith.select %eq3A_64, %broadcast_in_dim3A_66, %broadcast_in_dim3A_57 : vector<1024x20xi1>, vector<1024x20xi32>
    %eq3A_67 = vector.broadcast %broadcast_in_dim3A_59 : vector<1024x1xi32> to vector<1024x1024xi32>
    %eq3A_68 = arith.cmpi eq, %or3A, %eq3A_67 : vector<1024x1024xi32>
    %jit3A = arith.constant 2147483647 : i32
    %broadcast_in_dim3A_69 = vector.broadcast %jit3A : i32 to vector<1024x1024xi32>
    %select_n3A_70 = arith.select %eq3A_68, %broadcast_in_dim3A_69, %or3A : vector<1024x1024xi1>, vector<1024x1024xi32>
    %reduce_min3A_71 = arith.constant dense<2147483647> : vector<1024xi32>
    %reduce_min3A_72 = vector.multi_reduction <minsi>, %select_n3A_70, %reduce_min3A_71 [1] : vector<1024x1024xi32> to vector<1024xi32>
    %broadcast_in_dim3A_73 = vector.shape_cast %reduce_min3A_72 : vector<1024xi32> to vector<1024x1xi32>
    %and3A_74 = arith.constant 1023 : i32
    %and3A_75 = vector.broadcast %and3A_74 : i32 to vector<1024x1xi32>
    %and3A_76 = arith.andi %broadcast_in_dim3A_73, %and3A_75 : vector<1024x1xi32>
    %eq3A_77 = arith.constant 1 : i32
    %eq3A_78 = vector.broadcast %eq3A_77 : i32 to vector<1024x20xi32>
    %eq3A_79 = arith.cmpi eq, %iota3A_43, %eq3A_78 : vector<1024x20xi32>
    %broadcast_in_dim3A_80 = vector.shape_cast %and3A_76 : vector<1024x1xi32> to vector<1024x1xi32>
    %broadcast_in_dim3A_81 = vector.broadcast %broadcast_in_dim3A_80 : vector<1024x1xi32> to vector<1024x20xi32>
    %select_n3A_82 = arith.select %eq3A_79, %broadcast_in_dim3A_81, %select_n3A : vector<1024x20xi1>, vector<1024x20xi32>
    %eq3A_83 = vector.broadcast %broadcast_in_dim3A_73 : vector<1024x1xi32> to vector<1024x1024xi32>
    %eq3A_84 = arith.cmpi eq, %select_n3A_70, %eq3A_83 : vector<1024x1024xi32>
    %jit3A_85 = arith.constant 2147483647 : i32
    %broadcast_in_dim3A_86 = vector.broadcast %jit3A_85 : i32 to vector<1024x1024xi32>
    %select_n3A_87 = arith.select %eq3A_84, %broadcast_in_dim3A_86, %select_n3A_70 : vector<1024x1024xi1>, vector<1024x1024xi32>
    %reduce_min3A_88 = arith.constant dense<2147483647> : vector<1024xi32>
    %reduce_min3A_89 = vector.multi_reduction <minsi>, %select_n3A_87, %reduce_min3A_88 [1] : vector<1024x1024xi32> to vector<1024xi32>
    %broadcast_in_dim3A_90 = vector.shape_cast %reduce_min3A_89 : vector<1024xi32> to vector<1024x1xi32>
    %and3A_91 = arith.constant 1023 : i32
    %and3A_92 = vector.broadcast %and3A_91 : i32 to vector<1024x1xi32>
    %and3A_93 = arith.andi %broadcast_in_dim3A_90, %and3A_92 : vector<1024x1xi32>
    %eq3A_94 = arith.constant 2 : i32
    %eq3A_95 = vector.broadcast %eq3A_94 : i32 to vector<1024x20xi32>
    %eq3A_96 = arith.cmpi eq, %iota3A_43, %eq3A_95 : vector<1024x20xi32>
    %broadcast_in_dim3A_97 = vector.shape_cast %and3A_93 : vector<1024x1xi32> to vector<1024x1xi32>
    %broadcast_in_dim3A_98 = vector.broadcast %broadcast_in_dim3A_97 : vector<1024x1xi32> to vector<1024x20xi32>
    %select_n3A_99 = arith.select %eq3A_96, %broadcast_in_dim3A_98, %select_n3A_82 : vector<1024x20xi1>, vector<1024x20xi32>
    %eq3A_100 = vector.broadcast %broadcast_in_dim3A_90 : vector<1024x1xi32> to vector<1024x1024xi32>
    %eq3A_101 = arith.cmpi eq, %select_n3A_87, %eq3A_100 : vector<1024x1024xi32>
    %jit3A_102 = arith.constant 2147483647 : i32
    %broadcast_in_dim3A_103 = vector.broadcast %jit3A_102 : i32 to vector<1024x1024xi32>
    %select_n3A_104 = arith.select %eq3A_101, %broadcast_in_dim3A_103, %select_n3A_87 : vector<1024x1024xi1>, vector<1024x1024xi32>
    %reduce_min3A_105 = arith.constant dense<2147483647> : vector<1024xi32>
    %reduce_min3A_106 = vector.multi_reduction <minsi>, %select_n3A_104, %reduce_min3A_105 [1] : vector<1024x1024xi32> to vector<1024xi32>
    %broadcast_in_dim3A_107 = vector.shape_cast %reduce_min3A_106 : vector<1024xi32> to vector<1024x1xi32>
    %and3A_108 = arith.constant 1023 : i32
    %and3A_109 = vector.broadcast %and3A_108 : i32 to vector<1024x1xi32>
    %and3A_110 = arith.andi %broadcast_in_dim3A_107, %and3A_109 : vector<1024x1xi32>
    %eq3A_111 = arith.constant 3 : i32
    %eq3A_112 = vector.broadcast %eq3A_111 : i32 to vector<1024x20xi32>
    %eq3A_113 = arith.cmpi eq, %iota3A_43, %eq3A_112 : vector<1024x20xi32>
    %broadcast_in_dim3A_114 = vector.shape_cast %and3A_110 : vector<1024x1xi32> to vector<1024x1xi32>
    %broadcast_in_dim3A_115 = vector.broadcast %broadcast_in_dim3A_114 : vector<1024x1xi32> to vector<1024x20xi32>
    %select_n3A_116 = arith.select %eq3A_113, %broadcast_in_dim3A_115, %select_n3A_99 : vector<1024x20xi1>, vector<1024x20xi32>
    %eq3A_117 = vector.broadcast %broadcast_in_dim3A_107 : vector<1024x1xi32> to vector<1024x1024xi32>
    %eq3A_118 = arith.cmpi eq, %select_n3A_104, %eq3A_117 : vector<1024x1024xi32>
    %jit3A_119 = arith.constant 2147483647 : i32
    %broadcast_in_dim3A_120 = vector.broadcast %jit3A_119 : i32 to vector<1024x1024xi32>
    %select_n3A_121 = arith.select %eq3A_118, %broadcast_in_dim3A_120, %select_n3A_104 : vector<1024x1024xi1>, vector<1024x1024xi32>
    %reduce_min3A_122 = arith.constant dense<2147483647> : vector<1024xi32>
    %reduce_min3A_123 = vector.multi_reduction <minsi>, %select_n3A_121, %reduce_min3A_122 [1] : vector<1024x1024xi32> to vector<1024xi32>
    %broadcast_in_dim3A_124 = vector.shape_cast %reduce_min3A_123 : vector<1024xi32> to vector<1024x1xi32>
    %and3A_125 = arith.constant 1023 : i32
    %and3A_126 = vector.broadcast %and3A_125 : i32 to vector<1024x1xi32>
    %and3A_127 = arith.andi %broadcast_in_dim3A_124, %and3A_126 : vector<1024x1xi32>
    %eq3A_128 = arith.constant 4 : i32
    %eq3A_129 = vector.broadcast %eq3A_128 : i32 to vector<1024x20xi32>
    %eq3A_130 = arith.cmpi eq, %iota3A_43, %eq3A_129 : vector<1024x20xi32>
    %broadcast_in_dim3A_131 = vector.shape_cast %and3A_127 : vector<1024x1xi32> to vector<1024x1xi32>
    %broadcast_in_dim3A_132 = vector.broadcast %broadcast_in_dim3A_131 : vector<1024x1xi32> to vector<1024x20xi32>
    %select_n3A_133 = arith.select %eq3A_130, %broadcast_in_dim3A_132, %select_n3A_116 : vector<1024x20xi1>, vector<1024x20xi32>
    %eq3A_134 = vector.broadcast %broadcast_in_dim3A_124 : vector<1024x1xi32> to vector<1024x1024xi32>
    %eq3A_135 = arith.cmpi eq, %select_n3A_121, %eq3A_134 : vector<1024x1024xi32>
    %jit3A_136 = arith.constant 2147483647 : i32
    %broadcast_in_dim3A_137 = vector.broadcast %jit3A_136 : i32 to vector<1024x1024xi32>
    %select_n3A_138 = arith.select %eq3A_135, %broadcast_in_dim3A_137, %select_n3A_121 : vector<1024x1024xi1>, vector<1024x1024xi32>
    %reduce_min3A_139 = arith.constant dense<2147483647> : vector<1024xi32>
    %reduce_min3A_140 = vector.multi_reduction <minsi>, %select_n3A_138, %reduce_min3A_139 [1] : vector<1024x1024xi32> to vector<1024xi32>
    %broadcast_in_dim3A_141 = vector.shape_cast %reduce_min3A_140 : vector<1024xi32> to vector<1024x1xi32>
    %and3A_142 = arith.constant 1023 : i32
    %and3A_143 = vector.broadcast %and3A_142 : i32 to vector<1024x1xi32>
    %and3A_144 = arith.andi %broadcast_in_dim3A_141, %and3A_143 : vector<1024x1xi32>
    %eq3A_145 = arith.constant 5 : i32
    %eq3A_146 = vector.broadcast %eq3A_145 : i32 to vector<1024x20xi32>
    %eq3A_147 = arith.cmpi eq, %iota3A_43, %eq3A_146 : vector<1024x20xi32>
    %broadcast_in_dim3A_148 = vector.shape_cast %and3A_144 : vector<1024x1xi32> to vector<1024x1xi32>
    %broadcast_in_dim3A_149 = vector.broadcast %broadcast_in_dim3A_148 : vector<1024x1xi32> to vector<1024x20xi32>
    %select_n3A_150 = arith.select %eq3A_147, %broadcast_in_dim3A_149, %select_n3A_133 : vector<1024x20xi1>, vector<1024x20xi32>
    %eq3A_151 = vector.broadcast %broadcast_in_dim3A_141 : vector<1024x1xi32> to vector<1024x1024xi32>
    %eq3A_152 = arith.cmpi eq, %select_n3A_138, %eq3A_151 : vector<1024x1024xi32>
    %jit3A_153 = arith.constant 2147483647 : i32
    %broadcast_in_dim3A_154 = vector.broadcast %jit3A_153 : i32 to vector<1024x1024xi32>
    %select_n3A_155 = arith.select %eq3A_152, %broadcast_in_dim3A_154, %select_n3A_138 : vector<1024x1024xi1>, vector<1024x1024xi32>
    %reduce_min3A_156 = arith.constant dense<2147483647> : vector<1024xi32>
    %reduce_min3A_157 = vector.multi_reduction <minsi>, %select_n3A_155, %reduce_min3A_156 [1] : vector<1024x1024xi32> to vector<1024xi32>
    %broadcast_in_dim3A_158 = vector.shape_cast %reduce_min3A_157 : vector<1024xi32> to vector<1024x1xi32>
    %and3A_159 = arith.constant 1023 : i32
    %and3A_160 = vector.broadcast %and3A_159 : i32 to vector<1024x1xi32>
    %and3A_161 = arith.andi %broadcast_in_dim3A_158, %and3A_160 : vector<1024x1xi32>
    %eq3A_162 = arith.constant 6 : i32
    %eq3A_163 = vector.broadcast %eq3A_162 : i32 to vector<1024x20xi32>
    %eq3A_164 = arith.cmpi eq, %iota3A_43, %eq3A_163 : vector<1024x20xi32>
    %broadcast_in_dim3A_165 = vector.shape_cast %and3A_161 : vector<1024x1xi32> to vector<1024x1xi32>
    %broadcast_in_dim3A_166 = vector.broadcast %broadcast_in_dim3A_165 : vector<1024x1xi32> to vector<1024x20xi32>
    %select_n3A_167 = arith.select %eq3A_164, %broadcast_in_dim3A_166, %select_n3A_150 : vector<1024x20xi1>, vector<1024x20xi32>
    %eq3A_168 = vector.broadcast %broadcast_in_dim3A_158 : vector<1024x1xi32> to vector<1024x1024xi32>
    %eq3A_169 = arith.cmpi eq, %select_n3A_155, %eq3A_168 : vector<1024x1024xi32>
    %jit3A_170 = arith.constant 2147483647 : i32
    %broadcast_in_dim3A_171 = vector.broadcast %jit3A_170 : i32 to vector<1024x1024xi32>
    %select_n3A_172 = arith.select %eq3A_169, %broadcast_in_dim3A_171, %select_n3A_155 : vector<1024x1024xi1>, vector<1024x1024xi32>
    %reduce_min3A_173 = arith.constant dense<2147483647> : vector<1024xi32>
    %reduce_min3A_174 = vector.multi_reduction <minsi>, %select_n3A_172, %reduce_min3A_173 [1] : vector<1024x1024xi32> to vector<1024xi32>
    %broadcast_in_dim3A_175 = vector.shape_cast %reduce_min3A_174 : vector<1024xi32> to vector<1024x1xi32>
    %and3A_176 = arith.constant 1023 : i32
    %and3A_177 = vector.broadcast %and3A_176 : i32 to vector<1024x1xi32>
    %and3A_178 = arith.andi %broadcast_in_dim3A_175, %and3A_177 : vector<1024x1xi32>
    %eq3A_179 = arith.constant 7 : i32
    %eq3A_180 = vector.broadcast %eq3A_179 : i32 to vector<1024x20xi32>
    %eq3A_181 = arith.cmpi eq, %iota3A_43, %eq3A_180 : vector<1024x20xi32>
    %broadcast_in_dim3A_182 = vector.shape_cast %and3A_178 : vector<1024x1xi32> to vector<1024x1xi32>
    %broadcast_in_dim3A_183 = vector.broadcast %broadcast_in_dim3A_182 : vector<1024x1xi32> to vector<1024x20xi32>
    %select_n3A_184 = arith.select %eq3A_181, %broadcast_in_dim3A_183, %select_n3A_167 : vector<1024x20xi1>, vector<1024x20xi32>
    %eq3A_185 = vector.broadcast %broadcast_in_dim3A_175 : vector<1024x1xi32> to vector<1024x1024xi32>
    %eq3A_186 = arith.cmpi eq, %select_n3A_172, %eq3A_185 : vector<1024x1024xi32>
    %jit3A_187 = arith.constant 2147483647 : i32
    %broadcast_in_dim3A_188 = vector.broadcast %jit3A_187 : i32 to vector<1024x1024xi32>
    %select_n3A_189 = arith.select %eq3A_186, %broadcast_in_dim3A_188, %select_n3A_172 : vector<1024x1024xi1>, vector<1024x1024xi32>
    %reduce_min3A_190 = arith.constant dense<2147483647> : vector<1024xi32>
    %reduce_min3A_191 = vector.multi_reduction <minsi>, %select_n3A_189, %reduce_min3A_190 [1] : vector<1024x1024xi32> to vector<1024xi32>
    %broadcast_in_dim3A_192 = vector.shape_cast %reduce_min3A_191 : vector<1024xi32> to vector<1024x1xi32>
    %and3A_193 = arith.constant 1023 : i32
    %and3A_194 = vector.broadcast %and3A_193 : i32 to vector<1024x1xi32>
    %and3A_195 = arith.andi %broadcast_in_dim3A_192, %and3A_194 : vector<1024x1xi32>
    %eq3A_196 = arith.constant 8 : i32
    %eq3A_197 = vector.broadcast %eq3A_196 : i32 to vector<1024x20xi32>
    %eq3A_198 = arith.cmpi eq, %iota3A_43, %eq3A_197 : vector<1024x20xi32>
    %broadcast_in_dim3A_199 = vector.shape_cast %and3A_195 : vector<1024x1xi32> to vector<1024x1xi32>
    %broadcast_in_dim3A_200 = vector.broadcast %broadcast_in_dim3A_199 : vector<1024x1xi32> to vector<1024x20xi32>
    %select_n3A_201 = arith.select %eq3A_198, %broadcast_in_dim3A_200, %select_n3A_184 : vector<1024x20xi1>, vector<1024x20xi32>
    %eq3A_202 = vector.broadcast %broadcast_in_dim3A_192 : vector<1024x1xi32> to vector<1024x1024xi32>
    %eq3A_203 = arith.cmpi eq, %select_n3A_189, %eq3A_202 : vector<1024x1024xi32>
    %jit3A_204 = arith.constant 2147483647 : i32
    %broadcast_in_dim3A_205 = vector.broadcast %jit3A_204 : i32 to vector<1024x1024xi32>
    %select_n3A_206 = arith.select %eq3A_203, %broadcast_in_dim3A_205, %select_n3A_189 : vector<1024x1024xi1>, vector<1024x1024xi32>
    %reduce_min3A_207 = arith.constant dense<2147483647> : vector<1024xi32>
    %reduce_min3A_208 = vector.multi_reduction <minsi>, %select_n3A_206, %reduce_min3A_207 [1] : vector<1024x1024xi32> to vector<1024xi32>
    %broadcast_in_dim3A_209 = vector.shape_cast %reduce_min3A_208 : vector<1024xi32> to vector<1024x1xi32>
    %and3A_210 = arith.constant 1023 : i32
    %and3A_211 = vector.broadcast %and3A_210 : i32 to vector<1024x1xi32>
    %and3A_212 = arith.andi %broadcast_in_dim3A_209, %and3A_211 : vector<1024x1xi32>
    %eq3A_213 = arith.constant 9 : i32
    %eq3A_214 = vector.broadcast %eq3A_213 : i32 to vector<1024x20xi32>
    %eq3A_215 = arith.cmpi eq, %iota3A_43, %eq3A_214 : vector<1024x20xi32>
    %broadcast_in_dim3A_216 = vector.shape_cast %and3A_212 : vector<1024x1xi32> to vector<1024x1xi32>
    %broadcast_in_dim3A_217 = vector.broadcast %broadcast_in_dim3A_216 : vector<1024x1xi32> to vector<1024x20xi32>
    %select_n3A_218 = arith.select %eq3A_215, %broadcast_in_dim3A_217, %select_n3A_201 : vector<1024x20xi1>, vector<1024x20xi32>
    %eq3A_219 = vector.broadcast %broadcast_in_dim3A_209 : vector<1024x1xi32> to vector<1024x1024xi32>
    %eq3A_220 = arith.cmpi eq, %select_n3A_206, %eq3A_219 : vector<1024x1024xi32>
    %jit3A_221 = arith.constant 2147483647 : i32
    %broadcast_in_dim3A_222 = vector.broadcast %jit3A_221 : i32 to vector<1024x1024xi32>
    %select_n3A_223 = arith.select %eq3A_220, %broadcast_in_dim3A_222, %select_n3A_206 : vector<1024x1024xi1>, vector<1024x1024xi32>
    %reduce_min3A_224 = arith.constant dense<2147483647> : vector<1024xi32>
    %reduce_min3A_225 = vector.multi_reduction <minsi>, %select_n3A_223, %reduce_min3A_224 [1] : vector<1024x1024xi32> to vector<1024xi32>
    %broadcast_in_dim3A_226 = vector.shape_cast %reduce_min3A_225 : vector<1024xi32> to vector<1024x1xi32>
    %and3A_227 = arith.constant 1023 : i32
    %and3A_228 = vector.broadcast %and3A_227 : i32 to vector<1024x1xi32>
    %and3A_229 = arith.andi %broadcast_in_dim3A_226, %and3A_228 : vector<1024x1xi32>
    %eq3A_230 = arith.constant 10 : i32
    %eq3A_231 = vector.broadcast %eq3A_230 : i32 to vector<1024x20xi32>
    %eq3A_232 = arith.cmpi eq, %iota3A_43, %eq3A_231 : vector<1024x20xi32>
    %broadcast_in_dim3A_233 = vector.shape_cast %and3A_229 : vector<1024x1xi32> to vector<1024x1xi32>
    %broadcast_in_dim3A_234 = vector.broadcast %broadcast_in_dim3A_233 : vector<1024x1xi32> to vector<1024x20xi32>
    %select_n3A_235 = arith.select %eq3A_232, %broadcast_in_dim3A_234, %select_n3A_218 : vector<1024x20xi1>, vector<1024x20xi32>
    %eq3A_236 = vector.broadcast %broadcast_in_dim3A_226 : vector<1024x1xi32> to vector<1024x1024xi32>
    %eq3A_237 = arith.cmpi eq, %select_n3A_223, %eq3A_236 : vector<1024x1024xi32>
    %jit3A_238 = arith.constant 2147483647 : i32
    %broadcast_in_dim3A_239 = vector.broadcast %jit3A_238 : i32 to vector<1024x1024xi32>
    %select_n3A_240 = arith.select %eq3A_237, %broadcast_in_dim3A_239, %select_n3A_223 : vector<1024x1024xi1>, vector<1024x1024xi32>
    %reduce_min3A_241 = arith.constant dense<2147483647> : vector<1024xi32>
    %reduce_min3A_242 = vector.multi_reduction <minsi>, %select_n3A_240, %reduce_min3A_241 [1] : vector<1024x1024xi32> to vector<1024xi32>
    %broadcast_in_dim3A_243 = vector.shape_cast %reduce_min3A_242 : vector<1024xi32> to vector<1024x1xi32>
    %and3A_244 = arith.constant 1023 : i32
    %and3A_245 = vector.broadcast %and3A_244 : i32 to vector<1024x1xi32>
    %and3A_246 = arith.andi %broadcast_in_dim3A_243, %and3A_245 : vector<1024x1xi32>
    %eq3A_247 = arith.constant 11 : i32
    %eq3A_248 = vector.broadcast %eq3A_247 : i32 to vector<1024x20xi32>
    %eq3A_249 = arith.cmpi eq, %iota3A_43, %eq3A_248 : vector<1024x20xi32>
    %broadcast_in_dim3A_250 = vector.shape_cast %and3A_246 : vector<1024x1xi32> to vector<1024x1xi32>
    %broadcast_in_dim3A_251 = vector.broadcast %broadcast_in_dim3A_250 : vector<1024x1xi32> to vector<1024x20xi32>
    %select_n3A_252 = arith.select %eq3A_249, %broadcast_in_dim3A_251, %select_n3A_235 : vector<1024x20xi1>, vector<1024x20xi32>
    %eq3A_253 = vector.broadcast %broadcast_in_dim3A_243 : vector<1024x1xi32> to vector<1024x1024xi32>
    %eq3A_254 = arith.cmpi eq, %select_n3A_240, %eq3A_253 : vector<1024x1024xi32>
    %jit3A_255 = arith.constant 2147483647 : i32
    %broadcast_in_dim3A_256 = vector.broadcast %jit3A_255 : i32 to vector<1024x1024xi32>
    %select_n3A_257 = arith.select %eq3A_254, %broadcast_in_dim3A_256, %select_n3A_240 : vector<1024x1024xi1>, vector<1024x1024xi32>
    %reduce_min3A_258 = arith.constant dense<2147483647> : vector<1024xi32>
    %reduce_min3A_259 = vector.multi_reduction <minsi>, %select_n3A_257, %reduce_min3A_258 [1] : vector<1024x1024xi32> to vector<1024xi32>
    %broadcast_in_dim3A_260 = vector.shape_cast %reduce_min3A_259 : vector<1024xi32> to vector<1024x1xi32>
    %and3A_261 = arith.constant 1023 : i32
    %and3A_262 = vector.broadcast %and3A_261 : i32 to vector<1024x1xi32>
    %and3A_263 = arith.andi %broadcast_in_dim3A_260, %and3A_262 : vector<1024x1xi32>
    %eq3A_264 = arith.constant 12 : i32
    %eq3A_265 = vector.broadcast %eq3A_264 : i32 to vector<1024x20xi32>
    %eq3A_266 = arith.cmpi eq, %iota3A_43, %eq3A_265 : vector<1024x20xi32>
    %broadcast_in_dim3A_267 = vector.shape_cast %and3A_263 : vector<1024x1xi32> to vector<1024x1xi32>
    %broadcast_in_dim3A_268 = vector.broadcast %broadcast_in_dim3A_267 : vector<1024x1xi32> to vector<1024x20xi32>
    %select_n3A_269 = arith.select %eq3A_266, %broadcast_in_dim3A_268, %select_n3A_252 : vector<1024x20xi1>, vector<1024x20xi32>
    %eq3A_270 = vector.broadcast %broadcast_in_dim3A_260 : vector<1024x1xi32> to vector<1024x1024xi32>
    %eq3A_271 = arith.cmpi eq, %select_n3A_257, %eq3A_270 : vector<1024x1024xi32>
    %jit3A_272 = arith.constant 2147483647 : i32
    %broadcast_in_dim3A_273 = vector.broadcast %jit3A_272 : i32 to vector<1024x1024xi32>
    %select_n3A_274 = arith.select %eq3A_271, %broadcast_in_dim3A_273, %select_n3A_257 : vector<1024x1024xi1>, vector<1024x1024xi32>
    %reduce_min3A_275 = arith.constant dense<2147483647> : vector<1024xi32>
    %reduce_min3A_276 = vector.multi_reduction <minsi>, %select_n3A_274, %reduce_min3A_275 [1] : vector<1024x1024xi32> to vector<1024xi32>
    %broadcast_in_dim3A_277 = vector.shape_cast %reduce_min3A_276 : vector<1024xi32> to vector<1024x1xi32>
    %and3A_278 = arith.constant 1023 : i32
    %and3A_279 = vector.broadcast %and3A_278 : i32 to vector<1024x1xi32>
    %and3A_280 = arith.andi %broadcast_in_dim3A_277, %and3A_279 : vector<1024x1xi32>
    %eq3A_281 = arith.constant 13 : i32
    %eq3A_282 = vector.broadcast %eq3A_281 : i32 to vector<1024x20xi32>
    %eq3A_283 = arith.cmpi eq, %iota3A_43, %eq3A_282 : vector<1024x20xi32>
    %broadcast_in_dim3A_284 = vector.shape_cast %and3A_280 : vector<1024x1xi32> to vector<1024x1xi32>
    %broadcast_in_dim3A_285 = vector.broadcast %broadcast_in_dim3A_284 : vector<1024x1xi32> to vector<1024x20xi32>
    %select_n3A_286 = arith.select %eq3A_283, %broadcast_in_dim3A_285, %select_n3A_269 : vector<1024x20xi1>, vector<1024x20xi32>
    %eq3A_287 = vector.broadcast %broadcast_in_dim3A_277 : vector<1024x1xi32> to vector<1024x1024xi32>
    %eq3A_288 = arith.cmpi eq, %select_n3A_274, %eq3A_287 : vector<1024x1024xi32>
    %jit3A_289 = arith.constant 2147483647 : i32
    %broadcast_in_dim3A_290 = vector.broadcast %jit3A_289 : i32 to vector<1024x1024xi32>
    %select_n3A_291 = arith.select %eq3A_288, %broadcast_in_dim3A_290, %select_n3A_274 : vector<1024x1024xi1>, vector<1024x1024xi32>
    %reduce_min3A_292 = arith.constant dense<2147483647> : vector<1024xi32>
    %reduce_min3A_293 = vector.multi_reduction <minsi>, %select_n3A_291, %reduce_min3A_292 [1] : vector<1024x1024xi32> to vector<1024xi32>
    %broadcast_in_dim3A_294 = vector.shape_cast %reduce_min3A_293 : vector<1024xi32> to vector<1024x1xi32>
    %and3A_295 = arith.constant 1023 : i32
    %and3A_296 = vector.broadcast %and3A_295 : i32 to vector<1024x1xi32>
    %and3A_297 = arith.andi %broadcast_in_dim3A_294, %and3A_296 : vector<1024x1xi32>
    %eq3A_298 = arith.constant 14 : i32
    %eq3A_299 = vector.broadcast %eq3A_298 : i32 to vector<1024x20xi32>
    %eq3A_300 = arith.cmpi eq, %iota3A_43, %eq3A_299 : vector<1024x20xi32>
    %broadcast_in_dim3A_301 = vector.shape_cast %and3A_297 : vector<1024x1xi32> to vector<1024x1xi32>
    %broadcast_in_dim3A_302 = vector.broadcast %broadcast_in_dim3A_301 : vector<1024x1xi32> to vector<1024x20xi32>
    %select_n3A_303 = arith.select %eq3A_300, %broadcast_in_dim3A_302, %select_n3A_286 : vector<1024x20xi1>, vector<1024x20xi32>
    %eq3A_304 = vector.broadcast %broadcast_in_dim3A_294 : vector<1024x1xi32> to vector<1024x1024xi32>
    %eq3A_305 = arith.cmpi eq, %select_n3A_291, %eq3A_304 : vector<1024x1024xi32>
    %jit3A_306 = arith.constant 2147483647 : i32
    %broadcast_in_dim3A_307 = vector.broadcast %jit3A_306 : i32 to vector<1024x1024xi32>
    %select_n3A_308 = arith.select %eq3A_305, %broadcast_in_dim3A_307, %select_n3A_291 : vector<1024x1024xi1>, vector<1024x1024xi32>
    %reduce_min3A_309 = arith.constant dense<2147483647> : vector<1024xi32>
    %reduce_min3A_310 = vector.multi_reduction <minsi>, %select_n3A_308, %reduce_min3A_309 [1] : vector<1024x1024xi32> to vector<1024xi32>
    %broadcast_in_dim3A_311 = vector.shape_cast %reduce_min3A_310 : vector<1024xi32> to vector<1024x1xi32>
    %and3A_312 = arith.constant 1023 : i32
    %and3A_313 = vector.broadcast %and3A_312 : i32 to vector<1024x1xi32>
    %and3A_314 = arith.andi %broadcast_in_dim3A_311, %and3A_313 : vector<1024x1xi32>
    %eq3A_315 = arith.constant 15 : i32
    %eq3A_316 = vector.broadcast %eq3A_315 : i32 to vector<1024x20xi32>
    %eq3A_317 = arith.cmpi eq, %iota3A_43, %eq3A_316 : vector<1024x20xi32>
    %broadcast_in_dim3A_318 = vector.shape_cast %and3A_314 : vector<1024x1xi32> to vector<1024x1xi32>
    %broadcast_in_dim3A_319 = vector.broadcast %broadcast_in_dim3A_318 : vector<1024x1xi32> to vector<1024x20xi32>
    %select_n3A_320 = arith.select %eq3A_317, %broadcast_in_dim3A_319, %select_n3A_303 : vector<1024x20xi1>, vector<1024x20xi32>
    %eq3A_321 = vector.broadcast %broadcast_in_dim3A_311 : vector<1024x1xi32> to vector<1024x1024xi32>
    %eq3A_322 = arith.cmpi eq, %select_n3A_308, %eq3A_321 : vector<1024x1024xi32>
    %jit3A_323 = arith.constant 2147483647 : i32
    %broadcast_in_dim3A_324 = vector.broadcast %jit3A_323 : i32 to vector<1024x1024xi32>
    %select_n3A_325 = arith.select %eq3A_322, %broadcast_in_dim3A_324, %select_n3A_308 : vector<1024x1024xi1>, vector<1024x1024xi32>
    %reduce_min3A_326 = arith.constant dense<2147483647> : vector<1024xi32>
    %reduce_min3A_327 = vector.multi_reduction <minsi>, %select_n3A_325, %reduce_min3A_326 [1] : vector<1024x1024xi32> to vector<1024xi32>
    %broadcast_in_dim3A_328 = vector.shape_cast %reduce_min3A_327 : vector<1024xi32> to vector<1024x1xi32>
    %and3A_329 = arith.constant 1023 : i32
    %and3A_330 = vector.broadcast %and3A_329 : i32 to vector<1024x1xi32>
    %and3A_331 = arith.andi %broadcast_in_dim3A_328, %and3A_330 : vector<1024x1xi32>
    %eq3A_332 = arith.constant 16 : i32
    %eq3A_333 = vector.broadcast %eq3A_332 : i32 to vector<1024x20xi32>
    %eq3A_334 = arith.cmpi eq, %iota3A_43, %eq3A_333 : vector<1024x20xi32>
    %broadcast_in_dim3A_335 = vector.shape_cast %and3A_331 : vector<1024x1xi32> to vector<1024x1xi32>
    %broadcast_in_dim3A_336 = vector.broadcast %broadcast_in_dim3A_335 : vector<1024x1xi32> to vector<1024x20xi32>
    %select_n3A_337 = arith.select %eq3A_334, %broadcast_in_dim3A_336, %select_n3A_320 : vector<1024x20xi1>, vector<1024x20xi32>
    %eq3A_338 = vector.broadcast %broadcast_in_dim3A_328 : vector<1024x1xi32> to vector<1024x1024xi32>
    %eq3A_339 = arith.cmpi eq, %select_n3A_325, %eq3A_338 : vector<1024x1024xi32>
    %jit3A_340 = arith.constant 2147483647 : i32
    %broadcast_in_dim3A_341 = vector.broadcast %jit3A_340 : i32 to vector<1024x1024xi32>
    %select_n3A_342 = arith.select %eq3A_339, %broadcast_in_dim3A_341, %select_n3A_325 : vector<1024x1024xi1>, vector<1024x1024xi32>
    %reduce_min3A_343 = arith.constant dense<2147483647> : vector<1024xi32>
    %reduce_min3A_344 = vector.multi_reduction <minsi>, %select_n3A_342, %reduce_min3A_343 [1] : vector<1024x1024xi32> to vector<1024xi32>
    %broadcast_in_dim3A_345 = vector.shape_cast %reduce_min3A_344 : vector<1024xi32> to vector<1024x1xi32>
    %and3A_346 = arith.constant 1023 : i32
    %and3A_347 = vector.broadcast %and3A_346 : i32 to vector<1024x1xi32>
    %and3A_348 = arith.andi %broadcast_in_dim3A_345, %and3A_347 : vector<1024x1xi32>
    %eq3A_349 = arith.constant 17 : i32
    %eq3A_350 = vector.broadcast %eq3A_349 : i32 to vector<1024x20xi32>
    %eq3A_351 = arith.cmpi eq, %iota3A_43, %eq3A_350 : vector<1024x20xi32>
    %broadcast_in_dim3A_352 = vector.shape_cast %and3A_348 : vector<1024x1xi32> to vector<1024x1xi32>
    %broadcast_in_dim3A_353 = vector.broadcast %broadcast_in_dim3A_352 : vector<1024x1xi32> to vector<1024x20xi32>
    %select_n3A_354 = arith.select %eq3A_351, %broadcast_in_dim3A_353, %select_n3A_337 : vector<1024x20xi1>, vector<1024x20xi32>
    %eq3A_355 = vector.broadcast %broadcast_in_dim3A_345 : vector<1024x1xi32> to vector<1024x1024xi32>
    %eq3A_356 = arith.cmpi eq, %select_n3A_342, %eq3A_355 : vector<1024x1024xi32>
    %jit3A_357 = arith.constant 2147483647 : i32
    %broadcast_in_dim3A_358 = vector.broadcast %jit3A_357 : i32 to vector<1024x1024xi32>
    %select_n3A_359 = arith.select %eq3A_356, %broadcast_in_dim3A_358, %select_n3A_342 : vector<1024x1024xi1>, vector<1024x1024xi32>
    %reduce_min3A_360 = arith.constant dense<2147483647> : vector<1024xi32>
    %reduce_min3A_361 = vector.multi_reduction <minsi>, %select_n3A_359, %reduce_min3A_360 [1] : vector<1024x1024xi32> to vector<1024xi32>
    %broadcast_in_dim3A_362 = vector.shape_cast %reduce_min3A_361 : vector<1024xi32> to vector<1024x1xi32>
    %and3A_363 = arith.constant 1023 : i32
    %and3A_364 = vector.broadcast %and3A_363 : i32 to vector<1024x1xi32>
    %and3A_365 = arith.andi %broadcast_in_dim3A_362, %and3A_364 : vector<1024x1xi32>
    %eq3A_366 = arith.constant 18 : i32
    %eq3A_367 = vector.broadcast %eq3A_366 : i32 to vector<1024x20xi32>
    %eq3A_368 = arith.cmpi eq, %iota3A_43, %eq3A_367 : vector<1024x20xi32>
    %broadcast_in_dim3A_369 = vector.shape_cast %and3A_365 : vector<1024x1xi32> to vector<1024x1xi32>
    %broadcast_in_dim3A_370 = vector.broadcast %broadcast_in_dim3A_369 : vector<1024x1xi32> to vector<1024x20xi32>
    %select_n3A_371 = arith.select %eq3A_368, %broadcast_in_dim3A_370, %select_n3A_354 : vector<1024x20xi1>, vector<1024x20xi32>
    %eq3A_372 = vector.broadcast %broadcast_in_dim3A_362 : vector<1024x1xi32> to vector<1024x1024xi32>
    %eq3A_373 = arith.cmpi eq, %select_n3A_359, %eq3A_372 : vector<1024x1024xi32>
    %jit3A_374 = arith.constant 2147483647 : i32
    %broadcast_in_dim3A_375 = vector.broadcast %jit3A_374 : i32 to vector<1024x1024xi32>
    %select_n3A_376 = arith.select %eq3A_373, %broadcast_in_dim3A_375, %select_n3A_359 : vector<1024x1024xi1>, vector<1024x1024xi32>
    %reduce_min3A_377 = arith.constant dense<2147483647> : vector<1024xi32>
    %reduce_min3A_378 = vector.multi_reduction <minsi>, %select_n3A_376, %reduce_min3A_377 [1] : vector<1024x1024xi32> to vector<1024xi32>
    %broadcast_in_dim3A_379 = vector.shape_cast %reduce_min3A_378 : vector<1024xi32> to vector<1024x1xi32>
    %and3A_380 = arith.constant 1023 : i32
    %and3A_381 = vector.broadcast %and3A_380 : i32 to vector<1024x1xi32>
    %and3A_382 = arith.andi %broadcast_in_dim3A_379, %and3A_381 : vector<1024x1xi32>
    %eq3A_383 = arith.constant 19 : i32
    %eq3A_384 = vector.broadcast %eq3A_383 : i32 to vector<1024x20xi32>
    %eq3A_385 = arith.cmpi eq, %iota3A_43, %eq3A_384 : vector<1024x20xi32>
    %broadcast_in_dim3A_386 = vector.shape_cast %and3A_382 : vector<1024x1xi32> to vector<1024x1xi32>
    %broadcast_in_dim3A_387 = vector.broadcast %broadcast_in_dim3A_386 : vector<1024x1xi32> to vector<1024x20xi32>
    %select_n3A_388 = arith.select %eq3A_385, %broadcast_in_dim3A_387, %select_n3A_371 : vector<1024x20xi1>, vector<1024x20xi32>
    %mul3A_389 = arith.constant 1024 : i32
    %mul3A_390 = arith.muli %arg0, %mul3A_389 : i32
    %add3A_391 = vector.broadcast %mul3A_390 : i32 to vector<1024x20xi32>
    %add3A_392 = arith.addi %select_n3A_388, %add3A_391 : vector<1024x20xi32>
    %swap3A_393 = arith.constant 0 : index
    %swap3A_394 = arith.constant 0 : index
    %swap3A_395 = arith.constant 0 : index
    %swap3A_396 = vector.load %arg5[%swap3A_393, %swap3A_394, %swap3A_395] : memref<1x1024x20xi32, #tpu.memory_space<vmem>>, vector<1x1024x20xi32>
    %swap3A_397 = vector.shape_cast %swap3A_396 : vector<1x1024x20xi32> to vector<1024x20xi32>
    %swap3A_398 = vector.shape_cast %add3A_392 : vector<1024x20xi32> to vector<1x1024x20xi32>
    tpu.vector_store %arg5[%swap3A_393, %swap3A_394, %swap3A_395], %swap3A_398 {strides = array<i32>} : memref<1x1024x20xi32, #tpu.memory_space<vmem>>, vector<1x1024x20xi32>,
    return
  }
  func.func @transform_0(%arg0: i32) -> (i32, i32, i32) {
    %add3A = arith.constant 0 : i32
    %add3A_0 = arith.addi %add3A, %arg0 : i32
    %c0_i32 = arith.constant 0 : i32
    %c0_i32_1 = arith.constant 0 : i32
    %c0_i32_2 = arith.constant 0 : i32
    return %add3A_0, %c0_i32, %c0_i32_1 : i32, i32, i32
  }
  func.func @transform_1(%arg0: i32) -> (i32, i32) {
    %c0_i32 = arith.constant 0 : i32
    %c0_i32_0 = arith.constant 0 : i32
    %c0_i32_1 = arith.constant 0 : i32
    return %c0_i32, %c0_i32_0 : i32, i32
  }
  func.func @transform_2(%arg0: i32) -> (i32, i32) {
    %c0_i32 = arith.constant 0 : i32
    %c0_i32_0 = arith.constant 0 : i32
    %c0_i32_1 = arith.constant 0 : i32
    return %c0_i32, %c0_i32_0 : i32, i32
  }
  func.func @transform_3(%arg0: i32) -> (i32, i32) {
    %c0_i32 = arith.constant 0 : i32
    %c0_i32_0 = arith.constant 0 : i32
    %c0_i32_1 = arith.constant 0 : i32
    return %c0_i32, %c0_i32_0 : i32, i32
  }
  func.func @transform_4(%arg0: i32) -> (i32, i32, i32) {
    %c0_i32 = arith.constant 0 : i32
    %c0_i32_0 = arith.constant 0 : i32
    %c0_i32_1 = arith.constant 0 : i32
    return %arg0, %c0_i32, %c0_i32_0 : i32, i32, i32
  }
  func.func @transform_5(%arg0: i32) -> (i32, i32, i32) {
    %c0_i32 = arith.constant 0 : i32
    %c0_i32_0 = arith.constant 0 : i32
    %c0_i32_1 = arith.constant 0 : i32
    return %arg0, %c0_i32, %c0_i32_0 : i32, i32, i32
  }
  func.func @transform_6(%arg0: i32) -> (i32, i32, i32) {
    %c0_i32 = arith.constant 0 : i32
    %c0_i32_0 = arith.constant 0 : i32
    %c0_i32_1 = arith.constant 0 : i32
    return %arg0, %c0_i32, %c0_i32_0 : i32, i32, i32
  }
}

module attributes {stable_mosaic.version = 14 : i64} {
  func.func @_nbr_max_kernel(%arg0: i32, %arg1: memref<512x5120xf32, #tpu.memory_space<vmem>>, %arg2: memref<512x256xf32, #tpu.memory_space<vmem>>, %arg3: memref<512x256xf32, #tpu.memory_space<vmem>>) attributes {dimension_semantics = [#tpu.dimension_semantics<arbitrary>], iteration_bounds = array<i64: 16>, scalar_prefetch = 0 : i64, scratch_operands = 0 : i64, tpu.core_type = #tpu.core_type<tc>, window_params = [{transform_indices = @transform_0, window_bounds = array<i64: 512, 5120>}, {transform_indices = @transform_1, window_bounds = array<i64: 512, 256>}, {transform_indices = @transform_2, window_bounds = array<i64: 512, 256>}]} {
    %get3A = arith.constant 0 : index
    %get3A_0 = arith.constant 0 : index
    %get3A_1 = vector.load %arg1[%get3A, %get3A_0] : memref<512x5120xf32, #tpu.memory_space<vmem>>, vector<512x5120xf32>
    %slice3A = vector.extract_strided_slice %get3A_1 {offsets = [0, 0], sizes = [512, 256], strides = [1, 1]} : vector<512x5120xf32> to vector<512x256xf32>
    %slice3A_2 = vector.extract_strided_slice %get3A_1 {offsets = [0, 256], sizes = [512, 256], strides = [1, 1]} : vector<512x5120xf32> to vector<512x256xf32>
    %max3A = arith.maximumf %slice3A, %slice3A_2 : vector<512x256xf32>
    %slice3A_3 = vector.extract_strided_slice %get3A_1 {offsets = [0, 512], sizes = [512, 256], strides = [1, 1]} : vector<512x5120xf32> to vector<512x256xf32>
    %max3A_4 = arith.maximumf %max3A, %slice3A_3 : vector<512x256xf32>
    %slice3A_5 = vector.extract_strided_slice %get3A_1 {offsets = [0, 768], sizes = [512, 256], strides = [1, 1]} : vector<512x5120xf32> to vector<512x256xf32>
    %max3A_6 = arith.maximumf %max3A_4, %slice3A_5 : vector<512x256xf32>
    %slice3A_7 = vector.extract_strided_slice %get3A_1 {offsets = [0, 1024], sizes = [512, 256], strides = [1, 1]} : vector<512x5120xf32> to vector<512x256xf32>
    %max3A_8 = arith.maximumf %max3A_6, %slice3A_7 : vector<512x256xf32>
    %slice3A_9 = vector.extract_strided_slice %get3A_1 {offsets = [0, 1280], sizes = [512, 256], strides = [1, 1]} : vector<512x5120xf32> to vector<512x256xf32>
    %max3A_10 = arith.maximumf %max3A_8, %slice3A_9 : vector<512x256xf32>
    %slice3A_11 = vector.extract_strided_slice %get3A_1 {offsets = [0, 1536], sizes = [512, 256], strides = [1, 1]} : vector<512x5120xf32> to vector<512x256xf32>
    %max3A_12 = arith.maximumf %max3A_10, %slice3A_11 : vector<512x256xf32>
    %slice3A_13 = vector.extract_strided_slice %get3A_1 {offsets = [0, 1792], sizes = [512, 256], strides = [1, 1]} : vector<512x5120xf32> to vector<512x256xf32>
    %max3A_14 = arith.maximumf %max3A_12, %slice3A_13 : vector<512x256xf32>
    %slice3A_15 = vector.extract_strided_slice %get3A_1 {offsets = [0, 2048], sizes = [512, 256], strides = [1, 1]} : vector<512x5120xf32> to vector<512x256xf32>
    %max3A_16 = arith.maximumf %max3A_14, %slice3A_15 : vector<512x256xf32>
    %slice3A_17 = vector.extract_strided_slice %get3A_1 {offsets = [0, 2304], sizes = [512, 256], strides = [1, 1]} : vector<512x5120xf32> to vector<512x256xf32>
    %max3A_18 = arith.maximumf %max3A_16, %slice3A_17 : vector<512x256xf32>
    %slice3A_19 = vector.extract_strided_slice %get3A_1 {offsets = [0, 2560], sizes = [512, 256], strides = [1, 1]} : vector<512x5120xf32> to vector<512x256xf32>
    %max3A_20 = arith.maximumf %max3A_18, %slice3A_19 : vector<512x256xf32>
    %slice3A_21 = vector.extract_strided_slice %get3A_1 {offsets = [0, 2816], sizes = [512, 256], strides = [1, 1]} : vector<512x5120xf32> to vector<512x256xf32>
    %max3A_22 = arith.maximumf %max3A_20, %slice3A_21 : vector<512x256xf32>
    %slice3A_23 = vector.extract_strided_slice %get3A_1 {offsets = [0, 3072], sizes = [512, 256], strides = [1, 1]} : vector<512x5120xf32> to vector<512x256xf32>
    %max3A_24 = arith.maximumf %max3A_22, %slice3A_23 : vector<512x256xf32>
    %slice3A_25 = vector.extract_strided_slice %get3A_1 {offsets = [0, 3328], sizes = [512, 256], strides = [1, 1]} : vector<512x5120xf32> to vector<512x256xf32>
    %max3A_26 = arith.maximumf %max3A_24, %slice3A_25 : vector<512x256xf32>
    %slice3A_27 = vector.extract_strided_slice %get3A_1 {offsets = [0, 3584], sizes = [512, 256], strides = [1, 1]} : vector<512x5120xf32> to vector<512x256xf32>
    %max3A_28 = arith.maximumf %max3A_26, %slice3A_27 : vector<512x256xf32>
    %slice3A_29 = vector.extract_strided_slice %get3A_1 {offsets = [0, 3840], sizes = [512, 256], strides = [1, 1]} : vector<512x5120xf32> to vector<512x256xf32>
    %max3A_30 = arith.maximumf %max3A_28, %slice3A_29 : vector<512x256xf32>
    %slice3A_31 = vector.extract_strided_slice %get3A_1 {offsets = [0, 4096], sizes = [512, 256], strides = [1, 1]} : vector<512x5120xf32> to vector<512x256xf32>
    %max3A_32 = arith.maximumf %max3A_30, %slice3A_31 : vector<512x256xf32>
    %slice3A_33 = vector.extract_strided_slice %get3A_1 {offsets = [0, 4352], sizes = [512, 256], strides = [1, 1]} : vector<512x5120xf32> to vector<512x256xf32>
    %max3A_34 = arith.maximumf %max3A_32, %slice3A_33 : vector<512x256xf32>
    %slice3A_35 = vector.extract_strided_slice %get3A_1 {offsets = [0, 4608], sizes = [512, 256], strides = [1, 1]} : vector<512x5120xf32> to vector<512x256xf32>
    %max3A_36 = arith.maximumf %max3A_34, %slice3A_35 : vector<512x256xf32>
    %slice3A_37 = vector.extract_strided_slice %get3A_1 {offsets = [0, 4864], sizes = [512, 256], strides = [1, 1]} : vector<512x5120xf32> to vector<512x256xf32>
    %max3A_38 = arith.maximumf %max3A_36, %slice3A_37 : vector<512x256xf32>
    %get3A_39 = arith.constant 0 : index
    %get3A_40 = arith.constant 0 : index
    %get3A_41 = vector.load %arg2[%get3A_39, %get3A_40] : memref<512x256xf32, #tpu.memory_space<vmem>>, vector<512x256xf32>
    %add3A = arith.addf %max3A_38, %get3A_41 : vector<512x256xf32>
    %swap3A = arith.constant 0 : index
    %swap3A_42 = arith.constant 0 : index
    %swap3A_43 = vector.load %arg3[%swap3A, %swap3A_42] : memref<512x256xf32, #tpu.memory_space<vmem>>, vector<512x256xf32>
    tpu.vector_store %arg3[%swap3A, %swap3A_42], %add3A {strides = array<i32>} : memref<512x256xf32, #tpu.memory_space<vmem>>, vector<512x256xf32>,
    return
  }
  func.func @transform_0(%arg0: i32) -> (i32, i32) {
    %c0_i32 = arith.constant 0 : i32
    %c0_i32_0 = arith.constant 0 : i32
    return %arg0, %c0_i32 : i32, i32
  }
  func.func @transform_1(%arg0: i32) -> (i32, i32) {
    %c0_i32 = arith.constant 0 : i32
    %c0_i32_0 = arith.constant 0 : i32
    return %arg0, %c0_i32 : i32, i32
  }
  func.func @transform_2(%arg0: i32) -> (i32, i32) {
    %c0_i32 = arith.constant 0 : i32
    %c0_i32_0 = arith.constant 0 : i32
    return %arg0, %c0_i32 : i32, i32
  }
}

module attributes {stable_mosaic.version = 14 : i64} {
  func.func @_fc1_kernel(%arg0: i32, %arg1: memref<1x1024x64xf32, #tpu.memory_space<vmem>>, %arg2: memref<1x1024x128xf32, #tpu.memory_space<vmem>>, %arg3: memref<1x1024x256xf32, #tpu.memory_space<vmem>>, %arg4: memref<64x1024xf32, #tpu.memory_space<vmem>>, %arg5: memref<128x1024xf32, #tpu.memory_space<vmem>>, %arg6: memref<256x1024xf32, #tpu.memory_space<vmem>>, %arg7: memref<1x1024xf32, #tpu.memory_space<vmem>>, %arg8: memref<1x1x1024xf32, #tpu.memory_space<vmem>>) attributes {dimension_semantics = [#tpu.dimension_semantics<arbitrary>], iteration_bounds = array<i64: 8>, scalar_prefetch = 0 : i64, scratch_operands = 0 : i64, tpu.core_type = #tpu.core_type<tc>, window_params = [{transform_indices = @transform_0, window_bounds = array<i64: 1, 1024, 64>}, {transform_indices = @transform_1, window_bounds = array<i64: 1, 1024, 128>}, {transform_indices = @transform_2, window_bounds = array<i64: 1, 1024, 256>}, {pipeline_mode = #tpu.pipeline_mode<synchronous>, transform_indices = @transform_3, window_bounds = array<i64: 64, 1024>}, {pipeline_mode = #tpu.pipeline_mode<synchronous>, transform_indices = @transform_4, window_bounds = array<i64: 128, 1024>}, {pipeline_mode = #tpu.pipeline_mode<synchronous>, transform_indices = @transform_5, window_bounds = array<i64: 256, 1024>}, {pipeline_mode = #tpu.pipeline_mode<synchronous>, transform_indices = @transform_6, window_bounds = array<i64: 1, 1024>}, {transform_indices = @transform_7, window_bounds = array<i64: 1, 1, 1024>}]} {
    %get3A = arith.constant 0 : index
    %get3A_0 = arith.constant 0 : index
    %get3A_1 = arith.constant 0 : index
    %get3A_2 = vector.load %arg1[%get3A, %get3A_0, %get3A_1] : memref<1x1024x64xf32, #tpu.memory_space<vmem>>, vector<1x1024x64xf32>
    %get3A_3 = vector.shape_cast %get3A_2 : vector<1x1024x64xf32> to vector<1024x64xf32>
    %get3A_4 = arith.constant 0 : index
    %get3A_5 = arith.constant 0 : index
    %get3A_6 = vector.load %arg4[%get3A_4, %get3A_5] : memref<64x1024xf32, #tpu.memory_space<vmem>>, vector<64x1024xf32>
    %dot_general3A = arith.constant dense<0.000000e+00> : vector<1024x1024xf32>
    %dot_general3A_7 = tpu.matmul %get3A_3, %get3A_6, %dot_general3A {dimension_numbers = #tpu.dot_dimension_numbers<[1], [0], [0], [1], [0, 0, 1, 1], [], []>, transpose_lhs_hint = false} : vector<1024x64xf32>, vector<64x1024xf32>, vector<1024x1024xf32> -> vector<1024x1024xf32>
    %get3A_8 = arith.constant 0 : index
    %get3A_9 = arith.constant 0 : index
    %get3A_10 = arith.constant 0 : index
    %get3A_11 = vector.load %arg2[%get3A_8, %get3A_9, %get3A_10] : memref<1x1024x128xf32, #tpu.memory_space<vmem>>, vector<1x1024x128xf32>
    %get3A_12 = vector.shape_cast %get3A_11 : vector<1x1024x128xf32> to vector<1024x128xf32>
    %get3A_13 = arith.constant 0 : index
    %get3A_14 = arith.constant 0 : index
    %get3A_15 = vector.load %arg5[%get3A_13, %get3A_14] : memref<128x1024xf32, #tpu.memory_space<vmem>>, vector<128x1024xf32>
    %dot_general3A_16 = arith.constant dense<0.000000e+00> : vector<1024x1024xf32>
    %dot_general3A_17 = tpu.matmul %get3A_12, %get3A_15, %dot_general3A_16 {dimension_numbers = #tpu.dot_dimension_numbers<[1], [0], [0], [1], [0, 0, 1, 1], [], []>, transpose_lhs_hint = false} : vector<1024x128xf32>, vector<128x1024xf32>, vector<1024x1024xf32> -> vector<1024x1024xf32>
    %add3A = arith.addf %dot_general3A_7, %dot_general3A_17 : vector<1024x1024xf32>
    %get3A_18 = arith.constant 0 : index
    %get3A_19 = arith.constant 0 : index
    %get3A_20 = arith.constant 0 : index
    %get3A_21 = vector.load %arg3[%get3A_18, %get3A_19, %get3A_20] : memref<1x1024x256xf32, #tpu.memory_space<vmem>>, vector<1x1024x256xf32>
    %get3A_22 = vector.shape_cast %get3A_21 : vector<1x1024x256xf32> to vector<1024x256xf32>
    %get3A_23 = arith.constant 0 : index
    %get3A_24 = arith.constant 0 : index
    %get3A_25 = vector.load %arg6[%get3A_23, %get3A_24] : memref<256x1024xf32, #tpu.memory_space<vmem>>, vector<256x1024xf32>
    %dot_general3A_26 = arith.constant dense<0.000000e+00> : vector<1024x1024xf32>
    %dot_general3A_27 = tpu.matmul %get3A_22, %get3A_25, %dot_general3A_26 {dimension_numbers = #tpu.dot_dimension_numbers<[1], [0], [0], [1], [0, 0, 1, 1], [], []>, transpose_lhs_hint = false} : vector<1024x256xf32>, vector<256x1024xf32>, vector<1024x1024xf32> -> vector<1024x1024xf32>
    %add3A_28 = arith.addf %add3A, %dot_general3A_27 : vector<1024x1024xf32>
    %get3A_29 = arith.constant 0 : index
    %get3A_30 = arith.constant 0 : index
    %get3A_31 = vector.load %arg7[%get3A_29, %get3A_30] : memref<1x1024xf32, #tpu.memory_space<vmem>>, vector<1x1024xf32>
    %add3A_32 = vector.broadcast %get3A_31 : vector<1x1024xf32> to vector<1024x1024xf32>
    %add3A_33 = arith.addf %add3A_28, %add3A_32 : vector<1024x1024xf32>
    %reduce_max3A = arith.constant dense<0xFF800000> : vector<1024xf32>
    %reduce_max3A_34 = vector.multi_reduction <maximumf>, %add3A_33, %reduce_max3A [0] : vector<1024x1024xf32> to vector<1024xf32>
    %broadcast_in_dim3A = vector.shape_cast %reduce_max3A_34 : vector<1024xf32> to vector<1x1024xf32>
    %swap3A = arith.constant 0 : index
    %swap3A_35 = arith.constant 0 : index
    %swap3A_36 = arith.constant 0 : index
    %swap3A_37 = vector.load %arg8[%swap3A, %swap3A_35, %swap3A_36] : memref<1x1x1024xf32, #tpu.memory_space<vmem>>, vector<1x1x1024xf32>
    %swap3A_38 = vector.shape_cast %swap3A_37 : vector<1x1x1024xf32> to vector<1x1024xf32>
    %swap3A_39 = vector.shape_cast %broadcast_in_dim3A : vector<1x1024xf32> to vector<1x1x1024xf32>
    tpu.vector_store %arg8[%swap3A, %swap3A_35, %swap3A_36], %swap3A_39 {strides = array<i32>} : memref<1x1x1024xf32, #tpu.memory_space<vmem>>, vector<1x1x1024xf32>,
    return
  }
  func.func @transform_0(%arg0: i32) -> (i32, i32, i32) {
    %c0_i32 = arith.constant 0 : i32
    %c0_i32_0 = arith.constant 0 : i32
    %c0_i32_1 = arith.constant 0 : i32
    return %arg0, %c0_i32, %c0_i32_0 : i32, i32, i32
  }
  func.func @transform_1(%arg0: i32) -> (i32, i32, i32) {
    %c0_i32 = arith.constant 0 : i32
    %c0_i32_0 = arith.constant 0 : i32
    %c0_i32_1 = arith.constant 0 : i32
    return %arg0, %c0_i32, %c0_i32_0 : i32, i32, i32
  }
  func.func @transform_2(%arg0: i32) -> (i32, i32, i32) {
    %c0_i32 = arith.constant 0 : i32
    %c0_i32_0 = arith.constant 0 : i32
    %c0_i32_1 = arith.constant 0 : i32
    return %arg0, %c0_i32, %c0_i32_0 : i32, i32, i32
  }
  func.func @transform_3(%arg0: i32) -> (i32, i32) {
    %c0_i32 = arith.constant 0 : i32
    %c0_i32_0 = arith.constant 0 : i32
    %c0_i32_1 = arith.constant 0 : i32
    return %c0_i32, %c0_i32_0 : i32, i32
  }
  func.func @transform_4(%arg0: i32) -> (i32, i32) {
    %c0_i32 = arith.constant 0 : i32
    %c0_i32_0 = arith.constant 0 : i32
    %c0_i32_1 = arith.constant 0 : i32
    return %c0_i32, %c0_i32_0 : i32, i32
  }
  func.func @transform_5(%arg0: i32) -> (i32, i32) {
    %c0_i32 = arith.constant 0 : i32
    %c0_i32_0 = arith.constant 0 : i32
    %c0_i32_1 = arith.constant 0 : i32
    return %c0_i32, %c0_i32_0 : i32, i32
  }
  func.func @transform_6(%arg0: i32) -> (i32, i32) {
    %c0_i32 = arith.constant 0 : i32
    %c0_i32_0 = arith.constant 0 : i32
    %c0_i32_1 = arith.constant 0 : i32
    return %c0_i32, %c0_i32_0 : i32, i32
  }
  func.func @transform_7(%arg0: i32) -> (i32, i32, i32) {
    %c0_i32 = arith.constant 0 : i32
    %c0_i32_0 = arith.constant 0 : i32
    %c0_i32_1 = arith.constant 0 : i32
    return %arg0, %c0_i32, %c0_i32_0 : i32, i32, i32
  }
}

module attributes {stable_mosaic.version = 14 : i64} {
  func.func @_head_kernel(%arg0: memref<16x1024xf32, #tpu.memory_space<vmem>>, %arg1: memref<1024x512xf32, #tpu.memory_space<vmem>>, %arg2: memref<1x512xf32, #tpu.memory_space<vmem>>, %arg3: memref<512x256xf32, #tpu.memory_space<vmem>>, %arg4: memref<1x256xf32, #tpu.memory_space<vmem>>, %arg5: memref<256x40xf32, #tpu.memory_space<vmem>>, %arg6: memref<1x40xf32, #tpu.memory_space<vmem>>, %arg7: memref<16x40xf32, #tpu.memory_space<vmem>>) attributes {dimension_semantics = [], scalar_prefetch = 0 : i64, scratch_operands = 0 : i64, tpu.core_type = #tpu.core_type<tc>} {
    %get3A = arith.constant 0 : index
    %get3A_0 = arith.constant 0 : index
    %get3A_1 = vector.load %arg0[%get3A, %get3A_0] : memref<16x1024xf32, #tpu.memory_space<vmem>>, vector<16x1024xf32>
    %get3A_2 = arith.constant 0 : index
    %get3A_3 = arith.constant 0 : index
    %get3A_4 = vector.load %arg1[%get3A_2, %get3A_3] : memref<1024x512xf32, #tpu.memory_space<vmem>>, vector<1024x512xf32>
    %dot_general3A = arith.constant dense<0.000000e+00> : vector<16x512xf32>
    %dot_general3A_5 = tpu.matmul %get3A_1, %get3A_4, %dot_general3A {dimension_numbers = #tpu.dot_dimension_numbers<[1], [0], [0], [1], [0, 0, 1, 1], [], []>, transpose_lhs_hint = false} : vector<16x1024xf32>, vector<1024x512xf32>, vector<16x512xf32> -> vector<16x512xf32>
    %get3A_6 = arith.constant 0 : index
    %get3A_7 = arith.constant 0 : index
    %get3A_8 = vector.load %arg2[%get3A_6, %get3A_7] : memref<1x512xf32, #tpu.memory_space<vmem>>, vector<1x512xf32>
    %add3A = vector.broadcast %get3A_8 : vector<1x512xf32> to vector<16x512xf32>
    %add3A_9 = arith.addf %dot_general3A_5, %add3A : vector<16x512xf32>
    %max3A = arith.constant 0.000000e+00 : f32
    %max3A_10 = vector.broadcast %max3A : f32 to vector<16x512xf32>
    %max3A_11 = arith.maximumf %add3A_9, %max3A_10 : vector<16x512xf32>
    %get3A_12 = arith.constant 0 : index
    %get3A_13 = arith.constant 0 : index
    %get3A_14 = vector.load %arg3[%get3A_12, %get3A_13] : memref<512x256xf32, #tpu.memory_space<vmem>>, vector<512x256xf32>
    %dot_general3A_15 = arith.constant dense<0.000000e+00> : vector<16x256xf32>
    %dot_general3A_16 = tpu.matmul %max3A_11, %get3A_14, %dot_general3A_15 {dimension_numbers = #tpu.dot_dimension_numbers<[1], [0], [0], [1], [0, 0, 1, 1], [], []>, transpose_lhs_hint = false} : vector<16x512xf32>, vector<512x256xf32>, vector<16x256xf32> -> vector<16x256xf32>
    %get3A_17 = arith.constant 0 : index
    %get3A_18 = arith.constant 0 : index
    %get3A_19 = vector.load %arg4[%get3A_17, %get3A_18] : memref<1x256xf32, #tpu.memory_space<vmem>>, vector<1x256xf32>
    %add3A_20 = vector.broadcast %get3A_19 : vector<1x256xf32> to vector<16x256xf32>
    %add3A_21 = arith.addf %dot_general3A_16, %add3A_20 : vector<16x256xf32>
    %max3A_22 = arith.constant 0.000000e+00 : f32
    %max3A_23 = vector.broadcast %max3A_22 : f32 to vector<16x256xf32>
    %max3A_24 = arith.maximumf %add3A_21, %max3A_23 : vector<16x256xf32>
    %get3A_25 = arith.constant 0 : index
    %get3A_26 = arith.constant 0 : index
    %get3A_27 = vector.load %arg5[%get3A_25, %get3A_26] : memref<256x40xf32, #tpu.memory_space<vmem>>, vector<256x40xf32>
    %dot_general3A_28 = arith.constant dense<0.000000e+00> : vector<16x40xf32>
    %dot_general3A_29 = tpu.matmul %max3A_24, %get3A_27, %dot_general3A_28 {dimension_numbers = #tpu.dot_dimension_numbers<[1], [0], [0], [1], [0, 0, 1, 1], [], []>, transpose_lhs_hint = false} : vector<16x256xf32>, vector<256x40xf32>, vector<16x40xf32> -> vector<16x40xf32>
    %get3A_30 = arith.constant 0 : index
    %get3A_31 = arith.constant 0 : index
    %get3A_32 = vector.load %arg6[%get3A_30, %get3A_31] : memref<1x40xf32, #tpu.memory_space<vmem>>, vector<1x40xf32>
    %add3A_33 = vector.broadcast %get3A_32 : vector<1x40xf32> to vector<16x40xf32>
    %add3A_34 = arith.addf %dot_general3A_29, %add3A_33 : vector<16x40xf32>
    %reduce_max3A = arith.constant dense<0xFF800000> : vector<16xf32>
    %reduce_max3A_35 = vector.multi_reduction <maximumf>, %add3A_34, %reduce_max3A [1] : vector<16x40xf32> to vector<16xf32>
    %broadcast_in_dim3A = vector.shape_cast %reduce_max3A_35 : vector<16xf32> to vector<16x1xf32>
    %sub3A = vector.broadcast %broadcast_in_dim3A : vector<16x1xf32> to vector<16x40xf32>
    %sub3A_36 = arith.subf %add3A_34, %sub3A : vector<16x40xf32>
    %exp3A = math.exp %sub3A_36 : vector<16x40xf32>
    %reduce_sum3A = arith.constant dense<0.000000e+00> : vector<16xf32>
    %reduce_sum3A_37 = vector.multi_reduction <add>, %exp3A, %reduce_sum3A [1] : vector<16x40xf32> to vector<16xf32>
    %broadcast_in_dim3A_38 = vector.shape_cast %reduce_sum3A_37 : vector<16xf32> to vector<16x1xf32>
    %log3A = math.log %broadcast_in_dim3A_38 : vector<16x1xf32>
    %sub3A_39 = vector.broadcast %log3A : vector<16x1xf32> to vector<16x40xf32>
    %sub3A_40 = arith.subf %sub3A_36, %sub3A_39 : vector<16x40xf32>
    %swap3A = arith.constant 0 : index
    %swap3A_41 = arith.constant 0 : index
    %swap3A_42 = vector.load %arg7[%swap3A, %swap3A_41] : memref<16x40xf32, #tpu.memory_space<vmem>>, vector<16x40xf32>
    tpu.vector_store %arg7[%swap3A, %swap3A_41], %sub3A_40 {strides = array<i32>} : memref<16x40xf32, #tpu.memory_space<vmem>>, vector<16x40xf32>,
    return
  }
}

</mosaic_0001>

<sc_bundles>
// kernel: kernel.23.cloned.1.call-start
scs
__scs_entry_jumppad:
0x0: {  	(pc) =	sbr.rel $0x88, $3  }
0x1: {  	(tag) =	ssettag $0x0;
	lr =	simm.s32 $0x1  }
0x2: {  	[smem:$0x3F92] =	sst lr;
	_ =	strace $0xD0000000  }
0x3: {  	_ = 	snop  }
0x4: {  	_ = 	snop  }
0x5: {  	_ = 	snop  }
0x6: {  	_ = 	snop  }
0x7: {  	_ = 	snop  }
__scs_overlays_trampoline_lowered:
0x8: {  	[smem:$0x3FA1] =	sst s0  }
0x9: {  	[smem:$0x3FA2] =	sst s1  }
0xa: {  	[smem:$0x3FA3] =	sst s2  }
0xb: {  	[smem:$0x3FA4] =	sst s3  }
0xc: {  	[smem:$0x3FA5] =	sst s4  }
0xd: {  	[smem:$0x3FA6] =	sst s5  }
0xe: {  	[smem:$0x3FA7] =	sst s6  }
0xf: {  	[smem:$0x3FA8] =	sst s7  }
0x10: {  	[smem:$0x3FA9] =	sst s8  }
0x11: {  	[smem:$0x3FAA] =	sst s9;
	s0 =	simm.s32 @!p0 $0x0  }
0x12: {  	s1 =	sld [smem:$0x3F90];
	s0 =	simm.s32 @p0 $0x1  }
0x13: {  	[smem:$0x3FAB] =	sst s0;
	s0 =	simm.s32 @!p1 $0x0  }
0x14: {  	s2 =	sld [smem:$0x3F8F];
	s0 =	simm.s32 @p1 $0x1  }
0x15: {  	[smem:$0x3FAC] =	sst s0;
	s0 =	simm.s32 @!p2 $0x0  }
0x16: {  	s3 =	sld [smem:$0x3FDB];
	s0 =	simm.s32 @p2 $0x1  }
0x17: {  	s4 =	simm.s32 $0x1BF5;
	[smem:$0x3FAE] =	sst s0  }
0x18: {  	s0 =	sld [smem:$0x3F91];
	_ =	swait.ge [sflag:s4], $0x0  }
0x19: {  	s7 =	sld [smem:$0x3F92]  }
0x1a: {  	s8 =	sadd.s32 $0xFFFFE003, lr  }
0x1b: {  	s9 =	sadd.s32 $0xFFFFFEF7, lr;
	s5 =	simm.s32 $0xFFFFFFFF;
	p2 =	slt.u32 s8, $0xFFFFF086  }
0x1c: {  	p1 =	slt.u32 s9, $0xF7A;
	s5 =	simm.s32 @!p2 $0x0  }
0x1d: {  	s5 =	simm.s32 @p1 $0x1;
	p0 =	seq.s32 s7, s2  }
0x1e: {  	s7 =	smul.u32 @!p0 $0xF7A, s2;
	p2 =	seq.s32 @!p0 s5, $0x0  }
0x1f: {  	s9 =	smul.u32 $0xF7A, s1;
	s8 =	simm.s32 @!p0 $0x1BF5;
	p2 =	por !p2, p0  }
0x20: {  	[sflag:s8] =	ssyncset.s32 @!p0 $0xFFFFF086;
	s6 =	sadd.s32 @!p0 s3, s7;
	s7 =	simm.s32 @!p0 $0x108  }
0x21: {  	s3 =	sadd.s32 s3, s9;
	s6 =	sadd.s32 @!p0 $0x88, s6;
	s7 =	simm.s32 @p2 $0x1082  }
0x22: {  	[simem:s7], [sflag:s8] =	dma.local @!p0 [hbm:s6], $0xF7A  }
0x23: {  	s9 =	sor.u32 $0xD0000000, s2;
	s6 =	simm.s32 $0x108;
	_ =	swait.ge @!p0 [sflag:s8], $0x0  }
0x24: {  	s3 =	sadd.s32 $0x88, s3;
	s6 =	simm.s32 @!p1 $0x1082;
	[sflag:s4] =	ssyncset.s32 $0xFFFFF086  }
0x25: {  	[simem:s6], [sflag:s4] =	dma.local [hbm:s3], $0xF7A  }
0x26: {  	[smem:$0x3F92] =	sst s1;
	(tag) =	ssettag s2;
	_ =	strace s9  }
0x27: {  	s1 =	sld [smem:$0x3FA2]  }
0x28: {  	s2 =	sld [smem:$0x3FA3]  }
0x29: {  	s4 =	sld [smem:$0x3FA5]  }
0x2a: {  	p0 =	seq.s32 s5, $0x0;
	s5 =	sld [smem:$0x3FA6]  }
0x2b: {  	s6 =	sld [smem:$0x3FA7]  }
0x2c: {  	s7 =	sld [smem:$0x3FA8]  }
0x2d: {  	s3 =	simm.s32 $0x108;
	s8 =	sld [smem:$0x3FA9]  }
0x2e: {  	s3 =	simm.s32 @!p0 $0x1082;
	s9 =	sld [smem:$0x3FAA]  }
0x2f: {  	lr =	sadd.s32 s0, s3;
	s0 =	sld [smem:$0x3FA1]  }
0x30: {  	s3 =	sld [smem:$0x3FA4]  }
0x31: {  	[smem:$0x3FAD] =	sst s10  }
0x32: {  	s10 =	sld [smem:$0x3FAB];
	_ =	sdelay $0x3  }
0x33: {  	p0 =	seq.s32 s10, $0x1;
	s10 =	sld [smem:$0x3FAD];
	_ =	sdelay $0x3  }
0x34: {  	[smem:$0x3FAD] =	sst s10  }
0x35: {  	s10 =	sld [smem:$0x3FAC];
	_ =	sdelay $0x3  }
0x36: {  	p1 =	seq.s32 s10, $0x1;
	s10 =	sld [smem:$0x3FAD];
	_ =	sdelay $0x3  }
0x37: {  	[smem:$0x3FAD] =	sst s10  }
0x38: {  	s10 =	sld [smem:$0x3FAE]  }
0x39: {  	_ = 	snop;
	(pc) =	sbr.ind lr, $3  }
0x3a: {  	_ = 	snop  }
0x3b: {  	_ = 	snop  }
0x3c: {  	p2 =	seq.s32 s10, $0x1;
	s10 =	sld [smem:$0x3FAD]  }
0x3d: {  	_ =	shalt  }
0x3e: {  	_ =	shalt  }
0x3f: {  	_ =	shalt  }
0x40: {  	_ =	shalt  }
0x41: {  	_ =	shalt  }
0x42: {  	_ =	shalt  }
0x43: {  	_ =	shalt  }
0x44: {  	_ =	shalt  }
0x45: {  	_ =	shalt  }
0x46: {  	_ =	shalt  }
0x47: {  	_ =	shalt  }
0x48: {  	_ =	shalt  }
0x49: {  	_ =	shalt  }
0x4a: {  	_ =	shalt  }
0x4b: {  	_ =	shalt  }
0x4c: {  	_ =	shalt  }
0x4d: {  	_ =	shalt  }
0x4e: {  	_ =	shalt  }
0x4f: {  	_ =	shalt  }
0x50: {  	_ =	shalt  }
0x51: {  	_ =	shalt  }
0x52: {  	_ =	shalt  }
0x53: {  	_ =	shalt  }
0x54: {  	_ =	shalt  }
0x55: {  	_ =	shalt  }
0x56: {  	_ =	shalt  }
0x57: {  	_ =	shalt  }
0x58: {  	_ =	shalt  }
0x59: {  	_ =	shalt  }
0x5a: {  	_ =	shalt  }
0x5b: {  	_ =	shalt  }
0x5c: {  	_ =	shalt  }
0x5d: {  	_ =	shalt  }
0x5e: {  	_ =	shalt  }
0x5f: {  	_ =	shalt  }
0x60: {  	_ =	shalt  }
0x61: {  	_ =	shalt  }
0x62: {  	_ =	shalt  }
0x63: {  	_ =	shalt  }
0x64: {  	_ =	shalt  }
0x65: {  	_ =	shalt  }
0x66: {  	_ =	shalt  }
0x67: {  	_ =	shalt  }
0x68: {  	_ =	shalt  }
0x69: {  	_ =	shalt  }
0x6a: {  	_ =	shalt  }
0x6b: {  	_ =	shalt  }
0x6c: {  	_ =	shalt  }
0x6d: {  	_ =	shalt  }
0x6e: {  	_ =	shalt  }
0x6f: {  	_ =	shalt  }
0x70: {  	_ =	shalt  }
0x71: {  	_ =	shalt  }
0x72: {  	_ =	shalt  }
0x73: {  	_ =	shalt  }
0x74: {  	_ =	shalt  }
0x75: {  	_ =	shalt  }
0x76: {  	_ =	shalt  }
0x77: {  	_ =	shalt  }
0x78: {  	_ =	shalt  }
0x79: {  	_ =	shalt  }
0x7a: {  	_ =	shalt  }
0x7b: {  	_ =	shalt  }
0x7c: {  	_ =	shalt  }
0x7d: {  	_ =	shalt  }
0x7e: {  	_ =	shalt  }
0x7f: {  	_ =	shalt  }
0x80: {  	_ =	shalt  }
0x81: {  	_ =	shalt  }
0x82: {  	_ =	shalt  }
0x83: {  	_ =	shalt  }
0x84: {  	_ =	shalt  }
0x85: {  	_ =	shalt  }
0x86: {  	_ =	shalt  }
0x87: {  	_ =	shalt  }
.Lfunc_end0:
.L_simem_size_0:
called_computation_lowered:
.L_overlay_start_0:
0x88: {  	s2 =	sld [smem:$0x3FD9]  }
0x89: {  	s3 =	sld [smem:$0x3FFE];
	_ =	sdelay $0x1  }
0x8a: {  	s1 =	srdreg.scid  }
0x8b: {  	s0 =	sand.u32 $0x1, s1  }
0x8c: {  	s16 =	sshll.u32 s0, $0xA;
	s2 =	sadd.s32 s3, s2  }
0x8d: {  	s2 =	sadd.s32 s2, s16  }
0x8e: {  	[smem:$0x3FB9] =	sst s2  }
0x8f: {  	_ = 	snop  }
0x90: {  	(tm) =	ssettm $0x1  }
0x91: {  	s17 =	sld [smem:$0x3FFB];
	_ =	sdelay $0x3  }
0x92: {  	_ =	strace s17  }
0x93: {  	s2 =	sld [smem:$0x3FFC];
	_ =	sdelay $0x3  }
0x94: {  	_ =	strace s2  }
0x95: {  	s2 =	sld [smem:$0x3FFD];
	_ =	sdelay $0x3  }
0x96: {  	_ =	strace s2  }
0x97: {  	_ =	strace $0x8FFFFFFF  }
0x98: {  	s18 =	sld [smem:$0x3FDB];
	_ =	sdelay $0x1  }
0x99: {  	s19 =	simm.s32 $_scs_section_size  }
0x9a: {  	s4 =	simm.s32 $_size__tile_overlayer_lowered;
	s5 =	simm.s32 $_tile_overlayer_lowered  }
0x9b: {  	s22 =	simm.s32 $0x1BFF;
	s21 =	sshll.u32 s5, $0x1;
	s2 =	sadd.s32 s19, s18  }
0x9c: {  	s6 =	simm.s32 $0x0;
	s20 =	sshll.u32 s4, $0x1;
	s4 =	sadd.s32 s21, s2  }
0x9d: {  	[timem:s6], [sflag:s22] =	dma.local [hbm:s4], s20  }
0x9e: {  	_ =	swait.ge [sflag:s22], s20  }
0x9f: {  	s3 =	ssub.s32 $0x0, s20;
	[sflag:s22] =	ssyncset.done $0x0  }
0xa0: {  	[sflag:s22] =	ssyncadd.s32 s3;
	_ =	sdelay $0x1  }
0xa1: {  	s23 =	simm.s32 $0x1B8B  }
0xa2: {  	_ =	swait.ge [sflag:s23], $0x1  }
0xa3: {  	[sflag:s23] =	ssyncset.done $0x0  }
0xa4: {  	s25 =	simm.s32 $0x1B8E;
	s24 =	sld [smem:$0x3FFE];
	[sflag:s23] =	ssyncadd.s32 $0xFFFFFFFF  }
0xa5: {  	s26 =	simm.s32 $execute0_lowered;
	[smem:$0x3FD2] =	sst s25  }
0xa6: {  	s4 =	sshll.u32 s26, $0x1;
	_ =	strace $0x80000046;
	[dreg:$0x1] =	wrdreg $0xFFFFFFFF  }
0xa7: {  	s28 =	simm.s32 $_size_execute0_lowered;
	s2 =	sadd.s32 s2, s4;
	[dreg:$0x0] =	wrdreg $0x0  }
0xa8: {  	s4 =	sshll.u32 s28, $0x1;
	[dreg:$0x2] =	wrdreg s2  }
0xa9: {  	[dreg:$0x3] =	wrdreg s4  }
0xaa: {  	[dreg:$0x4] =	wrdreg $0xC0  }
0xab: {  	_ =	task [dreg:s6], $0x5FFFF  }
0xac: {  	[dreg:$0x1] =	wrdreg $0xFFFFFFFF  }
0xad: {  	[dreg:$0x0] =	wrdreg $0x60  }
0xae: {  	[dreg:$0x2] =	wrdreg s24  }
0xaf: {  	[dreg:$0x3] =	wrdreg $0xA  }
0xb0: {  	_ =	task.clear_ibuf [dreg:s6], $0x4FFFF;
	_ =	strace $0x90000046  }
0xb1: {  	s29 =	simm.s32 $0xA;
	_ =	strace $0x80000048  }
0xb2: {  	_ =	swait.ge [sflag:s29], $0x1  }
0xb3: {  	[sflag:s29] =	ssyncadd.s32 $0xFFFFFFFF  }
0xb4: {  	_ =	strace $0x90000048  }
0xb5: {  	_ =	sfence  }
0xb6: {  	s30 =	sld [smem:$0x0];
	_ =	sdelay $0x2  }
0xb7: {  	s31 =	sshll.u32 s1, $0xD;
	s1 =	sshrl.u32 s1, $0x2  }
0xb8: {  	s3 =	sand.u32 $0x4000, s31;
	s1 =	sadd.s32 s1, s30  }
0xb9: {  	s0 =	sor.u32 s3, s0;
	s1 =	sshll.u32 s1, $0x11  }
0xba: {  	s0 =	sor.u32 s1, s0  }
0xbb: {  	s0 =	sadd.s32 $0x8F2B, s0  }
0xbc: {  	[sflag:s0] =	ssyncadd.remote.s32 $0x1  }
0xbd: {  	_ =	sfence.sel $0xFFFF  }
0xbe: {  	[dreg:$0x0] =	wrdreg $0xFFFFFFFF;
	(pc) =	sbr.abs _section_cstart, $3  }
0xbf: {  	[dreg:$0x1] =	wrdreg $0xFFFFFFFF  }
0xc0: {  	_ =	task.clear_ibuf [dreg:s6], $0x2FFFF;
	_ =	strace $0x9FFFFFFF  }
0xc1: {  	(tm) =	ssettm $0x7FFFFFFF  }
tec
execute0_lowered:
.L_overlay_start_1:
0x0: {  	(tag) =	ssettag $0x1  }
0x1: {  	s1 =	srdreg.scid  }
0x2: {  	s0 =	stileid.u32;
	s4 =	rddreg [dreg:$0x0]  }
0x3: {  	s2 =	simm.s32 $0x0;
	s11 =	simm.s32 $0x140;
	s12 =	simm.s32 $0xB400  }
0x4: {  	s13 =	simm.s32 $0x1;
	s14 =	simm.s32 $0x2;
	s15 =	simm.s32 $0x12C0  }
0x5: {  	s16 =	simm.s32 $0x0;
	s6 =	sand.u32 $0x1, s1;
	s1 =	rddreg [dreg:$0x1]  }
0x6: {  	s25 =	sshll.u32 s0, $0x1;
	[smem:$0x7FF] =	sst s2;
	s29 =	smul.u32 $0x28000, s0  }
0x7: {  	s5 =	sor.u32 s6, s25;
	s8 =	ssub.s32 $0x2, s6;
	s31 =	smul.u32 $0x14000, s6  }
0x8: {  	s9 =	sadd.s32 $0x4F000, s4;
	s3 =	smul.u32 $0x1400, s5;
	s26 =	sshrl.u32 s8, $0x1  }
0x9: {  	_ =	strace $0x80000047;
	s10 =	smul.u32 $0x14000, s5;
	s28 =	ssub.s32 s8, s26  }
0xa: {  	s8 =	sadd.s32 s29, s9;
	s7 =	sshrl.u32 s3, $0x3;
	s3 =	sadd.s32 $0xA000, s4  }
0xb: {  	s5 =	smax.u32 s28, $0x1;
	s30 =	sadd.s32 s9, s10;
	s8 =	sadd.s32 s31, s8  }
0xc: {  	s9 =	simm.s32 $0x3;
	s10 =	simm.s32 $0x1400;
	s7 =	sadd.s32 s7, s4  }
0xd: {  	s6 =	sadd.s32 $0x11800, s30;
	s4 =	sadd.s32 $0x4A000, s7;
	s7 =	sadd.s32 $0x12C00, s30  }
.LBB2_1:
0xe: {  	[tilespmem:s2], [sflag:$0x3] =	stream.linear.gather [hbm4b:s4+s2], $0x1400, $0x38;
	[tilespmem:$0x15400] =	vst v63  }
0xf: {  	_ =	swait.ge [sflag:s9], $0x1400  }
0x10: {  	[sflag:s9] =	ssyncset.done $0x0  }
0x11: {  	[sflag:s9] =	ssyncadd.s32 $0xFFFFEC00  }
0x12: {  	[tilespmem:s10], [sflag:$0x1] =	stream.indirect.gather [hbm4b:s3+s11], $0x80, s2, s11, $0xb8;
	[tilespmem:$0x15400] =	vst v63  }
0x13: {  	_ = 	snop  }
0x14: {  	[tilespmem:s12], [sflag:$0x2] =	stream.indirect.gather [hbm4b:s3+s11], $0x80, s11, s11, $0xb8;
	[tilespmem:$0x15400] =	vst v63  }
0x15: {  	_ =	swait.ge [sflag:s13], $0xA000  }
0x16: {  	[sflag:s13] =	ssyncset.done $0x0  }
0x17: {  	s17 =	sadd.s32 $0x0, s8;
	[sflag:s13] =	ssyncadd.s32 $0xFFFF6000  }
0x18: {  	[hbm4b:s17+s2] =	stream.linear.scatter [tilespmem:s10], [sflag:$0x3], $0xA000, $0x38;
	[tilespmem:$0x15400] =	vst v63  }
0x19: {  	_ =	swait.ge [sflag:s9], $0xA000  }
0x1a: {  	[sflag:s9] =	ssyncset.done $0x0  }
0x1b: {  	s18 =	simm.s32 $0x280;
	[sflag:s9] =	ssyncadd.s32 $0xFFFF6000  }
0x1c: {  	[tilespmem:s10], [sflag:$0x1] =	stream.indirect.gather [hbm4b:s3+s11], $0x80, s18, s11, $0xb8;
	[tilespmem:$0x15400] =	vst v63  }
0x1d: {  	_ =	swait.ge [sflag:s14], $0xA000  }
0x1e: {  	[sflag:s14] =	ssyncset.done $0x0  }
0x1f: {  	s17 =	sadd.s32 $0x1400, s17;
	[sflag:s14] =	ssyncadd.s32 $0xFFFF6000  }
0x20: {  	[hbm4b:s17+s2] =	stream.linear.scatter [tilespmem:s12], [sflag:$0x3], $0xA000, $0x38;
	[tilespmem:$0x15400] =	vst v63  }
0x21: {  	_ =	swait.ge [sflag:s9], $0xA000  }
0x22: {  	s18 =	simm.s32 $0x140;
	s17 =	simm.s32 $0x2800;
	[sflag:s9] =	ssyncset.done $0x0  }
.LBB2_2:
0x23: {  	p0 =	sne.s32 s17, $0xF000;
	[sflag:s9] =	ssyncadd.s32 $0xFFFF6000;
	s18 =	sadd.s32 $0x280, s18  }
0x24: {  	[tilespmem:s12], [sflag:$0x2] =	stream.indirect.gather [hbm4b:s3+s11], $0x80, s18, s11, $0xb8;
	[tilespmem:$0x15400] =	vst v63  }
0x25: {  	s19 =	smov.u32 s17;
	s17 =	sadd.s32 $0x2800, s17;
	_ =	swait.ge [sflag:s13], $0xA000  }
0x26: {  	[sflag:s13] =	ssyncset.done $0x0  }
0x27: {  	s19 =	sadd.s32 s19, s8;
	[sflag:s13] =	ssyncadd.s32 $0xFFFF6000  }
0x28: {  	[hbm4b:s19+s2] =	stream.linear.scatter [tilespmem:s10], [sflag:$0x3], $0xA000, $0x38;
	[tilespmem:$0x15400] =	vst v63  }
0x29: {  	_ =	swait.ge [sflag:s9], $0xA000  }
0x2a: {  	[sflag:s9] =	ssyncset.done $0x0  }
0x2b: {  	s20 =	sadd.s32 $0x140, s18;
	[sflag:s9] =	ssyncadd.s32 $0xFFFF6000  }
0x2c: {  	[tilespmem:s10], [sflag:$0x1] =	stream.indirect.gather [hbm4b:s3+s11], $0x80, s20, s11, $0xb8;
	[tilespmem:$0x15400] =	vst v63  }
0x2d: {  	_ =	swait.ge [sflag:s14], $0xA000  }
.Ltmp0:
0x2e: {  	[sflag:s14] =	ssyncset.done $0x0;
	(pc) =	sbr.rel @p0 .LBB2_2-.Ltmp0, $4  }
0x2f: {  	s19 =	sadd.s32 $0x1400, s19;
	[sflag:s14] =	ssyncadd.s32 $0xFFFF6000  }
0x30: {  	[hbm4b:s19+s2] =	stream.linear.scatter [tilespmem:s12], [sflag:$0x3], $0xA000, $0x38;
	[tilespmem:$0x15400] =	vst v63  }
0x31: {  	_ =	swait.ge [sflag:s9], $0xA000  }
0x32: {  	[sflag:s9] =	ssyncset.done $0x0  }
0x33: {  	[sflag:s9] =	ssyncadd.s32 $0xFFFF6000  }
0x34: {  	[tilespmem:s12], [sflag:$0x2] =	stream.indirect.gather [hbm4b:s3+s11], $0x80, s15, s11, $0xb8;
	[tilespmem:$0x15400] =	vst v63  }
0x35: {  	_ =	swait.ge [sflag:s13], $0xA000  }
0x36: {  	[sflag:s13] =	ssyncset.done $0x0  }
0x37: {  	[sflag:s13] =	ssyncadd.s32 $0xFFFF6000  }
0x38: {  	[hbm4b:s6+s2] =	stream.linear.scatter [tilespmem:s10], [sflag:$0x3], $0xA000, $0x38;
	[tilespmem:$0x15400] =	vst v63  }
0x39: {  	_ =	swait.ge [sflag:s9], $0xA000  }
0x3a: {  	[sflag:s9] =	ssyncset.done $0x0  }
0x3b: {  	[sflag:s9] =	ssyncadd.s32 $0xFFFF6000  }
0x3c: {  	s16 =	sadd.s32 $0x1, s16;
	_ =	swait.ge [sflag:s14], $0xA000  }
0x3d: {  	p0 =	sne.s32 s16, s5;
	[sflag:s14] =	ssyncset.done $0x0  }
.Ltmp1:
0x3e: {  	[sflag:s14] =	ssyncadd.s32 $0xFFFF6000;
	(pc) =	sbr.rel @p0 .LBB2_1-.Ltmp1, $4  }
0x3f: {  	[hbm4b:s7+s2] =	stream.linear.scatter [tilespmem:s12], [sflag:$0x3], $0xA000, $0x38;
	[tilespmem:$0x15400] =	vst v63  }
0x40: {  	_ =	swait.ge [sflag:s9], $0xA000  }
0x41: {  	[sflag:s9] =	ssyncset.done $0x0  }
0x42: {  	[sflag:s9] =	ssyncadd.s32 $0xFFFF6000  }
0x43: {  	_ =	sfence.sel $0x180000  }
0x44: {  	[bflag:$0x0] =	sbarrier.arrive $0xFFFF  }
0x45: {  	p0 =	sne.s32 s0, $0x0;
	_ =	strace $0x90000047  }
0x46: {  	s0 =	sadd.s32 @!p0 $0x100000, s1;
	[bflag:$0x2] =	sbarrier.arrive $0xFFFF  }
0x47: {  	[sflag:s0] =	ssyncadd.tile.s32 @!p0 $0x1;
	_ =	shalt  }
.Lfunc_end2:
_tile_overlayer_lowered:
.L_overlay_start_2:
0x48: {  	(tag) =	ssettag $0x2  }
0x49: {  	s0 =	rddreg [dreg:$0x0];
	s2 =	stileid.u32  }
0x4a: {  	s1 =	rddreg [dreg:$0x1];
	p0 =	sne.s32 s2, $0x0  }
0x4b: {  	s3 =	rddreg [dreg:$0x2];
	[bflag:$0x3] =	sbarrier.arrive $0xFFFF;
	s2 =	simm.s32 @!p0 $0x1C03  }
0x4c: {  	[timem:s3], [sflag:s2] =	dma.local @!p0 [hbm:s0], s1  }
0x4d: {  	s0 =	simm.s32 @!p0 $0x3  }
0x4e: {  	_ =	swait.ge @!p0 [sflag:s0], s1  }
0x4f: {  	s1 =	ssub.s32 @!p0 $0x0, s1;
	[sflag:s0] =	ssyncset.done @!p0 $0x0  }
0x50: {  	[sflag:s0] =	ssyncadd.s32 @!p0 s1  }
0x51: {  	[bflag:$0x3] =	sbarrier.arrive $0xFFFF  }
0x52: {  	_ =	shalt  }

// kernel: kernel.26.cloned.1.call-start
scs
__scs_entry_jumppad:
0x0: {  	(pc) =	sbr.rel $0x88, $3  }
0x1: {  	(tag) =	ssettag $0x0;
	lr =	simm.s32 $0x1  }
0x2: {  	[smem:$0x3F92] =	sst lr;
	_ =	strace $0xD0000000  }
0x3: {  	_ = 	snop  }
0x4: {  	_ = 	snop  }
0x5: {  	_ = 	snop  }
0x6: {  	_ = 	snop  }
0x7: {  	_ = 	snop  }
__scs_overlays_trampoline_lowered:
0x8: {  	[smem:$0x3FA1] =	sst s0  }
0x9: {  	[smem:$0x3FA2] =	sst s1  }
0xa: {  	[smem:$0x3FA3] =	sst s2  }
0xb: {  	[smem:$0x3FA4] =	sst s3  }
0xc: {  	[smem:$0x3FA5] =	sst s4  }
0xd: {  	[smem:$0x3FA6] =	sst s5  }
0xe: {  	[smem:$0x3FA7] =	sst s6  }
0xf: {  	[smem:$0x3FA8] =	sst s7  }
0x10: {  	[smem:$0x3FA9] =	sst s8  }
0x11: {  	[smem:$0x3FAA] =	sst s9;
	s0 =	simm.s32 @!p0 $0x0  }
0x12: {  	s1 =	sld [smem:$0x3F90];
	s0 =	simm.s32 @p0 $0x1  }
0x13: {  	[smem:$0x3FAB] =	sst s0;
	s0 =	simm.s32 @!p1 $0x0  }
0x14: {  	s2 =	sld [smem:$0x3F8F];
	s0 =	simm.s32 @p1 $0x1  }
0x15: {  	[smem:$0x3FAC] =	sst s0;
	s0 =	simm.s32 @!p2 $0x0  }
0x16: {  	s3 =	sld [smem:$0x3FDB];
	s0 =	simm.s32 @p2 $0x1  }
0x17: {  	s4 =	simm.s32 $0x1BF5;
	[smem:$0x3FAE] =	sst s0  }
0x18: {  	s0 =	sld [smem:$0x3F91];
	_ =	swait.ge [sflag:s4], $0x0  }
0x19: {  	s7 =	sld [smem:$0x3F92]  }
0x1a: {  	s8 =	sadd.s32 $0xFFFFE003, lr  }
0x1b: {  	s9 =	sadd.s32 $0xFFFFFEF7, lr;
	s5 =	simm.s32 $0xFFFFFFFF;
	p2 =	slt.u32 s8, $0xFFFFF086  }
0x1c: {  	p1 =	slt.u32 s9, $0xF7A;
	s5 =	simm.s32 @!p2 $0x0  }
0x1d: {  	s5 =	simm.s32 @p1 $0x1;
	p0 =	seq.s32 s7, s2  }
0x1e: {  	s7 =	smul.u32 @!p0 $0xF7A, s2;
	p2 =	seq.s32 @!p0 s5, $0x0  }
0x1f: {  	s9 =	smul.u32 $0xF7A, s1;
	s8 =	simm.s32 @!p0 $0x1BF5;
	p2 =	por !p2, p0  }
0x20: {  	[sflag:s8] =	ssyncset.s32 @!p0 $0xFFFFF086;
	s6 =	sadd.s32 @!p0 s3, s7;
	s7 =	simm.s32 @!p0 $0x108  }
0x21: {  	s3 =	sadd.s32 s3, s9;
	s6 =	sadd.s32 @!p0 $0x88, s6;
	s7 =	simm.s32 @p2 $0x1082  }
0x22: {  	[simem:s7], [sflag:s8] =	dma.local @!p0 [hbm:s6], $0xF7A  }
0x23: {  	s9 =	sor.u32 $0xD0000000, s2;
	s6 =	simm.s32 $0x108;
	_ =	swait.ge @!p0 [sflag:s8], $0x0  }
0x24: {  	s3 =	sadd.s32 $0x88, s3;
	s6 =	simm.s32 @!p1 $0x1082;
	[sflag:s4] =	ssyncset.s32 $0xFFFFF086  }
0x25: {  	[simem:s6], [sflag:s4] =	dma.local [hbm:s3], $0xF7A  }
0x26: {  	[smem:$0x3F92] =	sst s1;
	(tag) =	ssettag s2;
	_ =	strace s9  }
0x27: {  	s1 =	sld [smem:$0x3FA2]  }
0x28: {  	s2 =	sld [smem:$0x3FA3]  }
0x29: {  	s4 =	sld [smem:$0x3FA5]  }
0x2a: {  	p0 =	seq.s32 s5, $0x0;
	s5 =	sld [smem:$0x3FA6]  }
0x2b: {  	s6 =	sld [smem:$0x3FA7]  }
0x2c: {  	s7 =	sld [smem:$0x3FA8]  }
0x2d: {  	s3 =	simm.s32 $0x108;
	s8 =	sld [smem:$0x3FA9]  }
0x2e: {  	s3 =	simm.s32 @!p0 $0x1082;
	s9 =	sld [smem:$0x3FAA]  }
0x2f: {  	lr =	sadd.s32 s0, s3;
	s0 =	sld [smem:$0x3FA1]  }
0x30: {  	s3 =	sld [smem:$0x3FA4]  }
0x31: {  	[smem:$0x3FAD] =	sst s10  }
0x32: {  	s10 =	sld [smem:$0x3FAB];
	_ =	sdelay $0x3  }
0x33: {  	p0 =	seq.s32 s10, $0x1;
	s10 =	sld [smem:$0x3FAD];
	_ =	sdelay $0x3  }
0x34: {  	[smem:$0x3FAD] =	sst s10  }
0x35: {  	s10 =	sld [smem:$0x3FAC];
	_ =	sdelay $0x3  }
0x36: {  	p1 =	seq.s32 s10, $0x1;
	s10 =	sld [smem:$0x3FAD];
	_ =	sdelay $0x3  }
0x37: {  	[smem:$0x3FAD] =	sst s10  }
0x38: {  	s10 =	sld [smem:$0x3FAE]  }
0x39: {  	_ = 	snop;
	(pc) =	sbr.ind lr, $3  }
0x3a: {  	_ = 	snop  }
0x3b: {  	_ = 	snop  }
0x3c: {  	p2 =	seq.s32 s10, $0x1;
	s10 =	sld [smem:$0x3FAD]  }
0x3d: {  	_ =	shalt  }
0x3e: {  	_ =	shalt  }
0x3f: {  	_ =	shalt  }
0x40: {  	_ =	shalt  }
0x41: {  	_ =	shalt  }
0x42: {  	_ =	shalt  }
0x43: {  	_ =	shalt  }
0x44: {  	_ =	shalt  }
0x45: {  	_ =	shalt  }
0x46: {  	_ =	shalt  }
0x47: {  	_ =	shalt  }
0x48: {  	_ =	shalt  }
0x49: {  	_ =	shalt  }
0x4a: {  	_ =	shalt  }
0x4b: {  	_ =	shalt  }
0x4c: {  	_ =	shalt  }
0x4d: {  	_ =	shalt  }
0x4e: {  	_ =	shalt  }
0x4f: {  	_ =	shalt  }
0x50: {  	_ =	shalt  }
0x51: {  	_ =	shalt  }
0x52: {  	_ =	shalt  }
0x53: {  	_ =	shalt  }
0x54: {  	_ =	shalt  }
0x55: {  	_ =	shalt  }
0x56: {  	_ =	shalt  }
0x57: {  	_ =	shalt  }
0x58: {  	_ =	shalt  }
0x59: {  	_ =	shalt  }
0x5a: {  	_ =	shalt  }
0x5b: {  	_ =	shalt  }
0x5c: {  	_ =	shalt  }
0x5d: {  	_ =	shalt  }
0x5e: {  	_ =	shalt  }
0x5f: {  	_ =	shalt  }
0x60: {  	_ =	shalt  }
0x61: {  	_ =	shalt  }
0x62: {  	_ =	shalt  }
0x63: {  	_ =	shalt  }
0x64: {  	_ =	shalt  }
0x65: {  	_ =	shalt  }
0x66: {  	_ =	shalt  }
0x67: {  	_ =	shalt  }
0x68: {  	_ =	shalt  }
0x69: {  	_ =	shalt  }
0x6a: {  	_ =	shalt  }
0x6b: {  	_ =	shalt  }
0x6c: {  	_ =	shalt  }
0x6d: {  	_ =	shalt  }
0x6e: {  	_ =	shalt  }
0x6f: {  	_ =	shalt  }
0x70: {  	_ =	shalt  }
0x71: {  	_ =	shalt  }
0x72: {  	_ =	shalt  }
0x73: {  	_ =	shalt  }
0x74: {  	_ =	shalt  }
0x75: {  	_ =	shalt  }
0x76: {  	_ =	shalt  }
0x77: {  	_ =	shalt  }
0x78: {  	_ =	shalt  }
0x79: {  	_ =	shalt  }
0x7a: {  	_ =	shalt  }
0x7b: {  	_ =	shalt  }
0x7c: {  	_ =	shalt  }
0x7d: {  	_ =	shalt  }
0x7e: {  	_ =	shalt  }
0x7f: {  	_ =	shalt  }
0x80: {  	_ =	shalt  }
0x81: {  	_ =	shalt  }
0x82: {  	_ =	shalt  }
0x83: {  	_ =	shalt  }
0x84: {  	_ =	shalt  }
0x85: {  	_ =	shalt  }
0x86: {  	_ =	shalt  }
0x87: {  	_ =	shalt  }
.Lfunc_end0:
.L_simem_size_0:
called_computation.1_lowered:
.L_overlay_start_0:
0x88: {  	s2 =	sld [smem:$0x3FD9]  }
0x89: {  	s3 =	sld [smem:$0x3FFE];
	_ =	sdelay $0x1  }
0x8a: {  	s1 =	srdreg.scid  }
0x8b: {  	s0 =	sand.u32 $0x1, s1  }
0x8c: {  	s17 =	sshll.u32 s0, $0xA;
	s2 =	sadd.s32 s3, s2  }
0x8d: {  	s2 =	sadd.s32 s2, s17  }
0x8e: {  	[smem:$0x3FB9] =	sst s2  }
0x8f: {  	_ = 	snop  }
0x90: {  	(tm) =	ssettm $0x1  }
0x91: {  	s18 =	sld [smem:$0x3FFB];
	_ =	sdelay $0x3  }
0x92: {  	_ =	strace s18  }
0x93: {  	s2 =	sld [smem:$0x3FFC];
	_ =	sdelay $0x3  }
0x94: {  	_ =	strace s2  }
0x95: {  	s2 =	sld [smem:$0x3FFD];
	_ =	sdelay $0x3  }
0x96: {  	_ =	strace s2  }
0x97: {  	_ =	strace $0x8FFFFFFF  }
0x98: {  	s19 =	sld [smem:$0x3FDB];
	_ =	sdelay $0x1  }
0x99: {  	s20 =	simm.s32 $_scs_section_size  }
0x9a: {  	s4 =	simm.s32 $_size__tile_overlayer_lowered;
	s5 =	simm.s32 $_tile_overlayer_lowered  }
0x9b: {  	s6 =	simm.s32 $0x1BFF;
	s21 =	sshll.u32 s5, $0x1;
	s3 =	sadd.s32 s20, s19  }
0x9c: {  	s22 =	simm.s32 $0x0;
	s4 =	sshll.u32 s4, $0x1;
	s5 =	sadd.s32 s21, s3  }
0x9d: {  	[timem:s22], [sflag:s6] =	dma.local [hbm:s5], s4  }
0x9e: {  	_ =	swait.ge [sflag:s6], s4  }
0x9f: {  	s4 =	ssub.s32 $0x0, s4;
	[sflag:s6] =	ssyncset.done $0x0  }
0xa0: {  	[sflag:s6] =	ssyncadd.s32 s4;
	_ =	sdelay $0x1  }
0xa1: {  	s23 =	simm.s32 $0x1B8B  }
0xa2: {  	_ =	swait.ge [sflag:s23], $0x1  }
0xa3: {  	[sflag:s23] =	ssyncset.done $0x0  }
0xa4: {  	[sflag:s23] =	ssyncadd.s32 $0xFFFFFFFF  }
0xa5: {  	s4 =	sld [smem:$0x0]  }
0xa6: {  	s5 =	sand.u32 $0xFFFFFFFE, s1  }
0xa7: {  	p0 =	sne.s32 s1, s5  }
0xa8: {  	s5 =	sshll.u32 @p0 s5, $0xE  }
0xa9: {  	s5 =	sadd.s32 @p0 $0x11B8D, s5;
	s6 =	sshll.u32 @p0 s4, $0x11  }
0xaa: {  	s5 =	sor.u32 @p0 s6, s5  }
0xab: {  	[sflag:s5] =	ssyncadd.remote.s32 @p0 $0x1;
	_ =	sdelay $0x1  }
0xac: {  	s5 =	simm.s32 @p0 $0x1B8D  }
0xad: {  	_ =	swait.eq @p0 [sflag:s5], $0x1  }
0xae: {  	[sflag:s5] =	ssyncadd.s32 @p0 $0xFFFFFFFF  }
0xaf: {  	s6 =	sshll.u32 @!p0 s1, $0xE  }
0xb0: {  	s6 =	sor.u32 @!p0 $0x4000, s6;
	s5 =	simm.s32 @!p0 $0x1B8D  }
0xb1: {  	s4 =	sshll.u32 @!p0 s4, $0x11;
	s6 =	sadd.s32 @!p0 $0x11B8D, s6;
	_ =	swait.eq @!p0 [sflag:s5], $0x1  }
0xb2: {  	s4 =	sor.u32 @!p0 s4, s6;
	[sflag:s5] =	ssyncadd.s32 @!p0 $0xFFFFFFFF  }
0xb3: {  	s25 =	simm.s32 $0x1B8E;
	s24 =	sld [smem:$0x3FFE];
	[sflag:s4] =	ssyncadd.remote.s32 @!p0 $0x1  }
0xb4: {  	s26 =	simm.s32 $execute0_lowered;
	[smem:$0x3FD2] =	sst s25  }
0xb5: {  	s5 =	sshll.u32 s26, $0x1;
	_ =	strace $0x80000049;
	[dreg:$0x1] =	wrdreg $0xFFFFFFFF  }
0xb6: {  	s28 =	simm.s32 $_size_execute0_lowered;
	s3 =	sadd.s32 s3, s5;
	[dreg:$0x0] =	wrdreg $0x0  }
0xb7: {  	s5 =	sshll.u32 s28, $0x1;
	[dreg:$0x2] =	wrdreg s3  }
0xb8: {  	[dreg:$0x3] =	wrdreg s5  }
0xb9: {  	[dreg:$0x4] =	wrdreg $0xC0  }
0xba: {  	_ =	task [dreg:s22], $0x5FFFF  }
0xbb: {  	[dreg:$0x1] =	wrdreg $0xFFFFFFFF  }
0xbc: {  	[dreg:$0x0] =	wrdreg $0x60  }
0xbd: {  	[dreg:$0x2] =	wrdreg s24  }
0xbe: {  	[dreg:$0x3] =	wrdreg $0x9  }
0xbf: {  	_ =	task.clear_ibuf [dreg:s22], $0x4FFFF;
	_ =	strace $0x90000049  }
0xc0: {  	s29 =	simm.s32 $0x9;
	_ =	strace $0x8000004B  }
0xc1: {  	_ =	swait.ge [sflag:s29], $0x1  }
0xc2: {  	[sflag:s29] =	ssyncadd.s32 $0xFFFFFFFF  }
0xc3: {  	_ =	strace $0x9000004B  }
0xc4: {  	_ =	sfence  }
0xc5: {  	s30 =	sld [smem:$0x0];
	_ =	sdelay $0x2  }
0xc6: {  	s31 =	sshll.u32 s1, $0xD;
	s1 =	sshrl.u32 s1, $0x2  }
0xc7: {  	s4 =	sand.u32 $0x4000, s31;
	s1 =	sadd.s32 s1, s30  }
0xc8: {  	s0 =	sor.u32 s4, s0;
	s1 =	sshll.u32 s1, $0x11  }
0xc9: {  	s0 =	sor.u32 s1, s0  }
0xca: {  	s0 =	sadd.s32 $0x8F2B, s0  }
0xcb: {  	[sflag:s0] =	ssyncadd.remote.s32 $0x1  }
0xcc: {  	_ =	sfence.sel $0xFFFF  }
0xcd: {  	[dreg:$0x0] =	wrdreg $0xFFFFFFFF;
	(pc) =	sbr.abs _section_cstart, $3  }
0xce: {  	[dreg:$0x1] =	wrdreg $0xFFFFFFFF  }
0xcf: {  	_ =	task.clear_ibuf [dreg:s22], $0x2FFFF;
	_ =	strace $0x9FFFFFFF  }
0xd0: {  	(tm) =	ssettm $0x7FFFFFFF  }
0xd1: {  	_ =	shalt  }
tec
execute0_lowered:
.L_overlay_start_1:
0x0: {  	(tag) =	ssettag $0x1  }
0x1: {  	s1 =	srdreg.scid  }
0x2: {  	s0 =	stileid.u32;
	s4 =	rddreg [dreg:$0x0]  }
0x3: {  	s2 =	simm.s32 $0x0;
	s11 =	simm.s32 $0x140;
	s12 =	simm.s32 $0xB400  }
0x4: {  	s13 =	simm.s32 $0x1;
	s14 =	simm.s32 $0x2;
	s15 =	simm.s32 $0x12C0  }
0x5: {  	s16 =	simm.s32 $0x0;
	s6 =	sand.u32 $0x1, s1;
	s1 =	rddreg [dreg:$0x1]  }
0x6: {  	s25 =	sshll.u32 s0, $0x1;
	[smem:$0x7FF] =	sst s2;
	s29 =	smul.u32 $0x28000, s0  }
0x7: {  	s5 =	sor.u32 s6, s25;
	s8 =	ssub.s32 $0x2, s6;
	s31 =	smul.u32 $0x14000, s6  }
0x8: {  	s9 =	sadd.s32 $0x314000, s4;
	s3 =	smul.u32 $0x1400, s5;
	s26 =	sshrl.u32 s8, $0x1  }
0x9: {  	_ =	strace $0x8000004A;
	s10 =	smul.u32 $0x14000, s5;
	s28 =	ssub.s32 s8, s26  }
0xa: {  	s8 =	sadd.s32 s29, s9;
	s7 =	sshrl.u32 s3, $0x3;
	s3 =	sadd.s32 $0x2CF000, s4  }
0xb: {  	s5 =	smax.u32 s28, $0x1;
	s30 =	sadd.s32 s9, s10;
	s8 =	sadd.s32 s31, s8  }
0xc: {  	s9 =	simm.s32 $0x3;
	s10 =	simm.s32 $0x1400;
	s7 =	sadd.s32 s7, s4  }
0xd: {  	s6 =	sadd.s32 $0x11800, s30;
	s4 =	sadd.s32 $0x30F000, s7;
	s7 =	sadd.s32 $0x12C00, s30  }
.LBB2_1:
0xe: {  	[tilespmem:s2], [sflag:$0x3] =	stream.linear.gather [hbm4b:s4+s2], $0x1400, $0x38;
	[tilespmem:$0x15400] =	vst v63  }
0xf: {  	_ =	swait.ge [sflag:s9], $0x1400  }
0x10: {  	[sflag:s9] =	ssyncset.done $0x0  }
0x11: {  	[sflag:s9] =	ssyncadd.s32 $0xFFFFEC00  }
0x12: {  	[tilespmem:s10], [sflag:$0x1] =	stream.indirect.gather [hbm4b:s3+s11], $0x80, s2, s11, $0xb8;
	[tilespmem:$0x15400] =	vst v63  }
0x13: {  	_ = 	snop  }
0x14: {  	[tilespmem:s12], [sflag:$0x2] =	stream.indirect.gather [hbm4b:s3+s11], $0x80, s11, s11, $0xb8;
	[tilespmem:$0x15400] =	vst v63  }
0x15: {  	_ =	swait.ge [sflag:s13], $0xA000  }
0x16: {  	[sflag:s13] =	ssyncset.done $0x0  }
0x17: {  	s17 =	sadd.s32 $0x0, s8;
	[sflag:s13] =	ssyncadd.s32 $0xFFFF6000  }
0x18: {  	[hbm4b:s17+s2] =	stream.linear.scatter [tilespmem:s10], [sflag:$0x3], $0xA000, $0x38;
	[tilespmem:$0x15400] =	vst v63  }
0x19: {  	_ =	swait.ge [sflag:s9], $0xA000  }
0x1a: {  	[sflag:s9] =	ssyncset.done $0x0  }
0x1b: {  	s18 =	simm.s32 $0x280;
	[sflag:s9] =	ssyncadd.s32 $0xFFFF6000  }
0x1c: {  	[tilespmem:s10], [sflag:$0x1] =	stream.indirect.gather [hbm4b:s3+s11], $0x80, s18, s11, $0xb8;
	[tilespmem:$0x15400] =	vst v63  }
0x1d: {  	_ =	swait.ge [sflag:s14], $0xA000  }
0x1e: {  	[sflag:s14] =	ssyncset.done $0x0  }
0x1f: {  	s17 =	sadd.s32 $0x1400, s17;
	[sflag:s14] =	ssyncadd.s32 $0xFFFF6000  }
0x20: {  	[hbm4b:s17+s2] =	stream.linear.scatter [tilespmem:s12], [sflag:$0x3], $0xA000, $0x38;
	[tilespmem:$0x15400] =	vst v63  }
0x21: {  	_ =	swait.ge [sflag:s9], $0xA000  }
0x22: {  	s18 =	simm.s32 $0x140;
	s17 =	simm.s32 $0x2800;
	[sflag:s9] =	ssyncset.done $0x0  }
.LBB2_2:
0x23: {  	p0 =	sne.s32 s17, $0xF000;
	[sflag:s9] =	ssyncadd.s32 $0xFFFF6000;
	s18 =	sadd.s32 $0x280, s18  }
0x24: {  	[tilespmem:s12], [sflag:$0x2] =	stream.indirect.gather [hbm4b:s3+s11], $0x80, s18, s11, $0xb8;
	[tilespmem:$0x15400] =	vst v63  }
0x25: {  	s19 =	smov.u32 s17;
	s17 =	sadd.s32 $0x2800, s17;
	_ =	swait.ge [sflag:s13], $0xA000  }
0x26: {  	[sflag:s13] =	ssyncset.done $0x0  }
0x27: {  	s19 =	sadd.s32 s19, s8;
	[sflag:s13] =	ssyncadd.s32 $0xFFFF6000  }
0x28: {  	[hbm4b:s19+s2] =	stream.linear.scatter [tilespmem:s10], [sflag:$0x3], $0xA000, $0x38;
	[tilespmem:$0x15400] =	vst v63  }
0x29: {  	_ =	swait.ge [sflag:s9], $0xA000  }
0x2a: {  	[sflag:s9] =	ssyncset.done $0x0  }
0x2b: {  	s20 =	sadd.s32 $0x140, s18;
	[sflag:s9] =	ssyncadd.s32 $0xFFFF6000  }
0x2c: {  	[tilespmem:s10], [sflag:$0x1] =	stream.indirect.gather [hbm4b:s3+s11], $0x80, s20, s11, $0xb8;
	[tilespmem:$0x15400] =	vst v63  }
0x2d: {  	_ =	swait.ge [sflag:s14], $0xA000  }
.Ltmp0:
0x2e: {  	[sflag:s14] =	ssyncset.done $0x0;
	(pc) =	sbr.rel @p0 .LBB2_2-.Ltmp0, $4  }
0x2f: {  	s19 =	sadd.s32 $0x1400, s19;
	[sflag:s14] =	ssyncadd.s32 $0xFFFF6000  }
0x30: {  	[hbm4b:s19+s2] =	stream.linear.scatter [tilespmem:s12], [sflag:$0x3], $0xA000, $0x38;
	[tilespmem:$0x15400] =	vst v63  }
0x31: {  	_ =	swait.ge [sflag:s9], $0xA000  }
0x32: {  	[sflag:s9] =	ssyncset.done $0x0  }
0x33: {  	[sflag:s9] =	ssyncadd.s32 $0xFFFF6000  }
0x34: {  	[tilespmem:s12], [sflag:$0x2] =	stream.indirect.gather [hbm4b:s3+s11], $0x80, s15, s11, $0xb8;
	[tilespmem:$0x15400] =	vst v63  }
0x35: {  	_ =	swait.ge [sflag:s13], $0xA000  }
0x36: {  	[sflag:s13] =	ssyncset.done $0x0  }
0x37: {  	[sflag:s13] =	ssyncadd.s32 $0xFFFF6000  }
0x38: {  	[hbm4b:s6+s2] =	stream.linear.scatter [tilespmem:s10], [sflag:$0x3], $0xA000, $0x38;
	[tilespmem:$0x15400] =	vst v63  }
0x39: {  	_ =	swait.ge [sflag:s9], $0xA000  }
0x3a: {  	[sflag:s9] =	ssyncset.done $0x0  }
0x3b: {  	[sflag:s9] =	ssyncadd.s32 $0xFFFF6000  }
0x3c: {  	s16 =	sadd.s32 $0x1, s16;
	_ =	swait.ge [sflag:s14], $0xA000  }
0x3d: {  	p0 =	sne.s32 s16, s5;
	[sflag:s14] =	ssyncset.done $0x0  }
.Ltmp1:
0x3e: {  	[sflag:s14] =	ssyncadd.s32 $0xFFFF6000;
	(pc) =	sbr.rel @p0 .LBB2_1-.Ltmp1, $4  }
0x3f: {  	[hbm4b:s7+s2] =	stream.linear.scatter [tilespmem:s12], [sflag:$0x3], $0xA000, $0x38;
	[tilespmem:$0x15400] =	vst v63  }
0x40: {  	_ =	swait.ge [sflag:s9], $0xA000  }
0x41: {  	[sflag:s9] =	ssyncset.done $0x0  }
0x42: {  	[sflag:s9] =	ssyncadd.s32 $0xFFFF6000  }
0x43: {  	_ =	sfence.sel $0x180000  }
0x44: {  	[bflag:$0x0] =	sbarrier.arrive $0xFFFF  }
0x45: {  	p0 =	sne.s32 s0, $0x0;
	_ =	strace $0x9000004A  }
0x46: {  	s0 =	sadd.s32 @!p0 $0x100000, s1;
	[bflag:$0x2] =	sbarrier.arrive $0xFFFF  }
0x47: {  	[sflag:s0] =	ssyncadd.tile.s32 @!p0 $0x1;
	_ =	shalt  }
.Lfunc_end2:
_tile_overlayer_lowered:
.L_overlay_start_2:
0x48: {  	(tag) =	ssettag $0x2  }
0x49: {  	s0 =	rddreg [dreg:$0x0];
	s2 =	stileid.u32  }
0x4a: {  	s1 =	rddreg [dreg:$0x1];
	p0 =	sne.s32 s2, $0x0  }
0x4b: {  	s3 =	rddreg [dreg:$0x2];
	[bflag:$0x3] =	sbarrier.arrive $0xFFFF;
	s2 =	simm.s32 @!p0 $0x1C03  }
0x4c: {  	[timem:s3], [sflag:s2] =	dma.local @!p0 [hbm:s0], s1  }
0x4d: {  	s0 =	simm.s32 @!p0 $0x3  }
0x4e: {  	_ =	swait.ge @!p0 [sflag:s0], s1  }
0x4f: {  	s1 =	ssub.s32 @!p0 $0x0, s1;
	[sflag:s0] =	ssyncset.done @!p0 $0x0  }
0x50: {  	[sflag:s0] =	ssyncadd.s32 @!p0 s1  }
0x51: {  	[bflag:$0x3] =	sbarrier.arrive $0xFFFF  }
0x52: {  	_ =	shalt  }

// kernel: kernel.29.cloned.1.call-start
scs
__scs_entry_jumppad:
0x0: {  	(pc) =	sbr.rel $0x88, $3  }
0x1: {  	(tag) =	ssettag $0x0;
	lr =	simm.s32 $0x1  }
0x2: {  	[smem:$0x3F92] =	sst lr;
	_ =	strace $0xD0000000  }
0x3: {  	_ = 	snop  }
0x4: {  	_ = 	snop  }
0x5: {  	_ = 	snop  }
0x6: {  	_ = 	snop  }
0x7: {  	_ = 	snop  }
__scs_overlays_trampoline_lowered:
0x8: {  	[smem:$0x3FA1] =	sst s0  }
0x9: {  	[smem:$0x3FA2] =	sst s1  }
0xa: {  	[smem:$0x3FA3] =	sst s2  }
0xb: {  	[smem:$0x3FA4] =	sst s3  }
0xc: {  	[smem:$0x3FA5] =	sst s4  }
0xd: {  	[smem:$0x3FA6] =	sst s5  }
0xe: {  	[smem:$0x3FA7] =	sst s6  }
0xf: {  	[smem:$0x3FA8] =	sst s7  }
0x10: {  	[smem:$0x3FA9] =	sst s8  }
0x11: {  	[smem:$0x3FAA] =	sst s9;
	s0 =	simm.s32 @!p0 $0x0  }
0x12: {  	s1 =	sld [smem:$0x3F90];
	s0 =	simm.s32 @p0 $0x1  }
0x13: {  	[smem:$0x3FAB] =	sst s0;
	s0 =	simm.s32 @!p1 $0x0  }
0x14: {  	s2 =	sld [smem:$0x3F8F];
	s0 =	simm.s32 @p1 $0x1  }
0x15: {  	[smem:$0x3FAC] =	sst s0;
	s0 =	simm.s32 @!p2 $0x0  }
0x16: {  	s3 =	sld [smem:$0x3FDB];
	s0 =	simm.s32 @p2 $0x1  }
0x17: {  	s4 =	simm.s32 $0x1BF5;
	[smem:$0x3FAE] =	sst s0  }
0x18: {  	s0 =	sld [smem:$0x3F91];
	_ =	swait.ge [sflag:s4], $0x0  }
0x19: {  	s7 =	sld [smem:$0x3F92]  }
0x1a: {  	s8 =	sadd.s32 $0xFFFFE003, lr  }
0x1b: {  	s9 =	sadd.s32 $0xFFFFFEF7, lr;
	s5 =	simm.s32 $0xFFFFFFFF;
	p2 =	slt.u32 s8, $0xFFFFF086  }
0x1c: {  	p1 =	slt.u32 s9, $0xF7A;
	s5 =	simm.s32 @!p2 $0x0  }
0x1d: {  	s5 =	simm.s32 @p1 $0x1;
	p0 =	seq.s32 s7, s2  }
0x1e: {  	s7 =	smul.u32 @!p0 $0xF7A, s2;
	p2 =	seq.s32 @!p0 s5, $0x0  }
0x1f: {  	s9 =	smul.u32 $0xF7A, s1;
	s8 =	simm.s32 @!p0 $0x1BF5;
	p2 =	por !p2, p0  }
0x20: {  	[sflag:s8] =	ssyncset.s32 @!p0 $0xFFFFF086;
	s6 =	sadd.s32 @!p0 s3, s7;
	s7 =	simm.s32 @!p0 $0x108  }
0x21: {  	s3 =	sadd.s32 s3, s9;
	s6 =	sadd.s32 @!p0 $0x88, s6;
	s7 =	simm.s32 @p2 $0x1082  }
0x22: {  	[simem:s7], [sflag:s8] =	dma.local @!p0 [hbm:s6], $0xF7A  }
0x23: {  	s9 =	sor.u32 $0xD0000000, s2;
	s6 =	simm.s32 $0x108;
	_ =	swait.ge @!p0 [sflag:s8], $0x0  }
0x24: {  	s3 =	sadd.s32 $0x88, s3;
	s6 =	simm.s32 @!p1 $0x1082;
	[sflag:s4] =	ssyncset.s32 $0xFFFFF086  }
0x25: {  	[simem:s6], [sflag:s4] =	dma.local [hbm:s3], $0xF7A  }
0x26: {  	[smem:$0x3F92] =	sst s1;
	(tag) =	ssettag s2;
	_ =	strace s9  }
0x27: {  	s1 =	sld [smem:$0x3FA2]  }
0x28: {  	s2 =	sld [smem:$0x3FA3]  }
0x29: {  	s4 =	sld [smem:$0x3FA5]  }
0x2a: {  	p0 =	seq.s32 s5, $0x0;
	s5 =	sld [smem:$0x3FA6]  }
0x2b: {  	s6 =	sld [smem:$0x3FA7]  }
0x2c: {  	s7 =	sld [smem:$0x3FA8]  }
0x2d: {  	s3 =	simm.s32 $0x108;
	s8 =	sld [smem:$0x3FA9]  }
0x2e: {  	s3 =	simm.s32 @!p0 $0x1082;
	s9 =	sld [smem:$0x3FAA]  }
0x2f: {  	lr =	sadd.s32 s0, s3;
	s0 =	sld [smem:$0x3FA1]  }
0x30: {  	s3 =	sld [smem:$0x3FA4]  }
0x31: {  	[smem:$0x3FAD] =	sst s10  }
0x32: {  	s10 =	sld [smem:$0x3FAB];
	_ =	sdelay $0x3  }
0x33: {  	p0 =	seq.s32 s10, $0x1;
	s10 =	sld [smem:$0x3FAD];
	_ =	sdelay $0x3  }
0x34: {  	[smem:$0x3FAD] =	sst s10  }
0x35: {  	s10 =	sld [smem:$0x3FAC];
	_ =	sdelay $0x3  }
0x36: {  	p1 =	seq.s32 s10, $0x1;
	s10 =	sld [smem:$0x3FAD];
	_ =	sdelay $0x3  }
0x37: {  	[smem:$0x3FAD] =	sst s10  }
0x38: {  	s10 =	sld [smem:$0x3FAE]  }
0x39: {  	_ = 	snop;
	(pc) =	sbr.ind lr, $3  }
0x3a: {  	_ = 	snop  }
0x3b: {  	_ = 	snop  }
0x3c: {  	p2 =	seq.s32 s10, $0x1;
	s10 =	sld [smem:$0x3FAD]  }
0x3d: {  	_ =	shalt  }
0x3e: {  	_ =	shalt  }
0x3f: {  	_ =	shalt  }
0x40: {  	_ =	shalt  }
0x41: {  	_ =	shalt  }
0x42: {  	_ =	shalt  }
0x43: {  	_ =	shalt  }
0x44: {  	_ =	shalt  }
0x45: {  	_ =	shalt  }
0x46: {  	_ =	shalt  }
0x47: {  	_ =	shalt  }
0x48: {  	_ =	shalt  }
0x49: {  	_ =	shalt  }
0x4a: {  	_ =	shalt  }
0x4b: {  	_ =	shalt  }
0x4c: {  	_ =	shalt  }
0x4d: {  	_ =	shalt  }
0x4e: {  	_ =	shalt  }
0x4f: {  	_ =	shalt  }
0x50: {  	_ =	shalt  }
0x51: {  	_ =	shalt  }
0x52: {  	_ =	shalt  }
0x53: {  	_ =	shalt  }
0x54: {  	_ =	shalt  }
0x55: {  	_ =	shalt  }
0x56: {  	_ =	shalt  }
0x57: {  	_ =	shalt  }
0x58: {  	_ =	shalt  }
0x59: {  	_ =	shalt  }
0x5a: {  	_ =	shalt  }
0x5b: {  	_ =	shalt  }
0x5c: {  	_ =	shalt  }
0x5d: {  	_ =	shalt  }
0x5e: {  	_ =	shalt  }
0x5f: {  	_ =	shalt  }
0x60: {  	_ =	shalt  }
0x61: {  	_ =	shalt  }
0x62: {  	_ =	shalt  }
0x63: {  	_ =	shalt  }
0x64: {  	_ =	shalt  }
0x65: {  	_ =	shalt  }
0x66: {  	_ =	shalt  }
0x67: {  	_ =	shalt  }
0x68: {  	_ =	shalt  }
0x69: {  	_ =	shalt  }
0x6a: {  	_ =	shalt  }
0x6b: {  	_ =	shalt  }
0x6c: {  	_ =	shalt  }
0x6d: {  	_ =	shalt  }
0x6e: {  	_ =	shalt  }
0x6f: {  	_ =	shalt  }
0x70: {  	_ =	shalt  }
0x71: {  	_ =	shalt  }
0x72: {  	_ =	shalt  }
0x73: {  	_ =	shalt  }
0x74: {  	_ =	shalt  }
0x75: {  	_ =	shalt  }
0x76: {  	_ =	shalt  }
0x77: {  	_ =	shalt  }
0x78: {  	_ =	shalt  }
0x79: {  	_ =	shalt  }
0x7a: {  	_ =	shalt  }
0x7b: {  	_ =	shalt  }
0x7c: {  	_ =	shalt  }
0x7d: {  	_ =	shalt  }
0x7e: {  	_ =	shalt  }
0x7f: {  	_ =	shalt  }
0x80: {  	_ =	shalt  }
0x81: {  	_ =	shalt  }
0x82: {  	_ =	shalt  }
0x83: {  	_ =	shalt  }
0x84: {  	_ =	shalt  }
0x85: {  	_ =	shalt  }
0x86: {  	_ =	shalt  }
0x87: {  	_ =	shalt  }
.Lfunc_end0:
.L_simem_size_0:
called_computation.2_lowered:
.L_overlay_start_0:
0x88: {  	s2 =	sld [smem:$0x3FD9]  }
0x89: {  	s3 =	sld [smem:$0x3FFE];
	_ =	sdelay $0x1  }
0x8a: {  	s1 =	srdreg.scid  }
0x8b: {  	s0 =	sand.u32 $0x1, s1  }
0x8c: {  	s17 =	sshll.u32 s0, $0xA;
	s2 =	sadd.s32 s3, s2  }
0x8d: {  	s2 =	sadd.s32 s2, s17  }
0x8e: {  	[smem:$0x3FB9] =	sst s2  }
0x8f: {  	_ = 	snop  }
0x90: {  	(tm) =	ssettm $0x1  }
0x91: {  	s18 =	sld [smem:$0x3FFB];
	_ =	sdelay $0x3  }
0x92: {  	_ =	strace s18  }
0x93: {  	s2 =	sld [smem:$0x3FFC];
	_ =	sdelay $0x3  }
0x94: {  	_ =	strace s2  }
0x95: {  	s2 =	sld [smem:$0x3FFD];
	_ =	sdelay $0x3  }
0x96: {  	_ =	strace s2  }
0x97: {  	_ =	strace $0x8FFFFFFF  }
0x98: {  	s19 =	sld [smem:$0x3FDB];
	_ =	sdelay $0x1  }
0x99: {  	s20 =	simm.s32 $_scs_section_size  }
0x9a: {  	s4 =	simm.s32 $_size__tile_overlayer_lowered;
	s5 =	simm.s32 $_tile_overlayer_lowered  }
0x9b: {  	s6 =	simm.s32 $0x1BFF;
	s21 =	sshll.u32 s5, $0x1;
	s3 =	sadd.s32 s20, s19  }
0x9c: {  	s22 =	simm.s32 $0x0;
	s4 =	sshll.u32 s4, $0x1;
	s5 =	sadd.s32 s21, s3  }
0x9d: {  	[timem:s22], [sflag:s6] =	dma.local [hbm:s5], s4  }
0x9e: {  	_ =	swait.ge [sflag:s6], s4  }
0x9f: {  	s4 =	ssub.s32 $0x0, s4;
	[sflag:s6] =	ssyncset.done $0x0  }
0xa0: {  	[sflag:s6] =	ssyncadd.s32 s4;
	_ =	sdelay $0x1  }
0xa1: {  	s23 =	simm.s32 $0x1B8B  }
0xa2: {  	_ =	swait.ge [sflag:s23], $0x1  }
0xa3: {  	[sflag:s23] =	ssyncset.done $0x0  }
0xa4: {  	[sflag:s23] =	ssyncadd.s32 $0xFFFFFFFF  }
0xa5: {  	s4 =	sld [smem:$0x0]  }
0xa6: {  	s5 =	sand.u32 $0xFFFFFFFE, s1  }
0xa7: {  	p0 =	sne.s32 s1, s5  }
0xa8: {  	s5 =	sshll.u32 @p0 s5, $0xE  }
0xa9: {  	s5 =	sadd.s32 @p0 $0x11B8D, s5;
	s6 =	sshll.u32 @p0 s4, $0x11  }
0xaa: {  	s5 =	sor.u32 @p0 s6, s5  }
0xab: {  	[sflag:s5] =	ssyncadd.remote.s32 @p0 $0x1;
	_ =	sdelay $0x1  }
0xac: {  	s5 =	simm.s32 @p0 $0x1B8D  }
0xad: {  	_ =	swait.eq @p0 [sflag:s5], $0x1  }
0xae: {  	[sflag:s5] =	ssyncadd.s32 @p0 $0xFFFFFFFF  }
0xaf: {  	s6 =	sshll.u32 @!p0 s1, $0xE  }
0xb0: {  	s6 =	sor.u32 @!p0 $0x4000, s6;
	s5 =	simm.s32 @!p0 $0x1B8D  }
0xb1: {  	s4 =	sshll.u32 @!p0 s4, $0x11;
	s6 =	sadd.s32 @!p0 $0x11B8D, s6;
	_ =	swait.eq @!p0 [sflag:s5], $0x1  }
0xb2: {  	s4 =	sor.u32 @!p0 s4, s6;
	[sflag:s5] =	ssyncadd.s32 @!p0 $0xFFFFFFFF  }
0xb3: {  	s25 =	simm.s32 $0x1B8E;
	s24 =	sld [smem:$0x3FFE];
	[sflag:s4] =	ssyncadd.remote.s32 @!p0 $0x1  }
0xb4: {  	s26 =	simm.s32 $execute0_lowered;
	[smem:$0x3FD2] =	sst s25  }
0xb5: {  	s5 =	sshll.u32 s26, $0x1;
	_ =	strace $0x8000004C;
	[dreg:$0x1] =	wrdreg $0xFFFFFFFF  }
0xb6: {  	s28 =	simm.s32 $_size_execute0_lowered;
	s3 =	sadd.s32 s3, s5;
	[dreg:$0x0] =	wrdreg $0x0  }
0xb7: {  	s5 =	sshll.u32 s28, $0x1;
	[dreg:$0x2] =	wrdreg s3  }
0xb8: {  	[dreg:$0x3] =	wrdreg s5  }
0xb9: {  	[dreg:$0x4] =	wrdreg $0xC0  }
0xba: {  	_ =	task [dreg:s22], $0x5FFFF  }
0xbb: {  	[dreg:$0x1] =	wrdreg $0xFFFFFFFF  }
0xbc: {  	[dreg:$0x0] =	wrdreg $0x60  }
0xbd: {  	[dreg:$0x2] =	wrdreg s24  }
0xbe: {  	[dreg:$0x3] =	wrdreg $0xA  }
0xbf: {  	_ =	task.clear_ibuf [dreg:s22], $0x4FFFF;
	_ =	strace $0x9000004C  }
0xc0: {  	s29 =	simm.s32 $0xA;
	_ =	strace $0x8000004E  }
0xc1: {  	_ =	swait.ge [sflag:s29], $0x1  }
0xc2: {  	[sflag:s29] =	ssyncadd.s32 $0xFFFFFFFF  }
0xc3: {  	_ =	strace $0x9000004E  }
0xc4: {  	_ =	sfence  }
0xc5: {  	s30 =	sld [smem:$0x0];
	_ =	sdelay $0x2  }
0xc6: {  	s31 =	sshll.u32 s1, $0xD;
	s1 =	sshrl.u32 s1, $0x2  }
0xc7: {  	s4 =	sand.u32 $0x4000, s31;
	s1 =	sadd.s32 s1, s30  }
0xc8: {  	s0 =	sor.u32 s4, s0;
	s1 =	sshll.u32 s1, $0x11  }
0xc9: {  	s0 =	sor.u32 s1, s0  }
0xca: {  	s0 =	sadd.s32 $0x8F2B, s0  }
0xcb: {  	[sflag:s0] =	ssyncadd.remote.s32 $0x1  }
0xcc: {  	_ =	sfence.sel $0xFFFF  }
0xcd: {  	[dreg:$0x0] =	wrdreg $0xFFFFFFFF;
	(pc) =	sbr.abs _section_cstart, $3  }
0xce: {  	[dreg:$0x1] =	wrdreg $0xFFFFFFFF  }
0xcf: {  	_ =	task.clear_ibuf [dreg:s22], $0x2FFFF;
	_ =	strace $0x9FFFFFFF  }
0xd0: {  	(tm) =	ssettm $0x7FFFFFFF  }
0xd1: {  	_ =	shalt  }
tec
execute0_lowered:
.L_overlay_start_1:
0x0: {  	(tag) =	ssettag $0x1  }
0x1: {  	s1 =	srdreg.scid  }
0x2: {  	s0 =	stileid.u32;
	s4 =	rddreg [dreg:$0x0]  }
0x3: {  	s2 =	simm.s32 $0x0;
	s11 =	simm.s32 $0x140;
	s12 =	simm.s32 $0xB400  }
0x4: {  	s13 =	simm.s32 $0x1;
	s14 =	simm.s32 $0x2;
	s15 =	simm.s32 $0x12C0  }
0x5: {  	s16 =	simm.s32 $0x0;
	s6 =	sand.u32 $0x1, s1;
	s1 =	rddreg [dreg:$0x1]  }
0x6: {  	s25 =	sshll.u32 s0, $0x1;
	[smem:$0x7FF] =	sst s2;
	s29 =	smul.u32 $0x28000, s0  }
0x7: {  	s5 =	sor.u32 s6, s25;
	s8 =	ssub.s32 $0x2, s6;
	s31 =	smul.u32 $0x14000, s6  }
0x8: {  	s9 =	sadd.s32 $0x594800, s4;
	s3 =	smul.u32 $0x1400, s5;
	s26 =	sshrl.u32 s8, $0x1  }
0x9: {  	_ =	strace $0x8000004D;
	s10 =	smul.u32 $0x14000, s5;
	s28 =	ssub.s32 s8, s26  }
0xa: {  	s8 =	sadd.s32 s29, s9;
	s7 =	sshrl.u32 s3, $0x3;
	s3 =	sadd.s32 $0x2A000, s4  }
0xb: {  	s5 =	smax.u32 s28, $0x1;
	s30 =	sadd.s32 s9, s10;
	s8 =	sadd.s32 s31, s8  }
0xc: {  	s9 =	simm.s32 $0x3;
	s10 =	simm.s32 $0x1400;
	s7 =	sadd.s32 s7, s4  }
0xd: {  	s6 =	sadd.s32 $0x11800, s30;
	s4 =	sadd.s32 $0x6A000, s7;
	s7 =	sadd.s32 $0x12C00, s30  }
.LBB2_1:
0xe: {  	[tilespmem:s2], [sflag:$0x3] =	stream.linear.gather [hbm4b:s4+s2], $0x1400, $0x38;
	[tilespmem:$0x15400] =	vst v63  }
0xf: {  	_ =	swait.ge [sflag:s9], $0x1400  }
0x10: {  	[sflag:s9] =	ssyncset.done $0x0  }
0x11: {  	[sflag:s9] =	ssyncadd.s32 $0xFFFFEC00  }
0x12: {  	[tilespmem:s10], [sflag:$0x1] =	stream.indirect.gather [hbm4b:s3+s11], $0x80, s2, s11, $0xb8;
	[tilespmem:$0x15400] =	vst v63  }
0x13: {  	_ = 	snop  }
0x14: {  	[tilespmem:s12], [sflag:$0x2] =	stream.indirect.gather [hbm4b:s3+s11], $0x80, s11, s11, $0xb8;
	[tilespmem:$0x15400] =	vst v63  }
0x15: {  	_ =	swait.ge [sflag:s13], $0xA000  }
0x16: {  	[sflag:s13] =	ssyncset.done $0x0  }
0x17: {  	s17 =	sadd.s32 $0x0, s8;
	[sflag:s13] =	ssyncadd.s32 $0xFFFF6000  }
0x18: {  	[hbm4b:s17+s2] =	stream.linear.scatter [tilespmem:s10], [sflag:$0x3], $0xA000, $0x38;
	[tilespmem:$0x15400] =	vst v63  }
0x19: {  	_ =	swait.ge [sflag:s9], $0xA000  }
0x1a: {  	[sflag:s9] =	ssyncset.done $0x0  }
0x1b: {  	s18 =	simm.s32 $0x280;
	[sflag:s9] =	ssyncadd.s32 $0xFFFF6000  }
0x1c: {  	[tilespmem:s10], [sflag:$0x1] =	stream.indirect.gather [hbm4b:s3+s11], $0x80, s18, s11, $0xb8;
	[tilespmem:$0x15400] =	vst v63  }
0x1d: {  	_ =	swait.ge [sflag:s14], $0xA000  }
0x1e: {  	[sflag:s14] =	ssyncset.done $0x0  }
0x1f: {  	s17 =	sadd.s32 $0x1400, s17;
	[sflag:s14] =	ssyncadd.s32 $0xFFFF6000  }
0x20: {  	[hbm4b:s17+s2] =	stream.linear.scatter [tilespmem:s12], [sflag:$0x3], $0xA000, $0x38;
	[tilespmem:$0x15400] =	vst v63  }
0x21: {  	_ =	swait.ge [sflag:s9], $0xA000  }
0x22: {  	s18 =	simm.s32 $0x140;
	s17 =	simm.s32 $0x2800;
	[sflag:s9] =	ssyncset.done $0x0  }
.LBB2_2:
0x23: {  	p0 =	sne.s32 s17, $0xF000;
	[sflag:s9] =	ssyncadd.s32 $0xFFFF6000;
	s18 =	sadd.s32 $0x280, s18  }
0x24: {  	[tilespmem:s12], [sflag:$0x2] =	stream.indirect.gather [hbm4b:s3+s11], $0x80, s18, s11, $0xb8;
	[tilespmem:$0x15400] =	vst v63  }
0x25: {  	s19 =	smov.u32 s17;
	s17 =	sadd.s32 $0x2800, s17;
	_ =	swait.ge [sflag:s13], $0xA000  }
0x26: {  	[sflag:s13] =	ssyncset.done $0x0  }
0x27: {  	s19 =	sadd.s32 s19, s8;
	[sflag:s13] =	ssyncadd.s32 $0xFFFF6000  }
0x28: {  	[hbm4b:s19+s2] =	stream.linear.scatter [tilespmem:s10], [sflag:$0x3], $0xA000, $0x38;
	[tilespmem:$0x15400] =	vst v63  }
0x29: {  	_ =	swait.ge [sflag:s9], $0xA000  }
0x2a: {  	[sflag:s9] =	ssyncset.done $0x0  }
0x2b: {  	s20 =	sadd.s32 $0x140, s18;
	[sflag:s9] =	ssyncadd.s32 $0xFFFF6000  }
0x2c: {  	[tilespmem:s10], [sflag:$0x1] =	stream.indirect.gather [hbm4b:s3+s11], $0x80, s20, s11, $0xb8;
	[tilespmem:$0x15400] =	vst v63  }
0x2d: {  	_ =	swait.ge [sflag:s14], $0xA000  }
.Ltmp0:
0x2e: {  	[sflag:s14] =	ssyncset.done $0x0;
	(pc) =	sbr.rel @p0 .LBB2_2-.Ltmp0, $4  }
0x2f: {  	s19 =	sadd.s32 $0x1400, s19;
	[sflag:s14] =	ssyncadd.s32 $0xFFFF6000  }
0x30: {  	[hbm4b:s19+s2] =	stream.linear.scatter [tilespmem:s12], [sflag:$0x3], $0xA000, $0x38;
	[tilespmem:$0x15400] =	vst v63  }
0x31: {  	_ =	swait.ge [sflag:s9], $0xA000  }
0x32: {  	[sflag:s9] =	ssyncset.done $0x0  }
0x33: {  	[sflag:s9] =	ssyncadd.s32 $0xFFFF6000  }
0x34: {  	[tilespmem:s12], [sflag:$0x2] =	stream.indirect.gather [hbm4b:s3+s11], $0x80, s15, s11, $0xb8;
	[tilespmem:$0x15400] =	vst v63  }
0x35: {  	_ =	swait.ge [sflag:s13], $0xA000  }
0x36: {  	[sflag:s13] =	ssyncset.done $0x0  }
0x37: {  	[sflag:s13] =	ssyncadd.s32 $0xFFFF6000  }
0x38: {  	[hbm4b:s6+s2] =	stream.linear.scatter [tilespmem:s10], [sflag:$0x3], $0xA000, $0x38;
	[tilespmem:$0x15400] =	vst v63  }
0x39: {  	_ =	swait.ge [sflag:s9], $0xA000  }
0x3a: {  	[sflag:s9] =	ssyncset.done $0x0  }
0x3b: {  	[sflag:s9] =	ssyncadd.s32 $0xFFFF6000  }
0x3c: {  	s16 =	sadd.s32 $0x1, s16;
	_ =	swait.ge [sflag:s14], $0xA000  }
0x3d: {  	p0 =	sne.s32 s16, s5;
	[sflag:s14] =	ssyncset.done $0x0  }
.Ltmp1:
0x3e: {  	[sflag:s14] =	ssyncadd.s32 $0xFFFF6000;
	(pc) =	sbr.rel @p0 .LBB2_1-.Ltmp1, $4  }
0x3f: {  	[hbm4b:s7+s2] =	stream.linear.scatter [tilespmem:s12], [sflag:$0x3], $0xA000, $0x38;
	[tilespmem:$0x15400] =	vst v63  }
0x40: {  	_ =	swait.ge [sflag:s9], $0xA000  }
0x41: {  	[sflag:s9] =	ssyncset.done $0x0  }
0x42: {  	[sflag:s9] =	ssyncadd.s32 $0xFFFF6000  }
0x43: {  	_ =	sfence.sel $0x180000  }
0x44: {  	[bflag:$0x0] =	sbarrier.arrive $0xFFFF  }
0x45: {  	p0 =	sne.s32 s0, $0x0;
	_ =	strace $0x9000004D  }
0x46: {  	s0 =	sadd.s32 @!p0 $0x100000, s1;
	[bflag:$0x2] =	sbarrier.arrive $0xFFFF  }
0x47: {  	[sflag:s0] =	ssyncadd.tile.s32 @!p0 $0x1;
	_ =	shalt  }
.Lfunc_end2:
_tile_overlayer_lowered:
.L_overlay_start_2:
0x48: {  	(tag) =	ssettag $0x2  }
0x49: {  	s0 =	rddreg [dreg:$0x0];
	s2 =	stileid.u32  }
0x4a: {  	s1 =	rddreg [dreg:$0x1];
	p0 =	sne.s32 s2, $0x0  }
0x4b: {  	s3 =	rddreg [dreg:$0x2];
	[bflag:$0x3] =	sbarrier.arrive $0xFFFF;
	s2 =	simm.s32 @!p0 $0x1C03  }
0x4c: {  	[timem:s3], [sflag:s2] =	dma.local @!p0 [hbm:s0], s1  }
0x4d: {  	s0 =	simm.s32 @!p0 $0x3  }
0x4e: {  	_ =	swait.ge @!p0 [sflag:s0], s1  }
0x4f: {  	s1 =	ssub.s32 @!p0 $0x0, s1;
	[sflag:s0] =	ssyncset.done @!p0 $0x0  }
0x50: {  	[sflag:s0] =	ssyncadd.s32 @!p0 s1  }
0x51: {  	[bflag:$0x3] =	sbarrier.arrive $0xFFFF  }
0x52: {  	_ =	shalt  }

// kernel: kernel.32.cloned.1.call-start
scs
__scs_entry_jumppad:
0x0: {  	(pc) =	sbr.rel $0x88, $3  }
0x1: {  	(tag) =	ssettag $0x0;
	lr =	simm.s32 $0x1  }
0x2: {  	[smem:$0x3F92] =	sst lr;
	_ =	strace $0xD0000000  }
0x3: {  	_ = 	snop  }
0x4: {  	_ = 	snop  }
0x5: {  	_ = 	snop  }
0x6: {  	_ = 	snop  }
0x7: {  	_ = 	snop  }
__scs_overlays_trampoline_lowered:
0x8: {  	[smem:$0x3FA1] =	sst s0  }
0x9: {  	[smem:$0x3FA2] =	sst s1  }
0xa: {  	[smem:$0x3FA3] =	sst s2  }
0xb: {  	[smem:$0x3FA4] =	sst s3  }
0xc: {  	[smem:$0x3FA5] =	sst s4  }
0xd: {  	[smem:$0x3FA6] =	sst s5  }
0xe: {  	[smem:$0x3FA7] =	sst s6  }
0xf: {  	[smem:$0x3FA8] =	sst s7  }
0x10: {  	[smem:$0x3FA9] =	sst s8  }
0x11: {  	[smem:$0x3FAA] =	sst s9;
	s0 =	simm.s32 @!p0 $0x0  }
0x12: {  	s1 =	sld [smem:$0x3F90];
	s0 =	simm.s32 @p0 $0x1  }
0x13: {  	[smem:$0x3FAB] =	sst s0;
	s0 =	simm.s32 @!p1 $0x0  }
0x14: {  	s2 =	sld [smem:$0x3F8F];
	s0 =	simm.s32 @p1 $0x1  }
0x15: {  	[smem:$0x3FAC] =	sst s0;
	s0 =	simm.s32 @!p2 $0x0  }
0x16: {  	s3 =	sld [smem:$0x3FDB];
	s0 =	simm.s32 @p2 $0x1  }
0x17: {  	s4 =	simm.s32 $0x1BF5;
	[smem:$0x3FAE] =	sst s0  }
0x18: {  	s0 =	sld [smem:$0x3F91];
	_ =	swait.ge [sflag:s4], $0x0  }
0x19: {  	s7 =	sld [smem:$0x3F92]  }
0x1a: {  	s8 =	sadd.s32 $0xFFFFE003, lr  }
0x1b: {  	s9 =	sadd.s32 $0xFFFFFEF7, lr;
	s5 =	simm.s32 $0xFFFFFFFF;
	p2 =	slt.u32 s8, $0xFFFFF086  }
0x1c: {  	p1 =	slt.u32 s9, $0xF7A;
	s5 =	simm.s32 @!p2 $0x0  }
0x1d: {  	s5 =	simm.s32 @p1 $0x1;
	p0 =	seq.s32 s7, s2  }
0x1e: {  	s7 =	smul.u32 @!p0 $0xF7A, s2;
	p2 =	seq.s32 @!p0 s5, $0x0  }
0x1f: {  	s9 =	smul.u32 $0xF7A, s1;
	s8 =	simm.s32 @!p0 $0x1BF5;
	p2 =	por !p2, p0  }
0x20: {  	[sflag:s8] =	ssyncset.s32 @!p0 $0xFFFFF086;
	s6 =	sadd.s32 @!p0 s3, s7;
	s7 =	simm.s32 @!p0 $0x108  }
0x21: {  	s3 =	sadd.s32 s3, s9;
	s6 =	sadd.s32 @!p0 $0x88, s6;
	s7 =	simm.s32 @p2 $0x1082  }
0x22: {  	[simem:s7], [sflag:s8] =	dma.local @!p0 [hbm:s6], $0xF7A  }
0x23: {  	s9 =	sor.u32 $0xD0000000, s2;
	s6 =	simm.s32 $0x108;
	_ =	swait.ge @!p0 [sflag:s8], $0x0  }
0x24: {  	s3 =	sadd.s32 $0x88, s3;
	s6 =	simm.s32 @!p1 $0x1082;
	[sflag:s4] =	ssyncset.s32 $0xFFFFF086  }
0x25: {  	[simem:s6], [sflag:s4] =	dma.local [hbm:s3], $0xF7A  }
0x26: {  	[smem:$0x3F92] =	sst s1;
	(tag) =	ssettag s2;
	_ =	strace s9  }
0x27: {  	s1 =	sld [smem:$0x3FA2]  }
0x28: {  	s2 =	sld [smem:$0x3FA3]  }
0x29: {  	s4 =	sld [smem:$0x3FA5]  }
0x2a: {  	p0 =	seq.s32 s5, $0x0;
	s5 =	sld [smem:$0x3FA6]  }
0x2b: {  	s6 =	sld [smem:$0x3FA7]  }
0x2c: {  	s7 =	sld [smem:$0x3FA8]  }
0x2d: {  	s3 =	simm.s32 $0x108;
	s8 =	sld [smem:$0x3FA9]  }
0x2e: {  	s3 =	simm.s32 @!p0 $0x1082;
	s9 =	sld [smem:$0x3FAA]  }
0x2f: {  	lr =	sadd.s32 s0, s3;
	s0 =	sld [smem:$0x3FA1]  }
0x30: {  	s3 =	sld [smem:$0x3FA4]  }
0x31: {  	[smem:$0x3FAD] =	sst s10  }
0x32: {  	s10 =	sld [smem:$0x3FAB];
	_ =	sdelay $0x3  }
0x33: {  	p0 =	seq.s32 s10, $0x1;
	s10 =	sld [smem:$0x3FAD];
	_ =	sdelay $0x3  }
0x34: {  	[smem:$0x3FAD] =	sst s10  }
0x35: {  	s10 =	sld [smem:$0x3FAC];
	_ =	sdelay $0x3  }
0x36: {  	p1 =	seq.s32 s10, $0x1;
	s10 =	sld [smem:$0x3FAD];
	_ =	sdelay $0x3  }
0x37: {  	[smem:$0x3FAD] =	sst s10  }
0x38: {  	s10 =	sld [smem:$0x3FAE]  }
0x39: {  	_ = 	snop;
	(pc) =	sbr.ind lr, $3  }
0x3a: {  	_ = 	snop  }
0x3b: {  	_ = 	snop  }
0x3c: {  	p2 =	seq.s32 s10, $0x1;
	s10 =	sld [smem:$0x3FAD]  }
0x3d: {  	_ =	shalt  }
0x3e: {  	_ =	shalt  }
0x3f: {  	_ =	shalt  }
0x40: {  	_ =	shalt  }
0x41: {  	_ =	shalt  }
0x42: {  	_ =	shalt  }
0x43: {  	_ =	shalt  }
0x44: {  	_ =	shalt  }
0x45: {  	_ =	shalt  }
0x46: {  	_ =	shalt  }
0x47: {  	_ =	shalt  }
0x48: {  	_ =	shalt  }
0x49: {  	_ =	shalt  }
0x4a: {  	_ =	shalt  }
0x4b: {  	_ =	shalt  }
0x4c: {  	_ =	shalt  }
0x4d: {  	_ =	shalt  }
0x4e: {  	_ =	shalt  }
0x4f: {  	_ =	shalt  }
0x50: {  	_ =	shalt  }
0x51: {  	_ =	shalt  }
0x52: {  	_ =	shalt  }
0x53: {  	_ =	shalt  }
0x54: {  	_ =	shalt  }
0x55: {  	_ =	shalt  }
0x56: {  	_ =	shalt  }
0x57: {  	_ =	shalt  }
0x58: {  	_ =	shalt  }
0x59: {  	_ =	shalt  }
0x5a: {  	_ =	shalt  }
0x5b: {  	_ =	shalt  }
0x5c: {  	_ =	shalt  }
0x5d: {  	_ =	shalt  }
0x5e: {  	_ =	shalt  }
0x5f: {  	_ =	shalt  }
0x60: {  	_ =	shalt  }
0x61: {  	_ =	shalt  }
0x62: {  	_ =	shalt  }
0x63: {  	_ =	shalt  }
0x64: {  	_ =	shalt  }
0x65: {  	_ =	shalt  }
0x66: {  	_ =	shalt  }
0x67: {  	_ =	shalt  }
0x68: {  	_ =	shalt  }
0x69: {  	_ =	shalt  }
0x6a: {  	_ =	shalt  }
0x6b: {  	_ =	shalt  }
0x6c: {  	_ =	shalt  }
0x6d: {  	_ =	shalt  }
0x6e: {  	_ =	shalt  }
0x6f: {  	_ =	shalt  }
0x70: {  	_ =	shalt  }
0x71: {  	_ =	shalt  }
0x72: {  	_ =	shalt  }
0x73: {  	_ =	shalt  }
0x74: {  	_ =	shalt  }
0x75: {  	_ =	shalt  }
0x76: {  	_ =	shalt  }
0x77: {  	_ =	shalt  }
0x78: {  	_ =	shalt  }
0x79: {  	_ =	shalt  }
0x7a: {  	_ =	shalt  }
0x7b: {  	_ =	shalt  }
0x7c: {  	_ =	shalt  }
0x7d: {  	_ =	shalt  }
0x7e: {  	_ =	shalt  }
0x7f: {  	_ =	shalt  }
0x80: {  	_ =	shalt  }
0x81: {  	_ =	shalt  }
0x82: {  	_ =	shalt  }
0x83: {  	_ =	shalt  }
0x84: {  	_ =	shalt  }
0x85: {  	_ =	shalt  }
0x86: {  	_ =	shalt  }
0x87: {  	_ =	shalt  }
.Lfunc_end0:
.L_simem_size_0:
called_computation.3_lowered:
.L_overlay_start_0:
0x88: {  	s2 =	sld [smem:$0x3FD9]  }
0x89: {  	s3 =	sld [smem:$0x3FFE];
	_ =	sdelay $0x1  }
0x8a: {  	s1 =	srdreg.scid  }
0x8b: {  	s0 =	sand.u32 $0x1, s1  }
0x8c: {  	s17 =	sshll.u32 s0, $0xA;
	s2 =	sadd.s32 s3, s2  }
0x8d: {  	s2 =	sadd.s32 s2, s17  }
0x8e: {  	[smem:$0x3FB9] =	sst s2  }
0x8f: {  	_ = 	snop  }
0x90: {  	(tm) =	ssettm $0x1  }
0x91: {  	s18 =	sld [smem:$0x3FFB];
	_ =	sdelay $0x3  }
0x92: {  	_ =	strace s18  }
0x93: {  	s2 =	sld [smem:$0x3FFC];
	_ =	sdelay $0x3  }
0x94: {  	_ =	strace s2  }
0x95: {  	s2 =	sld [smem:$0x3FFD];
	_ =	sdelay $0x3  }
0x96: {  	_ =	strace s2  }
0x97: {  	_ =	strace $0x8FFFFFFF  }
0x98: {  	s19 =	sld [smem:$0x3FDB];
	_ =	sdelay $0x1  }
0x99: {  	s20 =	simm.s32 $_scs_section_size  }
0x9a: {  	s4 =	simm.s32 $_size__tile_overlayer_lowered;
	s5 =	simm.s32 $_tile_overlayer_lowered  }
0x9b: {  	s6 =	simm.s32 $0x1BFF;
	s21 =	sshll.u32 s5, $0x1;
	s3 =	sadd.s32 s20, s19  }
0x9c: {  	s22 =	simm.s32 $0x0;
	s4 =	sshll.u32 s4, $0x1;
	s5 =	sadd.s32 s21, s3  }
0x9d: {  	[timem:s22], [sflag:s6] =	dma.local [hbm:s5], s4  }
0x9e: {  	_ =	swait.ge [sflag:s6], s4  }
0x9f: {  	s4 =	ssub.s32 $0x0, s4;
	[sflag:s6] =	ssyncset.done $0x0  }
0xa0: {  	[sflag:s6] =	ssyncadd.s32 s4;
	_ =	sdelay $0x1  }
0xa1: {  	s23 =	simm.s32 $0x1B8B  }
0xa2: {  	_ =	swait.ge [sflag:s23], $0x1  }
0xa3: {  	[sflag:s23] =	ssyncset.done $0x0  }
0xa4: {  	[sflag:s23] =	ssyncadd.s32 $0xFFFFFFFF  }
0xa5: {  	s4 =	sld [smem:$0x0]  }
0xa6: {  	s5 =	sand.u32 $0xFFFFFFFE, s1  }
0xa7: {  	p0 =	sne.s32 s1, s5  }
0xa8: {  	s5 =	sshll.u32 @p0 s5, $0xE  }
0xa9: {  	s5 =	sadd.s32 @p0 $0x11B8D, s5;
	s6 =	sshll.u32 @p0 s4, $0x11  }
0xaa: {  	s5 =	sor.u32 @p0 s6, s5  }
0xab: {  	[sflag:s5] =	ssyncadd.remote.s32 @p0 $0x1;
	_ =	sdelay $0x1  }
0xac: {  	s5 =	simm.s32 @p0 $0x1B8D  }
0xad: {  	_ =	swait.eq @p0 [sflag:s5], $0x1  }
0xae: {  	[sflag:s5] =	ssyncadd.s32 @p0 $0xFFFFFFFF  }
0xaf: {  	s6 =	sshll.u32 @!p0 s1, $0xE  }
0xb0: {  	s6 =	sor.u32 @!p0 $0x4000, s6;
	s5 =	simm.s32 @!p0 $0x1B8D  }
0xb1: {  	s4 =	sshll.u32 @!p0 s4, $0x11;
	s6 =	sadd.s32 @!p0 $0x11B8D, s6;
	_ =	swait.eq @!p0 [sflag:s5], $0x1  }
0xb2: {  	s4 =	sor.u32 @!p0 s4, s6;
	[sflag:s5] =	ssyncadd.s32 @!p0 $0xFFFFFFFF  }
0xb3: {  	s25 =	simm.s32 $0x1B8E;
	s24 =	sld [smem:$0x3FFE];
	[sflag:s4] =	ssyncadd.remote.s32 @!p0 $0x1  }
0xb4: {  	s26 =	simm.s32 $execute0_lowered;
	[smem:$0x3FD2] =	sst s25  }
0xb5: {  	s5 =	sshll.u32 s26, $0x1;
	_ =	strace $0x8000004F;
	[dreg:$0x1] =	wrdreg $0xFFFFFFFF  }
0xb6: {  	s28 =	simm.s32 $_size_execute0_lowered;
	s3 =	sadd.s32 s3, s5;
	[dreg:$0x0] =	wrdreg $0x0  }
0xb7: {  	s5 =	sshll.u32 s28, $0x1;
	[dreg:$0x2] =	wrdreg s3  }
0xb8: {  	[dreg:$0x3] =	wrdreg s5  }
0xb9: {  	[dreg:$0x4] =	wrdreg $0xC0  }
0xba: {  	_ =	task [dreg:s22], $0x5FFFF  }
0xbb: {  	[dreg:$0x1] =	wrdreg $0xFFFFFFFF  }
0xbc: {  	[dreg:$0x0] =	wrdreg $0x60  }
0xbd: {  	[dreg:$0x2] =	wrdreg s24  }
0xbe: {  	[dreg:$0x3] =	wrdreg $0x9  }
0xbf: {  	_ =	task.clear_ibuf [dreg:s22], $0x4FFFF;
	_ =	strace $0x9000004F  }
0xc0: {  	s29 =	simm.s32 $0x9;
	_ =	strace $0x80000051  }
0xc1: {  	_ =	swait.ge [sflag:s29], $0x1  }
0xc2: {  	[sflag:s29] =	ssyncadd.s32 $0xFFFFFFFF  }
0xc3: {  	_ =	strace $0x90000051  }
0xc4: {  	_ =	sfence  }
0xc5: {  	s30 =	sld [smem:$0x0];
	_ =	sdelay $0x2  }
0xc6: {  	s31 =	sshll.u32 s1, $0xD;
	s1 =	sshrl.u32 s1, $0x2  }
0xc7: {  	s4 =	sand.u32 $0x4000, s31;
	s1 =	sadd.s32 s1, s30  }
0xc8: {  	s0 =	sor.u32 s4, s0;
	s1 =	sshll.u32 s1, $0x11  }
0xc9: {  	s0 =	sor.u32 s1, s0  }
0xca: {  	s0 =	sadd.s32 $0x8F2B, s0  }
0xcb: {  	[sflag:s0] =	ssyncadd.remote.s32 $0x1  }
0xcc: {  	_ =	sfence.sel $0xFFFF  }
0xcd: {  	[dreg:$0x0] =	wrdreg $0xFFFFFFFF;
	(pc) =	sbr.abs _section_cstart, $3  }
0xce: {  	[dreg:$0x1] =	wrdreg $0xFFFFFFFF  }
0xcf: {  	_ =	task.clear_ibuf [dreg:s22], $0x2FFFF;
	_ =	strace $0x9FFFFFFF  }
0xd0: {  	(tm) =	ssettm $0x7FFFFFFF  }
0xd1: {  	_ =	shalt  }
tec
execute0_lowered:
.L_overlay_start_1:
0x0: {  	(tag) =	ssettag $0x1  }
0x1: {  	s1 =	srdreg.scid  }
0x2: {  	s0 =	stileid.u32;
	s4 =	rddreg [dreg:$0x0]  }
0x3: {  	s2 =	simm.s32 $0x0;
	s11 =	simm.s32 $0x140;
	s12 =	simm.s32 $0xB400  }
0x4: {  	s13 =	simm.s32 $0x1;
	s14 =	simm.s32 $0x2;
	s15 =	simm.s32 $0x12C0  }
0x5: {  	s16 =	simm.s32 $0x0;
	s6 =	sand.u32 $0x1, s1;
	s1 =	rddreg [dreg:$0x1]  }
0x6: {  	s25 =	sshll.u32 s0, $0x1;
	[smem:$0x7FF] =	sst s2;
	s29 =	smul.u32 $0x28000, s0  }
0x7: {  	s5 =	sor.u32 s6, s25;
	s8 =	ssub.s32 $0x2, s6;
	s31 =	smul.u32 $0x14000, s6  }
0x8: {  	s9 =	sadd.s32 $0xD4000, s4;
	s3 =	smul.u32 $0x1400, s5;
	s26 =	sshrl.u32 s8, $0x1  }
0x9: {  	_ =	strace $0x80000050;
	s10 =	smul.u32 $0x14000, s5;
	s28 =	ssub.s32 s8, s26  }
0xa: {  	s8 =	sadd.s32 s29, s9;
	s7 =	sshrl.u32 s3, $0x3;
	s3 =	sadd.s32 $0x8F000, s4  }
0xb: {  	s5 =	smax.u32 s28, $0x1;
	s30 =	sadd.s32 s9, s10;
	s8 =	sadd.s32 s31, s8  }
0xc: {  	s9 =	simm.s32 $0x3;
	s10 =	simm.s32 $0x1400;
	s7 =	sadd.s32 s7, s4  }
0xd: {  	s6 =	sadd.s32 $0x11800, s30;
	s4 =	sadd.s32 $0xCF000, s7;
	s7 =	sadd.s32 $0x12C00, s30  }
.LBB2_1:
0xe: {  	[tilespmem:s2], [sflag:$0x3] =	stream.linear.gather [hbm4b:s4+s2], $0x1400, $0x38;
	[tilespmem:$0x15400] =	vst v63  }
0xf: {  	_ =	swait.ge [sflag:s9], $0x1400  }
0x10: {  	[sflag:s9] =	ssyncset.done $0x0  }
0x11: {  	[sflag:s9] =	ssyncadd.s32 $0xFFFFEC00  }
0x12: {  	[tilespmem:s10], [sflag:$0x1] =	stream.indirect.gather [hbm4b:s3+s11], $0x80, s2, s11, $0xb8;
	[tilespmem:$0x15400] =	vst v63  }
0x13: {  	_ = 	snop  }
0x14: {  	[tilespmem:s12], [sflag:$0x2] =	stream.indirect.gather [hbm4b:s3+s11], $0x80, s11, s11, $0xb8;
	[tilespmem:$0x15400] =	vst v63  }
0x15: {  	_ =	swait.ge [sflag:s13], $0xA000  }
0x16: {  	[sflag:s13] =	ssyncset.done $0x0  }
0x17: {  	s17 =	sadd.s32 $0x0, s8;
	[sflag:s13] =	ssyncadd.s32 $0xFFFF6000  }
0x18: {  	[hbm4b:s17+s2] =	stream.linear.scatter [tilespmem:s10], [sflag:$0x3], $0xA000, $0x38;
	[tilespmem:$0x15400] =	vst v63  }
0x19: {  	_ =	swait.ge [sflag:s9], $0xA000  }
0x1a: {  	[sflag:s9] =	ssyncset.done $0x0  }
0x1b: {  	s18 =	simm.s32 $0x280;
	[sflag:s9] =	ssyncadd.s32 $0xFFFF6000  }
0x1c: {  	[tilespmem:s10], [sflag:$0x1] =	stream.indirect.gather [hbm4b:s3+s11], $0x80, s18, s11, $0xb8;
	[tilespmem:$0x15400] =	vst v63  }
0x1d: {  	_ =	swait.ge [sflag:s14], $0xA000  }
0x1e: {  	[sflag:s14] =	ssyncset.done $0x0  }
0x1f: {  	s17 =	sadd.s32 $0x1400, s17;
	[sflag:s14] =	ssyncadd.s32 $0xFFFF6000  }
0x20: {  	[hbm4b:s17+s2] =	stream.linear.scatter [tilespmem:s12], [sflag:$0x3], $0xA000, $0x38;
	[tilespmem:$0x15400] =	vst v63  }
0x21: {  	_ =	swait.ge [sflag:s9], $0xA000  }
0x22: {  	s18 =	simm.s32 $0x140;
	s17 =	simm.s32 $0x2800;
	[sflag:s9] =	ssyncset.done $0x0  }
.LBB2_2:
0x23: {  	p0 =	sne.s32 s17, $0xF000;
	[sflag:s9] =	ssyncadd.s32 $0xFFFF6000;
	s18 =	sadd.s32 $0x280, s18  }
0x24: {  	[tilespmem:s12], [sflag:$0x2] =	stream.indirect.gather [hbm4b:s3+s11], $0x80, s18, s11, $0xb8;
	[tilespmem:$0x15400] =	vst v63  }
0x25: {  	s19 =	smov.u32 s17;
	s17 =	sadd.s32 $0x2800, s17;
	_ =	swait.ge [sflag:s13], $0xA000  }
0x26: {  	[sflag:s13] =	ssyncset.done $0x0  }
0x27: {  	s19 =	sadd.s32 s19, s8;
	[sflag:s13] =	ssyncadd.s32 $0xFFFF6000  }
0x28: {  	[hbm4b:s19+s2] =	stream.linear.scatter [tilespmem:s10], [sflag:$0x3], $0xA000, $0x38;
	[tilespmem:$0x15400] =	vst v63  }
0x29: {  	_ =	swait.ge [sflag:s9], $0xA000  }
0x2a: {  	[sflag:s9] =	ssyncset.done $0x0  }
0x2b: {  	s20 =	sadd.s32 $0x140, s18;
	[sflag:s9] =	ssyncadd.s32 $0xFFFF6000  }
0x2c: {  	[tilespmem:s10], [sflag:$0x1] =	stream.indirect.gather [hbm4b:s3+s11], $0x80, s20, s11, $0xb8;
	[tilespmem:$0x15400] =	vst v63  }
0x2d: {  	_ =	swait.ge [sflag:s14], $0xA000  }
.Ltmp0:
0x2e: {  	[sflag:s14] =	ssyncset.done $0x0;
	(pc) =	sbr.rel @p0 .LBB2_2-.Ltmp0, $4  }
0x2f: {  	s19 =	sadd.s32 $0x1400, s19;
	[sflag:s14] =	ssyncadd.s32 $0xFFFF6000  }
0x30: {  	[hbm4b:s19+s2] =	stream.linear.scatter [tilespmem:s12], [sflag:$0x3], $0xA000, $0x38;
	[tilespmem:$0x15400] =	vst v63  }
0x31: {  	_ =	swait.ge [sflag:s9], $0xA000  }
0x32: {  	[sflag:s9] =	ssyncset.done $0x0  }
0x33: {  	[sflag:s9] =	ssyncadd.s32 $0xFFFF6000  }
0x34: {  	[tilespmem:s12], [sflag:$0x2] =	stream.indirect.gather [hbm4b:s3+s11], $0x80, s15, s11, $0xb8;
	[tilespmem:$0x15400] =	vst v63  }
0x35: {  	_ =	swait.ge [sflag:s13], $0xA000  }
0x36: {  	[sflag:s13] =	ssyncset.done $0x0  }
0x37: {  	[sflag:s13] =	ssyncadd.s32 $0xFFFF6000  }
0x38: {  	[hbm4b:s6+s2] =	stream.linear.scatter [tilespmem:s10], [sflag:$0x3], $0xA000, $0x38;
	[tilespmem:$0x15400] =	vst v63  }
0x39: {  	_ =	swait.ge [sflag:s9], $0xA000  }
0x3a: {  	[sflag:s9] =	ssyncset.done $0x0  }
0x3b: {  	[sflag:s9] =	ssyncadd.s32 $0xFFFF6000  }
0x3c: {  	s16 =	sadd.s32 $0x1, s16;
	_ =	swait.ge [sflag:s14], $0xA000  }
0x3d: {  	p0 =	sne.s32 s16, s5;
	[sflag:s14] =	ssyncset.done $0x0  }
.Ltmp1:
0x3e: {  	[sflag:s14] =	ssyncadd.s32 $0xFFFF6000;
	(pc) =	sbr.rel @p0 .LBB2_1-.Ltmp1, $4  }
0x3f: {  	[hbm4b:s7+s2] =	stream.linear.scatter [tilespmem:s12], [sflag:$0x3], $0xA000, $0x38;
	[tilespmem:$0x15400] =	vst v63  }
0x40: {  	_ =	swait.ge [sflag:s9], $0xA000  }
0x41: {  	[sflag:s9] =	ssyncset.done $0x0  }
0x42: {  	[sflag:s9] =	ssyncadd.s32 $0xFFFF6000  }
0x43: {  	_ =	sfence.sel $0x180000  }
0x44: {  	[bflag:$0x0] =	sbarrier.arrive $0xFFFF  }
0x45: {  	p0 =	sne.s32 s0, $0x0;
	_ =	strace $0x90000050  }
0x46: {  	s0 =	sadd.s32 @!p0 $0x100000, s1;
	[bflag:$0x2] =	sbarrier.arrive $0xFFFF  }
0x47: {  	[sflag:s0] =	ssyncadd.tile.s32 @!p0 $0x1;
	_ =	shalt  }
.Lfunc_end2:
_tile_overlayer_lowered:
.L_overlay_start_2:
0x48: {  	(tag) =	ssettag $0x2  }
0x49: {  	s0 =	rddreg [dreg:$0x0];
	s2 =	stileid.u32  }
0x4a: {  	s1 =	rddreg [dreg:$0x1];
	p0 =	sne.s32 s2, $0x0  }
0x4b: {  	s3 =	rddreg [dreg:$0x2];
	[bflag:$0x3] =	sbarrier.arrive $0xFFFF;
	s2 =	simm.s32 @!p0 $0x1C03  }
0x4c: {  	[timem:s3], [sflag:s2] =	dma.local @!p0 [hbm:s0], s1  }
0x4d: {  	s0 =	simm.s32 @!p0 $0x3  }
0x4e: {  	_ =	swait.ge @!p0 [sflag:s0], s1  }
0x4f: {  	s1 =	ssub.s32 @!p0 $0x0, s1;
	[sflag:s0] =	ssyncset.done @!p0 $0x0  }
0x50: {  	[sflag:s0] =	ssyncadd.s32 @!p0 s1  }
0x51: {  	[bflag:$0x3] =	sbarrier.arrive $0xFFFF  }
0x52: {  	_ =	shalt  }

// kernel: kernel.35.cloned.1.call-start
scs
__scs_entry_jumppad:
0x0: {  	(pc) =	sbr.rel $0x88, $3  }
0x1: {  	(tag) =	ssettag $0x0;
	lr =	simm.s32 $0x1  }
0x2: {  	[smem:$0x3F92] =	sst lr;
	_ =	strace $0xD0000000  }
0x3: {  	_ = 	snop  }
0x4: {  	_ = 	snop  }
0x5: {  	_ = 	snop  }
0x6: {  	_ = 	snop  }
0x7: {  	_ = 	snop  }
__scs_overlays_trampoline_lowered:
0x8: {  	[smem:$0x3FA1] =	sst s0  }
0x9: {  	[smem:$0x3FA2] =	sst s1  }
0xa: {  	[smem:$0x3FA3] =	sst s2  }
0xb: {  	[smem:$0x3FA4] =	sst s3  }
0xc: {  	[smem:$0x3FA5] =	sst s4  }
0xd: {  	[smem:$0x3FA6] =	sst s5  }
0xe: {  	[smem:$0x3FA7] =	sst s6  }
0xf: {  	[smem:$0x3FA8] =	sst s7  }
0x10: {  	[smem:$0x3FA9] =	sst s8  }
0x11: {  	[smem:$0x3FAA] =	sst s9;
	s0 =	simm.s32 @!p0 $0x0  }
0x12: {  	s1 =	sld [smem:$0x3F90];
	s0 =	simm.s32 @p0 $0x1  }
0x13: {  	[smem:$0x3FAB] =	sst s0;
	s0 =	simm.s32 @!p1 $0x0  }
0x14: {  	s2 =	sld [smem:$0x3F8F];
	s0 =	simm.s32 @p1 $0x1  }
0x15: {  	[smem:$0x3FAC] =	sst s0;
	s0 =	simm.s32 @!p2 $0x0  }
0x16: {  	s3 =	sld [smem:$0x3FDB];
	s0 =	simm.s32 @p2 $0x1  }
0x17: {  	s4 =	simm.s32 $0x1BF5;
	[smem:$0x3FAE] =	sst s0  }
0x18: {  	s0 =	sld [smem:$0x3F91];
	_ =	swait.ge [sflag:s4], $0x0  }
0x19: {  	s7 =	sld [smem:$0x3F92]  }
0x1a: {  	s8 =	sadd.s32 $0xFFFFE003, lr  }
0x1b: {  	s9 =	sadd.s32 $0xFFFFFEF7, lr;
	s5 =	simm.s32 $0xFFFFFFFF;
	p2 =	slt.u32 s8, $0xFFFFF086  }
0x1c: {  	p1 =	slt.u32 s9, $0xF7A;
	s5 =	simm.s32 @!p2 $0x0  }
0x1d: {  	s5 =	simm.s32 @p1 $0x1;
	p0 =	seq.s32 s7, s2  }
0x1e: {  	s7 =	smul.u32 @!p0 $0xF7A, s2;
	p2 =	seq.s32 @!p0 s5, $0x0  }
0x1f: {  	s9 =	smul.u32 $0xF7A, s1;
	s8 =	simm.s32 @!p0 $0x1BF5;
	p2 =	por !p2, p0  }
0x20: {  	[sflag:s8] =	ssyncset.s32 @!p0 $0xFFFFF086;
	s6 =	sadd.s32 @!p0 s3, s7;
	s7 =	simm.s32 @!p0 $0x108  }
0x21: {  	s3 =	sadd.s32 s3, s9;
	s6 =	sadd.s32 @!p0 $0x88, s6;
	s7 =	simm.s32 @p2 $0x1082  }
0x22: {  	[simem:s7], [sflag:s8] =	dma.local @!p0 [hbm:s6], $0xF7A  }
0x23: {  	s9 =	sor.u32 $0xD0000000, s2;
	s6 =	simm.s32 $0x108;
	_ =	swait.ge @!p0 [sflag:s8], $0x0  }
0x24: {  	s3 =	sadd.s32 $0x88, s3;
	s6 =	simm.s32 @!p1 $0x1082;
	[sflag:s4] =	ssyncset.s32 $0xFFFFF086  }
0x25: {  	[simem:s6], [sflag:s4] =	dma.local [hbm:s3], $0xF7A  }
0x26: {  	[smem:$0x3F92] =	sst s1;
	(tag) =	ssettag s2;
	_ =	strace s9  }
0x27: {  	s1 =	sld [smem:$0x3FA2]  }
0x28: {  	s2 =	sld [smem:$0x3FA3]  }
0x29: {  	s4 =	sld [smem:$0x3FA5]  }
0x2a: {  	p0 =	seq.s32 s5, $0x0;
	s5 =	sld [smem:$0x3FA6]  }
0x2b: {  	s6 =	sld [smem:$0x3FA7]  }
0x2c: {  	s7 =	sld [smem:$0x3FA8]  }
0x2d: {  	s3 =	simm.s32 $0x108;
	s8 =	sld [smem:$0x3FA9]  }
0x2e: {  	s3 =	simm.s32 @!p0 $0x1082;
	s9 =	sld [smem:$0x3FAA]  }
0x2f: {  	lr =	sadd.s32 s0, s3;
	s0 =	sld [smem:$0x3FA1]  }
0x30: {  	s3 =	sld [smem:$0x3FA4]  }
0x31: {  	[smem:$0x3FAD] =	sst s10  }
0x32: {  	s10 =	sld [smem:$0x3FAB];
	_ =	sdelay $0x3  }
0x33: {  	p0 =	seq.s32 s10, $0x1;
	s10 =	sld [smem:$0x3FAD];
	_ =	sdelay $0x3  }
0x34: {  	[smem:$0x3FAD] =	sst s10  }
0x35: {  	s10 =	sld [smem:$0x3FAC];
	_ =	sdelay $0x3  }
0x36: {  	p1 =	seq.s32 s10, $0x1;
	s10 =	sld [smem:$0x3FAD];
	_ =	sdelay $0x3  }
0x37: {  	[smem:$0x3FAD] =	sst s10  }
0x38: {  	s10 =	sld [smem:$0x3FAE]  }
0x39: {  	_ = 	snop;
	(pc) =	sbr.ind lr, $3  }
0x3a: {  	_ = 	snop  }
0x3b: {  	_ = 	snop  }
0x3c: {  	p2 =	seq.s32 s10, $0x1;
	s10 =	sld [smem:$0x3FAD]  }
0x3d: {  	_ =	shalt  }
0x3e: {  	_ =	shalt  }
0x3f: {  	_ =	shalt  }
0x40: {  	_ =	shalt  }
0x41: {  	_ =	shalt  }
0x42: {  	_ =	shalt  }
0x43: {  	_ =	shalt  }
0x44: {  	_ =	shalt  }
0x45: {  	_ =	shalt  }
0x46: {  	_ =	shalt  }
0x47: {  	_ =	shalt  }
0x48: {  	_ =	shalt  }
0x49: {  	_ =	shalt  }
0x4a: {  	_ =	shalt  }
0x4b: {  	_ =	shalt  }
0x4c: {  	_ =	shalt  }
0x4d: {  	_ =	shalt  }
0x4e: {  	_ =	shalt  }
0x4f: {  	_ =	shalt  }
0x50: {  	_ =	shalt  }
0x51: {  	_ =	shalt  }
0x52: {  	_ =	shalt  }
0x53: {  	_ =	shalt  }
0x54: {  	_ =	shalt  }
0x55: {  	_ =	shalt  }
0x56: {  	_ =	shalt  }
0x57: {  	_ =	shalt  }
0x58: {  	_ =	shalt  }
0x59: {  	_ =	shalt  }
0x5a: {  	_ =	shalt  }
0x5b: {  	_ =	shalt  }
0x5c: {  	_ =	shalt  }
0x5d: {  	_ =	shalt  }
0x5e: {  	_ =	shalt  }
0x5f: {  	_ =	shalt  }
0x60: {  	_ =	shalt  }
0x61: {  	_ =	shalt  }
0x62: {  	_ =	shalt  }
0x63: {  	_ =	shalt  }
0x64: {  	_ =	shalt  }
0x65: {  	_ =	shalt  }
0x66: {  	_ =	shalt  }
0x67: {  	_ =	shalt  }
0x68: {  	_ =	shalt  }
0x69: {  	_ =	shalt  }
0x6a: {  	_ =	shalt  }
0x6b: {  	_ =	shalt  }
0x6c: {  	_ =	shalt  }
0x6d: {  	_ =	shalt  }
0x6e: {  	_ =	shalt  }
0x6f: {  	_ =	shalt  }
0x70: {  	_ =	shalt  }
0x71: {  	_ =	shalt  }
0x72: {  	_ =	shalt  }
0x73: {  	_ =	shalt  }
0x74: {  	_ =	shalt  }
0x75: {  	_ =	shalt  }
0x76: {  	_ =	shalt  }
0x77: {  	_ =	shalt  }
0x78: {  	_ =	shalt  }
0x79: {  	_ =	shalt  }
0x7a: {  	_ =	shalt  }
0x7b: {  	_ =	shalt  }
0x7c: {  	_ =	shalt  }
0x7d: {  	_ =	shalt  }
0x7e: {  	_ =	shalt  }
0x7f: {  	_ =	shalt  }
0x80: {  	_ =	shalt  }
0x81: {  	_ =	shalt  }
0x82: {  	_ =	shalt  }
0x83: {  	_ =	shalt  }
0x84: {  	_ =	shalt  }
0x85: {  	_ =	shalt  }
0x86: {  	_ =	shalt  }
0x87: {  	_ =	shalt  }
.Lfunc_end0:
.L_simem_size_0:
called_computation.4_lowered:
.L_overlay_start_0:
0x88: {  	s2 =	sld [smem:$0x3FD9]  }
0x89: {  	s3 =	sld [smem:$0x3FFE];
	_ =	sdelay $0x1  }
0x8a: {  	s1 =	srdreg.scid  }
0x8b: {  	s0 =	sand.u32 $0x1, s1  }
0x8c: {  	s17 =	sshll.u32 s0, $0xA;
	s2 =	sadd.s32 s3, s2  }
0x8d: {  	s2 =	sadd.s32 s2, s17  }
0x8e: {  	[smem:$0x3FB9] =	sst s2  }
0x8f: {  	_ = 	snop  }
0x90: {  	(tm) =	ssettm $0x1  }
0x91: {  	s18 =	sld [smem:$0x3FFB];
	_ =	sdelay $0x3  }
0x92: {  	_ =	strace s18  }
0x93: {  	s2 =	sld [smem:$0x3FFC];
	_ =	sdelay $0x3  }
0x94: {  	_ =	strace s2  }
0x95: {  	s2 =	sld [smem:$0x3FFD];
	_ =	sdelay $0x3  }
0x96: {  	_ =	strace s2  }
0x97: {  	_ =	strace $0x8FFFFFFF  }
0x98: {  	s19 =	sld [smem:$0x3FDB];
	_ =	sdelay $0x1  }
0x99: {  	s20 =	simm.s32 $_scs_section_size  }
0x9a: {  	s4 =	simm.s32 $_size__tile_overlayer_lowered;
	s5 =	simm.s32 $_tile_overlayer_lowered  }
0x9b: {  	s6 =	simm.s32 $0x1BFF;
	s21 =	sshll.u32 s5, $0x1;
	s3 =	sadd.s32 s20, s19  }
0x9c: {  	s22 =	simm.s32 $0x0;
	s4 =	sshll.u32 s4, $0x1;
	s5 =	sadd.s32 s21, s3  }
0x9d: {  	[timem:s22], [sflag:s6] =	dma.local [hbm:s5], s4  }
0x9e: {  	_ =	swait.ge [sflag:s6], s4  }
0x9f: {  	s4 =	ssub.s32 $0x0, s4;
	[sflag:s6] =	ssyncset.done $0x0  }
0xa0: {  	[sflag:s6] =	ssyncadd.s32 s4;
	_ =	sdelay $0x1  }
0xa1: {  	s23 =	simm.s32 $0x1B8B  }
0xa2: {  	_ =	swait.ge [sflag:s23], $0x1  }
0xa3: {  	[sflag:s23] =	ssyncset.done $0x0  }
0xa4: {  	[sflag:s23] =	ssyncadd.s32 $0xFFFFFFFF  }
0xa5: {  	s4 =	sld [smem:$0x0]  }
0xa6: {  	s5 =	sand.u32 $0xFFFFFFFE, s1  }
0xa7: {  	p0 =	sne.s32 s1, s5  }
0xa8: {  	s5 =	sshll.u32 @p0 s5, $0xE  }
0xa9: {  	s5 =	sadd.s32 @p0 $0x11B8D, s5;
	s6 =	sshll.u32 @p0 s4, $0x11  }
0xaa: {  	s5 =	sor.u32 @p0 s6, s5  }
0xab: {  	[sflag:s5] =	ssyncadd.remote.s32 @p0 $0x1;
	_ =	sdelay $0x1  }
0xac: {  	s5 =	simm.s32 @p0 $0x1B8D  }
0xad: {  	_ =	swait.eq @p0 [sflag:s5], $0x1  }
0xae: {  	[sflag:s5] =	ssyncadd.s32 @p0 $0xFFFFFFFF  }
0xaf: {  	s6 =	sshll.u32 @!p0 s1, $0xE  }
0xb0: {  	s6 =	sor.u32 @!p0 $0x4000, s6;
	s5 =	simm.s32 @!p0 $0x1B8D  }
0xb1: {  	s4 =	sshll.u32 @!p0 s4, $0x11;
	s6 =	sadd.s32 @!p0 $0x11B8D, s6;
	_ =	swait.eq @!p0 [sflag:s5], $0x1  }
0xb2: {  	s4 =	sor.u32 @!p0 s4, s6;
	[sflag:s5] =	ssyncadd.s32 @!p0 $0xFFFFFFFF  }
0xb3: {  	s25 =	simm.s32 $0x1B8E;
	s24 =	sld [smem:$0x3FFE];
	[sflag:s4] =	ssyncadd.remote.s32 @!p0 $0x1  }
0xb4: {  	s26 =	simm.s32 $execute0_lowered;
	[smem:$0x3FD2] =	sst s25  }
0xb5: {  	s5 =	sshll.u32 s26, $0x1;
	_ =	strace $0x80000052;
	[dreg:$0x1] =	wrdreg $0xFFFFFFFF  }
0xb6: {  	s28 =	simm.s32 $_size_execute0_lowered;
	s3 =	sadd.s32 s3, s5;
	[dreg:$0x0] =	wrdreg $0x0  }
0xb7: {  	s5 =	sshll.u32 s28, $0x1;
	[dreg:$0x2] =	wrdreg s3  }
0xb8: {  	[dreg:$0x3] =	wrdreg s5  }
0xb9: {  	[dreg:$0x4] =	wrdreg $0xC0  }
0xba: {  	_ =	task [dreg:s22], $0x5FFFF  }
0xbb: {  	[dreg:$0x1] =	wrdreg $0xFFFFFFFF  }
0xbc: {  	[dreg:$0x0] =	wrdreg $0x60  }
0xbd: {  	[dreg:$0x2] =	wrdreg s24  }
0xbe: {  	[dreg:$0x3] =	wrdreg $0xA  }
0xbf: {  	_ =	task.clear_ibuf [dreg:s22], $0x4FFFF;
	_ =	strace $0x90000052  }
0xc0: {  	s29 =	simm.s32 $0xA;
	_ =	strace $0x80000054  }
0xc1: {  	_ =	swait.ge [sflag:s29], $0x1  }
0xc2: {  	[sflag:s29] =	ssyncadd.s32 $0xFFFFFFFF  }
0xc3: {  	_ =	strace $0x90000054  }
0xc4: {  	_ =	sfence  }
0xc5: {  	s30 =	sld [smem:$0x0];
	_ =	sdelay $0x2  }
0xc6: {  	s31 =	sshll.u32 s1, $0xD;
	s1 =	sshrl.u32 s1, $0x2  }
0xc7: {  	s4 =	sand.u32 $0x4000, s31;
	s1 =	sadd.s32 s1, s30  }
0xc8: {  	s0 =	sor.u32 s4, s0;
	s1 =	sshll.u32 s1, $0x11  }
0xc9: {  	s0 =	sor.u32 s1, s0  }
0xca: {  	s0 =	sadd.s32 $0x8F2B, s0  }
0xcb: {  	[sflag:s0] =	ssyncadd.remote.s32 $0x1  }
0xcc: {  	_ =	sfence.sel $0xFFFF  }
0xcd: {  	[dreg:$0x0] =	wrdreg $0xFFFFFFFF;
	(pc) =	sbr.abs _section_cstart, $3  }
0xce: {  	[dreg:$0x1] =	wrdreg $0xFFFFFFFF  }
0xcf: {  	_ =	task.clear_ibuf [dreg:s22], $0x2FFFF;
	_ =	strace $0x9FFFFFFF  }
0xd0: {  	(tm) =	ssettm $0x7FFFFFFF  }
0xd1: {  	_ =	shalt  }
tec
execute0_lowered:
.L_overlay_start_1:
0x0: {  	(tag) =	ssettag $0x1  }
0x1: {  	s0 =	rddreg [dreg:$0x0]  }
0x2: {  	s1 =	srdreg.scid;
	s5 =	stileid.u32  }
0x3: {  	s2 =	simm.s32 $0x0;
	s8 =	simm.s32 $0x1400;
	s29 =	simm.s32 $0xB400  }
0x4: {  	s30 =	simm.s32 $0xBC00;
	s31 =	simm.s32 $0xC400;
	s9 =	simm.s32 $0xEC00  }
0x5: {  	s10 =	simm.s32 $0xF400;
	s11 =	simm.s32 $0xFC00;
	s12 =	simm.s32 $0x10400  }
0x6: {  	s13 =	simm.s32 $0x10C00;
	s14 =	simm.s32 $0x11400;
	s15 =	simm.s32 $0x11C00  }
0x7: {  	s16 =	simm.s32 $0x12400;
	s17 =	simm.s32 $0x12C00;
	s18 =	simm.s32 $0x13400  }
0x8: {  	s19 =	simm.s32 $0x13C00;
	s20 =	simm.s32 $0x14400;
	s21 =	simm.s32 $0x14C00  }
0x9: {  	s22 =	simm.s32 $0x1;
	s23 =	simm.s32 $0x2;
	s25 =	simm.s32 $0x0  }
0xa: {  	s1 =	sand.u32 $0x1, s1;
	s3 =	sshll.u32 s5, $0x1;
	[smem:$0x7FF] =	sst s2  }
0xb: {  	s5 =	smul.u32 $0x50000, s5;
	s3 =	sor.u32 s1, s3;
	s6 =	ssub.s32 $0x2, s1  }
0xc: {  	_ =	strace $0x80000053;
	s4 =	smul.u32 $0x1400, s3;
	s7 =	sshrl.u32 s6, $0x1  }
0xd: {  	s1 =	smul.u32 $0x28000, s1;
	s3 =	sadd.s32 $0x396000, s0;
	s26 =	ssub.s32 s6, s7  }
.Ltmp0:
0xe: {  	s7 =	simm.s32 $0x3;
	s4 =	sshrl.u32 s4, $0x3;
	(pc) =	sbr.rel .LBB2_1-.Ltmp0, $4  }
0xf: {  	s28 =	smax.u32 s26, $0x1;
	s4 =	sadd.s32 s4, s0;
	s0 =	sadd.s32 s5, s0  }
0x10: {  	v2 =	vlaneseq.u32;
	[dreg:$0x3] =	wrdreg s28;
	s5 =	simm.s32 $0xE400;
	s4 =	sadd.s32 $0x4A000, s4  }
0x11: {  	vm0 =	vmmov $0xffff;
	v1 =	vshrl.u32 v2, $0x3;
	s0 =	sadd.s32 s1, s0;
	s1 =	simm.s32 $0xD400;
	[dreg:$0x2] =	wrdreg s4  }
0x12: {  	v0 =	vand.u32 $0x7, v2;
	v2 =	vor.u32 $0x8, v2;
	v1 =	vmul.u32 $0x8, v1;
	s6 =	sadd.s32 $0x3D6000, s0;
	s0 =	simm.s32 $0xCC00;
	s4 =	simm.s32 $0xDC00  }
.LBB2_5:
0x13: {  	s25 =	rddreg [dreg:$0x4]  }
0x14: {  	s24 =	rddreg [dreg:$0x3];
	s25 =	sadd.s32 $0x1, s25  }
0x15: {  	p0 =	sne.s32 s25, s24  }
.Ltmp1:
0x16: {  	_ = 	snop;
	(pc) =	sbr.rel @!p0 .LBB2_6-.Ltmp1, $1  }
0x17: {  	_ =	sdelay $0x3  }
.LBB2_1:
0x18: {  	[dreg:$0x4] =	wrdreg s25  }
0x19: {  	s24 =	rddreg [dreg:$0x2]  }
0x1a: {  	[tilespmem:s2], [sflag:$0x3] =	stream.linear.gather [hbm4b:s24+s2], $0x1400, $0x38;
	[tilespmem:$0x15400] =	vst v63  }
0x1b: {  	_ =	swait.ge [sflag:s7], $0x1400  }
0x1c: {  	[sflag:s7] =	ssyncset.done $0x0  }
0x1d: {  	[sflag:s7] =	ssyncadd.s32 $0xFFFFEC00  }
0x1e: {  	v3 =	vld [tilespmem:$0x0];
	_ =	sdelay $0x4  }
0x1f: {  	v4 =	vshll.u32 v3, $0x1  }
0x20: {  	v3 =	vand.u32 $0x7, v3;
	v4 =	vand.u32 $0xFFFFFFF0, v4  }
0x21: {  	v3 =	vor.u32 v3, v4  }
0x22: {  	v4 =	vperm.xlane v3, v0;
	_ =	sdelay $0x1  }
0x23: {  	v3 =	vperm.xlane v3, v2;
	v4 =	vadd.s32 v1, v4;
	_ =	sdelay $0x1  }
0x24: {  	v3 =	vadd.s32 v1, v3;
	_ =	sdelay $0x2  }
0x25: {  	[tilespmem:s8], [sflag:$0x1] =	stream.indirect_vreg.gather [hbm4b:s3+s2], $0x80, v4, vm0, $0xb8;
	[tilespmem:$0x15400] =	vst v63  }
0x26: {  	s28 =	simm.s32 $0x1C00  }
0x27: {  	[tilespmem:s28], [sflag:$0x1] =	stream.indirect_vreg.gather [hbm4b:s3+s2], $0x80, v3, vm0, $0xb8;
	[tilespmem:$0x15400] =	vst v63  }
0x28: {  	v3 =	vld [tilespmem:$0x10];
	_ =	sdelay $0x4  }
0x29: {  	v55 =	vshll.u32 v3, $0x1  }
0x2a: {  	v3 =	vand.u32 $0x7, v3;
	v4 =	vand.u32 $0xFFFFFFF0, v55  }
0x2b: {  	v3 =	vor.u32 v3, v4  }
0x2c: {  	v4 =	vperm.xlane v3, v0;
	_ =	sdelay $0x1  }
0x2d: {  	v3 =	vperm.xlane v3, v2;
	v4 =	vadd.s32 v1, v4;
	_ =	sdelay $0x1  }
0x2e: {  	v3 =	vadd.s32 v1, v3;
	_ =	sdelay $0x1  }
0x2f: {  	s25 =	simm.s32 $0x2400  }
0x30: {  	[tilespmem:s25], [sflag:$0x1] =	stream.indirect_vreg.gather [hbm4b:s3+s2], $0x80, v4, vm0, $0xb8;
	[tilespmem:$0x15400] =	vst v63  }
0x31: {  	s26 =	simm.s32 $0x2C00  }
0x32: {  	[tilespmem:s26], [sflag:$0x1] =	stream.indirect_vreg.gather [hbm4b:s3+s2], $0x80, v3, vm0, $0xb8;
	[tilespmem:$0x15400] =	vst v63  }
0x33: {  	v3 =	vld [tilespmem:$0x20];
	_ =	sdelay $0x4  }
0x34: {  	v56 =	vshll.u32 v3, $0x1  }
0x35: {  	v3 =	vand.u32 $0x7, v3;
	v4 =	vand.u32 $0xFFFFFFF0, v56  }
0x36: {  	v3 =	vor.u32 v3, v4  }
0x37: {  	v4 =	vperm.xlane v3, v0;
	_ =	sdelay $0x1  }
0x38: {  	v3 =	vperm.xlane v3, v2;
	v4 =	vadd.s32 v1, v4;
	_ =	sdelay $0x1  }
0x39: {  	v3 =	vadd.s32 v1, v3;
	_ =	sdelay $0x1  }
0x3a: {  	s28 =	simm.s32 $0x3400  }
0x3b: {  	[tilespmem:s28], [sflag:$0x1] =	stream.indirect_vreg.gather [hbm4b:s3+s2], $0x80, v4, vm0, $0xb8;
	[tilespmem:$0x15400] =	vst v63  }
0x3c: {  	s25 =	simm.s32 $0x3C00  }
0x3d: {  	[tilespmem:s25], [sflag:$0x1] =	stream.indirect_vreg.gather [hbm4b:s3+s2], $0x80, v3, vm0, $0xb8;
	[tilespmem:$0x15400] =	vst v63  }
0x3e: {  	v3 =	vld [tilespmem:$0x30];
	_ =	sdelay $0x4  }
0x3f: {  	v57 =	vshll.u32 v3, $0x1  }
0x40: {  	v3 =	vand.u32 $0x7, v3;
	v4 =	vand.u32 $0xFFFFFFF0, v57  }
0x41: {  	v3 =	vor.u32 v3, v4  }
0x42: {  	v4 =	vperm.xlane v3, v0;
	_ =	sdelay $0x1  }
0x43: {  	v3 =	vperm.xlane v3, v2;
	v4 =	vadd.s32 v1, v4;
	_ =	sdelay $0x1  }
0x44: {  	v3 =	vadd.s32 v1, v3;
	_ =	sdelay $0x1  }
0x45: {  	s26 =	simm.s32 $0x4400  }
0x46: {  	[tilespmem:s26], [sflag:$0x1] =	stream.indirect_vreg.gather [hbm4b:s3+s2], $0x80, v4, vm0, $0xb8;
	[tilespmem:$0x15400] =	vst v63  }
0x47: {  	s28 =	simm.s32 $0x4C00  }
0x48: {  	[tilespmem:s28], [sflag:$0x1] =	stream.indirect_vreg.gather [hbm4b:s3+s2], $0x80, v3, vm0, $0xb8;
	[tilespmem:$0x15400] =	vst v63  }
0x49: {  	v3 =	vld [tilespmem:$0x40];
	_ =	sdelay $0x4  }
0x4a: {  	v58 =	vshll.u32 v3, $0x1  }
0x4b: {  	v3 =	vand.u32 $0x7, v3;
	v4 =	vand.u32 $0xFFFFFFF0, v58  }
0x4c: {  	v3 =	vor.u32 v3, v4  }
0x4d: {  	v4 =	vperm.xlane v3, v0;
	_ =	sdelay $0x1  }
0x4e: {  	v3 =	vperm.xlane v3, v2;
	v4 =	vadd.s32 v1, v4;
	_ =	sdelay $0x1  }
0x4f: {  	v3 =	vadd.s32 v1, v3;
	_ =	sdelay $0x1  }
0x50: {  	s25 =	simm.s32 $0x5400  }
0x51: {  	[tilespmem:s25], [sflag:$0x1] =	stream.indirect_vreg.gather [hbm4b:s3+s2], $0x80, v4, vm0, $0xb8;
	[tilespmem:$0x15400] =	vst v63  }
0x52: {  	s26 =	simm.s32 $0x5C00  }
0x53: {  	[tilespmem:s26], [sflag:$0x1] =	stream.indirect_vreg.gather [hbm4b:s3+s2], $0x80, v3, vm0, $0xb8;
	[tilespmem:$0x15400] =	vst v63  }
0x54: {  	v3 =	vld [tilespmem:$0x50];
	_ =	sdelay $0x4  }
0x55: {  	v59 =	vshll.u32 v3, $0x1  }
0x56: {  	v3 =	vand.u32 $0x7, v3;
	v4 =	vand.u32 $0xFFFFFFF0, v59  }
0x57: {  	v3 =	vor.u32 v3, v4  }
0x58: {  	v4 =	vperm.xlane v3, v0;
	_ =	sdelay $0x1  }
0x59: {  	v3 =	vperm.xlane v3, v2;
	v4 =	vadd.s32 v1, v4;
	_ =	sdelay $0x1  }
0x5a: {  	v3 =	vadd.s32 v1, v3;
	_ =	sdelay $0x1  }
0x5b: {  	s28 =	simm.s32 $0x6400  }
0x5c: {  	[tilespmem:s28], [sflag:$0x1] =	stream.indirect_vreg.gather [hbm4b:s3+s2], $0x80, v4, vm0, $0xb8;
	[tilespmem:$0x15400] =	vst v63  }
0x5d: {  	s25 =	simm.s32 $0x6C00  }
0x5e: {  	[tilespmem:s25], [sflag:$0x1] =	stream.indirect_vreg.gather [hbm4b:s3+s2], $0x80, v3, vm0, $0xb8;
	[tilespmem:$0x15400] =	vst v63  }
0x5f: {  	v3 =	vld [tilespmem:$0x60];
	_ =	sdelay $0x4  }
0x60: {  	v60 =	vshll.u32 v3, $0x1  }
0x61: {  	v3 =	vand.u32 $0x7, v3;
	v4 =	vand.u32 $0xFFFFFFF0, v60  }
0x62: {  	v3 =	vor.u32 v3, v4  }
0x63: {  	v4 =	vperm.xlane v3, v0;
	_ =	sdelay $0x1  }
0x64: {  	v3 =	vperm.xlane v3, v2;
	v4 =	vadd.s32 v1, v4;
	_ =	sdelay $0x1  }
0x65: {  	v3 =	vadd.s32 v1, v3;
	_ =	sdelay $0x1  }
0x66: {  	s26 =	simm.s32 $0x7400  }
0x67: {  	[tilespmem:s26], [sflag:$0x1] =	stream.indirect_vreg.gather [hbm4b:s3+s2], $0x80, v4, vm0, $0xb8;
	[tilespmem:$0x15400] =	vst v63  }
0x68: {  	s28 =	simm.s32 $0x7C00  }
0x69: {  	[tilespmem:s28], [sflag:$0x1] =	stream.indirect_vreg.gather [hbm4b:s3+s2], $0x80, v3, vm0, $0xb8;
	[tilespmem:$0x15400] =	vst v63  }
0x6a: {  	v3 =	vld [tilespmem:$0x70];
	_ =	sdelay $0x4  }
0x6b: {  	v61 =	vshll.u32 v3, $0x1  }
0x6c: {  	v3 =	vand.u32 $0x7, v3;
	v4 =	vand.u32 $0xFFFFFFF0, v61  }
0x6d: {  	v3 =	vor.u32 v3, v4  }
0x6e: {  	v4 =	vperm.xlane v3, v0;
	_ =	sdelay $0x1  }
0x6f: {  	v3 =	vperm.xlane v3, v2;
	v4 =	vadd.s32 v1, v4;
	_ =	sdelay $0x1  }
0x70: {  	v3 =	vadd.s32 v1, v3;
	_ =	sdelay $0x1  }
0x71: {  	s25 =	simm.s32 $0x8400  }
0x72: {  	[tilespmem:s25], [sflag:$0x1] =	stream.indirect_vreg.gather [hbm4b:s3+s2], $0x80, v4, vm0, $0xb8;
	[tilespmem:$0x15400] =	vst v63  }
0x73: {  	s26 =	simm.s32 $0x8C00  }
0x74: {  	[tilespmem:s26], [sflag:$0x1] =	stream.indirect_vreg.gather [hbm4b:s3+s2], $0x80, v3, vm0, $0xb8;
	[tilespmem:$0x15400] =	vst v63  }
0x75: {  	v3 =	vld [tilespmem:$0x80];
	_ =	sdelay $0x4  }
0x76: {  	v62 =	vshll.u32 v3, $0x1  }
0x77: {  	v3 =	vand.u32 $0x7, v3;
	v4 =	vand.u32 $0xFFFFFFF0, v62  }
0x78: {  	v3 =	vor.u32 v3, v4  }
0x79: {  	v4 =	vperm.xlane v3, v0;
	_ =	sdelay $0x1  }
0x7a: {  	v3 =	vperm.xlane v3, v2;
	v4 =	vadd.s32 v1, v4;
	_ =	sdelay $0x1  }
0x7b: {  	v3 =	vadd.s32 v1, v3;
	_ =	sdelay $0x1  }
0x7c: {  	s28 =	simm.s32 $0x9400  }
0x7d: {  	[tilespmem:s28], [sflag:$0x1] =	stream.indirect_vreg.gather [hbm4b:s3+s2], $0x80, v4, vm0, $0xb8;
	[tilespmem:$0x15400] =	vst v63  }
0x7e: {  	s25 =	simm.s32 $0x9C00  }
0x7f: {  	[tilespmem:s25], [sflag:$0x1] =	stream.indirect_vreg.gather [hbm4b:s3+s2], $0x80, v3, vm0, $0xb8;
	[tilespmem:$0x15400] =	vst v63  }
0x80: {  	v3 =	vld [tilespmem:$0x90];
	_ =	sdelay $0x4  }
0x81: {  	v63 =	vshll.u32 v3, $0x1  }
0x82: {  	v3 =	vand.u32 $0x7, v3;
	v4 =	vand.u32 $0xFFFFFFF0, v63  }
0x83: {  	v3 =	vor.u32 v3, v4  }
0x84: {  	v4 =	vperm.xlane v3, v0;
	_ =	sdelay $0x1  }
0x85: {  	v3 =	vperm.xlane v3, v2;
	v4 =	vadd.s32 v1, v4;
	_ =	sdelay $0x1  }
0x86: {  	v3 =	vadd.s32 v1, v3  }
.Ltmp2:
0x87: {  	_ = 	snop;
	(pc) =	sbr.rel .LBB2_2-.Ltmp2, $4  }
0x88: {  	s26 =	simm.s32 $0xA400  }
0x89: {  	[tilespmem:s26], [sflag:$0x1] =	stream.indirect_vreg.gather [hbm4b:s3+s2], $0x80, v4, vm0, $0xb8;
	[tilespmem:$0x15400] =	vst v63  }
0x8a: {  	s24 =	simm.s32 $0xF0;
	s28 =	simm.s32 $0xAC00;
	s25 =	simm.s32 $0x0  }
0x8b: {  	[tilespmem:s28], [sflag:$0x1] =	stream.indirect_vreg.gather [hbm4b:s3+s2], $0x80, v3, vm0, $0xb8;
	[tilespmem:$0x15400] =	vst v63  }
.LBB2_4:
0x8c: {  	_ =	swait.ge [sflag:s23], $0xA000;
	s25 =	sadd.s32 $0x2800, s25  }
0x8d: {  	[sflag:s23] =	ssyncset.done $0x0;
	p0 =	sne.s32 s25, $0x28000  }
.Ltmp3:
0x8e: {  	s26 =	sadd.s32 $0x1400, s26;
	[sflag:s23] =	ssyncadd.s32 $0xFFFF6000;
	(pc) =	sbr.rel @!p0 .LBB2_5-.Ltmp3, $4  }
0x8f: {  	[hbm4b:s26+s2] =	stream.linear.scatter [tilespmem:s29], [sflag:$0x3], $0xA000, $0x38;
	[tilespmem:$0x15400] =	vst v63  }
0x90: {  	_ =	swait.ge [sflag:s7], $0xA000  }
0x91: {  	[sflag:s7] =	ssyncset.done $0x0  }
0x92: {  	s24 =	sadd.s32 $0x140, s24;
	[sflag:s7] =	ssyncadd.s32 $0xFFFF6000  }
.LBB2_2:
0x93: {  	v3 =	vld [tilespmem:s24+$0xFFFFFFB0];
	_ =	sdelay $0x4  }
0x94: {  	v4 =	vshll.u32 v3, $0x1  }
0x95: {  	v3 =	vand.u32 $0x7, v3;
	v4 =	vand.u32 $0xFFFFFFF0, v4  }
0x96: {  	v3 =	vor.u32 v3, v4  }
0x97: {  	v4 =	vperm.xlane v3, v0;
	_ =	sdelay $0x1  }
0x98: {  	v3 =	vperm.xlane v3, v2;
	v4 =	vadd.s32 v1, v4;
	_ =	sdelay $0x1  }
0x99: {  	v3 =	vadd.s32 v1, v3;
	_ =	sdelay $0x2  }
0x9a: {  	[tilespmem:s29], [sflag:$0x2] =	stream.indirect_vreg.gather [hbm4b:s3+s2], $0x80, v4, vm0, $0xb8;
	[tilespmem:$0x15400] =	vst v63  }
0x9b: {  	_ = 	snop  }
0x9c: {  	[tilespmem:s30], [sflag:$0x2] =	stream.indirect_vreg.gather [hbm4b:s3+s2], $0x80, v3, vm0, $0xb8;
	[tilespmem:$0x15400] =	vst v63  }
0x9d: {  	v3 =	vld [tilespmem:s24+$0xFFFFFFC0];
	_ =	sdelay $0x4  }
0x9e: {  	v55 =	vshll.u32 v3, $0x1  }
0x9f: {  	v3 =	vand.u32 $0x7, v3;
	v4 =	vand.u32 $0xFFFFFFF0, v55  }
0xa0: {  	v3 =	vor.u32 v3, v4  }
0xa1: {  	v4 =	vperm.xlane v3, v0;
	_ =	sdelay $0x1  }
0xa2: {  	v3 =	vperm.xlane v3, v2;
	v4 =	vadd.s32 v1, v4;
	_ =	sdelay $0x1  }
0xa3: {  	v3 =	vadd.s32 v1, v3;
	_ =	sdelay $0x2  }
0xa4: {  	[tilespmem:s31], [sflag:$0x2] =	stream.indirect_vreg.gather [hbm4b:s3+s2], $0x80, v4, vm0, $0xb8;
	[tilespmem:$0x15400] =	vst v63  }
0xa5: {  	_ = 	snop  }
0xa6: {  	[tilespmem:s0], [sflag:$0x2] =	stream.indirect_vreg.gather [hbm4b:s3+s2], $0x80, v3, vm0, $0xb8;
	[tilespmem:$0x15400] =	vst v63  }
0xa7: {  	v3 =	vld [tilespmem:s24+$0xFFFFFFD0];
	_ =	sdelay $0x4  }
0xa8: {  	v56 =	vshll.u32 v3, $0x1  }
0xa9: {  	v3 =	vand.u32 $0x7, v3;
	v4 =	vand.u32 $0xFFFFFFF0, v56  }
0xaa: {  	v3 =	vor.u32 v3, v4  }
0xab: {  	v4 =	vperm.xlane v3, v0;
	_ =	sdelay $0x1  }
0xac: {  	v3 =	vperm.xlane v3, v2;
	v4 =	vadd.s32 v1, v4;
	_ =	sdelay $0x1  }
0xad: {  	v3 =	vadd.s32 v1, v3;
	_ =	sdelay $0x2  }
0xae: {  	[tilespmem:s1], [sflag:$0x2] =	stream.indirect_vreg.gather [hbm4b:s3+s2], $0x80, v4, vm0, $0xb8;
	[tilespmem:$0x15400] =	vst v63  }
0xaf: {  	_ = 	snop  }
0xb0: {  	[tilespmem:s4], [sflag:$0x2] =	stream.indirect_vreg.gather [hbm4b:s3+s2], $0x80, v3, vm0, $0xb8;
	[tilespmem:$0x15400] =	vst v63  }
0xb1: {  	v3 =	vld [tilespmem:s24+$0xFFFFFFE0];
	_ =	sdelay $0x4  }
0xb2: {  	v57 =	vshll.u32 v3, $0x1  }
0xb3: {  	v3 =	vand.u32 $0x7, v3;
	v4 =	vand.u32 $0xFFFFFFF0, v57  }
0xb4: {  	v3 =	vor.u32 v3, v4  }
0xb5: {  	v4 =	vperm.xlane v3, v0;
	_ =	sdelay $0x1  }
0xb6: {  	v3 =	vperm.xlane v3, v2;
	v4 =	vadd.s32 v1, v4;
	_ =	sdelay $0x1  }
0xb7: {  	v3 =	vadd.s32 v1, v3;
	_ =	sdelay $0x2  }
0xb8: {  	[tilespmem:s5], [sflag:$0x2] =	stream.indirect_vreg.gather [hbm4b:s3+s2], $0x80, v4, vm0, $0xb8;
	[tilespmem:$0x15400] =	vst v63  }
0xb9: {  	_ = 	snop  }
0xba: {  	[tilespmem:s9], [sflag:$0x2] =	stream.indirect_vreg.gather [hbm4b:s3+s2], $0x80, v3, vm0, $0xb8;
	[tilespmem:$0x15400] =	vst v63  }
0xbb: {  	v3 =	vld [tilespmem:s24+$0xFFFFFFF0];
	_ =	sdelay $0x4  }
0xbc: {  	v58 =	vshll.u32 v3, $0x1  }
0xbd: {  	v3 =	vand.u32 $0x7, v3;
	v4 =	vand.u32 $0xFFFFFFF0, v58  }
0xbe: {  	v3 =	vor.u32 v3, v4  }
0xbf: {  	v4 =	vperm.xlane v3, v0;
	_ =	sdelay $0x1  }
0xc0: {  	v3 =	vperm.xlane v3, v2;
	v4 =	vadd.s32 v1, v4;
	_ =	sdelay $0x1  }
0xc1: {  	v3 =	vadd.s32 v1, v3;
	_ =	sdelay $0x2  }
0xc2: {  	[tilespmem:s10], [sflag:$0x2] =	stream.indirect_vreg.gather [hbm4b:s3+s2], $0x80, v4, vm0, $0xb8;
	[tilespmem:$0x15400] =	vst v63  }
0xc3: {  	_ = 	snop  }
0xc4: {  	[tilespmem:s11], [sflag:$0x2] =	stream.indirect_vreg.gather [hbm4b:s3+s2], $0x80, v3, vm0, $0xb8;
	[tilespmem:$0x15400] =	vst v63  }
0xc5: {  	v3 =	vld [tilespmem:s24+$0x0];
	_ =	sdelay $0x4  }
0xc6: {  	v59 =	vshll.u32 v3, $0x1  }
0xc7: {  	v3 =	vand.u32 $0x7, v3;
	v4 =	vand.u32 $0xFFFFFFF0, v59  }
0xc8: {  	v3 =	vor.u32 v3, v4  }
0xc9: {  	v4 =	vperm.xlane v3, v0;
	_ =	sdelay $0x1  }
0xca: {  	v3 =	vperm.xlane v3, v2;
	v4 =	vadd.s32 v1, v4;
	_ =	sdelay $0x1  }
0xcb: {  	v3 =	vadd.s32 v1, v3;
	_ =	sdelay $0x2  }
0xcc: {  	[tilespmem:s12], [sflag:$0x2] =	stream.indirect_vreg.gather [hbm4b:s3+s2], $0x80, v4, vm0, $0xb8;
	[tilespmem:$0x15400] =	vst v63  }
0xcd: {  	_ = 	snop  }
0xce: {  	[tilespmem:s13], [sflag:$0x2] =	stream.indirect_vreg.gather [hbm4b:s3+s2], $0x80, v3, vm0, $0xb8;
	[tilespmem:$0x15400] =	vst v63  }
0xcf: {  	v3 =	vld [tilespmem:s24+$0x10];
	_ =	sdelay $0x4  }
0xd0: {  	v60 =	vshll.u32 v3, $0x1  }
0xd1: {  	v3 =	vand.u32 $0x7, v3;
	v4 =	vand.u32 $0xFFFFFFF0, v60  }
0xd2: {  	v3 =	vor.u32 v3, v4  }
0xd3: {  	v4 =	vperm.xlane v3, v0;
	_ =	sdelay $0x1  }
0xd4: {  	v3 =	vperm.xlane v3, v2;
	v4 =	vadd.s32 v1, v4;
	_ =	sdelay $0x1  }
0xd5: {  	v3 =	vadd.s32 v1, v3;
	_ =	sdelay $0x2  }
0xd6: {  	[tilespmem:s14], [sflag:$0x2] =	stream.indirect_vreg.gather [hbm4b:s3+s2], $0x80, v4, vm0, $0xb8;
	[tilespmem:$0x15400] =	vst v63  }
0xd7: {  	_ = 	snop  }
0xd8: {  	[tilespmem:s15], [sflag:$0x2] =	stream.indirect_vreg.gather [hbm4b:s3+s2], $0x80, v3, vm0, $0xb8;
	[tilespmem:$0x15400] =	vst v63  }
0xd9: {  	v3 =	vld [tilespmem:s24+$0x20];
	_ =	sdelay $0x4  }
0xda: {  	v61 =	vshll.u32 v3, $0x1  }
0xdb: {  	v3 =	vand.u32 $0x7, v3;
	v4 =	vand.u32 $0xFFFFFFF0, v61  }
0xdc: {  	v3 =	vor.u32 v3, v4  }
0xdd: {  	v4 =	vperm.xlane v3, v0;
	_ =	sdelay $0x1  }
0xde: {  	v3 =	vperm.xlane v3, v2;
	v4 =	vadd.s32 v1, v4;
	_ =	sdelay $0x1  }
0xdf: {  	v3 =	vadd.s32 v1, v3;
	_ =	sdelay $0x2  }
0xe0: {  	[tilespmem:s16], [sflag:$0x2] =	stream.indirect_vreg.gather [hbm4b:s3+s2], $0x80, v4, vm0, $0xb8;
	[tilespmem:$0x15400] =	vst v63  }
0xe1: {  	_ = 	snop  }
0xe2: {  	[tilespmem:s17], [sflag:$0x2] =	stream.indirect_vreg.gather [hbm4b:s3+s2], $0x80, v3, vm0, $0xb8;
	[tilespmem:$0x15400] =	vst v63  }
0xe3: {  	v3 =	vld [tilespmem:s24+$0x30];
	_ =	sdelay $0x4  }
0xe4: {  	v62 =	vshll.u32 v3, $0x1  }
0xe5: {  	v3 =	vand.u32 $0x7, v3;
	v4 =	vand.u32 $0xFFFFFFF0, v62  }
0xe6: {  	v3 =	vor.u32 v3, v4  }
0xe7: {  	v4 =	vperm.xlane v3, v0;
	_ =	sdelay $0x1  }
0xe8: {  	v3 =	vperm.xlane v3, v2;
	v4 =	vadd.s32 v1, v4;
	_ =	sdelay $0x1  }
0xe9: {  	v3 =	vadd.s32 v1, v3;
	_ =	sdelay $0x2  }
0xea: {  	[tilespmem:s18], [sflag:$0x2] =	stream.indirect_vreg.gather [hbm4b:s3+s2], $0x80, v4, vm0, $0xb8;
	[tilespmem:$0x15400] =	vst v63  }
0xeb: {  	_ = 	snop  }
0xec: {  	[tilespmem:s19], [sflag:$0x2] =	stream.indirect_vreg.gather [hbm4b:s3+s2], $0x80, v3, vm0, $0xb8;
	[tilespmem:$0x15400] =	vst v63  }
0xed: {  	v3 =	vld [tilespmem:s24+$0x40];
	_ =	sdelay $0x4  }
0xee: {  	v63 =	vshll.u32 v3, $0x1  }
0xef: {  	v3 =	vand.u32 $0x7, v3;
	v4 =	vand.u32 $0xFFFFFFF0, v63  }
0xf0: {  	v3 =	vor.u32 v3, v4  }
0xf1: {  	v4 =	vperm.xlane v3, v0;
	_ =	sdelay $0x1  }
0xf2: {  	v3 =	vperm.xlane v3, v2;
	v4 =	vadd.s32 v1, v4;
	_ =	sdelay $0x1  }
0xf3: {  	v3 =	vadd.s32 v1, v3;
	_ =	sdelay $0x2  }
0xf4: {  	[tilespmem:s20], [sflag:$0x2] =	stream.indirect_vreg.gather [hbm4b:s3+s2], $0x80, v4, vm0, $0xb8;
	[tilespmem:$0x15400] =	vst v63  }
0xf5: {  	_ = 	snop  }
0xf6: {  	[tilespmem:s21], [sflag:$0x2] =	stream.indirect_vreg.gather [hbm4b:s3+s2], $0x80, v3, vm0, $0xb8;
	[tilespmem:$0x15400] =	vst v63  }
0xf7: {  	_ =	swait.ge [sflag:s22], $0xA000  }
0xf8: {  	p0 =	seq.s32 s25, $0x25800;
	[sflag:s22] =	ssyncset.done $0x0  }
.Ltmp4:
0xf9: {  	s26 =	sadd.s32 s25, s6;
	[sflag:s22] =	ssyncadd.s32 $0xFFFF6000;
	(pc) =	sbr.rel @p0 .LBB2_4-.Ltmp4, $4  }
0xfa: {  	[hbm4b:s26+s2] =	stream.linear.scatter [tilespmem:s8], [sflag:$0x3], $0xA000, $0x38;
	[tilespmem:$0x15400] =	vst v63  }
0xfb: {  	_ =	swait.ge [sflag:s7], $0xA000  }
0xfc: {  	[sflag:s7] =	ssyncset.done $0x0  }
0xfd: {  	[sflag:s7] =	ssyncadd.s32 $0xFFFF6000  }
0xfe: {  	v3 =	vld [tilespmem:s24+$0x50];
	_ =	sdelay $0x4  }
0xff: {  	v4 =	vshll.u32 v3, $0x1  }
0x100: {  	v3 =	vand.u32 $0x7, v3;
	v4 =	vand.u32 $0xFFFFFFF0, v4  }
0x101: {  	v3 =	vor.u32 v3, v4  }
0x102: {  	v4 =	vperm.xlane v3, v0;
	_ =	sdelay $0x1  }
0x103: {  	v3 =	vperm.xlane v3, v2;
	v4 =	vadd.s32 v1, v4;
	_ =	sdelay $0x1  }
0x104: {  	v3 =	vadd.s32 v1, v3;
	_ =	sdelay $0x2  }
0x105: {  	[tilespmem:s8], [sflag:$0x1] =	stream.indirect_vreg.gather [hbm4b:s3+s2], $0x80, v4, vm0, $0xb8;
	[tilespmem:$0x15400] =	vst v63  }
0x106: {  	s28 =	simm.s32 $0x1C00  }
0x107: {  	[tilespmem:s28], [sflag:$0x1] =	stream.indirect_vreg.gather [hbm4b:s3+s2], $0x80, v3, vm0, $0xb8;
	[tilespmem:$0x15400] =	vst v63  }
0x108: {  	v3 =	vld [tilespmem:s24+$0x60];
	_ =	sdelay $0x4  }
0x109: {  	v55 =	vshll.u32 v3, $0x1  }
0x10a: {  	v3 =	vand.u32 $0x7, v3;
	v4 =	vand.u32 $0xFFFFFFF0, v55  }
0x10b: {  	v3 =	vor.u32 v3, v4  }
0x10c: {  	v4 =	vperm.xlane v3, v0;
	_ =	sdelay $0x1  }
0x10d: {  	v3 =	vperm.xlane v3, v2;
	v4 =	vadd.s32 v1, v4;
	_ =	sdelay $0x1  }
0x10e: {  	v3 =	vadd.s32 v1, v3;
	_ =	sdelay $0x1  }
0x10f: {  	s28 =	simm.s32 $0x2400  }
0x110: {  	[tilespmem:s28], [sflag:$0x1] =	stream.indirect_vreg.gather [hbm4b:s3+s2], $0x80, v4, vm0, $0xb8;
	[tilespmem:$0x15400] =	vst v63  }
0x111: {  	s28 =	simm.s32 $0x2C00  }
0x112: {  	[tilespmem:s28], [sflag:$0x1] =	stream.indirect_vreg.gather [hbm4b:s3+s2], $0x80, v3, vm0, $0xb8;
	[tilespmem:$0x15400] =	vst v63  }
0x113: {  	v3 =	vld [tilespmem:s24+$0x70];
	_ =	sdelay $0x4  }
0x114: {  	v56 =	vshll.u32 v3, $0x1  }
0x115: {  	v3 =	vand.u32 $0x7, v3;
	v4 =	vand.u32 $0xFFFFFFF0, v56  }
0x116: {  	v3 =	vor.u32 v3, v4  }
0x117: {  	v4 =	vperm.xlane v3, v0;
	_ =	sdelay $0x1  }
0x118: {  	v3 =	vperm.xlane v3, v2;
	v4 =	vadd.s32 v1, v4;
	_ =	sdelay $0x1  }
0x119: {  	v3 =	vadd.s32 v1, v3;
	_ =	sdelay $0x1  }
0x11a: {  	s28 =	simm.s32 $0x3400  }
0x11b: {  	[tilespmem:s28], [sflag:$0x1] =	stream.indirect_vreg.gather [hbm4b:s3+s2], $0x80, v4, vm0, $0xb8;
	[tilespmem:$0x15400] =	vst v63  }
0x11c: {  	s28 =	simm.s32 $0x3C00  }
0x11d: {  	[tilespmem:s28], [sflag:$0x1] =	stream.indirect_vreg.gather [hbm4b:s3+s2], $0x80, v3, vm0, $0xb8;
	[tilespmem:$0x15400] =	vst v63  }
0x11e: {  	v3 =	vld [tilespmem:s24+$0x80];
	_ =	sdelay $0x4  }
0x11f: {  	v57 =	vshll.u32 v3, $0x1  }
0x120: {  	v3 =	vand.u32 $0x7, v3;
	v4 =	vand.u32 $0xFFFFFFF0, v57  }
0x121: {  	v3 =	vor.u32 v3, v4  }
0x122: {  	v4 =	vperm.xlane v3, v0;
	_ =	sdelay $0x1  }
0x123: {  	v3 =	vperm.xlane v3, v2;
	v4 =	vadd.s32 v1, v4;
	_ =	sdelay $0x1  }
0x124: {  	v3 =	vadd.s32 v1, v3;
	_ =	sdelay $0x1  }
0x125: {  	s28 =	simm.s32 $0x4400  }
0x126: {  	[tilespmem:s28], [sflag:$0x1] =	stream.indirect_vreg.gather [hbm4b:s3+s2], $0x80, v4, vm0, $0xb8;
	[tilespmem:$0x15400] =	vst v63  }
0x127: {  	s28 =	simm.s32 $0x4C00  }
0x128: {  	[tilespmem:s28], [sflag:$0x1] =	stream.indirect_vreg.gather [hbm4b:s3+s2], $0x80, v3, vm0, $0xb8;
	[tilespmem:$0x15400] =	vst v63  }
0x129: {  	v3 =	vld [tilespmem:s24+$0x90];
	_ =	sdelay $0x4  }
0x12a: {  	v58 =	vshll.u32 v3, $0x1  }
0x12b: {  	v3 =	vand.u32 $0x7, v3;
	v4 =	vand.u32 $0xFFFFFFF0, v58  }
0x12c: {  	v3 =	vor.u32 v3, v4  }
0x12d: {  	v4 =	vperm.xlane v3, v0;
	_ =	sdelay $0x1  }
0x12e: {  	v3 =	vperm.xlane v3, v2;
	v4 =	vadd.s32 v1, v4;
	_ =	sdelay $0x1  }
0x12f: {  	v3 =	vadd.s32 v1, v3;
	_ =	sdelay $0x1  }
0x130: {  	s28 =	simm.s32 $0x5400  }
0x131: {  	[tilespmem:s28], [sflag:$0x1] =	stream.indirect_vreg.gather [hbm4b:s3+s2], $0x80, v4, vm0, $0xb8;
	[tilespmem:$0x15400] =	vst v63  }
0x132: {  	s28 =	simm.s32 $0x5C00  }
0x133: {  	[tilespmem:s28], [sflag:$0x1] =	stream.indirect_vreg.gather [hbm4b:s3+s2], $0x80, v3, vm0, $0xb8;
	[tilespmem:$0x15400] =	vst v63  }
0x134: {  	v3 =	vld [tilespmem:s24+$0xA0];
	_ =	sdelay $0x4  }
0x135: {  	v59 =	vshll.u32 v3, $0x1  }
0x136: {  	v3 =	vand.u32 $0x7, v3;
	v4 =	vand.u32 $0xFFFFFFF0, v59  }
0x137: {  	v3 =	vor.u32 v3, v4  }
0x138: {  	v4 =	vperm.xlane v3, v0;
	_ =	sdelay $0x1  }
0x139: {  	v3 =	vperm.xlane v3, v2;
	v4 =	vadd.s32 v1, v4;
	_ =	sdelay $0x1  }
0x13a: {  	v3 =	vadd.s32 v1, v3;
	_ =	sdelay $0x1  }
0x13b: {  	s28 =	simm.s32 $0x6400  }
0x13c: {  	[tilespmem:s28], [sflag:$0x1] =	stream.indirect_vreg.gather [hbm4b:s3+s2], $0x80, v4, vm0, $0xb8;
	[tilespmem:$0x15400] =	vst v63  }
0x13d: {  	s28 =	simm.s32 $0x6C00  }
0x13e: {  	[tilespmem:s28], [sflag:$0x1] =	stream.indirect_vreg.gather [hbm4b:s3+s2], $0x80, v3, vm0, $0xb8;
	[tilespmem:$0x15400] =	vst v63  }
0x13f: {  	v3 =	vld [tilespmem:s24+$0xB0];
	_ =	sdelay $0x4  }
0x140: {  	v60 =	vshll.u32 v3, $0x1  }
0x141: {  	v3 =	vand.u32 $0x7, v3;
	v4 =	vand.u32 $0xFFFFFFF0, v60  }
0x142: {  	v3 =	vor.u32 v3, v4  }
0x143: {  	v4 =	vperm.xlane v3, v0;
	_ =	sdelay $0x1  }
0x144: {  	v3 =	vperm.xlane v3, v2;
	v4 =	vadd.s32 v1, v4;
	_ =	sdelay $0x1  }
0x145: {  	v3 =	vadd.s32 v1, v3;
	_ =	sdelay $0x1  }
0x146: {  	s28 =	simm.s32 $0x7400  }
0x147: {  	[tilespmem:s28], [sflag:$0x1] =	stream.indirect_vreg.gather [hbm4b:s3+s2], $0x80, v4, vm0, $0xb8;
	[tilespmem:$0x15400] =	vst v63  }
0x148: {  	s28 =	simm.s32 $0x7C00  }
0x149: {  	[tilespmem:s28], [sflag:$0x1] =	stream.indirect_vreg.gather [hbm4b:s3+s2], $0x80, v3, vm0, $0xb8;
	[tilespmem:$0x15400] =	vst v63  }
0x14a: {  	v3 =	vld [tilespmem:s24+$0xC0];
	_ =	sdelay $0x4  }
0x14b: {  	v61 =	vshll.u32 v3, $0x1  }
0x14c: {  	v3 =	vand.u32 $0x7, v3;
	v4 =	vand.u32 $0xFFFFFFF0, v61  }
0x14d: {  	v3 =	vor.u32 v3, v4  }
0x14e: {  	v4 =	vperm.xlane v3, v0;
	_ =	sdelay $0x1  }
0x14f: {  	v3 =	vperm.xlane v3, v2;
	v4 =	vadd.s32 v1, v4;
	_ =	sdelay $0x1  }
0x150: {  	v3 =	vadd.s32 v1, v3;
	_ =	sdelay $0x1  }
0x151: {  	s28 =	simm.s32 $0x8400  }
0x152: {  	[tilespmem:s28], [sflag:$0x1] =	stream.indirect_vreg.gather [hbm4b:s3+s2], $0x80, v4, vm0, $0xb8;
	[tilespmem:$0x15400] =	vst v63  }
0x153: {  	s28 =	simm.s32 $0x8C00  }
0x154: {  	[tilespmem:s28], [sflag:$0x1] =	stream.indirect_vreg.gather [hbm4b:s3+s2], $0x80, v3, vm0, $0xb8;
	[tilespmem:$0x15400] =	vst v63  }
0x155: {  	v3 =	vld [tilespmem:s24+$0xD0];
	_ =	sdelay $0x4  }
0x156: {  	v62 =	vshll.u32 v3, $0x1  }
0x157: {  	v3 =	vand.u32 $0x7, v3;
	v4 =	vand.u32 $0xFFFFFFF0, v62  }
0x158: {  	v3 =	vor.u32 v3, v4  }
0x159: {  	v4 =	vperm.xlane v3, v0;
	_ =	sdelay $0x1  }
0x15a: {  	v3 =	vperm.xlane v3, v2;
	v4 =	vadd.s32 v1, v4;
	_ =	sdelay $0x1  }
0x15b: {  	v3 =	vadd.s32 v1, v3;
	_ =	sdelay $0x1  }
0x15c: {  	s28 =	simm.s32 $0x9400  }
0x15d: {  	[tilespmem:s28], [sflag:$0x1] =	stream.indirect_vreg.gather [hbm4b:s3+s2], $0x80, v4, vm0, $0xb8;
	[tilespmem:$0x15400] =	vst v63  }
0x15e: {  	s28 =	simm.s32 $0x9C00  }
0x15f: {  	[tilespmem:s28], [sflag:$0x1] =	stream.indirect_vreg.gather [hbm4b:s3+s2], $0x80, v3, vm0, $0xb8;
	[tilespmem:$0x15400] =	vst v63  }
0x160: {  	v3 =	vld [tilespmem:s24+$0xE0];
	_ =	sdelay $0x4  }
0x161: {  	v63 =	vshll.u32 v3, $0x1  }
0x162: {  	v3 =	vand.u32 $0x7, v3;
	v4 =	vand.u32 $0xFFFFFFF0, v63  }
0x163: {  	v3 =	vor.u32 v3, v4  }
0x164: {  	v4 =	vperm.xlane v3, v0;
	_ =	sdelay $0x1  }
0x165: {  	v3 =	vperm.xlane v3, v2;
	v4 =	vadd.s32 v1, v4;
	_ =	sdelay $0x1  }
0x166: {  	v3 =	vadd.s32 v1, v3  }
.Ltmp5:
0x167: {  	_ = 	snop;
	(pc) =	sbr.rel .LBB2_4-.Ltmp5, $4  }
0x168: {  	s28 =	simm.s32 $0xA400  }
0x169: {  	[tilespmem:s28], [sflag:$0x1] =	stream.indirect_vreg.gather [hbm4b:s3+s2], $0x80, v4, vm0, $0xb8;
	[tilespmem:$0x15400] =	vst v63  }
0x16a: {  	s28 =	simm.s32 $0xAC00  }
0x16b: {  	[tilespmem:s28], [sflag:$0x1] =	stream.indirect_vreg.gather [hbm4b:s3+s2], $0x80, v3, vm0, $0xb8;
	[tilespmem:$0x15400] =	vst v63  }
.LBB2_6:
0x16c: {  	_ =	sfence.sel $0x180000  }
0x16d: {  	[bflag:$0x0] =	sbarrier.arrive $0xFFFF  }
0x16e: {  	_ =	strace $0x90000053  }
0x16f: {  	s0 =	stileid.u32;
	[bflag:$0x2] =	sbarrier.arrive $0xFFFF  }
0x170: {  	p0 =	sne.s32 s0, $0x0;
	s0 =	rddreg [dreg:$0x1]  }
0x171: {  	s0 =	sadd.s32 @!p0 $0x100000, s0  }
0x172: {  	[sflag:s0] =	ssyncadd.tile.s32 @!p0 $0x1;
	_ =	shalt  }
.Lfunc_end2:
_tile_overlayer_lowered:
.L_overlay_start_2:
0x173: {  	(tag) =	ssettag $0x2  }
0x174: {  	s0 =	rddreg [dreg:$0x0];
	s2 =	stileid.u32  }
0x175: {  	s1 =	rddreg [dreg:$0x1];
	p0 =	sne.s32 s2, $0x0  }
0x176: {  	s3 =	rddreg [dreg:$0x2];
	[bflag:$0x3] =	sbarrier.arrive $0xFFFF;
	s2 =	simm.s32 @!p0 $0x1C03  }
0x177: {  	[timem:s3], [sflag:s2] =	dma.local @!p0 [hbm:s0], s1  }
0x178: {  	s0 =	simm.s32 @!p0 $0x3  }
0x179: {  	_ =	swait.ge @!p0 [sflag:s0], s1  }
0x17a: {  	s1 =	ssub.s32 @!p0 $0x0, s1;
	[sflag:s0] =	ssyncset.done @!p0 $0x0  }
0x17b: {  	[sflag:s0] =	ssyncadd.s32 @!p0 s1  }
0x17c: {  	[bflag:$0x3] =	sbarrier.arrive $0xFFFF  }
0x17d: {  	_ =	shalt  }

// kernel: kernel.38.cloned.1.call-start
scs
__scs_entry_jumppad:
0x0: {  	(pc) =	sbr.rel $0x88, $3  }
0x1: {  	(tag) =	ssettag $0x0;
	lr =	simm.s32 $0x1  }
0x2: {  	[smem:$0x3F92] =	sst lr;
	_ =	strace $0xD0000000  }
0x3: {  	_ = 	snop  }
0x4: {  	_ = 	snop  }
0x5: {  	_ = 	snop  }
0x6: {  	_ = 	snop  }
0x7: {  	_ = 	snop  }
__scs_overlays_trampoline_lowered:
0x8: {  	[smem:$0x3FA1] =	sst s0  }
0x9: {  	[smem:$0x3FA2] =	sst s1  }
0xa: {  	[smem:$0x3FA3] =	sst s2  }
0xb: {  	[smem:$0x3FA4] =	sst s3  }
0xc: {  	[smem:$0x3FA5] =	sst s4  }
0xd: {  	[smem:$0x3FA6] =	sst s5  }
0xe: {  	[smem:$0x3FA7] =	sst s6  }
0xf: {  	[smem:$0x3FA8] =	sst s7  }
0x10: {  	[smem:$0x3FA9] =	sst s8  }
0x11: {  	[smem:$0x3FAA] =	sst s9;
	s0 =	simm.s32 @!p0 $0x0  }
0x12: {  	s1 =	sld [smem:$0x3F90];
	s0 =	simm.s32 @p0 $0x1  }
0x13: {  	[smem:$0x3FAB] =	sst s0;
	s0 =	simm.s32 @!p1 $0x0  }
0x14: {  	s2 =	sld [smem:$0x3F8F];
	s0 =	simm.s32 @p1 $0x1  }
0x15: {  	[smem:$0x3FAC] =	sst s0;
	s0 =	simm.s32 @!p2 $0x0  }
0x16: {  	s3 =	sld [smem:$0x3FDB];
	s0 =	simm.s32 @p2 $0x1  }
0x17: {  	s4 =	simm.s32 $0x1BF5;
	[smem:$0x3FAE] =	sst s0  }
0x18: {  	s0 =	sld [smem:$0x3F91];
	_ =	swait.ge [sflag:s4], $0x0  }
0x19: {  	s7 =	sld [smem:$0x3F92]  }
0x1a: {  	s8 =	sadd.s32 $0xFFFFE003, lr  }
0x1b: {  	s9 =	sadd.s32 $0xFFFFFEF7, lr;
	s5 =	simm.s32 $0xFFFFFFFF;
	p2 =	slt.u32 s8, $0xFFFFF086  }
0x1c: {  	p1 =	slt.u32 s9, $0xF7A;
	s5 =	simm.s32 @!p2 $0x0  }
0x1d: {  	s5 =	simm.s32 @p1 $0x1;
	p0 =	seq.s32 s7, s2  }
0x1e: {  	s7 =	smul.u32 @!p0 $0xF7A, s2;
	p2 =	seq.s32 @!p0 s5, $0x0  }
0x1f: {  	s9 =	smul.u32 $0xF7A, s1;
	s8 =	simm.s32 @!p0 $0x1BF5;
	p2 =	por !p2, p0  }
0x20: {  	[sflag:s8] =	ssyncset.s32 @!p0 $0xFFFFF086;
	s6 =	sadd.s32 @!p0 s3, s7;
	s7 =	simm.s32 @!p0 $0x108  }
0x21: {  	s3 =	sadd.s32 s3, s9;
	s6 =	sadd.s32 @!p0 $0x88, s6;
	s7 =	simm.s32 @p2 $0x1082  }
0x22: {  	[simem:s7], [sflag:s8] =	dma.local @!p0 [hbm:s6], $0xF7A  }
0x23: {  	s9 =	sor.u32 $0xD0000000, s2;
	s6 =	simm.s32 $0x108;
	_ =	swait.ge @!p0 [sflag:s8], $0x0  }
0x24: {  	s3 =	sadd.s32 $0x88, s3;
	s6 =	simm.s32 @!p1 $0x1082;
	[sflag:s4] =	ssyncset.s32 $0xFFFFF086  }
0x25: {  	[simem:s6], [sflag:s4] =	dma.local [hbm:s3], $0xF7A  }
0x26: {  	[smem:$0x3F92] =	sst s1;
	(tag) =	ssettag s2;
	_ =	strace s9  }
0x27: {  	s1 =	sld [smem:$0x3FA2]  }
0x28: {  	s2 =	sld [smem:$0x3FA3]  }
0x29: {  	s4 =	sld [smem:$0x3FA5]  }
0x2a: {  	p0 =	seq.s32 s5, $0x0;
	s5 =	sld [smem:$0x3FA6]  }
0x2b: {  	s6 =	sld [smem:$0x3FA7]  }
0x2c: {  	s7 =	sld [smem:$0x3FA8]  }
0x2d: {  	s3 =	simm.s32 $0x108;
	s8 =	sld [smem:$0x3FA9]  }
0x2e: {  	s3 =	simm.s32 @!p0 $0x1082;
	s9 =	sld [smem:$0x3FAA]  }
0x2f: {  	lr =	sadd.s32 s0, s3;
	s0 =	sld [smem:$0x3FA1]  }
0x30: {  	s3 =	sld [smem:$0x3FA4]  }
0x31: {  	[smem:$0x3FAD] =	sst s10  }
0x32: {  	s10 =	sld [smem:$0x3FAB];
	_ =	sdelay $0x3  }
0x33: {  	p0 =	seq.s32 s10, $0x1;
	s10 =	sld [smem:$0x3FAD];
	_ =	sdelay $0x3  }
0x34: {  	[smem:$0x3FAD] =	sst s10  }
0x35: {  	s10 =	sld [smem:$0x3FAC];
	_ =	sdelay $0x3  }
0x36: {  	p1 =	seq.s32 s10, $0x1;
	s10 =	sld [smem:$0x3FAD];
	_ =	sdelay $0x3  }
0x37: {  	[smem:$0x3FAD] =	sst s10  }
0x38: {  	s10 =	sld [smem:$0x3FAE]  }
0x39: {  	_ = 	snop;
	(pc) =	sbr.ind lr, $3  }
0x3a: {  	_ = 	snop  }
0x3b: {  	_ = 	snop  }
0x3c: {  	p2 =	seq.s32 s10, $0x1;
	s10 =	sld [smem:$0x3FAD]  }
0x3d: {  	_ =	shalt  }
0x3e: {  	_ =	shalt  }
0x3f: {  	_ =	shalt  }
0x40: {  	_ =	shalt  }
0x41: {  	_ =	shalt  }
0x42: {  	_ =	shalt  }
0x43: {  	_ =	shalt  }
0x44: {  	_ =	shalt  }
0x45: {  	_ =	shalt  }
0x46: {  	_ =	shalt  }
0x47: {  	_ =	shalt  }
0x48: {  	_ =	shalt  }
0x49: {  	_ =	shalt  }
0x4a: {  	_ =	shalt  }
0x4b: {  	_ =	shalt  }
0x4c: {  	_ =	shalt  }
0x4d: {  	_ =	shalt  }
0x4e: {  	_ =	shalt  }
0x4f: {  	_ =	shalt  }
0x50: {  	_ =	shalt  }
0x51: {  	_ =	shalt  }
0x52: {  	_ =	shalt  }
0x53: {  	_ =	shalt  }
0x54: {  	_ =	shalt  }
0x55: {  	_ =	shalt  }
0x56: {  	_ =	shalt  }
0x57: {  	_ =	shalt  }
0x58: {  	_ =	shalt  }
0x59: {  	_ =	shalt  }
0x5a: {  	_ =	shalt  }
0x5b: {  	_ =	shalt  }
0x5c: {  	_ =	shalt  }
0x5d: {  	_ =	shalt  }
0x5e: {  	_ =	shalt  }
0x5f: {  	_ =	shalt  }
0x60: {  	_ =	shalt  }
0x61: {  	_ =	shalt  }
0x62: {  	_ =	shalt  }
0x63: {  	_ =	shalt  }
0x64: {  	_ =	shalt  }
0x65: {  	_ =	shalt  }
0x66: {  	_ =	shalt  }
0x67: {  	_ =	shalt  }
0x68: {  	_ =	shalt  }
0x69: {  	_ =	shalt  }
0x6a: {  	_ =	shalt  }
0x6b: {  	_ =	shalt  }
0x6c: {  	_ =	shalt  }
0x6d: {  	_ =	shalt  }
0x6e: {  	_ =	shalt  }
0x6f: {  	_ =	shalt  }
0x70: {  	_ =	shalt  }
0x71: {  	_ =	shalt  }
0x72: {  	_ =	shalt  }
0x73: {  	_ =	shalt  }
0x74: {  	_ =	shalt  }
0x75: {  	_ =	shalt  }
0x76: {  	_ =	shalt  }
0x77: {  	_ =	shalt  }
0x78: {  	_ =	shalt  }
0x79: {  	_ =	shalt  }
0x7a: {  	_ =	shalt  }
0x7b: {  	_ =	shalt  }
0x7c: {  	_ =	shalt  }
0x7d: {  	_ =	shalt  }
0x7e: {  	_ =	shalt  }
0x7f: {  	_ =	shalt  }
0x80: {  	_ =	shalt  }
0x81: {  	_ =	shalt  }
0x82: {  	_ =	shalt  }
0x83: {  	_ =	shalt  }
0x84: {  	_ =	shalt  }
0x85: {  	_ =	shalt  }
0x86: {  	_ =	shalt  }
0x87: {  	_ =	shalt  }
.Lfunc_end0:
.L_simem_size_0:
called_computation.5_lowered:
.L_overlay_start_0:
0x88: {  	s2 =	sld [smem:$0x3FD9]  }
0x89: {  	s3 =	sld [smem:$0x3FFE];
	_ =	sdelay $0x1  }
0x8a: {  	s1 =	srdreg.scid  }
0x8b: {  	s0 =	sand.u32 $0x1, s1  }
0x8c: {  	s17 =	sshll.u32 s0, $0xA;
	s2 =	sadd.s32 s3, s2  }
0x8d: {  	s2 =	sadd.s32 s2, s17  }
0x8e: {  	[smem:$0x3FB9] =	sst s2  }
0x8f: {  	_ = 	snop  }
0x90: {  	(tm) =	ssettm $0x1  }
0x91: {  	s18 =	sld [smem:$0x3FFB];
	_ =	sdelay $0x3  }
0x92: {  	_ =	strace s18  }
0x93: {  	s2 =	sld [smem:$0x3FFC];
	_ =	sdelay $0x3  }
0x94: {  	_ =	strace s2  }
0x95: {  	s2 =	sld [smem:$0x3FFD];
	_ =	sdelay $0x3  }
0x96: {  	_ =	strace s2  }
0x97: {  	_ =	strace $0x8FFFFFFF  }
0x98: {  	s19 =	sld [smem:$0x3FDB];
	_ =	sdelay $0x1  }
0x99: {  	s20 =	simm.s32 $_scs_section_size  }
0x9a: {  	s4 =	simm.s32 $_size__tile_overlayer_lowered;
	s5 =	simm.s32 $_tile_overlayer_lowered  }
0x9b: {  	s6 =	simm.s32 $0x1BFF;
	s21 =	sshll.u32 s5, $0x1;
	s3 =	sadd.s32 s20, s19  }
0x9c: {  	s22 =	simm.s32 $0x0;
	s4 =	sshll.u32 s4, $0x1;
	s5 =	sadd.s32 s21, s3  }
0x9d: {  	[timem:s22], [sflag:s6] =	dma.local [hbm:s5], s4  }
0x9e: {  	_ =	swait.ge [sflag:s6], s4  }
0x9f: {  	s4 =	ssub.s32 $0x0, s4;
	[sflag:s6] =	ssyncset.done $0x0  }
0xa0: {  	[sflag:s6] =	ssyncadd.s32 s4;
	_ =	sdelay $0x1  }
0xa1: {  	s23 =	simm.s32 $0x1B8B  }
0xa2: {  	_ =	swait.ge [sflag:s23], $0x1  }
0xa3: {  	[sflag:s23] =	ssyncset.done $0x0  }
0xa4: {  	[sflag:s23] =	ssyncadd.s32 $0xFFFFFFFF  }
0xa5: {  	s4 =	sld [smem:$0x0]  }
0xa6: {  	s5 =	sand.u32 $0xFFFFFFFE, s1  }
0xa7: {  	p0 =	sne.s32 s1, s5  }
0xa8: {  	s5 =	sshll.u32 @p0 s5, $0xE  }
0xa9: {  	s5 =	sadd.s32 @p0 $0x11B8D, s5;
	s6 =	sshll.u32 @p0 s4, $0x11  }
0xaa: {  	s5 =	sor.u32 @p0 s6, s5  }
0xab: {  	[sflag:s5] =	ssyncadd.remote.s32 @p0 $0x1;
	_ =	sdelay $0x1  }
0xac: {  	s5 =	simm.s32 @p0 $0x1B8D  }
0xad: {  	_ =	swait.eq @p0 [sflag:s5], $0x1  }
0xae: {  	[sflag:s5] =	ssyncadd.s32 @p0 $0xFFFFFFFF  }
0xaf: {  	s6 =	sshll.u32 @!p0 s1, $0xE  }
0xb0: {  	s6 =	sor.u32 @!p0 $0x4000, s6;
	s5 =	simm.s32 @!p0 $0x1B8D  }
0xb1: {  	s4 =	sshll.u32 @!p0 s4, $0x11;
	s6 =	sadd.s32 @!p0 $0x11B8D, s6;
	_ =	swait.eq @!p0 [sflag:s5], $0x1  }
0xb2: {  	s4 =	sor.u32 @!p0 s4, s6;
	[sflag:s5] =	ssyncadd.s32 @!p0 $0xFFFFFFFF  }
0xb3: {  	s25 =	simm.s32 $0x1B8E;
	s24 =	sld [smem:$0x3FFE];
	[sflag:s4] =	ssyncadd.remote.s32 @!p0 $0x1  }
0xb4: {  	s26 =	simm.s32 $execute0_lowered;
	[smem:$0x3FD2] =	sst s25  }
0xb5: {  	s5 =	sshll.u32 s26, $0x1;
	_ =	strace $0x80000055;
	[dreg:$0x1] =	wrdreg $0xFFFFFFFF  }
0xb6: {  	s28 =	simm.s32 $_size_execute0_lowered;
	s3 =	sadd.s32 s3, s5;
	[dreg:$0x0] =	wrdreg $0x0  }
0xb7: {  	s5 =	sshll.u32 s28, $0x1;
	[dreg:$0x2] =	wrdreg s3  }
0xb8: {  	[dreg:$0x3] =	wrdreg s5  }
0xb9: {  	[dreg:$0x4] =	wrdreg $0xC0  }
0xba: {  	_ =	task [dreg:s22], $0x5FFFF  }
0xbb: {  	[dreg:$0x1] =	wrdreg $0xFFFFFFFF  }
0xbc: {  	[dreg:$0x0] =	wrdreg $0x60  }
0xbd: {  	[dreg:$0x2] =	wrdreg s24  }
0xbe: {  	[dreg:$0x3] =	wrdreg $0x9  }
0xbf: {  	_ =	task.clear_ibuf [dreg:s22], $0x4FFFF;
	_ =	strace $0x90000055  }
0xc0: {  	s29 =	simm.s32 $0x9;
	_ =	strace $0x80000057  }
0xc1: {  	_ =	swait.ge [sflag:s29], $0x1  }
0xc2: {  	[sflag:s29] =	ssyncadd.s32 $0xFFFFFFFF  }
0xc3: {  	_ =	strace $0x90000057  }
0xc4: {  	_ =	sfence  }
0xc5: {  	s30 =	sld [smem:$0x0];
	_ =	sdelay $0x2  }
0xc6: {  	s31 =	sshll.u32 s1, $0xD;
	s1 =	sshrl.u32 s1, $0x2  }
0xc7: {  	s4 =	sand.u32 $0x4000, s31;
	s1 =	sadd.s32 s1, s30  }
0xc8: {  	s0 =	sor.u32 s4, s0;
	s1 =	sshll.u32 s1, $0x11  }
0xc9: {  	s0 =	sor.u32 s1, s0  }
0xca: {  	s0 =	sadd.s32 $0x8F2B, s0  }
0xcb: {  	[sflag:s0] =	ssyncadd.remote.s32 $0x1  }
0xcc: {  	_ =	sfence.sel $0xFFFF  }
0xcd: {  	[dreg:$0x0] =	wrdreg $0xFFFFFFFF;
	(pc) =	sbr.abs _section_cstart, $3  }
0xce: {  	[dreg:$0x1] =	wrdreg $0xFFFFFFFF  }
0xcf: {  	_ =	task.clear_ibuf [dreg:s22], $0x2FFFF;
	_ =	strace $0x9FFFFFFF  }
0xd0: {  	(tm) =	ssettm $0x7FFFFFFF  }
0xd1: {  	_ =	shalt  }
tec
execute0_lowered:
.L_overlay_start_1:
0x0: {  	(tag) =	ssettag $0x1  }
0x1: {  	s0 =	rddreg [dreg:$0x0]  }
0x2: {  	s1 =	srdreg.scid;
	s5 =	stileid.u32  }
0x3: {  	s2 =	simm.s32 $0x0;
	s8 =	simm.s32 $0x1400;
	s29 =	simm.s32 $0xB400  }
0x4: {  	s30 =	simm.s32 $0xBC00;
	s31 =	simm.s32 $0xC400;
	s9 =	simm.s32 $0xEC00  }
0x5: {  	s10 =	simm.s32 $0xF400;
	s11 =	simm.s32 $0xFC00;
	s12 =	simm.s32 $0x10400  }
0x6: {  	s13 =	simm.s32 $0x10C00;
	s14 =	simm.s32 $0x11400;
	s15 =	simm.s32 $0x11C00  }
0x7: {  	s16 =	simm.s32 $0x12400;
	s17 =	simm.s32 $0x12C00;
	s18 =	simm.s32 $0x13400  }
0x8: {  	s19 =	simm.s32 $0x13C00;
	s20 =	simm.s32 $0x14400;
	s21 =	simm.s32 $0x14C00  }
0x9: {  	s22 =	simm.s32 $0x1;
	s23 =	simm.s32 $0x2;
	s25 =	simm.s32 $0x0  }
0xa: {  	s1 =	sand.u32 $0x1, s1;
	s3 =	sshll.u32 s5, $0x1;
	[smem:$0x7FF] =	sst s2  }
0xb: {  	s5 =	smul.u32 $0x50000, s5;
	s3 =	sor.u32 s1, s3;
	s6 =	ssub.s32 $0x2, s1  }
0xc: {  	_ =	strace $0x80000056;
	s4 =	smul.u32 $0x1400, s3;
	s7 =	sshrl.u32 s6, $0x1  }
0xd: {  	s1 =	smul.u32 $0x28000, s1;
	s3 =	sadd.s32 $0xCF000, s0;
	s26 =	ssub.s32 s6, s7  }
.Ltmp0:
0xe: {  	s7 =	simm.s32 $0x3;
	s4 =	sshrl.u32 s4, $0x3;
	(pc) =	sbr.rel .LBB2_1-.Ltmp0, $4  }
0xf: {  	s28 =	smax.u32 s26, $0x1;
	s4 =	sadd.s32 s4, s0;
	s0 =	sadd.s32 s5, s0  }
0x10: {  	v2 =	vlaneseq.u32;
	[dreg:$0x3] =	wrdreg s28;
	s5 =	simm.s32 $0xE400;
	s4 =	sadd.s32 $0x10F000, s4  }
0x11: {  	vm0 =	vmmov $0xffff;
	v1 =	vshrl.u32 v2, $0x3;
	s0 =	sadd.s32 s1, s0;
	s1 =	simm.s32 $0xD400;
	[dreg:$0x2] =	wrdreg s4  }
0x12: {  	v0 =	vand.u32 $0x7, v2;
	v2 =	vor.u32 $0x8, v2;
	v1 =	vmul.u32 $0x8, v1;
	s6 =	sadd.s32 $0x8D6000, s0;
	s0 =	simm.s32 $0xCC00;
	s4 =	simm.s32 $0xDC00  }
.LBB2_5:
0x13: {  	s25 =	rddreg [dreg:$0x4]  }
0x14: {  	s24 =	rddreg [dreg:$0x3];
	s25 =	sadd.s32 $0x1, s25  }
0x15: {  	p0 =	sne.s32 s25, s24  }
.Ltmp1:
0x16: {  	_ = 	snop;
	(pc) =	sbr.rel @!p0 .LBB2_6-.Ltmp1, $1  }
0x17: {  	_ =	sdelay $0x3  }
.LBB2_1:
0x18: {  	[dreg:$0x4] =	wrdreg s25  }
0x19: {  	s24 =	rddreg [dreg:$0x2]  }
0x1a: {  	[tilespmem:s2], [sflag:$0x3] =	stream.linear.gather [hbm4b:s24+s2], $0x1400, $0x38;
	[tilespmem:$0x15400] =	vst v63  }
0x1b: {  	_ =	swait.ge [sflag:s7], $0x1400  }
0x1c: {  	[sflag:s7] =	ssyncset.done $0x0  }
0x1d: {  	[sflag:s7] =	ssyncadd.s32 $0xFFFFEC00  }
0x1e: {  	v3 =	vld [tilespmem:$0x0];
	_ =	sdelay $0x4  }
0x1f: {  	v4 =	vshll.u32 v3, $0x1  }
0x20: {  	v3 =	vand.u32 $0x7, v3;
	v4 =	vand.u32 $0xFFFFFFF0, v4  }
0x21: {  	v3 =	vor.u32 v3, v4  }
0x22: {  	v4 =	vperm.xlane v3, v0;
	_ =	sdelay $0x1  }
0x23: {  	v3 =	vperm.xlane v3, v2;
	v4 =	vadd.s32 v1, v4;
	_ =	sdelay $0x1  }
0x24: {  	v3 =	vadd.s32 v1, v3;
	_ =	sdelay $0x2  }
0x25: {  	[tilespmem:s8], [sflag:$0x1] =	stream.indirect_vreg.gather [hbm4b:s3+s2], $0x80, v4, vm0, $0xb8;
	[tilespmem:$0x15400] =	vst v63  }
0x26: {  	s28 =	simm.s32 $0x1C00  }
0x27: {  	[tilespmem:s28], [sflag:$0x1] =	stream.indirect_vreg.gather [hbm4b:s3+s2], $0x80, v3, vm0, $0xb8;
	[tilespmem:$0x15400] =	vst v63  }
0x28: {  	v3 =	vld [tilespmem:$0x10];
	_ =	sdelay $0x4  }
0x29: {  	v55 =	vshll.u32 v3, $0x1  }
0x2a: {  	v3 =	vand.u32 $0x7, v3;
	v4 =	vand.u32 $0xFFFFFFF0, v55  }
0x2b: {  	v3 =	vor.u32 v3, v4  }
0x2c: {  	v4 =	vperm.xlane v3, v0;
	_ =	sdelay $0x1  }
0x2d: {  	v3 =	vperm.xlane v3, v2;
	v4 =	vadd.s32 v1, v4;
	_ =	sdelay $0x1  }
0x2e: {  	v3 =	vadd.s32 v1, v3;
	_ =	sdelay $0x1  }
0x2f: {  	s25 =	simm.s32 $0x2400  }
0x30: {  	[tilespmem:s25], [sflag:$0x1] =	stream.indirect_vreg.gather [hbm4b:s3+s2], $0x80, v4, vm0, $0xb8;
	[tilespmem:$0x15400] =	vst v63  }
0x31: {  	s26 =	simm.s32 $0x2C00  }
0x32: {  	[tilespmem:s26], [sflag:$0x1] =	stream.indirect_vreg.gather [hbm4b:s3+s2], $0x80, v3, vm0, $0xb8;
	[tilespmem:$0x15400] =	vst v63  }
0x33: {  	v3 =	vld [tilespmem:$0x20];
	_ =	sdelay $0x4  }
0x34: {  	v56 =	vshll.u32 v3, $0x1  }
0x35: {  	v3 =	vand.u32 $0x7, v3;
	v4 =	vand.u32 $0xFFFFFFF0, v56  }
0x36: {  	v3 =	vor.u32 v3, v4  }
0x37: {  	v4 =	vperm.xlane v3, v0;
	_ =	sdelay $0x1  }
0x38: {  	v3 =	vperm.xlane v3, v2;
	v4 =	vadd.s32 v1, v4;
	_ =	sdelay $0x1  }
0x39: {  	v3 =	vadd.s32 v1, v3;
	_ =	sdelay $0x1  }
0x3a: {  	s28 =	simm.s32 $0x3400  }
0x3b: {  	[tilespmem:s28], [sflag:$0x1] =	stream.indirect_vreg.gather [hbm4b:s3+s2], $0x80, v4, vm0, $0xb8;
	[tilespmem:$0x15400] =	vst v63  }
0x3c: {  	s25 =	simm.s32 $0x3C00  }
0x3d: {  	[tilespmem:s25], [sflag:$0x1] =	stream.indirect_vreg.gather [hbm4b:s3+s2], $0x80, v3, vm0, $0xb8;
	[tilespmem:$0x15400] =	vst v63  }
0x3e: {  	v3 =	vld [tilespmem:$0x30];
	_ =	sdelay $0x4  }
0x3f: {  	v57 =	vshll.u32 v3, $0x1  }
0x40: {  	v3 =	vand.u32 $0x7, v3;
	v4 =	vand.u32 $0xFFFFFFF0, v57  }
0x41: {  	v3 =	vor.u32 v3, v4  }
0x42: {  	v4 =	vperm.xlane v3, v0;
	_ =	sdelay $0x1  }
0x43: {  	v3 =	vperm.xlane v3, v2;
	v4 =	vadd.s32 v1, v4;
	_ =	sdelay $0x1  }
0x44: {  	v3 =	vadd.s32 v1, v3;
	_ =	sdelay $0x1  }
0x45: {  	s26 =	simm.s32 $0x4400  }
0x46: {  	[tilespmem:s26], [sflag:$0x1] =	stream.indirect_vreg.gather [hbm4b:s3+s2], $0x80, v4, vm0, $0xb8;
	[tilespmem:$0x15400] =	vst v63  }
0x47: {  	s28 =	simm.s32 $0x4C00  }
0x48: {  	[tilespmem:s28], [sflag:$0x1] =	stream.indirect_vreg.gather [hbm4b:s3+s2], $0x80, v3, vm0, $0xb8;
	[tilespmem:$0x15400] =	vst v63  }
0x49: {  	v3 =	vld [tilespmem:$0x40];
	_ =	sdelay $0x4  }
0x4a: {  	v58 =	vshll.u32 v3, $0x1  }
0x4b: {  	v3 =	vand.u32 $0x7, v3;
	v4 =	vand.u32 $0xFFFFFFF0, v58  }
0x4c: {  	v3 =	vor.u32 v3, v4  }
0x4d: {  	v4 =	vperm.xlane v3, v0;
	_ =	sdelay $0x1  }
0x4e: {  	v3 =	vperm.xlane v3, v2;
	v4 =	vadd.s32 v1, v4;
	_ =	sdelay $0x1  }
0x4f: {  	v3 =	vadd.s32 v1, v3;
	_ =	sdelay $0x1  }
0x50: {  	s25 =	simm.s32 $0x5400  }
0x51: {  	[tilespmem:s25], [sflag:$0x1] =	stream.indirect_vreg.gather [hbm4b:s3+s2], $0x80, v4, vm0, $0xb8;
	[tilespmem:$0x15400] =	vst v63  }
0x52: {  	s26 =	simm.s32 $0x5C00  }
0x53: {  	[tilespmem:s26], [sflag:$0x1] =	stream.indirect_vreg.gather [hbm4b:s3+s2], $0x80, v3, vm0, $0xb8;
	[tilespmem:$0x15400] =	vst v63  }
0x54: {  	v3 =	vld [tilespmem:$0x50];
	_ =	sdelay $0x4  }
0x55: {  	v59 =	vshll.u32 v3, $0x1  }
0x56: {  	v3 =	vand.u32 $0x7, v3;
	v4 =	vand.u32 $0xFFFFFFF0, v59  }
0x57: {  	v3 =	vor.u32 v3, v4  }
0x58: {  	v4 =	vperm.xlane v3, v0;
	_ =	sdelay $0x1  }
0x59: {  	v3 =	vperm.xlane v3, v2;
	v4 =	vadd.s32 v1, v4;
	_ =	sdelay $0x1  }
0x5a: {  	v3 =	vadd.s32 v1, v3;
	_ =	sdelay $0x1  }
0x5b: {  	s28 =	simm.s32 $0x6400  }
0x5c: {  	[tilespmem:s28], [sflag:$0x1] =	stream.indirect_vreg.gather [hbm4b:s3+s2], $0x80, v4, vm0, $0xb8;
	[tilespmem:$0x15400] =	vst v63  }
0x5d: {  	s25 =	simm.s32 $0x6C00  }
0x5e: {  	[tilespmem:s25], [sflag:$0x1] =	stream.indirect_vreg.gather [hbm4b:s3+s2], $0x80, v3, vm0, $0xb8;
	[tilespmem:$0x15400] =	vst v63  }
0x5f: {  	v3 =	vld [tilespmem:$0x60];
	_ =	sdelay $0x4  }
0x60: {  	v60 =	vshll.u32 v3, $0x1  }
0x61: {  	v3 =	vand.u32 $0x7, v3;
	v4 =	vand.u32 $0xFFFFFFF0, v60  }
0x62: {  	v3 =	vor.u32 v3, v4  }
0x63: {  	v4 =	vperm.xlane v3, v0;
	_ =	sdelay $0x1  }
0x64: {  	v3 =	vperm.xlane v3, v2;
	v4 =	vadd.s32 v1, v4;
	_ =	sdelay $0x1  }
0x65: {  	v3 =	vadd.s32 v1, v3;
	_ =	sdelay $0x1  }
0x66: {  	s26 =	simm.s32 $0x7400  }
0x67: {  	[tilespmem:s26], [sflag:$0x1] =	stream.indirect_vreg.gather [hbm4b:s3+s2], $0x80, v4, vm0, $0xb8;
	[tilespmem:$0x15400] =	vst v63  }
0x68: {  	s28 =	simm.s32 $0x7C00  }
0x69: {  	[tilespmem:s28], [sflag:$0x1] =	stream.indirect_vreg.gather [hbm4b:s3+s2], $0x80, v3, vm0, $0xb8;
	[tilespmem:$0x15400] =	vst v63  }
0x6a: {  	v3 =	vld [tilespmem:$0x70];
	_ =	sdelay $0x4  }
0x6b: {  	v61 =	vshll.u32 v3, $0x1  }
0x6c: {  	v3 =	vand.u32 $0x7, v3;
	v4 =	vand.u32 $0xFFFFFFF0, v61  }
0x6d: {  	v3 =	vor.u32 v3, v4  }
0x6e: {  	v4 =	vperm.xlane v3, v0;
	_ =	sdelay $0x1  }
0x6f: {  	v3 =	vperm.xlane v3, v2;
	v4 =	vadd.s32 v1, v4;
	_ =	sdelay $0x1  }
0x70: {  	v3 =	vadd.s32 v1, v3;
	_ =	sdelay $0x1  }
0x71: {  	s25 =	simm.s32 $0x8400  }
0x72: {  	[tilespmem:s25], [sflag:$0x1] =	stream.indirect_vreg.gather [hbm4b:s3+s2], $0x80, v4, vm0, $0xb8;
	[tilespmem:$0x15400] =	vst v63  }
0x73: {  	s26 =	simm.s32 $0x8C00  }
0x74: {  	[tilespmem:s26], [sflag:$0x1] =	stream.indirect_vreg.gather [hbm4b:s3+s2], $0x80, v3, vm0, $0xb8;
	[tilespmem:$0x15400] =	vst v63  }
0x75: {  	v3 =	vld [tilespmem:$0x80];
	_ =	sdelay $0x4  }
0x76: {  	v62 =	vshll.u32 v3, $0x1  }
0x77: {  	v3 =	vand.u32 $0x7, v3;
	v4 =	vand.u32 $0xFFFFFFF0, v62  }
0x78: {  	v3 =	vor.u32 v3, v4  }
0x79: {  	v4 =	vperm.xlane v3, v0;
	_ =	sdelay $0x1  }
0x7a: {  	v3 =	vperm.xlane v3, v2;
	v4 =	vadd.s32 v1, v4;
	_ =	sdelay $0x1  }
0x7b: {  	v3 =	vadd.s32 v1, v3;
	_ =	sdelay $0x1  }
0x7c: {  	s28 =	simm.s32 $0x9400  }
0x7d: {  	[tilespmem:s28], [sflag:$0x1] =	stream.indirect_vreg.gather [hbm4b:s3+s2], $0x80, v4, vm0, $0xb8;
	[tilespmem:$0x15400] =	vst v63  }
0x7e: {  	s25 =	simm.s32 $0x9C00  }
0x7f: {  	[tilespmem:s25], [sflag:$0x1] =	stream.indirect_vreg.gather [hbm4b:s3+s2], $0x80, v3, vm0, $0xb8;
	[tilespmem:$0x15400] =	vst v63  }
0x80: {  	v3 =	vld [tilespmem:$0x90];
	_ =	sdelay $0x4  }
0x81: {  	v63 =	vshll.u32 v3, $0x1  }
0x82: {  	v3 =	vand.u32 $0x7, v3;
	v4 =	vand.u32 $0xFFFFFFF0, v63  }
0x83: {  	v3 =	vor.u32 v3, v4  }
0x84: {  	v4 =	vperm.xlane v3, v0;
	_ =	sdelay $0x1  }
0x85: {  	v3 =	vperm.xlane v3, v2;
	v4 =	vadd.s32 v1, v4;
	_ =	sdelay $0x1  }
0x86: {  	v3 =	vadd.s32 v1, v3  }
.Ltmp2:
0x87: {  	_ = 	snop;
	(pc) =	sbr.rel .LBB2_2-.Ltmp2, $4  }
0x88: {  	s26 =	simm.s32 $0xA400  }
0x89: {  	[tilespmem:s26], [sflag:$0x1] =	stream.indirect_vreg.gather [hbm4b:s3+s2], $0x80, v4, vm0, $0xb8;
	[tilespmem:$0x15400] =	vst v63  }
0x8a: {  	s24 =	simm.s32 $0xF0;
	s28 =	simm.s32 $0xAC00;
	s25 =	simm.s32 $0x0  }
0x8b: {  	[tilespmem:s28], [sflag:$0x1] =	stream.indirect_vreg.gather [hbm4b:s3+s2], $0x80, v3, vm0, $0xb8;
	[tilespmem:$0x15400] =	vst v63  }
.LBB2_4:
0x8c: {  	_ =	swait.ge [sflag:s23], $0xA000;
	s25 =	sadd.s32 $0x2800, s25  }
0x8d: {  	[sflag:s23] =	ssyncset.done $0x0;
	p0 =	sne.s32 s25, $0x28000  }
.Ltmp3:
0x8e: {  	s26 =	sadd.s32 $0x1400, s26;
	[sflag:s23] =	ssyncadd.s32 $0xFFFF6000;
	(pc) =	sbr.rel @!p0 .LBB2_5-.Ltmp3, $4  }
0x8f: {  	[hbm4b:s26+s2] =	stream.linear.scatter [tilespmem:s29], [sflag:$0x3], $0xA000, $0x38;
	[tilespmem:$0x15400] =	vst v63  }
0x90: {  	_ =	swait.ge [sflag:s7], $0xA000  }
0x91: {  	[sflag:s7] =	ssyncset.done $0x0  }
0x92: {  	s24 =	sadd.s32 $0x140, s24;
	[sflag:s7] =	ssyncadd.s32 $0xFFFF6000  }
.LBB2_2:
0x93: {  	v3 =	vld [tilespmem:s24+$0xFFFFFFB0];
	_ =	sdelay $0x4  }
0x94: {  	v4 =	vshll.u32 v3, $0x1  }
0x95: {  	v3 =	vand.u32 $0x7, v3;
	v4 =	vand.u32 $0xFFFFFFF0, v4  }
0x96: {  	v3 =	vor.u32 v3, v4  }
0x97: {  	v4 =	vperm.xlane v3, v0;
	_ =	sdelay $0x1  }
0x98: {  	v3 =	vperm.xlane v3, v2;
	v4 =	vadd.s32 v1, v4;
	_ =	sdelay $0x1  }
0x99: {  	v3 =	vadd.s32 v1, v3;
	_ =	sdelay $0x2  }
0x9a: {  	[tilespmem:s29], [sflag:$0x2] =	stream.indirect_vreg.gather [hbm4b:s3+s2], $0x80, v4, vm0, $0xb8;
	[tilespmem:$0x15400] =	vst v63  }
0x9b: {  	_ = 	snop  }
0x9c: {  	[tilespmem:s30], [sflag:$0x2] =	stream.indirect_vreg.gather [hbm4b:s3+s2], $0x80, v3, vm0, $0xb8;
	[tilespmem:$0x15400] =	vst v63  }
0x9d: {  	v3 =	vld [tilespmem:s24+$0xFFFFFFC0];
	_ =	sdelay $0x4  }
0x9e: {  	v55 =	vshll.u32 v3, $0x1  }
0x9f: {  	v3 =	vand.u32 $0x7, v3;
	v4 =	vand.u32 $0xFFFFFFF0, v55  }
0xa0: {  	v3 =	vor.u32 v3, v4  }
0xa1: {  	v4 =	vperm.xlane v3, v0;
	_ =	sdelay $0x1  }
0xa2: {  	v3 =	vperm.xlane v3, v2;
	v4 =	vadd.s32 v1, v4;
	_ =	sdelay $0x1  }
0xa3: {  	v3 =	vadd.s32 v1, v3;
	_ =	sdelay $0x2  }
0xa4: {  	[tilespmem:s31], [sflag:$0x2] =	stream.indirect_vreg.gather [hbm4b:s3+s2], $0x80, v4, vm0, $0xb8;
	[tilespmem:$0x15400] =	vst v63  }
0xa5: {  	_ = 	snop  }
0xa6: {  	[tilespmem:s0], [sflag:$0x2] =	stream.indirect_vreg.gather [hbm4b:s3+s2], $0x80, v3, vm0, $0xb8;
	[tilespmem:$0x15400] =	vst v63  }
0xa7: {  	v3 =	vld [tilespmem:s24+$0xFFFFFFD0];
	_ =	sdelay $0x4  }
0xa8: {  	v56 =	vshll.u32 v3, $0x1  }
0xa9: {  	v3 =	vand.u32 $0x7, v3;
	v4 =	vand.u32 $0xFFFFFFF0, v56  }
0xaa: {  	v3 =	vor.u32 v3, v4  }
0xab: {  	v4 =	vperm.xlane v3, v0;
	_ =	sdelay $0x1  }
0xac: {  	v3 =	vperm.xlane v3, v2;
	v4 =	vadd.s32 v1, v4;
	_ =	sdelay $0x1  }
0xad: {  	v3 =	vadd.s32 v1, v3;
	_ =	sdelay $0x2  }
0xae: {  	[tilespmem:s1], [sflag:$0x2] =	stream.indirect_vreg.gather [hbm4b:s3+s2], $0x80, v4, vm0, $0xb8;
	[tilespmem:$0x15400] =	vst v63  }
0xaf: {  	_ = 	snop  }
0xb0: {  	[tilespmem:s4], [sflag:$0x2] =	stream.indirect_vreg.gather [hbm4b:s3+s2], $0x80, v3, vm0, $0xb8;
	[tilespmem:$0x15400] =	vst v63  }
0xb1: {  	v3 =	vld [tilespmem:s24+$0xFFFFFFE0];
	_ =	sdelay $0x4  }
0xb2: {  	v57 =	vshll.u32 v3, $0x1  }
0xb3: {  	v3 =	vand.u32 $0x7, v3;
	v4 =	vand.u32 $0xFFFFFFF0, v57  }
0xb4: {  	v3 =	vor.u32 v3, v4  }
0xb5: {  	v4 =	vperm.xlane v3, v0;
	_ =	sdelay $0x1  }
0xb6: {  	v3 =	vperm.xlane v3, v2;
	v4 =	vadd.s32 v1, v4;
	_ =	sdelay $0x1  }
0xb7: {  	v3 =	vadd.s32 v1, v3;
	_ =	sdelay $0x2  }
0xb8: {  	[tilespmem:s5], [sflag:$0x2] =	stream.indirect_vreg.gather [hbm4b:s3+s2], $0x80, v4, vm0, $0xb8;
	[tilespmem:$0x15400] =	vst v63  }
0xb9: {  	_ = 	snop  }
0xba: {  	[tilespmem:s9], [sflag:$0x2] =	stream.indirect_vreg.gather [hbm4b:s3+s2], $0x80, v3, vm0, $0xb8;
	[tilespmem:$0x15400] =	vst v63  }
0xbb: {  	v3 =	vld [tilespmem:s24+$0xFFFFFFF0];
	_ =	sdelay $0x4  }
0xbc: {  	v58 =	vshll.u32 v3, $0x1  }
0xbd: {  	v3 =	vand.u32 $0x7, v3;
	v4 =	vand.u32 $0xFFFFFFF0, v58  }
0xbe: {  	v3 =	vor.u32 v3, v4  }
0xbf: {  	v4 =	vperm.xlane v3, v0;
	_ =	sdelay $0x1  }
0xc0: {  	v3 =	vperm.xlane v3, v2;
	v4 =	vadd.s32 v1, v4;
	_ =	sdelay $0x1  }
0xc1: {  	v3 =	vadd.s32 v1, v3;
	_ =	sdelay $0x2  }
0xc2: {  	[tilespmem:s10], [sflag:$0x2] =	stream.indirect_vreg.gather [hbm4b:s3+s2], $0x80, v4, vm0, $0xb8;
	[tilespmem:$0x15400] =	vst v63  }
0xc3: {  	_ = 	snop  }
0xc4: {  	[tilespmem:s11], [sflag:$0x2] =	stream.indirect_vreg.gather [hbm4b:s3+s2], $0x80, v3, vm0, $0xb8;
	[tilespmem:$0x15400] =	vst v63  }
0xc5: {  	v3 =	vld [tilespmem:s24+$0x0];
	_ =	sdelay $0x4  }
0xc6: {  	v59 =	vshll.u32 v3, $0x1  }
0xc7: {  	v3 =	vand.u32 $0x7, v3;
	v4 =	vand.u32 $0xFFFFFFF0, v59  }
0xc8: {  	v3 =	vor.u32 v3, v4  }
0xc9: {  	v4 =	vperm.xlane v3, v0;
	_ =	sdelay $0x1  }
0xca: {  	v3 =	vperm.xlane v3, v2;
	v4 =	vadd.s32 v1, v4;
	_ =	sdelay $0x1  }
0xcb: {  	v3 =	vadd.s32 v1, v3;
	_ =	sdelay $0x2  }
0xcc: {  	[tilespmem:s12], [sflag:$0x2] =	stream.indirect_vreg.gather [hbm4b:s3+s2], $0x80, v4, vm0, $0xb8;
	[tilespmem:$0x15400] =	vst v63  }
0xcd: {  	_ = 	snop  }
0xce: {  	[tilespmem:s13], [sflag:$0x2] =	stream.indirect_vreg.gather [hbm4b:s3+s2], $0x80, v3, vm0, $0xb8;
	[tilespmem:$0x15400] =	vst v63  }
0xcf: {  	v3 =	vld [tilespmem:s24+$0x10];
	_ =	sdelay $0x4  }
0xd0: {  	v60 =	vshll.u32 v3, $0x1  }
0xd1: {  	v3 =	vand.u32 $0x7, v3;
	v4 =	vand.u32 $0xFFFFFFF0, v60  }
0xd2: {  	v3 =	vor.u32 v3, v4  }
0xd3: {  	v4 =	vperm.xlane v3, v0;
	_ =	sdelay $0x1  }
0xd4: {  	v3 =	vperm.xlane v3, v2;
	v4 =	vadd.s32 v1, v4;
	_ =	sdelay $0x1  }
0xd5: {  	v3 =	vadd.s32 v1, v3;
	_ =	sdelay $0x2  }
0xd6: {  	[tilespmem:s14], [sflag:$0x2] =	stream.indirect_vreg.gather [hbm4b:s3+s2], $0x80, v4, vm0, $0xb8;
	[tilespmem:$0x15400] =	vst v63  }
0xd7: {  	_ = 	snop  }
0xd8: {  	[tilespmem:s15], [sflag:$0x2] =	stream.indirect_vreg.gather [hbm4b:s3+s2], $0x80, v3, vm0, $0xb8;
	[tilespmem:$0x15400] =	vst v63  }
0xd9: {  	v3 =	vld [tilespmem:s24+$0x20];
	_ =	sdelay $0x4  }
0xda: {  	v61 =	vshll.u32 v3, $0x1  }
0xdb: {  	v3 =	vand.u32 $0x7, v3;
	v4 =	vand.u32 $0xFFFFFFF0, v61  }
0xdc: {  	v3 =	vor.u32 v3, v4  }
0xdd: {  	v4 =	vperm.xlane v3, v0;
	_ =	sdelay $0x1  }
0xde: {  	v3 =	vperm.xlane v3, v2;
	v4 =	vadd.s32 v1, v4;
	_ =	sdelay $0x1  }
0xdf: {  	v3 =	vadd.s32 v1, v3;
	_ =	sdelay $0x2  }
0xe0: {  	[tilespmem:s16], [sflag:$0x2] =	stream.indirect_vreg.gather [hbm4b:s3+s2], $0x80, v4, vm0, $0xb8;
	[tilespmem:$0x15400] =	vst v63  }
0xe1: {  	_ = 	snop  }
0xe2: {  	[tilespmem:s17], [sflag:$0x2] =	stream.indirect_vreg.gather [hbm4b:s3+s2], $0x80, v3, vm0, $0xb8;
	[tilespmem:$0x15400] =	vst v63  }
0xe3: {  	v3 =	vld [tilespmem:s24+$0x30];
	_ =	sdelay $0x4  }
0xe4: {  	v62 =	vshll.u32 v3, $0x1  }
0xe5: {  	v3 =	vand.u32 $0x7, v3;
	v4 =	vand.u32 $0xFFFFFFF0, v62  }
0xe6: {  	v3 =	vor.u32 v3, v4  }
0xe7: {  	v4 =	vperm.xlane v3, v0;
	_ =	sdelay $0x1  }
0xe8: {  	v3 =	vperm.xlane v3, v2;
	v4 =	vadd.s32 v1, v4;
	_ =	sdelay $0x1  }
0xe9: {  	v3 =	vadd.s32 v1, v3;
	_ =	sdelay $0x2  }
0xea: {  	[tilespmem:s18], [sflag:$0x2] =	stream.indirect_vreg.gather [hbm4b:s3+s2], $0x80, v4, vm0, $0xb8;
	[tilespmem:$0x15400] =	vst v63  }
0xeb: {  	_ = 	snop  }
0xec: {  	[tilespmem:s19], [sflag:$0x2] =	stream.indirect_vreg.gather [hbm4b:s3+s2], $0x80, v3, vm0, $0xb8;
	[tilespmem:$0x15400] =	vst v63  }
0xed: {  	v3 =	vld [tilespmem:s24+$0x40];
	_ =	sdelay $0x4  }
0xee: {  	v63 =	vshll.u32 v3, $0x1  }
0xef: {  	v3 =	vand.u32 $0x7, v3;
	v4 =	vand.u32 $0xFFFFFFF0, v63  }
0xf0: {  	v3 =	vor.u32 v3, v4  }
0xf1: {  	v4 =	vperm.xlane v3, v0;
	_ =	sdelay $0x1  }
0xf2: {  	v3 =	vperm.xlane v3, v2;
	v4 =	vadd.s32 v1, v4;
	_ =	sdelay $0x1  }
0xf3: {  	v3 =	vadd.s32 v1, v3;
	_ =	sdelay $0x2  }
0xf4: {  	[tilespmem:s20], [sflag:$0x2] =	stream.indirect_vreg.gather [hbm4b:s3+s2], $0x80, v4, vm0, $0xb8;
	[tilespmem:$0x15400] =	vst v63  }
0xf5: {  	_ = 	snop  }
0xf6: {  	[tilespmem:s21], [sflag:$0x2] =	stream.indirect_vreg.gather [hbm4b:s3+s2], $0x80, v3, vm0, $0xb8;
	[tilespmem:$0x15400] =	vst v63  }
0xf7: {  	_ =	swait.ge [sflag:s22], $0xA000  }
0xf8: {  	p0 =	seq.s32 s25, $0x25800;
	[sflag:s22] =	ssyncset.done $0x0  }
.Ltmp4:
0xf9: {  	s26 =	sadd.s32 s25, s6;
	[sflag:s22] =	ssyncadd.s32 $0xFFFF6000;
	(pc) =	sbr.rel @p0 .LBB2_4-.Ltmp4, $4  }
0xfa: {  	[hbm4b:s26+s2] =	stream.linear.scatter [tilespmem:s8], [sflag:$0x3], $0xA000, $0x38;
	[tilespmem:$0x15400] =	vst v63  }
0xfb: {  	_ =	swait.ge [sflag:s7], $0xA000  }
0xfc: {  	[sflag:s7] =	ssyncset.done $0x0  }
0xfd: {  	[sflag:s7] =	ssyncadd.s32 $0xFFFF6000  }
0xfe: {  	v3 =	vld [tilespmem:s24+$0x50];
	_ =	sdelay $0x4  }
0xff: {  	v4 =	vshll.u32 v3, $0x1  }
0x100: {  	v3 =	vand.u32 $0x7, v3;
	v4 =	vand.u32 $0xFFFFFFF0, v4  }
0x101: {  	v3 =	vor.u32 v3, v4  }
0x102: {  	v4 =	vperm.xlane v3, v0;
	_ =	sdelay $0x1  }
0x103: {  	v3 =	vperm.xlane v3, v2;
	v4 =	vadd.s32 v1, v4;
	_ =	sdelay $0x1  }
0x104: {  	v3 =	vadd.s32 v1, v3;
	_ =	sdelay $0x2  }
0x105: {  	[tilespmem:s8], [sflag:$0x1] =	stream.indirect_vreg.gather [hbm4b:s3+s2], $0x80, v4, vm0, $0xb8;
	[tilespmem:$0x15400] =	vst v63  }
0x106: {  	s28 =	simm.s32 $0x1C00  }
0x107: {  	[tilespmem:s28], [sflag:$0x1] =	stream.indirect_vreg.gather [hbm4b:s3+s2], $0x80, v3, vm0, $0xb8;
	[tilespmem:$0x15400] =	vst v63  }
0x108: {  	v3 =	vld [tilespmem:s24+$0x60];
	_ =	sdelay $0x4  }
0x109: {  	v55 =	vshll.u32 v3, $0x1  }
0x10a: {  	v3 =	vand.u32 $0x7, v3;
	v4 =	vand.u32 $0xFFFFFFF0, v55  }
0x10b: {  	v3 =	vor.u32 v3, v4  }
0x10c: {  	v4 =	vperm.xlane v3, v0;
	_ =	sdelay $0x1  }
0x10d: {  	v3 =	vperm.xlane v3, v2;
	v4 =	vadd.s32 v1, v4;
	_ =	sdelay $0x1  }
0x10e: {  	v3 =	vadd.s32 v1, v3;
	_ =	sdelay $0x1  }
0x10f: {  	s28 =	simm.s32 $0x2400  }
0x110: {  	[tilespmem:s28], [sflag:$0x1] =	stream.indirect_vreg.gather [hbm4b:s3+s2], $0x80, v4, vm0, $0xb8;
	[tilespmem:$0x15400] =	vst v63  }
0x111: {  	s28 =	simm.s32 $0x2C00  }
0x112: {  	[tilespmem:s28], [sflag:$0x1] =	stream.indirect_vreg.gather [hbm4b:s3+s2], $0x80, v3, vm0, $0xb8;
	[tilespmem:$0x15400] =	vst v63  }
0x113: {  	v3 =	vld [tilespmem:s24+$0x70];
	_ =	sdelay $0x4  }
0x114: {  	v56 =	vshll.u32 v3, $0x1  }
0x115: {  	v3 =	vand.u32 $0x7, v3;
	v4 =	vand.u32 $0xFFFFFFF0, v56  }
0x116: {  	v3 =	vor.u32 v3, v4  }
0x117: {  	v4 =	vperm.xlane v3, v0;
	_ =	sdelay $0x1  }
0x118: {  	v3 =	vperm.xlane v3, v2;
	v4 =	vadd.s32 v1, v4;
	_ =	sdelay $0x1  }
0x119: {  	v3 =	vadd.s32 v1, v3;
	_ =	sdelay $0x1  }
0x11a: {  	s28 =	simm.s32 $0x3400  }
0x11b: {  	[tilespmem:s28], [sflag:$0x1] =	stream.indirect_vreg.gather [hbm4b:s3+s2], $0x80, v4, vm0, $0xb8;
	[tilespmem:$0x15400] =	vst v63  }
0x11c: {  	s28 =	simm.s32 $0x3C00  }
0x11d: {  	[tilespmem:s28], [sflag:$0x1] =	stream.indirect_vreg.gather [hbm4b:s3+s2], $0x80, v3, vm0, $0xb8;
	[tilespmem:$0x15400] =	vst v63  }
0x11e: {  	v3 =	vld [tilespmem:s24+$0x80];
	_ =	sdelay $0x4  }
0x11f: {  	v57 =	vshll.u32 v3, $0x1  }
0x120: {  	v3 =	vand.u32 $0x7, v3;
	v4 =	vand.u32 $0xFFFFFFF0, v57  }
0x121: {  	v3 =	vor.u32 v3, v4  }
0x122: {  	v4 =	vperm.xlane v3, v0;
	_ =	sdelay $0x1  }
0x123: {  	v3 =	vperm.xlane v3, v2;
	v4 =	vadd.s32 v1, v4;
	_ =	sdelay $0x1  }
0x124: {  	v3 =	vadd.s32 v1, v3;
	_ =	sdelay $0x1  }
0x125: {  	s28 =	simm.s32 $0x4400  }
0x126: {  	[tilespmem:s28], [sflag:$0x1] =	stream.indirect_vreg.gather [hbm4b:s3+s2], $0x80, v4, vm0, $0xb8;
	[tilespmem:$0x15400] =	vst v63  }
0x127: {  	s28 =	simm.s32 $0x4C00  }
0x128: {  	[tilespmem:s28], [sflag:$0x1] =	stream.indirect_vreg.gather [hbm4b:s3+s2], $0x80, v3, vm0, $0xb8;
	[tilespmem:$0x15400] =	vst v63  }
0x129: {  	v3 =	vld [tilespmem:s24+$0x90];
	_ =	sdelay $0x4  }
0x12a: {  	v58 =	vshll.u32 v3, $0x1  }
0x12b: {  	v3 =	vand.u32 $0x7, v3;
	v4 =	vand.u32 $0xFFFFFFF0, v58  }
0x12c: {  	v3 =	vor.u32 v3, v4  }
0x12d: {  	v4 =	vperm.xlane v3, v0;
	_ =	sdelay $0x1  }
0x12e: {  	v3 =	vperm.xlane v3, v2;
	v4 =	vadd.s32 v1, v4;
	_ =	sdelay $0x1  }
0x12f: {  	v3 =	vadd.s32 v1, v3;
	_ =	sdelay $0x1  }
0x130: {  	s28 =	simm.s32 $0x5400  }
0x131: {  	[tilespmem:s28], [sflag:$0x1] =	stream.indirect_vreg.gather [hbm4b:s3+s2], $0x80, v4, vm0, $0xb8;
	[tilespmem:$0x15400] =	vst v63  }
0x132: {  	s28 =	simm.s32 $0x5C00  }
0x133: {  	[tilespmem:s28], [sflag:$0x1] =	stream.indirect_vreg.gather [hbm4b:s3+s2], $0x80, v3, vm0, $0xb8;
	[tilespmem:$0x15400] =	vst v63  }
0x134: {  	v3 =	vld [tilespmem:s24+$0xA0];
	_ =	sdelay $0x4  }
0x135: {  	v59 =	vshll.u32 v3, $0x1  }
0x136: {  	v3 =	vand.u32 $0x7, v3;
	v4 =	vand.u32 $0xFFFFFFF0, v59  }
0x137: {  	v3 =	vor.u32 v3, v4  }
0x138: {  	v4 =	vperm.xlane v3, v0;
	_ =	sdelay $0x1  }
0x139: {  	v3 =	vperm.xlane v3, v2;
	v4 =	vadd.s32 v1, v4;
	_ =	sdelay $0x1  }
0x13a: {  	v3 =	vadd.s32 v1, v3;
	_ =	sdelay $0x1  }
0x13b: {  	s28 =	simm.s32 $0x6400  }
0x13c: {  	[tilespmem:s28], [sflag:$0x1] =	stream.indirect_vreg.gather [hbm4b:s3+s2], $0x80, v4, vm0, $0xb8;
	[tilespmem:$0x15400] =	vst v63  }
0x13d: {  	s28 =	simm.s32 $0x6C00  }
0x13e: {  	[tilespmem:s28], [sflag:$0x1] =	stream.indirect_vreg.gather [hbm4b:s3+s2], $0x80, v3, vm0, $0xb8;
	[tilespmem:$0x15400] =	vst v63  }
0x13f: {  	v3 =	vld [tilespmem:s24+$0xB0];
	_ =	sdelay $0x4  }
0x140: {  	v60 =	vshll.u32 v3, $0x1  }
0x141: {  	v3 =	vand.u32 $0x7, v3;
	v4 =	vand.u32 $0xFFFFFFF0, v60  }
0x142: {  	v3 =	vor.u32 v3, v4  }
0x143: {  	v4 =	vperm.xlane v3, v0;
	_ =	sdelay $0x1  }
0x144: {  	v3 =	vperm.xlane v3, v2;
	v4 =	vadd.s32 v1, v4;
	_ =	sdelay $0x1  }
0x145: {  	v3 =	vadd.s32 v1, v3;
	_ =	sdelay $0x1  }
0x146: {  	s28 =	simm.s32 $0x7400  }
0x147: {  	[tilespmem:s28], [sflag:$0x1] =	stream.indirect_vreg.gather [hbm4b:s3+s2], $0x80, v4, vm0, $0xb8;
	[tilespmem:$0x15400] =	vst v63  }
0x148: {  	s28 =	simm.s32 $0x7C00  }
0x149: {  	[tilespmem:s28], [sflag:$0x1] =	stream.indirect_vreg.gather [hbm4b:s3+s2], $0x80, v3, vm0, $0xb8;
	[tilespmem:$0x15400] =	vst v63  }
0x14a: {  	v3 =	vld [tilespmem:s24+$0xC0];
	_ =	sdelay $0x4  }
0x14b: {  	v61 =	vshll.u32 v3, $0x1  }
0x14c: {  	v3 =	vand.u32 $0x7, v3;
	v4 =	vand.u32 $0xFFFFFFF0, v61  }
0x14d: {  	v3 =	vor.u32 v3, v4  }
0x14e: {  	v4 =	vperm.xlane v3, v0;
	_ =	sdelay $0x1  }
0x14f: {  	v3 =	vperm.xlane v3, v2;
	v4 =	vadd.s32 v1, v4;
	_ =	sdelay $0x1  }
0x150: {  	v3 =	vadd.s32 v1, v3;
	_ =	sdelay $0x1  }
0x151: {  	s28 =	simm.s32 $0x8400  }
0x152: {  	[tilespmem:s28], [sflag:$0x1] =	stream.indirect_vreg.gather [hbm4b:s3+s2], $0x80, v4, vm0, $0xb8;
	[tilespmem:$0x15400] =	vst v63  }
0x153: {  	s28 =	simm.s32 $0x8C00  }
0x154: {  	[tilespmem:s28], [sflag:$0x1] =	stream.indirect_vreg.gather [hbm4b:s3+s2], $0x80, v3, vm0, $0xb8;
	[tilespmem:$0x15400] =	vst v63  }
0x155: {  	v3 =	vld [tilespmem:s24+$0xD0];
	_ =	sdelay $0x4  }
0x156: {  	v62 =	vshll.u32 v3, $0x1  }
0x157: {  	v3 =	vand.u32 $0x7, v3;
	v4 =	vand.u32 $0xFFFFFFF0, v62  }
0x158: {  	v3 =	vor.u32 v3, v4  }
0x159: {  	v4 =	vperm.xlane v3, v0;
	_ =	sdelay $0x1  }
0x15a: {  	v3 =	vperm.xlane v3, v2;
	v4 =	vadd.s32 v1, v4;
	_ =	sdelay $0x1  }
0x15b: {  	v3 =	vadd.s32 v1, v3;
	_ =	sdelay $0x1  }
0x15c: {  	s28 =	simm.s32 $0x9400  }
0x15d: {  	[tilespmem:s28], [sflag:$0x1] =	stream.indirect_vreg.gather [hbm4b:s3+s2], $0x80, v4, vm0, $0xb8;
	[tilespmem:$0x15400] =	vst v63  }
0x15e: {  	s28 =	simm.s32 $0x9C00  }
0x15f: {  	[tilespmem:s28], [sflag:$0x1] =	stream.indirect_vreg.gather [hbm4b:s3+s2], $0x80, v3, vm0, $0xb8;
	[tilespmem:$0x15400] =	vst v63  }
0x160: {  	v3 =	vld [tilespmem:s24+$0xE0];
	_ =	sdelay $0x4  }
0x161: {  	v63 =	vshll.u32 v3, $0x1  }
0x162: {  	v3 =	vand.u32 $0x7, v3;
	v4 =	vand.u32 $0xFFFFFFF0, v63  }
0x163: {  	v3 =	vor.u32 v3, v4  }
0x164: {  	v4 =	vperm.xlane v3, v0;
	_ =	sdelay $0x1  }
0x165: {  	v3 =	vperm.xlane v3, v2;
	v4 =	vadd.s32 v1, v4;
	_ =	sdelay $0x1  }
0x166: {  	v3 =	vadd.s32 v1, v3  }
.Ltmp5:
0x167: {  	_ = 	snop;
	(pc) =	sbr.rel .LBB2_4-.Ltmp5, $4  }
0x168: {  	s28 =	simm.s32 $0xA400  }
0x169: {  	[tilespmem:s28], [sflag:$0x1] =	stream.indirect_vreg.gather [hbm4b:s3+s2], $0x80, v4, vm0, $0xb8;
	[tilespmem:$0x15400] =	vst v63  }
0x16a: {  	s28 =	simm.s32 $0xAC00  }
0x16b: {  	[tilespmem:s28], [sflag:$0x1] =	stream.indirect_vreg.gather [hbm4b:s3+s2], $0x80, v3, vm0, $0xb8;
	[tilespmem:$0x15400] =	vst v63  }
.LBB2_6:
0x16c: {  	_ =	sfence.sel $0x180000  }
0x16d: {  	[bflag:$0x0] =	sbarrier.arrive $0xFFFF  }
0x16e: {  	_ =	strace $0x90000056  }
0x16f: {  	s0 =	stileid.u32;
	[bflag:$0x2] =	sbarrier.arrive $0xFFFF  }
0x170: {  	p0 =	sne.s32 s0, $0x0;
	s0 =	rddreg [dreg:$0x1]  }
0x171: {  	s0 =	sadd.s32 @!p0 $0x100000, s0  }
0x172: {  	[sflag:s0] =	ssyncadd.tile.s32 @!p0 $0x1;
	_ =	shalt  }
.Lfunc_end2:
_tile_overlayer_lowered:
.L_overlay_start_2:
0x173: {  	(tag) =	ssettag $0x2  }
0x174: {  	s0 =	rddreg [dreg:$0x0];
	s2 =	stileid.u32  }
0x175: {  	s1 =	rddreg [dreg:$0x1];
	p0 =	sne.s32 s2, $0x0  }
0x176: {  	s3 =	rddreg [dreg:$0x2];
	[bflag:$0x3] =	sbarrier.arrive $0xFFFF;
	s2 =	simm.s32 @!p0 $0x1C03  }
0x177: {  	[timem:s3], [sflag:s2] =	dma.local @!p0 [hbm:s0], s1  }
0x178: {  	s0 =	simm.s32 @!p0 $0x3  }
0x179: {  	_ =	swait.ge @!p0 [sflag:s0], s1  }
0x17a: {  	s1 =	ssub.s32 @!p0 $0x0, s1;
	[sflag:s0] =	ssyncset.done @!p0 $0x0  }
0x17b: {  	[sflag:s0] =	ssyncadd.s32 @!p0 s1  }
0x17c: {  	[bflag:$0x3] =	sbarrier.arrive $0xFFFF  }
0x17d: {  	_ =	shalt  }

</sc_bundles>
